<compile_context>
chip_gen: v7x
topology: tpu7x:2x2x1
jax: 0.10.2.dev20260603
libtpu: 0.0.44.dev20260713+nightly
codegen_flags: <defaults>
</compile_context>

<pallas_src>
import functools

import jax
import jax.numpy as jnp
from jax import lax
from jax.experimental import pallas as pl
from jax.experimental.pallas import tpu as pltpu
from jax.experimental.pallas import tpu_sc as plsc

N = 10000
NPAD = 10240
D = 256
DH = 128
H = 64
E = 160000
NT = 16
NCORES = 2
EPT = E // NT
CH = 125
NCH = EPT // CH
RPT = NPAD // NT
SB = 8
NBLK = NCH // SB
SB2 = SB // 2

_ATT_BIAS = (-4.0, -4.0, -4.0, -4.0, -2.772)
_SIGMOID_TEMP = 2.0
_WEIGHT_SCALE = 2.0
_MIN_W = 0.05
_MAX_W = 2.0


def _sc_segment_sums(xs, src2, dst2, zrows, zcnt, ones1):
    mesh = plsc.VectorSubcoreMesh(
        core_axis_name="c", subcore_axis_name="s",
        num_cores=NCORES, num_subcores=NT)

    @functools.partial(
        pl.kernel,
        out_type=[
            jax.ShapeDtypeStruct((5, NCORES, NPAD, DH), jnp.float32),
            jax.ShapeDtypeStruct((5 * NPAD,), jnp.float32),
        ],
        mesh=mesh,
        scratch_types=[
            pltpu.VMEM((SB, CH), jnp.int32),
            pltpu.VMEM((SB, CH), jnp.int32),
            pltpu.VMEM((SB, CH), jnp.int32),
            pltpu.VMEM((SB, CH), jnp.int32),
            pltpu.VMEM((CH, DH), jnp.float32),
            pltpu.VMEM((CH, DH), jnp.float32),
            pltpu.VMEM((CH,), jnp.float32),
            pltpu.VMEM_SHARED((NPAD, DH), jnp.float32),
            pltpu.VMEM_SHARED((NPAD,), jnp.float32),
            pltpu.SemaphoreType.DMA,
            pltpu.SemaphoreType.DMA,
            pltpu.SemaphoreType.DMA,
            pltpu.SemaphoreType.DMA,
        ],
    )
    def k(xs_ref, src_ref, dst_ref, zr_ref, zc_ref, one_ref,
          sums_ref, cnt_ref,
          srcA, dstA, srcB, dstB, gbuf0, gbuf1, onesv, acc, cnts,
          sem0, sem1, semS0, semS1):
        c = lax.axis_index("c")
        s = lax.axis_index("s")
        row0 = s * RPT
        col = pl.ds(c * DH, DH)

        pltpu.sync_copy(one_ref, onesv)

        def make_pair(cur_s, cur_d, nxt_s, nxt_d, bridge, own, e):
            def pair(jj, carry):
                j0 = jj * 2
                j1 = j0 + 1
                pltpu.make_async_copy(
                    xs_ref.at[cur_s.at[j0], col], gbuf0, sem0).wait()
                pltpu.sync_copy(gbuf0, acc.at[cur_d.at[j0]], add=True)

                @pl.when(own)
                def _():
                    pltpu.sync_copy(onesv, cnts.at[cur_d.at[j0]], add=True)

                @pl.when(jj + 1 < SB2)
                def _():
                    pltpu.async_copy(
                        xs_ref.at[cur_s.at[j0 + 2], col], gbuf0, sem0)

                if bridge is not False:
                    cond = (jj + 1 == SB2) if bridge is None \
                        else (jj + 1 == SB2) & bridge

                    @pl.when(cond)
                    def _():
                        pltpu.make_async_copy(
                            src_ref.at[e, s, pl.ds(0, SB)], nxt_s,
                            semS0).wait()
                        pltpu.async_copy(
                            xs_ref.at[nxt_s.at[0], col], gbuf0, sem0)

                pltpu.make_async_copy(
                    xs_ref.at[cur_s.at[j1], col], gbuf1, sem1).wait()
                pltpu.sync_copy(gbuf1, acc.at[cur_d.at[j1]], add=True)

                @pl.when(own)
                def _():
                    pltpu.sync_copy(onesv, cnts.at[cur_d.at[j1]], add=True)

                @pl.when(jj + 1 < SB2)
                def _():
                    pltpu.async_copy(
                        xs_ref.at[cur_s.at[j1 + 2], col], gbuf1, sem1)

                if bridge is not False:
                    cond = (jj + 1 == SB2) if bridge is None \
                        else (jj + 1 == SB2) & bridge

                    @pl.when(cond)
                    def _():
                        pltpu.make_async_copy(
                            dst_ref.at[e, s, pl.ds(0, SB)], nxt_d,
                            semS1).wait()
                        pltpu.async_copy(
                            xs_ref.at[nxt_s.at[1], col], gbuf1, sem1)

                return carry

            return pair

        def etype(e, carry0):
            own = jnp.where(e < 3, c == 0, c == 1)
            pltpu.sync_copy(zr_ref, acc.at[pl.ds(row0, RPT)])

            @pl.when(own)
            def _():
                pltpu.sync_copy(zc_ref.at[pl.ds(row0, RPT)],
                                cnts.at[pl.ds(row0, RPT)])

            pltpu.sync_copy(src_ref.at[e, s, pl.ds(0, SB)], srcA)
            pltpu.sync_copy(dst_ref.at[e, s, pl.ds(0, SB)], dstA)
            plsc.subcore_barrier()

            pltpu.async_copy(xs_ref.at[srcA.at[0], col], gbuf0, sem0)
            pltpu.async_copy(xs_ref.at[srcA.at[1], col], gbuf1, sem1)

            def half(h, carry):
                b1 = (2 * h + 1) * SB
                pltpu.async_copy(src_ref.at[e, s, pl.ds(b1, SB)], srcB, semS0)
                pltpu.async_copy(dst_ref.at[e, s, pl.ds(b1, SB)], dstB, semS1)
                lax.fori_loop(0, SB2,
                              make_pair(srcA, dstA, srcB, dstB, None, own, e),
                              0)

                more = h + 1 < NBLK // 2

                @pl.when(more)
                def _():
                    b2 = (2 * h + 2) * SB
                    pltpu.async_copy(src_ref.at[e, s, pl.ds(b2, SB)], srcA,
                                     semS0)
                    pltpu.async_copy(dst_ref.at[e, s, pl.ds(b2, SB)], dstA,
                                     semS1)

                lax.fori_loop(0, SB2,
                              make_pair(srcB, dstB, srcA, dstA, more, own, e),
                              0)
                return carry

            lax.fori_loop(0, NBLK // 2, half, 0)
            plsc.subcore_barrier()

            pltpu.sync_copy(acc.at[pl.ds(row0, RPT)],
                            sums_ref.at[e, c, pl.ds(row0, RPT)])

            @pl.when(own)
            def _():
                pltpu.sync_copy(cnts.at[pl.ds(row0, RPT)],
                                cnt_ref.at[pl.ds(e * NPAD + row0, RPT)])

            return carry0

        lax.fori_loop(0, 5, etype, 0)

    return k(xs, src2, dst2, zrows, zcnt, ones1)



RB = 1024
NBR = NPAD // RB
NBO = (N + RB - 1) // RB


def _tc_epilogue_body(sums_ref, cnt_ref, w1_ref, b1_ref, g_ref, be_ref,
                      w2_ref, b2_ref, bias_ref, out_ref, accs, wvec):
    b = pl.program_id(0)
    sv = sums_ref[...]
    cv = cnt_ref[...]
    inv = 1.0 / jnp.maximum(cv, 1.0)

    @pl.when(b < NBR)
    def _():
        part = jnp.sum(sv * inv[:, None, :, None], axis=2).reshape(10, DH)

        @pl.when(b == 0)
        def _():
            accs[...] = part

        @pl.when(b > 0)
        def _():
            accs[...] = accs[...] + part

    @pl.when(b == NBR - 1)
    def _():
        gv = accs[...].reshape(5, D) / float(N)
        h = jnp.dot(gv, w1_ref[...],
                    preferred_element_type=jnp.float32) + b1_ref[...][None]
        mu = jnp.mean(h, axis=-1, keepdims=True)
        var = jnp.mean((h - mu) ** 2, axis=-1, keepdims=True)
        h = (h - mu) * lax.rsqrt(var + 1e-5) * g_ref[...][None] + be_ref[...][None]
        h = jnp.maximum(h, 0.0)
        sc = jnp.dot(h, w2_ref[...],
                     preferred_element_type=jnp.float32)[:, 0] + b2_ref[0]
        sc = sc + bias_ref[...]
        w = jax.nn.sigmoid(sc / _SIGMOID_TEMP) * _WEIGHT_SCALE
        w = jnp.clip(w, _MIN_W, _MAX_W)
        wvec[...] = jnp.concatenate(
            [w, jnp.zeros((DH - 5,), jnp.float32)]).reshape(1, DH)

    @pl.when(b >= NBR)
    def _():
        lo = jnp.zeros((RB, DH), jnp.float32)
        hi = jnp.zeros((RB, DH), jnp.float32)
        for i in range(5):
            wi = wvec[0, i] * inv[i][:, None]
            lo = lo + sv[i, 0] * wi
            hi = hi + sv[i, 1] * wi
        out_ref[:, 0:DH] = lo
        out_ref[:, DH:D] = hi


def _tc_epilogue(sums, cnt, W1, b1, ln_g, ln_b, W2, b2):
    def rbmap(b):
        return jnp.where(b < NBR, b, b - NBR)

    return pl.pallas_call(
        _tc_epilogue_body,
        grid=(NBR + NBO,),
        in_specs=[
            pl.BlockSpec((5, 2, RB, DH), lambda b: (0, 0, rbmap(b), 0)),
            pl.BlockSpec((5, RB), lambda b: (0, rbmap(b))),
            pl.BlockSpec((D, H), lambda b: (0, 0)),
            pl.BlockSpec((H,), lambda b: (0,)),
            pl.BlockSpec((H,), lambda b: (0,)),
            pl.BlockSpec((H,), lambda b: (0,)),
            pl.BlockSpec((H, 1), lambda b: (0, 0)),
            pl.BlockSpec((1,), lambda b: (0,)),
            pl.BlockSpec((5,), lambda b: (0,)),
        ],
        out_specs=pl.BlockSpec((RB, D), lambda b: (jnp.maximum(b - NBR, 0), 0)),
        out_shape=jax.ShapeDtypeStruct((N, D), jnp.float32),
        scratch_shapes=[pltpu.VMEM((10, DH), jnp.float32),
                        pltpu.VMEM((1, DH), jnp.float32)],
    )(sums, cnt, W1, b1, ln_g, ln_b, W2, b2,
      jnp.array(_ATT_BIAS, jnp.float32))


def kernel(node_features, ei_seq, ei_str_knn, ei_str_dis, ei_surf, ei_lrr,
           W1, b1, ln_g, ln_b, W2, b2):
    eis = [ei_seq, ei_str_knn, ei_str_dis, ei_surf, ei_lrr]
    src_all = jnp.stack([ei[0] for ei in eis])
    dst_all = jnp.stack([ei[1] for ei in eis])

    xs = node_features
    src2 = src_all.reshape(5, NT, NCH, CH)
    dst2 = dst_all.reshape(5, NT, NCH, CH)

    zrows = jnp.zeros((RPT, DH), jnp.float32)
    zcnt = jnp.zeros((NPAD,), jnp.float32)
    ones1 = jnp.ones((CH,), jnp.float32)

    sums, cnt_flat = _sc_segment_sums(xs, src2, dst2, zrows, zcnt, ones1)
    cnt = cnt_flat.reshape(5, NPAD)
    return _tc_epilogue(sums, cnt, W1, b1, ln_g, ln_b, W2, b2)

# --- scband reference (transcript-rebuilt; emitter-appended) ---
"""Pipeline reference for scband-sparse-edge-attention-encoder-24687472018091 (READ-ONLY COPY).

The authoritative reference and input builder live on the scoring server;
editing this copy changes nothing except your own understanding.
"""

import jax, jax.numpy as jnp
import numpy as np

N = 10000
D = 256
E = 160000
H = D // 4
ATT_BIAS = jnp.array([-4.0, -4.0, -4.0, -4.0, -2.772], dtype=jnp.float32)
SIGMOID_TEMP = 2.0
WEIGHT_SCALE = 2.0
MIN_W = 0.05
MAX_W = 2.0


def setup_inputs(seed: int = 0) -> dict:
    key = jax.random.key(seed)
    ks = jax.random.split(key, 10)
    inp = {}
    inp['node_features'] = jax.random.normal(ks[0], (N, D), dtype=jnp.float32)
    names = ['ei_seq', 'ei_str_knn', 'ei_str_dis', 'ei_surf', 'ei_lrr']
    for i, nm in enumerate(names):
        inp[nm] = jax.random.randint(ks[1 + i], (2, E), 0, N, dtype=jnp.int32)
    inp['W1'] = jax.random.normal(ks[6], (D, H), dtype=jnp.float32) * (1.0 / np.sqrt(D))
    inp['b1'] = jnp.zeros((H,), dtype=jnp.float32)
    inp['ln_g'] = jnp.ones((H,), dtype=jnp.float32)
    inp['ln_b'] = jnp.zeros((H,), dtype=jnp.float32)
    inp['W2'] = jax.random.normal(ks[7], (H, 1), dtype=jnp.float32) * (1.0 / np.sqrt(H))
    inp['b2'] = jnp.zeros((1,), dtype=jnp.float32)
    return inp


def _mean_agg(x, ei):
    # DGL copy_u + mean: for each dst node, mean of src node features; zero for in-degree 0
    src = ei[0]
    dst = ei[1]
    msgs = jnp.take(x, src, axis=0)
    sums = jax.ops.segment_sum(msgs, dst, num_segments=N)
    cnt = jax.ops.segment_sum(jnp.ones((ei.shape[1],), dtype=x.dtype), dst, num_segments=N)
    return sums / jnp.maximum(cnt, 1.0)[:, None]


def reference(node_features, ei_seq, ei_str_knn, ei_str_dis, ei_surf, ei_lrr, W1, b1, ln_g, ln_b, W2, b2):
    eis = [ei_seq, ei_str_knn, ei_str_dis, ei_surf, ei_lrr]
    aggs = [_mean_agg(node_features, ei) for ei in eis]
    graph_vectors = jnp.stack([a.mean(axis=0) for a in aggs], axis=0)  # [5, D]
    # relation attention MLP (dropout is identity in eval)
    h = graph_vectors @ W1 + b1
    mu = h.mean(axis=-1, keepdims=True)
    var = h.var(axis=-1, keepdims=True)
    h = (h - mu) / jnp.sqrt(var + 1e-5) * ln_g + ln_b
    h = jax.nn.relu(h)
    scores = (h @ W2 + b2).squeeze(-1)  # [5]
    scores = scores + ATT_BIAS
    weights = jax.nn.sigmoid(scores / SIGMOID_TEMP) * WEIGHT_SCALE
    weights = jnp.clip(weights, MIN_W, MAX_W)
    fused = jnp.zeros_like(node_features)
    for i in range(5):
        fused = fused + weights[i] * aggs[i]
    return fused

if __name__ == "__main__":
    import jax
    _d = setup_inputs()
    print(jax.jit(kernel)(*tuple(_d.values())))

</pallas_src>

<mosaic_0001>
#map = affine_map<(d0, d1) -> (0, 0)>
#map1 = affine_map<(d0, d1) -> (0, 0, 0, 0)>
#map2 = affine_map<(d0, d1) -> (0)>
module attributes {stable_mosaic.version = 14 : i64} {
  func.func @k(%arg0: i32, %arg1: i32, %arg2: memref<10000x256xf32, #tpu.memory_space<hbm>>, %arg3: memref<5x16x80x125xi32, #tpu.memory_space<hbm>>, %arg4: memref<5x16x80x125xi32, #tpu.memory_space<hbm>>, %arg5: memref<640x128xf32, #tpu.memory_space<hbm>>, %arg6: memref<10240xf32, #tpu.memory_space<hbm>>, %arg7: memref<125xf32, #tpu.memory_space<hbm>>, %arg8: memref<5x2x10240x128xf32, #tpu.memory_space<hbm>>, %arg9: memref<51200xf32, #tpu.memory_space<hbm>>, %arg10: memref<8x125xi32, #tpu.memory_space<vmem>>, %arg11: memref<8x125xi32, #tpu.memory_space<vmem>>, %arg12: memref<8x125xi32, #tpu.memory_space<vmem>>, %arg13: memref<8x125xi32, #tpu.memory_space<vmem>>, %arg14: memref<125x128xf32, #tpu.memory_space<vmem>>, %arg15: memref<125x128xf32, #tpu.memory_space<vmem>>, %arg16: memref<125xf32, #tpu.memory_space<vmem>>, %arg17: memref<10240x128xf32, #tpu.memory_space<vmem_shared>>, %arg18: memref<10240xf32, #tpu.memory_space<vmem_shared>>, %arg19: memref<!tpu.dma_semaphore, #tpu.memory_space<semaphore_mem>>, %arg20: memref<!tpu.dma_semaphore, #tpu.memory_space<semaphore_mem>>, %arg21: memref<!tpu.dma_semaphore, #tpu.memory_space<semaphore_mem>>, %arg22: memref<!tpu.dma_semaphore, #tpu.memory_space<semaphore_mem>>) attributes {dimension_semantics = [#tpu.dimension_semantics<core_parallel>, #tpu.dimension_semantics<subcore_parallel>], iteration_bounds = array<i64: 2, 16>, scalar_prefetch = 0 : i64, scratch_operands = 13 : i64, tpu.core_type = #tpu.core_type<sc_vector_subcore>, window_params = [{transform_indices = #map}, {transform_indices = #map1}, {transform_indices = #map1}, {transform_indices = #map}, {transform_indices = #map2}, {transform_indices = #map2}, {transform_indices = #map1}, {transform_indices = #map2}]} {
    %mul3A = arith.constant 640 : i32
    %mul3A_0 = arith.muli %arg1, %mul3A : i32
    %mul3A_1 = arith.constant 128 : i32
    %mul3A_2 = arith.muli %arg0, %mul3A_1 : i32
    "tpu.region"() ({
      %run_scoped3A = tpu.sem_alloc : memref<!tpu.dma_semaphore, #tpu.memory_space<semaphore_mem>>
      tpu.enqueue_dma source(%arg7 : memref<125xf32, #tpu.memory_space<hbm>>) target(%arg16 : memref<125xf32, #tpu.memory_space<vmem>>) target_semaphore(%run_scoped3A : memref<!tpu.dma_semaphore, #tpu.memory_space<semaphore_mem>>)
      tpu.wait_dma2 semaphore(%run_scoped3A : memref<!tpu.dma_semaphore, #tpu.memory_space<semaphore_mem>>) src(%arg7 : memref<125xf32, #tpu.memory_space<hbm>>) dst(%arg16 : memref<125xf32, #tpu.memory_space<vmem>>)
      tpu.yield
    }) : () -> ()
    %scan3A = arith.constant 0 : i32
    %scan3A_3 = arith.constant 0 : i32
    %scan3A_4 = arith.constant 5 : i32
    %scan3A_5 = arith.addi %scan3A_3, %scan3A_4 : i32
    %scan3A_6 = arith.constant 1 : i32
    scf.for %scan3A_8 = %scan3A_3 to %scan3A_5 step %scan3A_6  : i32 {
      %lt3A = arith.constant 3 : i32
      %lt3A_9 = arith.cmpi slt, %scan3A_8, %lt3A : i32
      %eq3A = arith.constant 0 : i32
      %eq3A_10 = arith.cmpi eq, %arg0, %eq3A : i32
      %eq3A_11 = arith.constant 1 : i32
      %eq3A_12 = arith.cmpi eq, %arg0, %eq3A_11 : i32
      %select_n3A = arith.select %lt3A_9, %eq3A_10, %eq3A_12 : i1
      "tpu.region"() ({
        %run_scoped3A = tpu.sem_alloc : memref<!tpu.dma_semaphore, #tpu.memory_space<semaphore_mem>>
        %dma_start3A_35 = arith.constant 0 : i32
        %dma_start3A_36 = tpu.memref_slice %arg17[%mul3A_0, %dma_start3A_35] : memref<10240x128xf32, #tpu.memory_space<vmem_shared>> -> memref<640x128xf32, #tpu.memory_space<vmem_shared>>
        tpu.enqueue_dma source(%arg5 : memref<640x128xf32, #tpu.memory_space<hbm>>) target(%dma_start3A_36 : memref<640x128xf32, #tpu.memory_space<vmem_shared>>) target_semaphore(%run_scoped3A : memref<!tpu.dma_semaphore, #tpu.memory_space<semaphore_mem>>)
        %dma_wait3A = arith.constant 0 : i32
        %dma_wait3A_37 = tpu.memref_slice %arg17[%mul3A_0, %dma_wait3A] : memref<10240x128xf32, #tpu.memory_space<vmem_shared>> -> memref<640x128xf32, #tpu.memory_space<vmem_shared>>
        tpu.wait_dma2 semaphore(%run_scoped3A : memref<!tpu.dma_semaphore, #tpu.memory_space<semaphore_mem>>) src(%arg5 : memref<640x128xf32, #tpu.memory_space<hbm>>) dst(%dma_wait3A_37 : memref<640x128xf32, #tpu.memory_space<vmem_shared>>)
        tpu.yield
      }) : () -> ()
      %convert_element_type3A = arith.extui %select_n3A : i1 to i32
      %cond3A = arith.constant 0 : i32
      %cond3A_13 = arith.cmpi ne, %convert_element_type3A, %cond3A : i32
      scf.if %cond3A_13 {
        "tpu.region"() ({
          %run_scoped3A = tpu.sem_alloc : memref<!tpu.dma_semaphore, #tpu.memory_space<semaphore_mem>>
          %dma_start3A_35 = tpu.memref_slice %arg18[%mul3A_0] : memref<10240xf32, #tpu.memory_space<vmem_shared>> -> memref<640xf32, #tpu.memory_space<vmem_shared>>
          %dma_start3A_36 = tpu.memref_slice %arg6[%mul3A_0] : memref<10240xf32, #tpu.memory_space<hbm>> -> memref<640xf32, #tpu.memory_space<hbm>>
          tpu.enqueue_dma source(%dma_start3A_36 : memref<640xf32, #tpu.memory_space<hbm>>) target(%dma_start3A_35 : memref<640xf32, #tpu.memory_space<vmem_shared>>) target_semaphore(%run_scoped3A : memref<!tpu.dma_semaphore, #tpu.memory_space<semaphore_mem>>)
          %dma_wait3A = tpu.memref_slice %arg18[%mul3A_0] : memref<10240xf32, #tpu.memory_space<vmem_shared>> -> memref<640xf32, #tpu.memory_space<vmem_shared>>
          %dma_wait3A_37 = tpu.memref_slice %arg6[%mul3A_0] : memref<10240xf32, #tpu.memory_space<hbm>> -> memref<640xf32, #tpu.memory_space<hbm>>
          tpu.wait_dma2 semaphore(%run_scoped3A : memref<!tpu.dma_semaphore, #tpu.memory_space<semaphore_mem>>) src(%dma_wait3A_37 : memref<640xf32, #tpu.memory_space<hbm>>) dst(%dma_wait3A : memref<640xf32, #tpu.memory_space<vmem_shared>>)
          tpu.yield
        }) : () -> ()
      } else {
      }
      "tpu.region"() ({
        %run_scoped3A = tpu.sem_alloc : memref<!tpu.dma_semaphore, #tpu.memory_space<semaphore_mem>>
        %dma_start3A_35 = arith.constant 0 : i32
        %dma_start3A_36 = arith.constant 0 : i32
        %dma_start3A_37 = tpu.memref_slice %arg3[%scan3A_8, %arg1, %dma_start3A_35, %dma_start3A_36] : memref<5x16x80x125xi32, #tpu.memory_space<hbm>> -> memref<1x1x8x125xi32, #tpu.memory_space<hbm>>
        %dma_start3A_38 = tpu.memref_squeeze %dma_start3A_37 : memref<1x1x8x125xi32, #tpu.memory_space<hbm>> -> memref<8x125xi32, #tpu.memory_space<hbm>>
        %dma_start3A_39 = arith.constant 0 : i32
        %dma_start3A_40 = arith.constant 0 : i32
        %dma_start3A_41 = tpu.memref_slice %arg3[%scan3A_8, %arg1, %dma_start3A_39, %dma_start3A_40] : memref<5x16x80x125xi32, #tpu.memory_space<hbm>> -> memref<1x1x8x125xi32, #tpu.memory_space<hbm>>
        %dma_start3A_42 = tpu.memref_squeeze %dma_start3A_41 : memref<1x1x8x125xi32, #tpu.memory_space<hbm>> -> memref<8x125xi32, #tpu.memory_space<hbm>>
        tpu.enqueue_dma source(%dma_start3A_42 : memref<8x125xi32, #tpu.memory_space<hbm>>) target(%arg10 : memref<8x125xi32, #tpu.memory_space<vmem>>) target_semaphore(%run_scoped3A : memref<!tpu.dma_semaphore, #tpu.memory_space<semaphore_mem>>)
        %dma_wait3A = arith.constant 0 : i32
        %dma_wait3A_43 = arith.constant 0 : i32
        %dma_wait3A_44 = tpu.memref_slice %arg3[%scan3A_8, %arg1, %dma_wait3A, %dma_wait3A_43] : memref<5x16x80x125xi32, #tpu.memory_space<hbm>> -> memref<1x1x8x125xi32, #tpu.memory_space<hbm>>
        %dma_wait3A_45 = tpu.memref_squeeze %dma_wait3A_44 : memref<1x1x8x125xi32, #tpu.memory_space<hbm>> -> memref<8x125xi32, #tpu.memory_space<hbm>>
        %dma_wait3A_46 = arith.constant 0 : i32
        %dma_wait3A_47 = arith.constant 0 : i32
        %dma_wait3A_48 = tpu.memref_slice %arg3[%scan3A_8, %arg1, %dma_wait3A_46, %dma_wait3A_47] : memref<5x16x80x125xi32, #tpu.memory_space<hbm>> -> memref<1x1x8x125xi32, #tpu.memory_space<hbm>>
        %dma_wait3A_49 = tpu.memref_squeeze %dma_wait3A_48 : memref<1x1x8x125xi32, #tpu.memory_space<hbm>> -> memref<8x125xi32, #tpu.memory_space<hbm>>
        tpu.wait_dma2 semaphore(%run_scoped3A : memref<!tpu.dma_semaphore, #tpu.memory_space<semaphore_mem>>) src(%dma_wait3A_49 : memref<8x125xi32, #tpu.memory_space<hbm>>) dst(%arg10 : memref<8x125xi32, #tpu.memory_space<vmem>>)
        tpu.yield
      }) : () -> ()
      "tpu.region"() ({
        %run_scoped3A = tpu.sem_alloc : memref<!tpu.dma_semaphore, #tpu.memory_space<semaphore_mem>>
        %dma_start3A_35 = arith.constant 0 : i32
        %dma_start3A_36 = arith.constant 0 : i32
        %dma_start3A_37 = tpu.memref_slice %arg4[%scan3A_8, %arg1, %dma_start3A_35, %dma_start3A_36] : memref<5x16x80x125xi32, #tpu.memory_space<hbm>> -> memref<1x1x8x125xi32, #tpu.memory_space<hbm>>
        %dma_start3A_38 = tpu.memref_squeeze %dma_start3A_37 : memref<1x1x8x125xi32, #tpu.memory_space<hbm>> -> memref<8x125xi32, #tpu.memory_space<hbm>>
        %dma_start3A_39 = arith.constant 0 : i32
        %dma_start3A_40 = arith.constant 0 : i32
        %dma_start3A_41 = tpu.memref_slice %arg4[%scan3A_8, %arg1, %dma_start3A_39, %dma_start3A_40] : memref<5x16x80x125xi32, #tpu.memory_space<hbm>> -> memref<1x1x8x125xi32, #tpu.memory_space<hbm>>
        %dma_start3A_42 = tpu.memref_squeeze %dma_start3A_41 : memref<1x1x8x125xi32, #tpu.memory_space<hbm>> -> memref<8x125xi32, #tpu.memory_space<hbm>>
        tpu.enqueue_dma source(%dma_start3A_42 : memref<8x125xi32, #tpu.memory_space<hbm>>) target(%arg11 : memref<8x125xi32, #tpu.memory_space<vmem>>) target_semaphore(%run_scoped3A : memref<!tpu.dma_semaphore, #tpu.memory_space<semaphore_mem>>)
        %dma_wait3A = arith.constant 0 : i32
        %dma_wait3A_43 = arith.constant 0 : i32
        %dma_wait3A_44 = tpu.memref_slice %arg4[%scan3A_8, %arg1, %dma_wait3A, %dma_wait3A_43] : memref<5x16x80x125xi32, #tpu.memory_space<hbm>> -> memref<1x1x8x125xi32, #tpu.memory_space<hbm>>
        %dma_wait3A_45 = tpu.memref_squeeze %dma_wait3A_44 : memref<1x1x8x125xi32, #tpu.memory_space<hbm>> -> memref<8x125xi32, #tpu.memory_space<hbm>>
        %dma_wait3A_46 = arith.constant 0 : i32
        %dma_wait3A_47 = arith.constant 0 : i32
        %dma_wait3A_48 = tpu.memref_slice %arg4[%scan3A_8, %arg1, %dma_wait3A_46, %dma_wait3A_47] : memref<5x16x80x125xi32, #tpu.memory_space<hbm>> -> memref<1x1x8x125xi32, #tpu.memory_space<hbm>>
        %dma_wait3A_49 = tpu.memref_squeeze %dma_wait3A_48 : memref<1x1x8x125xi32, #tpu.memory_space<hbm>> -> memref<8x125xi32, #tpu.memory_space<hbm>>
        tpu.wait_dma2 semaphore(%run_scoped3A : memref<!tpu.dma_semaphore, #tpu.memory_space<semaphore_mem>>) src(%dma_wait3A_49 : memref<8x125xi32, #tpu.memory_space<hbm>>) dst(%arg11 : memref<8x125xi32, #tpu.memory_space<vmem>>)
        tpu.yield
      }) : () -> ()
      %barrier3A = arith.constant 0 : index
      tpu.barrier barrier_id(%barrier3A)
      %dma_start3A = arith.constant 0 : i32
      %dma_start3A_14 = arith.constant 0 : i32
      %dma_start3A_15 = tpu.memref_slice %arg10[%dma_start3A, %dma_start3A_14] : memref<8x125xi32, #tpu.memory_space<vmem>> -> memref<1x125xi32, #tpu.memory_space<vmem>>
      %dma_start3A_16 = tpu.memref_squeeze %dma_start3A_15 : memref<1x125xi32, #tpu.memory_space<vmem>> -> memref<125xi32, #tpu.memory_space<vmem>>
      %dma_start3A_17 = arith.constant 0 : i32
      %dma_start3A_18 = tpu.memref_slice %arg2[%dma_start3A_17, %mul3A_2] : memref<10000x256xf32, #tpu.memory_space<hbm>> -> memref<10000x128xf32, #tpu.memory_space<hbm>>
      tpu.enqueue_indirect_dma source(%dma_start3A_18 : memref<10000x128xf32, #tpu.memory_space<hbm>>) target(%arg14 : memref<125x128xf32, #tpu.memory_space<vmem>>) offsets(%dma_start3A_16 : memref<125xi32, #tpu.memory_space<vmem>>) semaphore(%arg19 : memref<!tpu.dma_semaphore, #tpu.memory_space<semaphore_mem>>)
      %dma_start3A_19 = arith.constant 1 : i32
      %dma_start3A_20 = arith.constant 0 : i32
      %dma_start3A_21 = tpu.memref_slice %arg10[%dma_start3A_19, %dma_start3A_20] : memref<8x125xi32, #tpu.memory_space<vmem>> -> memref<1x125xi32, #tpu.memory_space<vmem>>
      %dma_start3A_22 = tpu.memref_squeeze %dma_start3A_21 : memref<1x125xi32, #tpu.memory_space<vmem>> -> memref<125xi32, #tpu.memory_space<vmem>>
      %dma_start3A_23 = arith.constant 0 : i32
      %dma_start3A_24 = tpu.memref_slice %arg2[%dma_start3A_23, %mul3A_2] : memref<10000x256xf32, #tpu.memory_space<hbm>> -> memref<10000x128xf32, #tpu.memory_space<hbm>>
      tpu.enqueue_indirect_dma source(%dma_start3A_24 : memref<10000x128xf32, #tpu.memory_space<hbm>>) target(%arg15 : memref<125x128xf32, #tpu.memory_space<vmem>>) offsets(%dma_start3A_22 : memref<125xi32, #tpu.memory_space<vmem>>) semaphore(%arg20 : memref<!tpu.dma_semaphore, #tpu.memory_space<semaphore_mem>>)
      %scan3A_25 = arith.constant 0 : i32
      %scan3A_26 = arith.constant 0 : i32
      %scan3A_27 = arith.constant 5 : i32
      %scan3A_28 = arith.addi %scan3A_26, %scan3A_27 : i32
      %scan3A_29 = arith.constant 1 : i32
      scf.for %scan3A_35 = %scan3A_26 to %scan3A_28 step %scan3A_29  : i32 {
        %mul3A_36 = arith.constant 2 : i32
        %mul3A_37 = arith.muli %mul3A_36, %scan3A_35 : i32
        %add3A = arith.constant 1 : i32
        %add3A_38 = arith.addi %mul3A_37, %add3A : i32
        %mul3A_39 = arith.constant 8 : i32
        %mul3A_40 = arith.muli %add3A_38, %mul3A_39 : i32
        %dma_start3A_41 = arith.constant 0 : i32
        %dma_start3A_42 = tpu.memref_slice %arg3[%scan3A_8, %arg1, %mul3A_40, %dma_start3A_41] : memref<5x16x80x125xi32, #tpu.memory_space<hbm>> -> memref<1x1x8x125xi32, #tpu.memory_space<hbm>>
        %dma_start3A_43 = tpu.memref_squeeze %dma_start3A_42 : memref<1x1x8x125xi32, #tpu.memory_space<hbm>> -> memref<8x125xi32, #tpu.memory_space<hbm>>
        %dma_start3A_44 = arith.constant 0 : i32
        %dma_start3A_45 = tpu.memref_slice %arg3[%scan3A_8, %arg1, %mul3A_40, %dma_start3A_44] : memref<5x16x80x125xi32, #tpu.memory_space<hbm>> -> memref<1x1x8x125xi32, #tpu.memory_space<hbm>>
        %dma_start3A_46 = tpu.memref_squeeze %dma_start3A_45 : memref<1x1x8x125xi32, #tpu.memory_space<hbm>> -> memref<8x125xi32, #tpu.memory_space<hbm>>
        tpu.enqueue_dma source(%dma_start3A_46 : memref<8x125xi32, #tpu.memory_space<hbm>>) target(%arg12 : memref<8x125xi32, #tpu.memory_space<vmem>>) target_semaphore(%arg21 : memref<!tpu.dma_semaphore, #tpu.memory_space<semaphore_mem>>)
        %dma_start3A_47 = arith.constant 0 : i32
        %dma_start3A_48 = tpu.memref_slice %arg4[%scan3A_8, %arg1, %mul3A_40, %dma_start3A_47] : memref<5x16x80x125xi32, #tpu.memory_space<hbm>> -> memref<1x1x8x125xi32, #tpu.memory_space<hbm>>
        %dma_start3A_49 = tpu.memref_squeeze %dma_start3A_48 : memref<1x1x8x125xi32, #tpu.memory_space<hbm>> -> memref<8x125xi32, #tpu.memory_space<hbm>>
        %dma_start3A_50 = arith.constant 0 : i32
        %dma_start3A_51 = tpu.memref_slice %arg4[%scan3A_8, %arg1, %mul3A_40, %dma_start3A_50] : memref<5x16x80x125xi32, #tpu.memory_space<hbm>> -> memref<1x1x8x125xi32, #tpu.memory_space<hbm>>
        %dma_start3A_52 = tpu.memref_squeeze %dma_start3A_51 : memref<1x1x8x125xi32, #tpu.memory_space<hbm>> -> memref<8x125xi32, #tpu.memory_space<hbm>>
        tpu.enqueue_dma source(%dma_start3A_52 : memref<8x125xi32, #tpu.memory_space<hbm>>) target(%arg13 : memref<8x125xi32, #tpu.memory_space<vmem>>) target_semaphore(%arg22 : memref<!tpu.dma_semaphore, #tpu.memory_space<semaphore_mem>>)
        %scan3A_53 = arith.constant 0 : i32
        %scan3A_54 = arith.constant 0 : i32
        %scan3A_55 = arith.constant 4 : i32
        %scan3A_56 = arith.addi %scan3A_54, %scan3A_55 : i32
        %scan3A_57 = arith.constant 1 : i32
        scf.for %scan3A_72 = %scan3A_54 to %scan3A_56 step %scan3A_57  : i32 {
          %mul3A_73 = arith.constant 2 : i32
          %mul3A_74 = arith.muli %scan3A_72, %mul3A_73 : i32
          %add3A_75 = arith.constant 1 : i32
          %add3A_76 = arith.addi %mul3A_74, %add3A_75 : i32
          %dma_wait3A = arith.constant 0 : i32
          %dma_wait3A_77 = tpu.memref_slice %arg10[%mul3A_74, %dma_wait3A] : memref<8x125xi32, #tpu.memory_space<vmem>> -> memref<1x125xi32, #tpu.memory_space<vmem>>
          %dma_wait3A_78 = tpu.memref_squeeze %dma_wait3A_77 : memref<1x125xi32, #tpu.memory_space<vmem>> -> memref<125xi32, #tpu.memory_space<vmem>>
          %dma_wait3A_79 = arith.constant 0 : i32
          %dma_wait3A_80 = tpu.memref_slice %arg2[%dma_wait3A_79, %mul3A_2] : memref<10000x256xf32, #tpu.memory_space<hbm>> -> memref<10000x128xf32, #tpu.memory_space<hbm>>
          tpu.wait_indirect_dma semaphore(%arg19 : memref<!tpu.dma_semaphore, #tpu.memory_space<semaphore_mem>>) src(%dma_wait3A_80 : memref<10000x128xf32, #tpu.memory_space<hbm>>) dst(%arg14 : memref<125x128xf32, #tpu.memory_space<vmem>>)
          "tpu.region"() ({
            %run_scoped3A = tpu.sem_alloc : memref<!tpu.dma_semaphore, #tpu.memory_space<semaphore_mem>>
            %dma_start3A_120 = arith.constant 0 : i32
            %dma_start3A_121 = tpu.memref_slice %arg11[%mul3A_74, %dma_start3A_120] : memref<8x125xi32, #tpu.memory_space<vmem>> -> memref<1x125xi32, #tpu.memory_space<vmem>>
            %dma_start3A_122 = tpu.memref_squeeze %dma_start3A_121 : memref<1x125xi32, #tpu.memory_space<vmem>> -> memref<125xi32, #tpu.memory_space<vmem>>
            %dma_start3A_123 = arith.constant 0 : i32
            %dma_start3A_124 = arith.constant 0 : i32
            %dma_start3A_125 = tpu.memref_slice %arg17[%dma_start3A_123, %dma_start3A_124] : memref<10240x128xf32, #tpu.memory_space<vmem_shared>> -> memref<10240x128xf32, #tpu.memory_space<vmem_shared>>
            tpu.enqueue_indirect_dma source(%arg14 : memref<125x128xf32, #tpu.memory_space<vmem>>) target(%dma_start3A_125 : memref<10240x128xf32, #tpu.memory_space<vmem_shared>>) offsets(%dma_start3A_122 : memref<125xi32, #tpu.memory_space<vmem>>) semaphore(%run_scoped3A : memref<!tpu.dma_semaphore, #tpu.memory_space<semaphore_mem>>) {add = true}
            %dma_wait3A_126 = arith.constant 0 : i32
            %dma_wait3A_127 = tpu.memref_slice %arg11[%mul3A_74, %dma_wait3A_126] : memref<8x125xi32, #tpu.memory_space<vmem>> -> memref<1x125xi32, #tpu.memory_space<vmem>>
            %dma_wait3A_128 = tpu.memref_squeeze %dma_wait3A_127 : memref<1x125xi32, #tpu.memory_space<vmem>> -> memref<125xi32, #tpu.memory_space<vmem>>
            %dma_wait3A_129 = arith.constant 0 : i32
            %dma_wait3A_130 = arith.constant 0 : i32
            %dma_wait3A_131 = tpu.memref_slice %arg17[%dma_wait3A_129, %dma_wait3A_130] : memref<10240x128xf32, #tpu.memory_space<vmem_shared>> -> memref<10240x128xf32, #tpu.memory_space<vmem_shared>>
            tpu.wait_indirect_dma semaphore(%run_scoped3A : memref<!tpu.dma_semaphore, #tpu.memory_space<semaphore_mem>>) src(%arg14 : memref<125x128xf32, #tpu.memory_space<vmem>>) dst(%dma_wait3A_131 : memref<10240x128xf32, #tpu.memory_space<vmem_shared>>)
            tpu.yield
          }) : () -> ()
          %convert_element_type3A_81 = arith.extui %select_n3A : i1 to i32
          %cond3A_82 = arith.constant 0 : i32
          %cond3A_83 = arith.cmpi ne, %convert_element_type3A_81, %cond3A_82 : i32
          scf.if %cond3A_83 {
            "tpu.region"() ({
              %run_scoped3A = tpu.sem_alloc : memref<!tpu.dma_semaphore, #tpu.memory_space<semaphore_mem>>
              %dma_start3A_120 = arith.constant 0 : i32
              %dma_start3A_121 = tpu.memref_slice %arg11[%mul3A_74, %dma_start3A_120] : memref<8x125xi32, #tpu.memory_space<vmem>> -> memref<1x125xi32, #tpu.memory_space<vmem>>
              %dma_start3A_122 = tpu.memref_squeeze %dma_start3A_121 : memref<1x125xi32, #tpu.memory_space<vmem>> -> memref<125xi32, #tpu.memory_space<vmem>>
              %dma_start3A_123 = arith.constant 0 : i32
              %dma_start3A_124 = tpu.memref_slice %arg18[%dma_start3A_123] : memref<10240xf32, #tpu.memory_space<vmem_shared>> -> memref<10240xf32, #tpu.memory_space<vmem_shared>>
              tpu.enqueue_indirect_dma source(%arg16 : memref<125xf32, #tpu.memory_space<vmem>>) target(%dma_start3A_124 : memref<10240xf32, #tpu.memory_space<vmem_shared>>) offsets(%dma_start3A_122 : memref<125xi32, #tpu.memory_space<vmem>>) semaphore(%run_scoped3A : memref<!tpu.dma_semaphore, #tpu.memory_space<semaphore_mem>>) {add = true}
              %dma_wait3A_125 = arith.constant 0 : i32
              %dma_wait3A_126 = tpu.memref_slice %arg11[%mul3A_74, %dma_wait3A_125] : memref<8x125xi32, #tpu.memory_space<vmem>> -> memref<1x125xi32, #tpu.memory_space<vmem>>
              %dma_wait3A_127 = tpu.memref_squeeze %dma_wait3A_126 : memref<1x125xi32, #tpu.memory_space<vmem>> -> memref<125xi32, #tpu.memory_space<vmem>>
              %dma_wait3A_128 = arith.constant 0 : i32
              %dma_wait3A_129 = tpu.memref_slice %arg18[%dma_wait3A_128] : memref<10240xf32, #tpu.memory_space<vmem_shared>> -> memref<10240xf32, #tpu.memory_space<vmem_shared>>
              tpu.wait_indirect_dma semaphore(%run_scoped3A : memref<!tpu.dma_semaphore, #tpu.memory_space<semaphore_mem>>) src(%arg16 : memref<125xf32, #tpu.memory_space<vmem>>) dst(%dma_wait3A_129 : memref<10240xf32, #tpu.memory_space<vmem_shared>>)
              tpu.yield
            }) : () -> ()
          } else {
          }
          %add3A_84 = arith.constant 1 : i32
          %add3A_85 = arith.addi %scan3A_72, %add3A_84 : i32
          %lt3A_86 = arith.constant 4 : i32
          %lt3A_87 = arith.cmpi slt, %add3A_85, %lt3A_86 : i32
          %convert_element_type3A_88 = arith.extui %lt3A_87 : i1 to i32
          %cond3A_89 = arith.constant 0 : i32
          %cond3A_90 = arith.cmpi ne, %convert_element_type3A_88, %cond3A_89 : i32
          scf.if %cond3A_90 {
            %add3A_120 = arith.constant 2 : i32
            %add3A_121 = arith.addi %mul3A_74, %add3A_120 : i32
            %dma_start3A_122 = arith.constant 0 : i32
            %dma_start3A_123 = tpu.memref_slice %arg10[%add3A_121, %dma_start3A_122] : memref<8x125xi32, #tpu.memory_space<vmem>> -> memref<1x125xi32, #tpu.memory_space<vmem>>
            %dma_start3A_124 = tpu.memref_squeeze %dma_start3A_123 : memref<1x125xi32, #tpu.memory_space<vmem>> -> memref<125xi32, #tpu.memory_space<vmem>>
            %dma_start3A_125 = arith.constant 0 : i32
            %dma_start3A_126 = tpu.memref_slice %arg2[%dma_start3A_125, %mul3A_2] : memref<10000x256xf32, #tpu.memory_space<hbm>> -> memref<10000x128xf32, #tpu.memory_space<hbm>>
            tpu.enqueue_indirect_dma source(%dma_start3A_126 : memref<10000x128xf32, #tpu.memory_space<hbm>>) target(%arg14 : memref<125x128xf32, #tpu.memory_space<vmem>>) offsets(%dma_start3A_124 : memref<125xi32, #tpu.memory_space<vmem>>) semaphore(%arg19 : memref<!tpu.dma_semaphore, #tpu.memory_space<semaphore_mem>>)
          } else {
          }
          %add3A_91 = arith.constant 1 : i32
          %add3A_92 = arith.addi %scan3A_72, %add3A_91 : i32
          %eq3A_93 = arith.constant 4 : i32
          %eq3A_94 = arith.cmpi eq, %add3A_92, %eq3A_93 : i32
          %convert_element_type3A_95 = arith.extui %eq3A_94 : i1 to i32
          %cond3A_96 = arith.constant 0 : i32
          %cond3A_97 = arith.cmpi ne, %convert_element_type3A_95, %cond3A_96 : i32
          scf.if %cond3A_97 {
            %dma_wait3A_120 = arith.constant 0 : i32
            %dma_wait3A_121 = arith.constant 0 : i32
            %dma_wait3A_122 = tpu.memref_slice %arg3[%scan3A_8, %arg1, %dma_wait3A_120, %dma_wait3A_121] : memref<5x16x80x125xi32, #tpu.memory_space<hbm>> -> memref<1x1x8x125xi32, #tpu.memory_space<hbm>>
            %dma_wait3A_123 = tpu.memref_squeeze %dma_wait3A_122 : memref<1x1x8x125xi32, #tpu.memory_space<hbm>> -> memref<8x125xi32, #tpu.memory_space<hbm>>
            %dma_wait3A_124 = arith.constant 0 : i32
            %dma_wait3A_125 = arith.constant 0 : i32
            %dma_wait3A_126 = tpu.memref_slice %arg3[%scan3A_8, %arg1, %dma_wait3A_124, %dma_wait3A_125] : memref<5x16x80x125xi32, #tpu.memory_space<hbm>> -> memref<1x1x8x125xi32, #tpu.memory_space<hbm>>
            %dma_wait3A_127 = tpu.memref_squeeze %dma_wait3A_126 : memref<1x1x8x125xi32, #tpu.memory_space<hbm>> -> memref<8x125xi32, #tpu.memory_space<hbm>>
            tpu.wait_dma2 semaphore(%arg21 : memref<!tpu.dma_semaphore, #tpu.memory_space<semaphore_mem>>) src(%dma_wait3A_127 : memref<8x125xi32, #tpu.memory_space<hbm>>) dst(%arg12 : memref<8x125xi32, #tpu.memory_space<vmem>>)
            %dma_start3A_128 = arith.constant 0 : i32
            %dma_start3A_129 = arith.constant 0 : i32
            %dma_start3A_130 = tpu.memref_slice %arg12[%dma_start3A_128, %dma_start3A_129] : memref<8x125xi32, #tpu.memory_space<vmem>> -> memref<1x125xi32, #tpu.memory_space<vmem>>
            %dma_start3A_131 = tpu.memref_squeeze %dma_start3A_130 : memref<1x125xi32, #tpu.memory_space<vmem>> -> memref<125xi32, #tpu.memory_space<vmem>>
            %dma_start3A_132 = arith.constant 0 : i32
            %dma_start3A_133 = tpu.memref_slice %arg2[%dma_start3A_132, %mul3A_2] : memref<10000x256xf32, #tpu.memory_space<hbm>> -> memref<10000x128xf32, #tpu.memory_space<hbm>>
            tpu.enqueue_indirect_dma source(%dma_start3A_133 : memref<10000x128xf32, #tpu.memory_space<hbm>>) target(%arg14 : memref<125x128xf32, #tpu.memory_space<vmem>>) offsets(%dma_start3A_131 : memref<125xi32, #tpu.memory_space<vmem>>) semaphore(%arg19 : memref<!tpu.dma_semaphore, #tpu.memory_space<semaphore_mem>>)
          } else {
          }
          %dma_wait3A_98 = arith.constant 0 : i32
          %dma_wait3A_99 = tpu.memref_slice %arg10[%add3A_76, %dma_wait3A_98] : memref<8x125xi32, #tpu.memory_space<vmem>> -> memref<1x125xi32, #tpu.memory_space<vmem>>
          %dma_wait3A_100 = tpu.memref_squeeze %dma_wait3A_99 : memref<1x125xi32, #tpu.memory_space<vmem>> -> memref<125xi32, #tpu.memory_space<vmem>>
          %dma_wait3A_101 = arith.constant 0 : i32
          %dma_wait3A_102 = tpu.memref_slice %arg2[%dma_wait3A_101, %mul3A_2] : memref<10000x256xf32, #tpu.memory_space<hbm>> -> memref<10000x128xf32, #tpu.memory_space<hbm>>
          tpu.wait_indirect_dma semaphore(%arg20 : memref<!tpu.dma_semaphore, #tpu.memory_space<semaphore_mem>>) src(%dma_wait3A_102 : memref<10000x128xf32, #tpu.memory_space<hbm>>) dst(%arg15 : memref<125x128xf32, #tpu.memory_space<vmem>>)
          "tpu.region"() ({
            %run_scoped3A = tpu.sem_alloc : memref<!tpu.dma_semaphore, #tpu.memory_space<semaphore_mem>>
            %dma_start3A_120 = arith.constant 0 : i32
            %dma_start3A_121 = tpu.memref_slice %arg11[%add3A_76, %dma_start3A_120] : memref<8x125xi32, #tpu.memory_space<vmem>> -> memref<1x125xi32, #tpu.memory_space<vmem>>
            %dma_start3A_122 = tpu.memref_squeeze %dma_start3A_121 : memref<1x125xi32, #tpu.memory_space<vmem>> -> memref<125xi32, #tpu.memory_space<vmem>>
            %dma_start3A_123 = arith.constant 0 : i32
            %dma_start3A_124 = arith.constant 0 : i32
            %dma_start3A_125 = tpu.memref_slice %arg17[%dma_start3A_123, %dma_start3A_124] : memref<10240x128xf32, #tpu.memory_space<vmem_shared>> -> memref<10240x128xf32, #tpu.memory_space<vmem_shared>>
            tpu.enqueue_indirect_dma source(%arg15 : memref<125x128xf32, #tpu.memory_space<vmem>>) target(%dma_start3A_125 : memref<10240x128xf32, #tpu.memory_space<vmem_shared>>) offsets(%dma_start3A_122 : memref<125xi32, #tpu.memory_space<vmem>>) semaphore(%run_scoped3A : memref<!tpu.dma_semaphore, #tpu.memory_space<semaphore_mem>>) {add = true}
            %dma_wait3A_126 = arith.constant 0 : i32
            %dma_wait3A_127 = tpu.memref_slice %arg11[%add3A_76, %dma_wait3A_126] : memref<8x125xi32, #tpu.memory_space<vmem>> -> memref<1x125xi32, #tpu.memory_space<vmem>>
            %dma_wait3A_128 = tpu.memref_squeeze %dma_wait3A_127 : memref<1x125xi32, #tpu.memory_space<vmem>> -> memref<125xi32, #tpu.memory_space<vmem>>
            %dma_wait3A_129 = arith.constant 0 : i32
            %dma_wait3A_130 = arith.constant 0 : i32
            %dma_wait3A_131 = tpu.memref_slice %arg17[%dma_wait3A_129, %dma_wait3A_130] : memref<10240x128xf32, #tpu.memory_space<vmem_shared>> -> memref<10240x128xf32, #tpu.memory_space<vmem_shared>>
            tpu.wait_indirect_dma semaphore(%run_scoped3A : memref<!tpu.dma_semaphore, #tpu.memory_space<semaphore_mem>>) src(%arg15 : memref<125x128xf32, #tpu.memory_space<vmem>>) dst(%dma_wait3A_131 : memref<10240x128xf32, #tpu.memory_space<vmem_shared>>)
            tpu.yield
          }) : () -> ()
          %convert_element_type3A_103 = arith.extui %select_n3A : i1 to i32
          %cond3A_104 = arith.constant 0 : i32
          %cond3A_105 = arith.cmpi ne, %convert_element_type3A_103, %cond3A_104 : i32
          scf.if %cond3A_105 {
            "tpu.region"() ({
              %run_scoped3A = tpu.sem_alloc : memref<!tpu.dma_semaphore, #tpu.memory_space<semaphore_mem>>
              %dma_start3A_120 = arith.constant 0 : i32
              %dma_start3A_121 = tpu.memref_slice %arg11[%add3A_76, %dma_start3A_120] : memref<8x125xi32, #tpu.memory_space<vmem>> -> memref<1x125xi32, #tpu.memory_space<vmem>>
              %dma_start3A_122 = tpu.memref_squeeze %dma_start3A_121 : memref<1x125xi32, #tpu.memory_space<vmem>> -> memref<125xi32, #tpu.memory_space<vmem>>
              %dma_start3A_123 = arith.constant 0 : i32
              %dma_start3A_124 = tpu.memref_slice %arg18[%dma_start3A_123] : memref<10240xf32, #tpu.memory_space<vmem_shared>> -> memref<10240xf32, #tpu.memory_space<vmem_shared>>
              tpu.enqueue_indirect_dma source(%arg16 : memref<125xf32, #tpu.memory_space<vmem>>) target(%dma_start3A_124 : memref<10240xf32, #tpu.memory_space<vmem_shared>>) offsets(%dma_start3A_122 : memref<125xi32, #tpu.memory_space<vmem>>) semaphore(%run_scoped3A : memref<!tpu.dma_semaphore, #tpu.memory_space<semaphore_mem>>) {add = true}
              %dma_wait3A_125 = arith.constant 0 : i32
              %dma_wait3A_126 = tpu.memref_slice %arg11[%add3A_76, %dma_wait3A_125] : memref<8x125xi32, #tpu.memory_space<vmem>> -> memref<1x125xi32, #tpu.memory_space<vmem>>
              %dma_wait3A_127 = tpu.memref_squeeze %dma_wait3A_126 : memref<1x125xi32, #tpu.memory_space<vmem>> -> memref<125xi32, #tpu.memory_space<vmem>>
              %dma_wait3A_128 = arith.constant 0 : i32
              %dma_wait3A_129 = tpu.memref_slice %arg18[%dma_wait3A_128] : memref<10240xf32, #tpu.memory_space<vmem_shared>> -> memref<10240xf32, #tpu.memory_space<vmem_shared>>
              tpu.wait_indirect_dma semaphore(%run_scoped3A : memref<!tpu.dma_semaphore, #tpu.memory_space<semaphore_mem>>) src(%arg16 : memref<125xf32, #tpu.memory_space<vmem>>) dst(%dma_wait3A_129 : memref<10240xf32, #tpu.memory_space<vmem_shared>>)
              tpu.yield
            }) : () -> ()
          } else {
          }
          %add3A_106 = arith.constant 1 : i32
          %add3A_107 = arith.addi %scan3A_72, %add3A_106 : i32
          %lt3A_108 = arith.constant 4 : i32
          %lt3A_109 = arith.cmpi slt, %add3A_107, %lt3A_108 : i32
          %convert_element_type3A_110 = arith.extui %lt3A_109 : i1 to i32
          %cond3A_111 = arith.constant 0 : i32
          %cond3A_112 = arith.cmpi ne, %convert_element_type3A_110, %cond3A_111 : i32
          scf.if %cond3A_112 {
            %add3A_120 = arith.constant 2 : i32
            %add3A_121 = arith.addi %add3A_76, %add3A_120 : i32
            %dma_start3A_122 = arith.constant 0 : i32
            %dma_start3A_123 = tpu.memref_slice %arg10[%add3A_121, %dma_start3A_122] : memref<8x125xi32, #tpu.memory_space<vmem>> -> memref<1x125xi32, #tpu.memory_space<vmem>>
            %dma_start3A_124 = tpu.memref_squeeze %dma_start3A_123 : memref<1x125xi32, #tpu.memory_space<vmem>> -> memref<125xi32, #tpu.memory_space<vmem>>
            %dma_start3A_125 = arith.constant 0 : i32
            %dma_start3A_126 = tpu.memref_slice %arg2[%dma_start3A_125, %mul3A_2] : memref<10000x256xf32, #tpu.memory_space<hbm>> -> memref<10000x128xf32, #tpu.memory_space<hbm>>
            tpu.enqueue_indirect_dma source(%dma_start3A_126 : memref<10000x128xf32, #tpu.memory_space<hbm>>) target(%arg15 : memref<125x128xf32, #tpu.memory_space<vmem>>) offsets(%dma_start3A_124 : memref<125xi32, #tpu.memory_space<vmem>>) semaphore(%arg20 : memref<!tpu.dma_semaphore, #tpu.memory_space<semaphore_mem>>)
          } else {
          }
          %add3A_113 = arith.constant 1 : i32
          %add3A_114 = arith.addi %scan3A_72, %add3A_113 : i32
          %eq3A_115 = arith.constant 4 : i32
          %eq3A_116 = arith.cmpi eq, %add3A_114, %eq3A_115 : i32
          %convert_element_type3A_117 = arith.extui %eq3A_116 : i1 to i32
          %cond3A_118 = arith.constant 0 : i32
          %cond3A_119 = arith.cmpi ne, %convert_element_type3A_117, %cond3A_118 : i32
          scf.if %cond3A_119 {
            %dma_wait3A_120 = arith.constant 0 : i32
            %dma_wait3A_121 = arith.constant 0 : i32
            %dma_wait3A_122 = tpu.memref_slice %arg4[%scan3A_8, %arg1, %dma_wait3A_120, %dma_wait3A_121] : memref<5x16x80x125xi32, #tpu.memory_space<hbm>> -> memref<1x1x8x125xi32, #tpu.memory_space<hbm>>
            %dma_wait3A_123 = tpu.memref_squeeze %dma_wait3A_122 : memref<1x1x8x125xi32, #tpu.memory_space<hbm>> -> memref<8x125xi32, #tpu.memory_space<hbm>>
            %dma_wait3A_124 = arith.constant 0 : i32
            %dma_wait3A_125 = arith.constant 0 : i32
            %dma_wait3A_126 = tpu.memref_slice %arg4[%scan3A_8, %arg1, %dma_wait3A_124, %dma_wait3A_125] : memref<5x16x80x125xi32, #tpu.memory_space<hbm>> -> memref<1x1x8x125xi32, #tpu.memory_space<hbm>>
            %dma_wait3A_127 = tpu.memref_squeeze %dma_wait3A_126 : memref<1x1x8x125xi32, #tpu.memory_space<hbm>> -> memref<8x125xi32, #tpu.memory_space<hbm>>
            tpu.wait_dma2 semaphore(%arg22 : memref<!tpu.dma_semaphore, #tpu.memory_space<semaphore_mem>>) src(%dma_wait3A_127 : memref<8x125xi32, #tpu.memory_space<hbm>>) dst(%arg13 : memref<8x125xi32, #tpu.memory_space<vmem>>)
            %dma_start3A_128 = arith.constant 1 : i32
            %dma_start3A_129 = arith.constant 0 : i32
            %dma_start3A_130 = tpu.memref_slice %arg12[%dma_start3A_128, %dma_start3A_129] : memref<8x125xi32, #tpu.memory_space<vmem>> -> memref<1x125xi32, #tpu.memory_space<vmem>>
            %dma_start3A_131 = tpu.memref_squeeze %dma_start3A_130 : memref<1x125xi32, #tpu.memory_space<vmem>> -> memref<125xi32, #tpu.memory_space<vmem>>
            %dma_start3A_132 = arith.constant 0 : i32
            %dma_start3A_133 = tpu.memref_slice %arg2[%dma_start3A_132, %mul3A_2] : memref<10000x256xf32, #tpu.memory_space<hbm>> -> memref<10000x128xf32, #tpu.memory_space<hbm>>
            tpu.enqueue_indirect_dma source(%dma_start3A_133 : memref<10000x128xf32, #tpu.memory_space<hbm>>) target(%arg15 : memref<125x128xf32, #tpu.memory_space<vmem>>) offsets(%dma_start3A_131 : memref<125xi32, #tpu.memory_space<vmem>>) semaphore(%arg20 : memref<!tpu.dma_semaphore, #tpu.memory_space<semaphore_mem>>)
          } else {
          }
        }
        %scan3A_58 = arith.constant 4 : i32
        %add3A_59 = arith.constant 1 : i32
        %add3A_60 = arith.addi %scan3A_35, %add3A_59 : i32
        %lt3A_61 = arith.constant 5 : i32
        %lt3A_62 = arith.cmpi slt, %add3A_60, %lt3A_61 : i32
        %convert_element_type3A_63 = arith.extui %lt3A_62 : i1 to i32
        %cond3A_64 = arith.constant 0 : i32
        %cond3A_65 = arith.cmpi ne, %convert_element_type3A_63, %cond3A_64 : i32
        scf.if %cond3A_65 {
          %mul3A_72 = arith.constant 2 : i32
          %mul3A_73 = arith.muli %mul3A_72, %scan3A_35 : i32
          %add3A_74 = arith.constant 2 : i32
          %add3A_75 = arith.addi %mul3A_73, %add3A_74 : i32
          %mul3A_76 = arith.constant 8 : i32
          %mul3A_77 = arith.muli %add3A_75, %mul3A_76 : i32
          %dma_start3A_78 = arith.constant 0 : i32
          %dma_start3A_79 = tpu.memref_slice %arg3[%scan3A_8, %arg1, %mul3A_77, %dma_start3A_78] : memref<5x16x80x125xi32, #tpu.memory_space<hbm>> -> memref<1x1x8x125xi32, #tpu.memory_space<hbm>>
          %dma_start3A_80 = tpu.memref_squeeze %dma_start3A_79 : memref<1x1x8x125xi32, #tpu.memory_space<hbm>> -> memref<8x125xi32, #tpu.memory_space<hbm>>
          %dma_start3A_81 = arith.constant 0 : i32
          %dma_start3A_82 = tpu.memref_slice %arg3[%scan3A_8, %arg1, %mul3A_77, %dma_start3A_81] : memref<5x16x80x125xi32, #tpu.memory_space<hbm>> -> memref<1x1x8x125xi32, #tpu.memory_space<hbm>>
          %dma_start3A_83 = tpu.memref_squeeze %dma_start3A_82 : memref<1x1x8x125xi32, #tpu.memory_space<hbm>> -> memref<8x125xi32, #tpu.memory_space<hbm>>
          tpu.enqueue_dma source(%dma_start3A_83 : memref<8x125xi32, #tpu.memory_space<hbm>>) target(%arg10 : memref<8x125xi32, #tpu.memory_space<vmem>>) target_semaphore(%arg21 : memref<!tpu.dma_semaphore, #tpu.memory_space<semaphore_mem>>)
          %dma_start3A_84 = arith.constant 0 : i32
          %dma_start3A_85 = tpu.memref_slice %arg4[%scan3A_8, %arg1, %mul3A_77, %dma_start3A_84] : memref<5x16x80x125xi32, #tpu.memory_space<hbm>> -> memref<1x1x8x125xi32, #tpu.memory_space<hbm>>
          %dma_start3A_86 = tpu.memref_squeeze %dma_start3A_85 : memref<1x1x8x125xi32, #tpu.memory_space<hbm>> -> memref<8x125xi32, #tpu.memory_space<hbm>>
          %dma_start3A_87 = arith.constant 0 : i32
          %dma_start3A_88 = tpu.memref_slice %arg4[%scan3A_8, %arg1, %mul3A_77, %dma_start3A_87] : memref<5x16x80x125xi32, #tpu.memory_space<hbm>> -> memref<1x1x8x125xi32, #tpu.memory_space<hbm>>
          %dma_start3A_89 = tpu.memref_squeeze %dma_start3A_88 : memref<1x1x8x125xi32, #tpu.memory_space<hbm>> -> memref<8x125xi32, #tpu.memory_space<hbm>>
          tpu.enqueue_dma source(%dma_start3A_89 : memref<8x125xi32, #tpu.memory_space<hbm>>) target(%arg11 : memref<8x125xi32, #tpu.memory_space<vmem>>) target_semaphore(%arg22 : memref<!tpu.dma_semaphore, #tpu.memory_space<semaphore_mem>>)
        } else {
        }
        %scan3A_66 = arith.constant 0 : i32
        %scan3A_67 = arith.constant 0 : i32
        %scan3A_68 = arith.constant 4 : i32
        %scan3A_69 = arith.addi %scan3A_67, %scan3A_68 : i32
        %scan3A_70 = arith.constant 1 : i32
        scf.for %scan3A_72 = %scan3A_67 to %scan3A_69 step %scan3A_70  : i32 {
          %mul3A_73 = arith.constant 2 : i32
          %mul3A_74 = arith.muli %scan3A_72, %mul3A_73 : i32
          %add3A_75 = arith.constant 1 : i32
          %add3A_76 = arith.addi %mul3A_74, %add3A_75 : i32
          %dma_wait3A = arith.constant 0 : i32
          %dma_wait3A_77 = tpu.memref_slice %arg12[%mul3A_74, %dma_wait3A] : memref<8x125xi32, #tpu.memory_space<vmem>> -> memref<1x125xi32, #tpu.memory_space<vmem>>
          %dma_wait3A_78 = tpu.memref_squeeze %dma_wait3A_77 : memref<1x125xi32, #tpu.memory_space<vmem>> -> memref<125xi32, #tpu.memory_space<vmem>>
          %dma_wait3A_79 = arith.constant 0 : i32
          %dma_wait3A_80 = tpu.memref_slice %arg2[%dma_wait3A_79, %mul3A_2] : memref<10000x256xf32, #tpu.memory_space<hbm>> -> memref<10000x128xf32, #tpu.memory_space<hbm>>
          tpu.wait_indirect_dma semaphore(%arg19 : memref<!tpu.dma_semaphore, #tpu.memory_space<semaphore_mem>>) src(%dma_wait3A_80 : memref<10000x128xf32, #tpu.memory_space<hbm>>) dst(%arg14 : memref<125x128xf32, #tpu.memory_space<vmem>>)
          "tpu.region"() ({
            %run_scoped3A = tpu.sem_alloc : memref<!tpu.dma_semaphore, #tpu.memory_space<semaphore_mem>>
            %dma_start3A_121 = arith.constant 0 : i32
            %dma_start3A_122 = tpu.memref_slice %arg13[%mul3A_74, %dma_start3A_121] : memref<8x125xi32, #tpu.memory_space<vmem>> -> memref<1x125xi32, #tpu.memory_space<vmem>>
            %dma_start3A_123 = tpu.memref_squeeze %dma_start3A_122 : memref<1x125xi32, #tpu.memory_space<vmem>> -> memref<125xi32, #tpu.memory_space<vmem>>
            %dma_start3A_124 = arith.constant 0 : i32
            %dma_start3A_125 = arith.constant 0 : i32
            %dma_start3A_126 = tpu.memref_slice %arg17[%dma_start3A_124, %dma_start3A_125] : memref<10240x128xf32, #tpu.memory_space<vmem_shared>> -> memref<10240x128xf32, #tpu.memory_space<vmem_shared>>
            tpu.enqueue_indirect_dma source(%arg14 : memref<125x128xf32, #tpu.memory_space<vmem>>) target(%dma_start3A_126 : memref<10240x128xf32, #tpu.memory_space<vmem_shared>>) offsets(%dma_start3A_123 : memref<125xi32, #tpu.memory_space<vmem>>) semaphore(%run_scoped3A : memref<!tpu.dma_semaphore, #tpu.memory_space<semaphore_mem>>) {add = true}
            %dma_wait3A_127 = arith.constant 0 : i32
            %dma_wait3A_128 = tpu.memref_slice %arg13[%mul3A_74, %dma_wait3A_127] : memref<8x125xi32, #tpu.memory_space<vmem>> -> memref<1x125xi32, #tpu.memory_space<vmem>>
            %dma_wait3A_129 = tpu.memref_squeeze %dma_wait3A_128 : memref<1x125xi32, #tpu.memory_space<vmem>> -> memref<125xi32, #tpu.memory_space<vmem>>
            %dma_wait3A_130 = arith.constant 0 : i32
            %dma_wait3A_131 = arith.constant 0 : i32
            %dma_wait3A_132 = tpu.memref_slice %arg17[%dma_wait3A_130, %dma_wait3A_131] : memref<10240x128xf32, #tpu.memory_space<vmem_shared>> -> memref<10240x128xf32, #tpu.memory_space<vmem_shared>>
            tpu.wait_indirect_dma semaphore(%run_scoped3A : memref<!tpu.dma_semaphore, #tpu.memory_space<semaphore_mem>>) src(%arg14 : memref<125x128xf32, #tpu.memory_space<vmem>>) dst(%dma_wait3A_132 : memref<10240x128xf32, #tpu.memory_space<vmem_shared>>)
            tpu.yield
          }) : () -> ()
          %convert_element_type3A_81 = arith.extui %select_n3A : i1 to i32
          %cond3A_82 = arith.constant 0 : i32
          %cond3A_83 = arith.cmpi ne, %convert_element_type3A_81, %cond3A_82 : i32
          scf.if %cond3A_83 {
            "tpu.region"() ({
              %run_scoped3A = tpu.sem_alloc : memref<!tpu.dma_semaphore, #tpu.memory_space<semaphore_mem>>
              %dma_start3A_121 = arith.constant 0 : i32
              %dma_start3A_122 = tpu.memref_slice %arg13[%mul3A_74, %dma_start3A_121] : memref<8x125xi32, #tpu.memory_space<vmem>> -> memref<1x125xi32, #tpu.memory_space<vmem>>
              %dma_start3A_123 = tpu.memref_squeeze %dma_start3A_122 : memref<1x125xi32, #tpu.memory_space<vmem>> -> memref<125xi32, #tpu.memory_space<vmem>>
              %dma_start3A_124 = arith.constant 0 : i32
              %dma_start3A_125 = tpu.memref_slice %arg18[%dma_start3A_124] : memref<10240xf32, #tpu.memory_space<vmem_shared>> -> memref<10240xf32, #tpu.memory_space<vmem_shared>>
              tpu.enqueue_indirect_dma source(%arg16 : memref<125xf32, #tpu.memory_space<vmem>>) target(%dma_start3A_125 : memref<10240xf32, #tpu.memory_space<vmem_shared>>) offsets(%dma_start3A_123 : memref<125xi32, #tpu.memory_space<vmem>>) semaphore(%run_scoped3A : memref<!tpu.dma_semaphore, #tpu.memory_space<semaphore_mem>>) {add = true}
              %dma_wait3A_126 = arith.constant 0 : i32
              %dma_wait3A_127 = tpu.memref_slice %arg13[%mul3A_74, %dma_wait3A_126] : memref<8x125xi32, #tpu.memory_space<vmem>> -> memref<1x125xi32, #tpu.memory_space<vmem>>
              %dma_wait3A_128 = tpu.memref_squeeze %dma_wait3A_127 : memref<1x125xi32, #tpu.memory_space<vmem>> -> memref<125xi32, #tpu.memory_space<vmem>>
              %dma_wait3A_129 = arith.constant 0 : i32
              %dma_wait3A_130 = tpu.memref_slice %arg18[%dma_wait3A_129] : memref<10240xf32, #tpu.memory_space<vmem_shared>> -> memref<10240xf32, #tpu.memory_space<vmem_shared>>
              tpu.wait_indirect_dma semaphore(%run_scoped3A : memref<!tpu.dma_semaphore, #tpu.memory_space<semaphore_mem>>) src(%arg16 : memref<125xf32, #tpu.memory_space<vmem>>) dst(%dma_wait3A_130 : memref<10240xf32, #tpu.memory_space<vmem_shared>>)
              tpu.yield
            }) : () -> ()
          } else {
          }
          %add3A_84 = arith.constant 1 : i32
          %add3A_85 = arith.addi %scan3A_72, %add3A_84 : i32
          %lt3A_86 = arith.constant 4 : i32
          %lt3A_87 = arith.cmpi slt, %add3A_85, %lt3A_86 : i32
          %convert_element_type3A_88 = arith.extui %lt3A_87 : i1 to i32
          %cond3A_89 = arith.constant 0 : i32
          %cond3A_90 = arith.cmpi ne, %convert_element_type3A_88, %cond3A_89 : i32
          scf.if %cond3A_90 {
            %add3A_121 = arith.constant 2 : i32
            %add3A_122 = arith.addi %mul3A_74, %add3A_121 : i32
            %dma_start3A_123 = arith.constant 0 : i32
            %dma_start3A_124 = tpu.memref_slice %arg12[%add3A_122, %dma_start3A_123] : memref<8x125xi32, #tpu.memory_space<vmem>> -> memref<1x125xi32, #tpu.memory_space<vmem>>
            %dma_start3A_125 = tpu.memref_squeeze %dma_start3A_124 : memref<1x125xi32, #tpu.memory_space<vmem>> -> memref<125xi32, #tpu.memory_space<vmem>>
            %dma_start3A_126 = arith.constant 0 : i32
            %dma_start3A_127 = tpu.memref_slice %arg2[%dma_start3A_126, %mul3A_2] : memref<10000x256xf32, #tpu.memory_space<hbm>> -> memref<10000x128xf32, #tpu.memory_space<hbm>>
            tpu.enqueue_indirect_dma source(%dma_start3A_127 : memref<10000x128xf32, #tpu.memory_space<hbm>>) target(%arg14 : memref<125x128xf32, #tpu.memory_space<vmem>>) offsets(%dma_start3A_125 : memref<125xi32, #tpu.memory_space<vmem>>) semaphore(%arg19 : memref<!tpu.dma_semaphore, #tpu.memory_space<semaphore_mem>>)
          } else {
          }
          %add3A_91 = arith.constant 1 : i32
          %add3A_92 = arith.addi %scan3A_72, %add3A_91 : i32
          %eq3A_93 = arith.constant 4 : i32
          %eq3A_94 = arith.cmpi eq, %add3A_92, %eq3A_93 : i32
          %and3A = arith.andi %eq3A_94, %lt3A_62 : i1
          %convert_element_type3A_95 = arith.extui %and3A : i1 to i32
          %cond3A_96 = arith.constant 0 : i32
          %cond3A_97 = arith.cmpi ne, %convert_element_type3A_95, %cond3A_96 : i32
          scf.if %cond3A_97 {
            %dma_wait3A_121 = arith.constant 0 : i32
            %dma_wait3A_122 = arith.constant 0 : i32
            %dma_wait3A_123 = tpu.memref_slice %arg3[%scan3A_8, %arg1, %dma_wait3A_121, %dma_wait3A_122] : memref<5x16x80x125xi32, #tpu.memory_space<hbm>> -> memref<1x1x8x125xi32, #tpu.memory_space<hbm>>
            %dma_wait3A_124 = tpu.memref_squeeze %dma_wait3A_123 : memref<1x1x8x125xi32, #tpu.memory_space<hbm>> -> memref<8x125xi32, #tpu.memory_space<hbm>>
            %dma_wait3A_125 = arith.constant 0 : i32
            %dma_wait3A_126 = arith.constant 0 : i32
            %dma_wait3A_127 = tpu.memref_slice %arg3[%scan3A_8, %arg1, %dma_wait3A_125, %dma_wait3A_126] : memref<5x16x80x125xi32, #tpu.memory_space<hbm>> -> memref<1x1x8x125xi32, #tpu.memory_space<hbm>>
            %dma_wait3A_128 = tpu.memref_squeeze %dma_wait3A_127 : memref<1x1x8x125xi32, #tpu.memory_space<hbm>> -> memref<8x125xi32, #tpu.memory_space<hbm>>
            tpu.wait_dma2 semaphore(%arg21 : memref<!tpu.dma_semaphore, #tpu.memory_space<semaphore_mem>>) src(%dma_wait3A_128 : memref<8x125xi32, #tpu.memory_space<hbm>>) dst(%arg10 : memref<8x125xi32, #tpu.memory_space<vmem>>)
            %dma_start3A_129 = arith.constant 0 : i32
            %dma_start3A_130 = arith.constant 0 : i32
            %dma_start3A_131 = tpu.memref_slice %arg10[%dma_start3A_129, %dma_start3A_130] : memref<8x125xi32, #tpu.memory_space<vmem>> -> memref<1x125xi32, #tpu.memory_space<vmem>>
            %dma_start3A_132 = tpu.memref_squeeze %dma_start3A_131 : memref<1x125xi32, #tpu.memory_space<vmem>> -> memref<125xi32, #tpu.memory_space<vmem>>
            %dma_start3A_133 = arith.constant 0 : i32
            %dma_start3A_134 = tpu.memref_slice %arg2[%dma_start3A_133, %mul3A_2] : memref<10000x256xf32, #tpu.memory_space<hbm>> -> memref<10000x128xf32, #tpu.memory_space<hbm>>
            tpu.enqueue_indirect_dma source(%dma_start3A_134 : memref<10000x128xf32, #tpu.memory_space<hbm>>) target(%arg14 : memref<125x128xf32, #tpu.memory_space<vmem>>) offsets(%dma_start3A_132 : memref<125xi32, #tpu.memory_space<vmem>>) semaphore(%arg19 : memref<!tpu.dma_semaphore, #tpu.memory_space<semaphore_mem>>)
          } else {
          }
          %dma_wait3A_98 = arith.constant 0 : i32
          %dma_wait3A_99 = tpu.memref_slice %arg12[%add3A_76, %dma_wait3A_98] : memref<8x125xi32, #tpu.memory_space<vmem>> -> memref<1x125xi32, #tpu.memory_space<vmem>>
          %dma_wait3A_100 = tpu.memref_squeeze %dma_wait3A_99 : memref<1x125xi32, #tpu.memory_space<vmem>> -> memref<125xi32, #tpu.memory_space<vmem>>
          %dma_wait3A_101 = arith.constant 0 : i32
          %dma_wait3A_102 = tpu.memref_slice %arg2[%dma_wait3A_101, %mul3A_2] : memref<10000x256xf32, #tpu.memory_space<hbm>> -> memref<10000x128xf32, #tpu.memory_space<hbm>>
          tpu.wait_indirect_dma semaphore(%arg20 : memref<!tpu.dma_semaphore, #tpu.memory_space<semaphore_mem>>) src(%dma_wait3A_102 : memref<10000x128xf32, #tpu.memory_space<hbm>>) dst(%arg15 : memref<125x128xf32, #tpu.memory_space<vmem>>)
          "tpu.region"() ({
            %run_scoped3A = tpu.sem_alloc : memref<!tpu.dma_semaphore, #tpu.memory_space<semaphore_mem>>
            %dma_start3A_121 = arith.constant 0 : i32
            %dma_start3A_122 = tpu.memref_slice %arg13[%add3A_76, %dma_start3A_121] : memref<8x125xi32, #tpu.memory_space<vmem>> -> memref<1x125xi32, #tpu.memory_space<vmem>>
            %dma_start3A_123 = tpu.memref_squeeze %dma_start3A_122 : memref<1x125xi32, #tpu.memory_space<vmem>> -> memref<125xi32, #tpu.memory_space<vmem>>
            %dma_start3A_124 = arith.constant 0 : i32
            %dma_start3A_125 = arith.constant 0 : i32
            %dma_start3A_126 = tpu.memref_slice %arg17[%dma_start3A_124, %dma_start3A_125] : memref<10240x128xf32, #tpu.memory_space<vmem_shared>> -> memref<10240x128xf32, #tpu.memory_space<vmem_shared>>
            tpu.enqueue_indirect_dma source(%arg15 : memref<125x128xf32, #tpu.memory_space<vmem>>) target(%dma_start3A_126 : memref<10240x128xf32, #tpu.memory_space<vmem_shared>>) offsets(%dma_start3A_123 : memref<125xi32, #tpu.memory_space<vmem>>) semaphore(%run_scoped3A : memref<!tpu.dma_semaphore, #tpu.memory_space<semaphore_mem>>) {add = true}
            %dma_wait3A_127 = arith.constant 0 : i32
            %dma_wait3A_128 = tpu.memref_slice %arg13[%add3A_76, %dma_wait3A_127] : memref<8x125xi32, #tpu.memory_space<vmem>> -> memref<1x125xi32, #tpu.memory_space<vmem>>
            %dma_wait3A_129 = tpu.memref_squeeze %dma_wait3A_128 : memref<1x125xi32, #tpu.memory_space<vmem>> -> memref<125xi32, #tpu.memory_space<vmem>>
            %dma_wait3A_130 = arith.constant 0 : i32
            %dma_wait3A_131 = arith.constant 0 : i32
            %dma_wait3A_132 = tpu.memref_slice %arg17[%dma_wait3A_130, %dma_wait3A_131] : memref<10240x128xf32, #tpu.memory_space<vmem_shared>> -> memref<10240x128xf32, #tpu.memory_space<vmem_shared>>
            tpu.wait_indirect_dma semaphore(%run_scoped3A : memref<!tpu.dma_semaphore, #tpu.memory_space<semaphore_mem>>) src(%arg15 : memref<125x128xf32, #tpu.memory_space<vmem>>) dst(%dma_wait3A_132 : memref<10240x128xf32, #tpu.memory_space<vmem_shared>>)
            tpu.yield
          }) : () -> ()
          %convert_element_type3A_103 = arith.extui %select_n3A : i1 to i32
          %cond3A_104 = arith.constant 0 : i32
          %cond3A_105 = arith.cmpi ne, %convert_element_type3A_103, %cond3A_104 : i32
          scf.if %cond3A_105 {
            "tpu.region"() ({
              %run_scoped3A = tpu.sem_alloc : memref<!tpu.dma_semaphore, #tpu.memory_space<semaphore_mem>>
              %dma_start3A_121 = arith.constant 0 : i32
              %dma_start3A_122 = tpu.memref_slice %arg13[%add3A_76, %dma_start3A_121] : memref<8x125xi32, #tpu.memory_space<vmem>> -> memref<1x125xi32, #tpu.memory_space<vmem>>
              %dma_start3A_123 = tpu.memref_squeeze %dma_start3A_122 : memref<1x125xi32, #tpu.memory_space<vmem>> -> memref<125xi32, #tpu.memory_space<vmem>>
              %dma_start3A_124 = arith.constant 0 : i32
              %dma_start3A_125 = tpu.memref_slice %arg18[%dma_start3A_124] : memref<10240xf32, #tpu.memory_space<vmem_shared>> -> memref<10240xf32, #tpu.memory_space<vmem_shared>>
              tpu.enqueue_indirect_dma source(%arg16 : memref<125xf32, #tpu.memory_space<vmem>>) target(%dma_start3A_125 : memref<10240xf32, #tpu.memory_space<vmem_shared>>) offsets(%dma_start3A_123 : memref<125xi32, #tpu.memory_space<vmem>>) semaphore(%run_scoped3A : memref<!tpu.dma_semaphore, #tpu.memory_space<semaphore_mem>>) {add = true}
              %dma_wait3A_126 = arith.constant 0 : i32
              %dma_wait3A_127 = tpu.memref_slice %arg13[%add3A_76, %dma_wait3A_126] : memref<8x125xi32, #tpu.memory_space<vmem>> -> memref<1x125xi32, #tpu.memory_space<vmem>>
              %dma_wait3A_128 = tpu.memref_squeeze %dma_wait3A_127 : memref<1x125xi32, #tpu.memory_space<vmem>> -> memref<125xi32, #tpu.memory_space<vmem>>
              %dma_wait3A_129 = arith.constant 0 : i32
              %dma_wait3A_130 = tpu.memref_slice %arg18[%dma_wait3A_129] : memref<10240xf32, #tpu.memory_space<vmem_shared>> -> memref<10240xf32, #tpu.memory_space<vmem_shared>>
              tpu.wait_indirect_dma semaphore(%run_scoped3A : memref<!tpu.dma_semaphore, #tpu.memory_space<semaphore_mem>>) src(%arg16 : memref<125xf32, #tpu.memory_space<vmem>>) dst(%dma_wait3A_130 : memref<10240xf32, #tpu.memory_space<vmem_shared>>)
              tpu.yield
            }) : () -> ()
          } else {
          }
          %add3A_106 = arith.constant 1 : i32
          %add3A_107 = arith.addi %scan3A_72, %add3A_106 : i32
          %lt3A_108 = arith.constant 4 : i32
          %lt3A_109 = arith.cmpi slt, %add3A_107, %lt3A_108 : i32
          %convert_element_type3A_110 = arith.extui %lt3A_109 : i1 to i32
          %cond3A_111 = arith.constant 0 : i32
          %cond3A_112 = arith.cmpi ne, %convert_element_type3A_110, %cond3A_111 : i32
          scf.if %cond3A_112 {
            %add3A_121 = arith.constant 2 : i32
            %add3A_122 = arith.addi %add3A_76, %add3A_121 : i32
            %dma_start3A_123 = arith.constant 0 : i32
            %dma_start3A_124 = tpu.memref_slice %arg12[%add3A_122, %dma_start3A_123] : memref<8x125xi32, #tpu.memory_space<vmem>> -> memref<1x125xi32, #tpu.memory_space<vmem>>
            %dma_start3A_125 = tpu.memref_squeeze %dma_start3A_124 : memref<1x125xi32, #tpu.memory_space<vmem>> -> memref<125xi32, #tpu.memory_space<vmem>>
            %dma_start3A_126 = arith.constant 0 : i32
            %dma_start3A_127 = tpu.memref_slice %arg2[%dma_start3A_126, %mul3A_2] : memref<10000x256xf32, #tpu.memory_space<hbm>> -> memref<10000x128xf32, #tpu.memory_space<hbm>>
            tpu.enqueue_indirect_dma source(%dma_start3A_127 : memref<10000x128xf32, #tpu.memory_space<hbm>>) target(%arg15 : memref<125x128xf32, #tpu.memory_space<vmem>>) offsets(%dma_start3A_125 : memref<125xi32, #tpu.memory_space<vmem>>) semaphore(%arg20 : memref<!tpu.dma_semaphore, #tpu.memory_space<semaphore_mem>>)
          } else {
          }
          %add3A_113 = arith.constant 1 : i32
          %add3A_114 = arith.addi %scan3A_72, %add3A_113 : i32
          %eq3A_115 = arith.constant 4 : i32
          %eq3A_116 = arith.cmpi eq, %add3A_114, %eq3A_115 : i32
          %and3A_117 = arith.andi %eq3A_116, %lt3A_62 : i1
          %convert_element_type3A_118 = arith.extui %and3A_117 : i1 to i32
          %cond3A_119 = arith.constant 0 : i32
          %cond3A_120 = arith.cmpi ne, %convert_element_type3A_118, %cond3A_119 : i32
          scf.if %cond3A_120 {
            %dma_wait3A_121 = arith.constant 0 : i32
            %dma_wait3A_122 = arith.constant 0 : i32
            %dma_wait3A_123 = tpu.memref_slice %arg4[%scan3A_8, %arg1, %dma_wait3A_121, %dma_wait3A_122] : memref<5x16x80x125xi32, #tpu.memory_space<hbm>> -> memref<1x1x8x125xi32, #tpu.memory_space<hbm>>
            %dma_wait3A_124 = tpu.memref_squeeze %dma_wait3A_123 : memref<1x1x8x125xi32, #tpu.memory_space<hbm>> -> memref<8x125xi32, #tpu.memory_space<hbm>>
            %dma_wait3A_125 = arith.constant 0 : i32
            %dma_wait3A_126 = arith.constant 0 : i32
            %dma_wait3A_127 = tpu.memref_slice %arg4[%scan3A_8, %arg1, %dma_wait3A_125, %dma_wait3A_126] : memref<5x16x80x125xi32, #tpu.memory_space<hbm>> -> memref<1x1x8x125xi32, #tpu.memory_space<hbm>>
            %dma_wait3A_128 = tpu.memref_squeeze %dma_wait3A_127 : memref<1x1x8x125xi32, #tpu.memory_space<hbm>> -> memref<8x125xi32, #tpu.memory_space<hbm>>
            tpu.wait_dma2 semaphore(%arg22 : memref<!tpu.dma_semaphore, #tpu.memory_space<semaphore_mem>>) src(%dma_wait3A_128 : memref<8x125xi32, #tpu.memory_space<hbm>>) dst(%arg11 : memref<8x125xi32, #tpu.memory_space<vmem>>)
            %dma_start3A_129 = arith.constant 1 : i32
            %dma_start3A_130 = arith.constant 0 : i32
            %dma_start3A_131 = tpu.memref_slice %arg10[%dma_start3A_129, %dma_start3A_130] : memref<8x125xi32, #tpu.memory_space<vmem>> -> memref<1x125xi32, #tpu.memory_space<vmem>>
            %dma_start3A_132 = tpu.memref_squeeze %dma_start3A_131 : memref<1x125xi32, #tpu.memory_space<vmem>> -> memref<125xi32, #tpu.memory_space<vmem>>
            %dma_start3A_133 = arith.constant 0 : i32
            %dma_start3A_134 = tpu.memref_slice %arg2[%dma_start3A_133, %mul3A_2] : memref<10000x256xf32, #tpu.memory_space<hbm>> -> memref<10000x128xf32, #tpu.memory_space<hbm>>
            tpu.enqueue_indirect_dma source(%dma_start3A_134 : memref<10000x128xf32, #tpu.memory_space<hbm>>) target(%arg15 : memref<125x128xf32, #tpu.memory_space<vmem>>) offsets(%dma_start3A_132 : memref<125xi32, #tpu.memory_space<vmem>>) semaphore(%arg20 : memref<!tpu.dma_semaphore, #tpu.memory_space<semaphore_mem>>)
          } else {
          }
        }
        %scan3A_71 = arith.constant 4 : i32
      }
      %scan3A_30 = arith.constant 5 : i32
      %barrier3A_31 = arith.constant 0 : index
      tpu.barrier barrier_id(%barrier3A_31)
      "tpu.region"() ({
        %run_scoped3A = tpu.sem_alloc : memref<!tpu.dma_semaphore, #tpu.memory_space<semaphore_mem>>
        %dma_start3A_35 = arith.constant 0 : i32
        %dma_start3A_36 = tpu.memref_slice %arg8[%scan3A_8, %arg0, %mul3A_0, %dma_start3A_35] : memref<5x2x10240x128xf32, #tpu.memory_space<hbm>> -> memref<1x1x640x128xf32, #tpu.memory_space<hbm>>
        %dma_start3A_37 = tpu.memref_squeeze %dma_start3A_36 : memref<1x1x640x128xf32, #tpu.memory_space<hbm>> -> memref<640x128xf32, #tpu.memory_space<hbm>>
        %dma_start3A_38 = arith.constant 0 : i32
        %dma_start3A_39 = tpu.memref_slice %arg17[%mul3A_0, %dma_start3A_38] : memref<10240x128xf32, #tpu.memory_space<vmem_shared>> -> memref<640x128xf32, #tpu.memory_space<vmem_shared>>
        tpu.enqueue_dma source(%dma_start3A_39 : memref<640x128xf32, #tpu.memory_space<vmem_shared>>) target(%dma_start3A_37 : memref<640x128xf32, #tpu.memory_space<hbm>>) target_semaphore(%run_scoped3A : memref<!tpu.dma_semaphore, #tpu.memory_space<semaphore_mem>>)
        %dma_wait3A = arith.constant 0 : i32
        %dma_wait3A_40 = tpu.memref_slice %arg8[%scan3A_8, %arg0, %mul3A_0, %dma_wait3A] : memref<5x2x10240x128xf32, #tpu.memory_space<hbm>> -> memref<1x1x640x128xf32, #tpu.memory_space<hbm>>
        %dma_wait3A_41 = tpu.memref_squeeze %dma_wait3A_40 : memref<1x1x640x128xf32, #tpu.memory_space<hbm>> -> memref<640x128xf32, #tpu.memory_space<hbm>>
        %dma_wait3A_42 = arith.constant 0 : i32
        %dma_wait3A_43 = tpu.memref_slice %arg17[%mul3A_0, %dma_wait3A_42] : memref<10240x128xf32, #tpu.memory_space<vmem_shared>> -> memref<640x128xf32, #tpu.memory_space<vmem_shared>>
        tpu.wait_dma2 semaphore(%run_scoped3A : memref<!tpu.dma_semaphore, #tpu.memory_space<semaphore_mem>>) src(%dma_wait3A_43 : memref<640x128xf32, #tpu.memory_space<vmem_shared>>) dst(%dma_wait3A_41 : memref<640x128xf32, #tpu.memory_space<hbm>>)
        tpu.yield
      }) : () -> ()
      %convert_element_type3A_32 = arith.extui %select_n3A : i1 to i32
      %cond3A_33 = arith.constant 0 : i32
      %cond3A_34 = arith.cmpi ne, %convert_element_type3A_32, %cond3A_33 : i32
      scf.if %cond3A_34 {
        %mul3A_35 = arith.constant 10240 : i32
        %mul3A_36 = arith.muli %scan3A_8, %mul3A_35 : i32
        %add3A = arith.addi %mul3A_36, %mul3A_0 : i32
        "tpu.region"() ({
          %run_scoped3A = tpu.sem_alloc : memref<!tpu.dma_semaphore, #tpu.memory_space<semaphore_mem>>
          %dma_start3A_37 = tpu.memref_slice %arg9[%add3A] : memref<51200xf32, #tpu.memory_space<hbm>> -> memref<640xf32, #tpu.memory_space<hbm>>
          %dma_start3A_38 = tpu.memref_slice %arg18[%mul3A_0] : memref<10240xf32, #tpu.memory_space<vmem_shared>> -> memref<640xf32, #tpu.memory_space<vmem_shared>>
          tpu.enqueue_dma source(%dma_start3A_38 : memref<640xf32, #tpu.memory_space<vmem_shared>>) target(%dma_start3A_37 : memref<640xf32, #tpu.memory_space<hbm>>) target_semaphore(%run_scoped3A : memref<!tpu.dma_semaphore, #tpu.memory_space<semaphore_mem>>)
          %dma_wait3A = tpu.memref_slice %arg9[%add3A] : memref<51200xf32, #tpu.memory_space<hbm>> -> memref<640xf32, #tpu.memory_space<hbm>>
          %dma_wait3A_39 = tpu.memref_slice %arg18[%mul3A_0] : memref<10240xf32, #tpu.memory_space<vmem_shared>> -> memref<640xf32, #tpu.memory_space<vmem_shared>>
          tpu.wait_dma2 semaphore(%run_scoped3A : memref<!tpu.dma_semaphore, #tpu.memory_space<semaphore_mem>>) src(%dma_wait3A_39 : memref<640xf32, #tpu.memory_space<vmem_shared>>) dst(%dma_wait3A : memref<640xf32, #tpu.memory_space<hbm>>)
          tpu.yield
        }) : () -> ()
      } else {
      }
    }
    %scan3A_7 = arith.constant 5 : i32
    return
  }
}

module attributes {stable_mosaic.version = 14 : i64} {
  func.func @_tc_epilogue_body(%arg0: i32, %arg1: memref<5x2x1024x128xf32, #tpu.memory_space<vmem>>, %arg2: memref<5x1024xf32, #tpu.memory_space<vmem>>, %arg3: memref<256x64xf32, #tpu.memory_space<vmem>>, %arg4: memref<64xf32, #tpu.memory_space<vmem>>, %arg5: memref<64xf32, #tpu.memory_space<vmem>>, %arg6: memref<64xf32, #tpu.memory_space<vmem>>, %arg7: memref<64x1xf32, #tpu.memory_space<vmem>>, %arg8: memref<1xf32, #tpu.memory_space<vmem>>, %arg9: memref<5xf32, #tpu.memory_space<vmem>>, %arg10: memref<1024x256xf32, #tpu.memory_space<vmem>>, %arg11: memref<10x128xf32, #tpu.memory_space<vmem>>, %arg12: memref<1x128xf32, #tpu.memory_space<vmem>>) attributes {dimension_semantics = [#tpu.dimension_semantics<arbitrary>], iteration_bounds = array<i64: 20>, scalar_prefetch = 0 : i64, scratch_operands = 2 : i64, tpu.core_type = #tpu.core_type<tc>, window_params = [{transform_indices = @transform_0, window_bounds = array<i64: 5, 2, 1024, 128>}, {transform_indices = @transform_1, window_bounds = array<i64: 5, 1024>}, {pipeline_mode = #tpu.pipeline_mode<synchronous>, transform_indices = @transform_2, window_bounds = array<i64: 256, 64>}, {pipeline_mode = #tpu.pipeline_mode<synchronous>, transform_indices = @transform_3, window_bounds = array<i64: 64>}, {pipeline_mode = #tpu.pipeline_mode<synchronous>, transform_indices = @transform_4, window_bounds = array<i64: 64>}, {pipeline_mode = #tpu.pipeline_mode<synchronous>, transform_indices = @transform_5, window_bounds = array<i64: 64>}, {pipeline_mode = #tpu.pipeline_mode<synchronous>, transform_indices = @transform_6, window_bounds = array<i64: 64, 1>}, {pipeline_mode = #tpu.pipeline_mode<synchronous>, transform_indices = @transform_7, window_bounds = array<i64: 1>}, {pipeline_mode = #tpu.pipeline_mode<synchronous>, transform_indices = @transform_8, window_bounds = array<i64: 5>}, {transform_indices = @transform_9, window_bounds = array<i64: 1024, 256>}]} {
    %get3A = arith.constant 0 : index
    %get3A_0 = arith.constant 0 : index
    %get3A_1 = arith.constant 0 : index
    %get3A_2 = arith.constant 0 : index
    %get3A_3 = vector.load %arg1[%get3A, %get3A_0, %get3A_1, %get3A_2] : memref<5x2x1024x128xf32, #tpu.memory_space<vmem>>, vector<5x2x1024x128xf32>
    %get3A_4 = arith.constant 0 : index
    %get3A_5 = arith.constant 0 : index
    %get3A_6 = vector.load %arg2[%get3A_4, %get3A_5] : memref<5x1024xf32, #tpu.memory_space<vmem>>, vector<5x1024xf32>
    %max3A = arith.constant 1.000000e+00 : f32
    %max3A_7 = vector.broadcast %max3A : f32 to vector<5x1024xf32>
    %max3A_8 = arith.maximumf %get3A_6, %max3A_7 : vector<5x1024xf32>
    %div3A = arith.constant 1.000000e+00 : f32
    %div3A_9 = vector.broadcast %div3A : f32 to vector<5x1024xf32>
    %div3A_10 = arith.divf %div3A_9, %max3A_8 : vector<5x1024xf32>
    %lt3A = arith.constant 10 : i32
    %lt3A_11 = arith.cmpi slt, %arg0, %lt3A : i32
    %convert_element_type3A = arith.extui %lt3A_11 : i1 to i32
    %cond3A = arith.constant 0 : i32
    %cond3A_12 = arith.cmpi ne, %convert_element_type3A, %cond3A : i32
    scf.if %cond3A_12 {
      %broadcast_in_dim3A = vector.shape_cast %div3A_10 : vector<5x1024xf32> to vector<5x1x1024x1xf32>
      %mul3A = vector.broadcast %broadcast_in_dim3A : vector<5x1x1024x1xf32> to vector<5x2x1024x128xf32>
      %mul3A_21 = arith.mulf %get3A_3, %mul3A : vector<5x2x1024x128xf32>
      %reduce_sum3A = arith.constant dense<0.000000e+00> : vector<5x2x128xf32>
      %reduce_sum3A_22 = vector.multi_reduction <add>, %mul3A_21, %reduce_sum3A [2] : vector<5x2x1024x128xf32> to vector<5x2x128xf32>
      %reshape3A = vector.shape_cast %reduce_sum3A_22 : vector<5x2x128xf32> to vector<10x128xf32>
      %eq3A_23 = arith.constant 0 : i32
      %eq3A_24 = arith.cmpi eq, %arg0, %eq3A_23 : i32
      %convert_element_type3A_25 = arith.extui %eq3A_24 : i1 to i32
      %cond3A_26 = arith.constant 0 : i32
      %cond3A_27 = arith.cmpi ne, %convert_element_type3A_25, %cond3A_26 : i32
      scf.if %cond3A_27 {
        %swap3A = arith.constant 0 : index
        %swap3A_32 = arith.constant 0 : index
        %swap3A_33 = vector.load %arg11[%swap3A, %swap3A_32] : memref<10x128xf32, #tpu.memory_space<vmem>>, vector<10x128xf32>
        tpu.vector_store %arg11[%swap3A, %swap3A_32], %reshape3A {strides = array<i32>} : memref<10x128xf32, #tpu.memory_space<vmem>>, vector<10x128xf32>,
      } else {
      }
      %gt3A = arith.constant 0 : i32
      %gt3A_28 = arith.cmpi sgt, %arg0, %gt3A : i32
      %convert_element_type3A_29 = arith.extui %gt3A_28 : i1 to i32
      %cond3A_30 = arith.constant 0 : i32
      %cond3A_31 = arith.cmpi ne, %convert_element_type3A_29, %cond3A_30 : i32
      scf.if %cond3A_31 {
        %get3A_32 = arith.constant 0 : index
        %get3A_33 = arith.constant 0 : index
        %get3A_34 = vector.load %arg11[%get3A_32, %get3A_33] : memref<10x128xf32, #tpu.memory_space<vmem>>, vector<10x128xf32>
        %add3A = arith.addf %get3A_34, %reshape3A : vector<10x128xf32>
        %swap3A = arith.constant 0 : index
        %swap3A_35 = arith.constant 0 : index
        %swap3A_36 = vector.load %arg11[%swap3A, %swap3A_35] : memref<10x128xf32, #tpu.memory_space<vmem>>, vector<10x128xf32>
        tpu.vector_store %arg11[%swap3A, %swap3A_35], %add3A {strides = array<i32>} : memref<10x128xf32, #tpu.memory_space<vmem>>, vector<10x128xf32>,
      } else {
      }
    } else {
    }
    %eq3A = arith.constant 9 : i32
    %eq3A_13 = arith.cmpi eq, %arg0, %eq3A : i32
    %convert_element_type3A_14 = arith.extui %eq3A_13 : i1 to i32
    %cond3A_15 = arith.constant 0 : i32
    %cond3A_16 = arith.cmpi ne, %convert_element_type3A_14, %cond3A_15 : i32
    scf.if %cond3A_16 {
      %get3A_21 = arith.constant 0 : index
      %get3A_22 = arith.constant 0 : index
      %get3A_23 = vector.load %arg11[%get3A_21, %get3A_22] : memref<10x128xf32, #tpu.memory_space<vmem>>, vector<10x128xf32>
      %reshape3A = vector.shape_cast %get3A_23 : vector<10x128xf32> to vector<5x256xf32>
      %div3A_24 = arith.constant 1.000000e+04 : f32
      %div3A_25 = vector.broadcast %div3A_24 : f32 to vector<5x256xf32>
      %div3A_26 = arith.divf %reshape3A, %div3A_25 : vector<5x256xf32>
      %get3A_27 = arith.constant 0 : index
      %get3A_28 = arith.constant 0 : index
      %get3A_29 = vector.load %arg3[%get3A_27, %get3A_28] : memref<256x64xf32, #tpu.memory_space<vmem>>, vector<256x64xf32>
      %dot_general3A = arith.constant dense<0.000000e+00> : vector<5x64xf32>
      %dot_general3A_30 = tpu.matmul %div3A_26, %get3A_29, %dot_general3A {dimension_numbers = #tpu.dot_dimension_numbers<[1], [0], [0], [1], [0, 0, 1, 1], [], []>, transpose_lhs_hint = false} : vector<5x256xf32>, vector<256x64xf32>, vector<5x64xf32> -> vector<5x64xf32>
      %get3A_31 = arith.constant 0 : index
      %get3A_32 = vector.load %arg4[%get3A_31] : memref<64xf32, #tpu.memory_space<vmem>>, vector<64xf32>
      %broadcast_in_dim3A = vector.shape_cast %get3A_32 : vector<64xf32> to vector<1x64xf32>
      %add3A = vector.broadcast %broadcast_in_dim3A : vector<1x64xf32> to vector<5x64xf32>
      %add3A_33 = arith.addf %dot_general3A_30, %add3A : vector<5x64xf32>
      %reduce_sum3A = arith.constant dense<0.000000e+00> : vector<5xf32>
      %reduce_sum3A_34 = vector.multi_reduction <add>, %add3A_33, %reduce_sum3A [1] : vector<5x64xf32> to vector<5xf32>
      %broadcast_in_dim3A_35 = vector.shape_cast %reduce_sum3A_34 : vector<5xf32> to vector<5x1xf32>
      %div3A_36 = arith.constant 6.400000e+01 : f32
      %div3A_37 = vector.broadcast %div3A_36 : f32 to vector<5x1xf32>
      %div3A_38 = arith.divf %broadcast_in_dim3A_35, %div3A_37 : vector<5x1xf32>
      %sub3A = vector.broadcast %div3A_38 : vector<5x1xf32> to vector<5x64xf32>
      %sub3A_39 = arith.subf %add3A_33, %sub3A : vector<5x64xf32>
      %integer_pow3A = arith.mulf %sub3A_39, %sub3A_39 : vector<5x64xf32>
      %reduce_sum3A_40 = arith.constant dense<0.000000e+00> : vector<5xf32>
      %reduce_sum3A_41 = vector.multi_reduction <add>, %integer_pow3A, %reduce_sum3A_40 [1] : vector<5x64xf32> to vector<5xf32>
      %broadcast_in_dim3A_42 = vector.shape_cast %reduce_sum3A_41 : vector<5xf32> to vector<5x1xf32>
      %div3A_43 = arith.constant 6.400000e+01 : f32
      %div3A_44 = vector.broadcast %div3A_43 : f32 to vector<5x1xf32>
      %div3A_45 = arith.divf %broadcast_in_dim3A_42, %div3A_44 : vector<5x1xf32>
      %sub3A_46 = vector.broadcast %div3A_38 : vector<5x1xf32> to vector<5x64xf32>
      %sub3A_47 = arith.subf %add3A_33, %sub3A_46 : vector<5x64xf32>
      %add3A_48 = arith.constant 9.99999974E-6 : f32
      %add3A_49 = vector.broadcast %add3A_48 : f32 to vector<5x1xf32>
      %add3A_50 = arith.addf %div3A_45, %add3A_49 : vector<5x1xf32>
      %rsqrt3A = math.rsqrt %add3A_50 : vector<5x1xf32>
      %mul3A = vector.broadcast %rsqrt3A : vector<5x1xf32> to vector<5x64xf32>
      %mul3A_51 = arith.mulf %sub3A_47, %mul3A : vector<5x64xf32>
      %get3A_52 = arith.constant 0 : index
      %get3A_53 = vector.load %arg5[%get3A_52] : memref<64xf32, #tpu.memory_space<vmem>>, vector<64xf32>
      %broadcast_in_dim3A_54 = vector.shape_cast %get3A_53 : vector<64xf32> to vector<1x64xf32>
      %mul3A_55 = vector.broadcast %broadcast_in_dim3A_54 : vector<1x64xf32> to vector<5x64xf32>
      %mul3A_56 = arith.mulf %mul3A_51, %mul3A_55 : vector<5x64xf32>
      %get3A_57 = arith.constant 0 : index
      %get3A_58 = vector.load %arg6[%get3A_57] : memref<64xf32, #tpu.memory_space<vmem>>, vector<64xf32>
      %broadcast_in_dim3A_59 = vector.shape_cast %get3A_58 : vector<64xf32> to vector<1x64xf32>
      %add3A_60 = vector.broadcast %broadcast_in_dim3A_59 : vector<1x64xf32> to vector<5x64xf32>
      %add3A_61 = arith.addf %mul3A_56, %add3A_60 : vector<5x64xf32>
      %max3A_62 = arith.constant 0.000000e+00 : f32
      %max3A_63 = vector.broadcast %max3A_62 : f32 to vector<5x64xf32>
      %max3A_64 = arith.maximumf %add3A_61, %max3A_63 : vector<5x64xf32>
      %get3A_65 = arith.constant 0 : index
      %get3A_66 = arith.constant 0 : index
      %get3A_67 = vector.load %arg7[%get3A_65, %get3A_66] : memref<64x1xf32, #tpu.memory_space<vmem>>, vector<64x1xf32>
      %dot_general3A_68 = arith.constant dense<0.000000e+00> : vector<5x1xf32>
      %dot_general3A_69 = tpu.matmul %max3A_64, %get3A_67, %dot_general3A_68 {dimension_numbers = #tpu.dot_dimension_numbers<[1], [0], [0], [1], [0, 0, 1, 1], [], []>, transpose_lhs_hint = false} : vector<5x64xf32>, vector<64x1xf32>, vector<5x1xf32> -> vector<5x1xf32>
      %squeeze3A = vector.shape_cast %dot_general3A_69 : vector<5x1xf32> to vector<5xf32>
      %get3A_70 = arith.constant 0 : index
      %get3A_71 = vector.load %arg8[%get3A_70] : memref<1xf32, #tpu.memory_space<vmem>>, vector<1xf32>
      %get3A_72 = vector.extract %get3A_71[0] : f32 from vector<1xf32>
      %add3A_73 = vector.broadcast %get3A_72 : f32 to vector<5xf32>
      %add3A_74 = arith.addf %squeeze3A, %add3A_73 : vector<5xf32>
      %get3A_75 = arith.constant 0 : index
      %get3A_76 = vector.load %arg9[%get3A_75] : memref<5xf32, #tpu.memory_space<vmem>>, vector<5xf32>
      %add3A_77 = arith.addf %add3A_74, %get3A_76 : vector<5xf32>
      %div3A_78 = arith.constant 2.000000e+00 : f32
      %div3A_79 = vector.broadcast %div3A_78 : f32 to vector<5xf32>
      %div3A_80 = arith.divf %add3A_77, %div3A_79 : vector<5xf32>
      %logistic3A = arith.negf %div3A_80 : vector<5xf32>
      %logistic3A_81 = math.exp %logistic3A : vector<5xf32>
      %logistic3A_82 = arith.constant 1.000000e+00 : f32
      %logistic3A_83 = vector.broadcast %logistic3A_82 : f32 to vector<5xf32>
      %logistic3A_84 = arith.addf %logistic3A_83, %logistic3A_81 : vector<5xf32>
      %logistic3A_85 = arith.divf %logistic3A_83, %logistic3A_84 : vector<5xf32>
      %mul3A_86 = arith.constant 2.000000e+00 : f32
      %mul3A_87 = vector.broadcast %mul3A_86 : f32 to vector<5xf32>
      %mul3A_88 = arith.mulf %logistic3A_85, %mul3A_87 : vector<5xf32>
      %jit3A = arith.constant 5.000000e-02 : f32
      %jit3A_89 = arith.constant 2.000000e+00 : f32
      %max3A_90 = vector.broadcast %jit3A : f32 to vector<5xf32>
      %max3A_91 = arith.maximumf %max3A_90, %mul3A_88 : vector<5xf32>
      %min3A = vector.broadcast %jit3A_89 : f32 to vector<5xf32>
      %min3A_92 = arith.minimumf %min3A, %max3A_91 : vector<5xf32>
      %broadcast_in_dim3A_93 = arith.constant 0.000000e+00 : f32
      %broadcast_in_dim3A_94 = vector.broadcast %broadcast_in_dim3A_93 : f32 to vector<123xf32>
      %concatenate3A = tpu.concatenate %min3A_92, %broadcast_in_dim3A_94 in 0 : vector<5xf32>, vector<123xf32> -> vector<128xf32>
      %reshape3A_95 = vector.shape_cast %concatenate3A : vector<128xf32> to vector<1x128xf32>
      %swap3A = arith.constant 0 : index
      %swap3A_96 = arith.constant 0 : index
      %swap3A_97 = vector.load %arg12[%swap3A, %swap3A_96] : memref<1x128xf32, #tpu.memory_space<vmem>>, vector<1x128xf32>
      tpu.vector_store %arg12[%swap3A, %swap3A_96], %reshape3A_95 {strides = array<i32>} : memref<1x128xf32, #tpu.memory_space<vmem>>, vector<1x128xf32>,
    } else {
    }
    %ge3A = arith.constant 10 : i32
    %ge3A_17 = arith.cmpi sge, %arg0, %ge3A : i32
    %convert_element_type3A_18 = arith.extui %ge3A_17 : i1 to i32
    %cond3A_19 = arith.constant 0 : i32
    %cond3A_20 = arith.cmpi ne, %convert_element_type3A_18, %cond3A_19 : i32
    scf.if %cond3A_20 {
      %broadcast_in_dim3A = arith.constant 0.000000e+00 : f32
      %broadcast_in_dim3A_21 = vector.broadcast %broadcast_in_dim3A : f32 to vector<1024x128xf32>
      %broadcast_in_dim3A_22 = arith.constant 0.000000e+00 : f32
      %broadcast_in_dim3A_23 = vector.broadcast %broadcast_in_dim3A_22 : f32 to vector<1024x128xf32>
      %get3A_24 = arith.constant 0 : index
      %get3A_25 = arith.constant 0 : index
      %get3A_26 = vector.load %arg12[%get3A_24, %get3A_25] : memref<1x128xf32, #tpu.memory_space<vmem>>, vector<1x1xf32>
      %get3A_27 = vector.extract %get3A_26[0, 0] : f32 from vector<1x1xf32>
      %slice3A = vector.extract_strided_slice %div3A_10 {offsets = [0, 0], sizes = [1, 1024], strides = [1, 1]} : vector<5x1024xf32> to vector<1x1024xf32>
      %squeeze3A = vector.shape_cast %slice3A : vector<1x1024xf32> to vector<1024xf32>
      %broadcast_in_dim3A_28 = vector.shape_cast %squeeze3A : vector<1024xf32> to vector<1024x1xf32>
      %mul3A = vector.broadcast %get3A_27 : f32 to vector<1024x1xf32>
      %mul3A_29 = arith.mulf %mul3A, %broadcast_in_dim3A_28 : vector<1024x1xf32>
      %slice3A_30 = vector.extract_strided_slice %get3A_3 {offsets = [0, 0, 0, 0], sizes = [1, 1, 1024, 128], strides = [1, 1, 1, 1]} : vector<5x2x1024x128xf32> to vector<1x1x1024x128xf32>
      %squeeze3A_31 = vector.shape_cast %slice3A_30 : vector<1x1x1024x128xf32> to vector<1024x128xf32>
      %mul3A_32 = vector.broadcast %mul3A_29 : vector<1024x1xf32> to vector<1024x128xf32>
      %mul3A_33 = arith.mulf %squeeze3A_31, %mul3A_32 : vector<1024x128xf32>
      %add3A = arith.addf %broadcast_in_dim3A_21, %mul3A_33 : vector<1024x128xf32>
      %slice3A_34 = vector.extract_strided_slice %get3A_3 {offsets = [0, 1, 0, 0], sizes = [1, 1, 1024, 128], strides = [1, 1, 1, 1]} : vector<5x2x1024x128xf32> to vector<1x1x1024x128xf32>
      %squeeze3A_35 = vector.shape_cast %slice3A_34 : vector<1x1x1024x128xf32> to vector<1024x128xf32>
      %mul3A_36 = vector.broadcast %mul3A_29 : vector<1024x1xf32> to vector<1024x128xf32>
      %mul3A_37 = arith.mulf %squeeze3A_35, %mul3A_36 : vector<1024x128xf32>
      %add3A_38 = arith.addf %broadcast_in_dim3A_23, %mul3A_37 : vector<1024x128xf32>
      %get3A_39 = arith.constant 0 : index
      %get3A_40 = arith.constant 1 : index
      %get3A_41 = vector.load %arg12[%get3A_39, %get3A_40] : memref<1x128xf32, #tpu.memory_space<vmem>>, vector<1x1xf32>
      %get3A_42 = vector.extract %get3A_41[0, 0] : f32 from vector<1x1xf32>
      %slice3A_43 = vector.extract_strided_slice %div3A_10 {offsets = [1, 0], sizes = [1, 1024], strides = [1, 1]} : vector<5x1024xf32> to vector<1x1024xf32>
      %squeeze3A_44 = vector.shape_cast %slice3A_43 : vector<1x1024xf32> to vector<1024xf32>
      %broadcast_in_dim3A_45 = vector.shape_cast %squeeze3A_44 : vector<1024xf32> to vector<1024x1xf32>
      %mul3A_46 = vector.broadcast %get3A_42 : f32 to vector<1024x1xf32>
      %mul3A_47 = arith.mulf %mul3A_46, %broadcast_in_dim3A_45 : vector<1024x1xf32>
      %slice3A_48 = vector.extract_strided_slice %get3A_3 {offsets = [1, 0, 0, 0], sizes = [1, 1, 1024, 128], strides = [1, 1, 1, 1]} : vector<5x2x1024x128xf32> to vector<1x1x1024x128xf32>
      %squeeze3A_49 = vector.shape_cast %slice3A_48 : vector<1x1x1024x128xf32> to vector<1024x128xf32>
      %mul3A_50 = vector.broadcast %mul3A_47 : vector<1024x1xf32> to vector<1024x128xf32>
      %mul3A_51 = arith.mulf %squeeze3A_49, %mul3A_50 : vector<1024x128xf32>
      %add3A_52 = arith.addf %add3A, %mul3A_51 : vector<1024x128xf32>
      %slice3A_53 = vector.extract_strided_slice %get3A_3 {offsets = [1, 1, 0, 0], sizes = [1, 1, 1024, 128], strides = [1, 1, 1, 1]} : vector<5x2x1024x128xf32> to vector<1x1x1024x128xf32>
      %squeeze3A_54 = vector.shape_cast %slice3A_53 : vector<1x1x1024x128xf32> to vector<1024x128xf32>
      %mul3A_55 = vector.broadcast %mul3A_47 : vector<1024x1xf32> to vector<1024x128xf32>
      %mul3A_56 = arith.mulf %squeeze3A_54, %mul3A_55 : vector<1024x128xf32>
      %add3A_57 = arith.addf %add3A_38, %mul3A_56 : vector<1024x128xf32>
      %get3A_58 = arith.constant 0 : index
      %get3A_59 = arith.constant 2 : index
      %get3A_60 = vector.load %arg12[%get3A_58, %get3A_59] : memref<1x128xf32, #tpu.memory_space<vmem>>, vector<1x1xf32>
      %get3A_61 = vector.extract %get3A_60[0, 0] : f32 from vector<1x1xf32>
      %slice3A_62 = vector.extract_strided_slice %div3A_10 {offsets = [2, 0], sizes = [1, 1024], strides = [1, 1]} : vector<5x1024xf32> to vector<1x1024xf32>
      %squeeze3A_63 = vector.shape_cast %slice3A_62 : vector<1x1024xf32> to vector<1024xf32>
      %broadcast_in_dim3A_64 = vector.shape_cast %squeeze3A_63 : vector<1024xf32> to vector<1024x1xf32>
      %mul3A_65 = vector.broadcast %get3A_61 : f32 to vector<1024x1xf32>
      %mul3A_66 = arith.mulf %mul3A_65, %broadcast_in_dim3A_64 : vector<1024x1xf32>
      %slice3A_67 = vector.extract_strided_slice %get3A_3 {offsets = [2, 0, 0, 0], sizes = [1, 1, 1024, 128], strides = [1, 1, 1, 1]} : vector<5x2x1024x128xf32> to vector<1x1x1024x128xf32>
      %squeeze3A_68 = vector.shape_cast %slice3A_67 : vector<1x1x1024x128xf32> to vector<1024x128xf32>
      %mul3A_69 = vector.broadcast %mul3A_66 : vector<1024x1xf32> to vector<1024x128xf32>
      %mul3A_70 = arith.mulf %squeeze3A_68, %mul3A_69 : vector<1024x128xf32>
      %add3A_71 = arith.addf %add3A_52, %mul3A_70 : vector<1024x128xf32>
      %slice3A_72 = vector.extract_strided_slice %get3A_3 {offsets = [2, 1, 0, 0], sizes = [1, 1, 1024, 128], strides = [1, 1, 1, 1]} : vector<5x2x1024x128xf32> to vector<1x1x1024x128xf32>
      %squeeze3A_73 = vector.shape_cast %slice3A_72 : vector<1x1x1024x128xf32> to vector<1024x128xf32>
      %mul3A_74 = vector.broadcast %mul3A_66 : vector<1024x1xf32> to vector<1024x128xf32>
      %mul3A_75 = arith.mulf %squeeze3A_73, %mul3A_74 : vector<1024x128xf32>
      %add3A_76 = arith.addf %add3A_57, %mul3A_75 : vector<1024x128xf32>
      %get3A_77 = arith.constant 0 : index
      %get3A_78 = arith.constant 3 : index
      %get3A_79 = vector.load %arg12[%get3A_77, %get3A_78] : memref<1x128xf32, #tpu.memory_space<vmem>>, vector<1x1xf32>
      %get3A_80 = vector.extract %get3A_79[0, 0] : f32 from vector<1x1xf32>
      %slice3A_81 = vector.extract_strided_slice %div3A_10 {offsets = [3, 0], sizes = [1, 1024], strides = [1, 1]} : vector<5x1024xf32> to vector<1x1024xf32>
      %squeeze3A_82 = vector.shape_cast %slice3A_81 : vector<1x1024xf32> to vector<1024xf32>
      %broadcast_in_dim3A_83 = vector.shape_cast %squeeze3A_82 : vector<1024xf32> to vector<1024x1xf32>
      %mul3A_84 = vector.broadcast %get3A_80 : f32 to vector<1024x1xf32>
      %mul3A_85 = arith.mulf %mul3A_84, %broadcast_in_dim3A_83 : vector<1024x1xf32>
      %slice3A_86 = vector.extract_strided_slice %get3A_3 {offsets = [3, 0, 0, 0], sizes = [1, 1, 1024, 128], strides = [1, 1, 1, 1]} : vector<5x2x1024x128xf32> to vector<1x1x1024x128xf32>
      %squeeze3A_87 = vector.shape_cast %slice3A_86 : vector<1x1x1024x128xf32> to vector<1024x128xf32>
      %mul3A_88 = vector.broadcast %mul3A_85 : vector<1024x1xf32> to vector<1024x128xf32>
      %mul3A_89 = arith.mulf %squeeze3A_87, %mul3A_88 : vector<1024x128xf32>
      %add3A_90 = arith.addf %add3A_71, %mul3A_89 : vector<1024x128xf32>
      %slice3A_91 = vector.extract_strided_slice %get3A_3 {offsets = [3, 1, 0, 0], sizes = [1, 1, 1024, 128], strides = [1, 1, 1, 1]} : vector<5x2x1024x128xf32> to vector<1x1x1024x128xf32>
      %squeeze3A_92 = vector.shape_cast %slice3A_91 : vector<1x1x1024x128xf32> to vector<1024x128xf32>
      %mul3A_93 = vector.broadcast %mul3A_85 : vector<1024x1xf32> to vector<1024x128xf32>
      %mul3A_94 = arith.mulf %squeeze3A_92, %mul3A_93 : vector<1024x128xf32>
      %add3A_95 = arith.addf %add3A_76, %mul3A_94 : vector<1024x128xf32>
      %get3A_96 = arith.constant 0 : index
      %get3A_97 = arith.constant 4 : index
      %get3A_98 = vector.load %arg12[%get3A_96, %get3A_97] : memref<1x128xf32, #tpu.memory_space<vmem>>, vector<1x1xf32>
      %get3A_99 = vector.extract %get3A_98[0, 0] : f32 from vector<1x1xf32>
      %slice3A_100 = vector.extract_strided_slice %div3A_10 {offsets = [4, 0], sizes = [1, 1024], strides = [1, 1]} : vector<5x1024xf32> to vector<1x1024xf32>
      %squeeze3A_101 = vector.shape_cast %slice3A_100 : vector<1x1024xf32> to vector<1024xf32>
      %broadcast_in_dim3A_102 = vector.shape_cast %squeeze3A_101 : vector<1024xf32> to vector<1024x1xf32>
      %mul3A_103 = vector.broadcast %get3A_99 : f32 to vector<1024x1xf32>
      %mul3A_104 = arith.mulf %mul3A_103, %broadcast_in_dim3A_102 : vector<1024x1xf32>
      %slice3A_105 = vector.extract_strided_slice %get3A_3 {offsets = [4, 0, 0, 0], sizes = [1, 1, 1024, 128], strides = [1, 1, 1, 1]} : vector<5x2x1024x128xf32> to vector<1x1x1024x128xf32>
      %squeeze3A_106 = vector.shape_cast %slice3A_105 : vector<1x1x1024x128xf32> to vector<1024x128xf32>
      %mul3A_107 = vector.broadcast %mul3A_104 : vector<1024x1xf32> to vector<1024x128xf32>
      %mul3A_108 = arith.mulf %squeeze3A_106, %mul3A_107 : vector<1024x128xf32>
      %add3A_109 = arith.addf %add3A_90, %mul3A_108 : vector<1024x128xf32>
      %slice3A_110 = vector.extract_strided_slice %get3A_3 {offsets = [4, 1, 0, 0], sizes = [1, 1, 1024, 128], strides = [1, 1, 1, 1]} : vector<5x2x1024x128xf32> to vector<1x1x1024x128xf32>
      %squeeze3A_111 = vector.shape_cast %slice3A_110 : vector<1x1x1024x128xf32> to vector<1024x128xf32>
      %mul3A_112 = vector.broadcast %mul3A_104 : vector<1024x1xf32> to vector<1024x128xf32>
      %mul3A_113 = arith.mulf %squeeze3A_111, %mul3A_112 : vector<1024x128xf32>
      %add3A_114 = arith.addf %add3A_95, %mul3A_113 : vector<1024x128xf32>
      %swap3A = arith.constant 0 : index
      %swap3A_115 = arith.constant 0 : index
      %swap3A_116 = vector.load %arg10[%swap3A, %swap3A_115] : memref<1024x256xf32, #tpu.memory_space<vmem>>, vector<1024x128xf32>
      tpu.vector_store %arg10[%swap3A, %swap3A_115], %add3A_109 {strides = array<i32>} : memref<1024x256xf32, #tpu.memory_space<vmem>>, vector<1024x128xf32>,
      %swap3A_117 = arith.constant 0 : index
      %swap3A_118 = arith.constant 128 : index
      %swap3A_119 = vector.load %arg10[%swap3A_117, %swap3A_118] : memref<1024x256xf32, #tpu.memory_space<vmem>>, vector<1024x128xf32>
      tpu.vector_store %arg10[%swap3A_117, %swap3A_118], %add3A_114 {strides = array<i32>} : memref<1024x256xf32, #tpu.memory_space<vmem>>, vector<1024x128xf32>,
    } else {
    }
    return
  }
  func.func @transform_0(%arg0: i32) -> (i32, i32, i32, i32) {
    %lt3A = arith.constant 10 : i32
    %lt3A_0 = arith.cmpi slt, %arg0, %lt3A : i32
    %sub3A = arith.constant 10 : i32
    %sub3A_1 = arith.subi %arg0, %sub3A : i32
    %select_n3A = arith.select %lt3A_0, %arg0, %sub3A_1 : i32
    %c0_i32 = arith.constant 0 : i32
    %c0_i32_2 = arith.constant 0 : i32
    %c0_i32_3 = arith.constant 0 : i32
    %c0_i32_4 = arith.constant 0 : i32
    return %c0_i32, %c0_i32_2, %select_n3A, %c0_i32_3 : i32, i32, i32, i32
  }
  func.func @transform_1(%arg0: i32) -> (i32, i32) {
    %lt3A = arith.constant 10 : i32
    %lt3A_0 = arith.cmpi slt, %arg0, %lt3A : i32
    %sub3A = arith.constant 10 : i32
    %sub3A_1 = arith.subi %arg0, %sub3A : i32
    %select_n3A = arith.select %lt3A_0, %arg0, %sub3A_1 : i32
    %c0_i32 = arith.constant 0 : i32
    %c0_i32_2 = arith.constant 0 : i32
    return %c0_i32, %select_n3A : i32, i32
  }
  func.func @transform_2(%arg0: i32) -> (i32, i32) {
    %c0_i32 = arith.constant 0 : i32
    %c0_i32_0 = arith.constant 0 : i32
    %c0_i32_1 = arith.constant 0 : i32
    return %c0_i32, %c0_i32_0 : i32, i32
  }
  func.func @transform_3(%arg0: i32) -> i32 {
    %c0_i32 = arith.constant 0 : i32
    %c0_i32_0 = arith.constant 0 : i32
    return %c0_i32 : i32
  }
  func.func @transform_4(%arg0: i32) -> i32 {
    %c0_i32 = arith.constant 0 : i32
    %c0_i32_0 = arith.constant 0 : i32
    return %c0_i32 : i32
  }
  func.func @transform_5(%arg0: i32) -> i32 {
    %c0_i32 = arith.constant 0 : i32
    %c0_i32_0 = arith.constant 0 : i32
    return %c0_i32 : i32
  }
  func.func @transform_6(%arg0: i32) -> (i32, i32) {
    %c0_i32 = arith.constant 0 : i32
    %c0_i32_0 = arith.constant 0 : i32
    %c0_i32_1 = arith.constant 0 : i32
    return %c0_i32, %c0_i32_0 : i32, i32
  }
  func.func @transform_7(%arg0: i32) -> i32 {
    %c0_i32 = arith.constant 0 : i32
    %c0_i32_0 = arith.constant 0 : i32
    return %c0_i32 : i32
  }
  func.func @transform_8(%arg0: i32) -> i32 {
    %c0_i32 = arith.constant 0 : i32
    %c0_i32_0 = arith.constant 0 : i32
    return %c0_i32 : i32
  }
  func.func @transform_9(%arg0: i32) -> (i32, i32) {
    %sub3A = arith.constant 10 : i32
    %sub3A_0 = arith.subi %arg0, %sub3A : i32
    %max3A = arith.constant 0 : i32
    %max3A_1 = arith.maxsi %sub3A_0, %max3A : i32
    %c0_i32 = arith.constant 0 : i32
    %c0_i32_2 = arith.constant 0 : i32
    return %max3A_1, %c0_i32 : i32, i32
  }
}

</mosaic_0001>

<sc_bundles>
// kernel: kernel.4.cloned.1.call-start
scs
__scs_entry_jumppad:
0x0: {  	(pc) =	sbr.rel $0x88, $3  }
0x1: {  	(tag) =	ssettag $0x0;
	lr =	simm.s32 $0x1  }
0x2: {  	[smem:$0x3F95] =	sst lr;
	_ =	strace $0xD0000000  }
0x3: {  	_ = 	snop  }
0x4: {  	_ = 	snop  }
0x5: {  	_ = 	snop  }
0x6: {  	_ = 	snop  }
0x7: {  	_ = 	snop  }
__scs_overlays_trampoline_lowered:
0x8: {  	[smem:$0x3FA4] =	sst s0  }
0x9: {  	[smem:$0x3FA5] =	sst s1  }
0xa: {  	[smem:$0x3FA6] =	sst s2  }
0xb: {  	[smem:$0x3FA7] =	sst s3  }
0xc: {  	[smem:$0x3FA8] =	sst s4  }
0xd: {  	[smem:$0x3FA9] =	sst s5  }
0xe: {  	[smem:$0x3FAA] =	sst s6  }
0xf: {  	[smem:$0x3FAB] =	sst s7  }
0x10: {  	[smem:$0x3FAC] =	sst s8  }
0x11: {  	[smem:$0x3FAD] =	sst s9;
	s0 =	simm.s32 @!p0 $0x0  }
0x12: {  	s1 =	sld [smem:$0x3F93];
	s0 =	simm.s32 @p0 $0x1  }
0x13: {  	[smem:$0x3FAE] =	sst s0;
	s0 =	simm.s32 @!p1 $0x0  }
0x14: {  	s2 =	sld [smem:$0x3F92];
	s0 =	simm.s32 @p1 $0x1  }
0x15: {  	[smem:$0x3FAF] =	sst s0;
	s0 =	simm.s32 @!p2 $0x0  }
0x16: {  	s3 =	sld [smem:$0x3FDB];
	s0 =	simm.s32 @p2 $0x1  }
0x17: {  	s4 =	simm.s32 $0x1BF5;
	[smem:$0x3FB1] =	sst s0  }
0x18: {  	s0 =	sld [smem:$0x3F94];
	_ =	swait.ge [sflag:s4], $0x0  }
0x19: {  	s7 =	sld [smem:$0x3F95]  }
0x1a: {  	s8 =	sadd.s32 $0xFFFFE003, lr  }
0x1b: {  	s9 =	sadd.s32 $0xFFFFFEF7, lr;
	s5 =	simm.s32 $0xFFFFFFFF;
	p2 =	slt.u32 s8, $0xFFFFF086  }
0x1c: {  	p1 =	slt.u32 s9, $0xF7A;
	s5 =	simm.s32 @!p2 $0x0  }
0x1d: {  	s5 =	simm.s32 @p1 $0x1;
	p0 =	seq.s32 s7, s2  }
0x1e: {  	s7 =	smul.u32 @!p0 $0xF7A, s2;
	p2 =	seq.s32 @!p0 s5, $0x0  }
0x1f: {  	s9 =	smul.u32 $0xF7A, s1;
	s8 =	simm.s32 @!p0 $0x1BF5;
	p2 =	por !p2, p0  }
0x20: {  	[sflag:s8] =	ssyncset.s32 @!p0 $0xFFFFF086;
	s6 =	sadd.s32 @!p0 s3, s7;
	s7 =	simm.s32 @!p0 $0x108  }
0x21: {  	s3 =	sadd.s32 s3, s9;
	s6 =	sadd.s32 @!p0 $0x88, s6;
	s7 =	simm.s32 @p2 $0x1082  }
0x22: {  	[simem:s7], [sflag:s8] =	dma.local @!p0 [hbm:s6], $0xF7A  }
0x23: {  	s9 =	sor.u32 $0xD0000000, s2;
	s6 =	simm.s32 $0x108;
	_ =	swait.ge @!p0 [sflag:s8], $0x0  }
0x24: {  	s3 =	sadd.s32 $0x88, s3;
	s6 =	simm.s32 @!p1 $0x1082;
	[sflag:s4] =	ssyncset.s32 $0xFFFFF086  }
0x25: {  	[simem:s6], [sflag:s4] =	dma.local [hbm:s3], $0xF7A  }
0x26: {  	[smem:$0x3F95] =	sst s1;
	(tag) =	ssettag s2;
	_ =	strace s9  }
0x27: {  	s1 =	sld [smem:$0x3FA5]  }
0x28: {  	s2 =	sld [smem:$0x3FA6]  }
0x29: {  	s4 =	sld [smem:$0x3FA8]  }
0x2a: {  	p0 =	seq.s32 s5, $0x0;
	s5 =	sld [smem:$0x3FA9]  }
0x2b: {  	s6 =	sld [smem:$0x3FAA]  }
0x2c: {  	s7 =	sld [smem:$0x3FAB]  }
0x2d: {  	s3 =	simm.s32 $0x108;
	s8 =	sld [smem:$0x3FAC]  }
0x2e: {  	s3 =	simm.s32 @!p0 $0x1082;
	s9 =	sld [smem:$0x3FAD]  }
0x2f: {  	lr =	sadd.s32 s0, s3;
	s0 =	sld [smem:$0x3FA4]  }
0x30: {  	s3 =	sld [smem:$0x3FA7]  }
0x31: {  	[smem:$0x3FB0] =	sst s10  }
0x32: {  	s10 =	sld [smem:$0x3FAE];
	_ =	sdelay $0x3  }
0x33: {  	p0 =	seq.s32 s10, $0x1;
	s10 =	sld [smem:$0x3FB0];
	_ =	sdelay $0x3  }
0x34: {  	[smem:$0x3FB0] =	sst s10  }
0x35: {  	s10 =	sld [smem:$0x3FAF];
	_ =	sdelay $0x3  }
0x36: {  	p1 =	seq.s32 s10, $0x1;
	s10 =	sld [smem:$0x3FB0];
	_ =	sdelay $0x3  }
0x37: {  	[smem:$0x3FB0] =	sst s10  }
0x38: {  	s10 =	sld [smem:$0x3FB1]  }
0x39: {  	_ = 	snop;
	(pc) =	sbr.ind lr, $3  }
0x3a: {  	_ = 	snop  }
0x3b: {  	_ = 	snop  }
0x3c: {  	p2 =	seq.s32 s10, $0x1;
	s10 =	sld [smem:$0x3FB0]  }
0x3d: {  	_ =	shalt  }
0x3e: {  	_ =	shalt  }
0x3f: {  	_ =	shalt  }
0x40: {  	_ =	shalt  }
0x41: {  	_ =	shalt  }
0x42: {  	_ =	shalt  }
0x43: {  	_ =	shalt  }
0x44: {  	_ =	shalt  }
0x45: {  	_ =	shalt  }
0x46: {  	_ =	shalt  }
0x47: {  	_ =	shalt  }
0x48: {  	_ =	shalt  }
0x49: {  	_ =	shalt  }
0x4a: {  	_ =	shalt  }
0x4b: {  	_ =	shalt  }
0x4c: {  	_ =	shalt  }
0x4d: {  	_ =	shalt  }
0x4e: {  	_ =	shalt  }
0x4f: {  	_ =	shalt  }
0x50: {  	_ =	shalt  }
0x51: {  	_ =	shalt  }
0x52: {  	_ =	shalt  }
0x53: {  	_ =	shalt  }
0x54: {  	_ =	shalt  }
0x55: {  	_ =	shalt  }
0x56: {  	_ =	shalt  }
0x57: {  	_ =	shalt  }
0x58: {  	_ =	shalt  }
0x59: {  	_ =	shalt  }
0x5a: {  	_ =	shalt  }
0x5b: {  	_ =	shalt  }
0x5c: {  	_ =	shalt  }
0x5d: {  	_ =	shalt  }
0x5e: {  	_ =	shalt  }
0x5f: {  	_ =	shalt  }
0x60: {  	_ =	shalt  }
0x61: {  	_ =	shalt  }
0x62: {  	_ =	shalt  }
0x63: {  	_ =	shalt  }
0x64: {  	_ =	shalt  }
0x65: {  	_ =	shalt  }
0x66: {  	_ =	shalt  }
0x67: {  	_ =	shalt  }
0x68: {  	_ =	shalt  }
0x69: {  	_ =	shalt  }
0x6a: {  	_ =	shalt  }
0x6b: {  	_ =	shalt  }
0x6c: {  	_ =	shalt  }
0x6d: {  	_ =	shalt  }
0x6e: {  	_ =	shalt  }
0x6f: {  	_ =	shalt  }
0x70: {  	_ =	shalt  }
0x71: {  	_ =	shalt  }
0x72: {  	_ =	shalt  }
0x73: {  	_ =	shalt  }
0x74: {  	_ =	shalt  }
0x75: {  	_ =	shalt  }
0x76: {  	_ =	shalt  }
0x77: {  	_ =	shalt  }
0x78: {  	_ =	shalt  }
0x79: {  	_ =	shalt  }
0x7a: {  	_ =	shalt  }
0x7b: {  	_ =	shalt  }
0x7c: {  	_ =	shalt  }
0x7d: {  	_ =	shalt  }
0x7e: {  	_ =	shalt  }
0x7f: {  	_ =	shalt  }
0x80: {  	_ =	shalt  }
0x81: {  	_ =	shalt  }
0x82: {  	_ =	shalt  }
0x83: {  	_ =	shalt  }
0x84: {  	_ =	shalt  }
0x85: {  	_ =	shalt  }
0x86: {  	_ =	shalt  }
0x87: {  	_ =	shalt  }
.Lfunc_end0:
.L_simem_size_0:
called_computation_lowered:
.L_overlay_start_0:
0x88: {  	s2 =	sld [smem:$0x3FD9]  }
0x89: {  	s3 =	sld [smem:$0x3FFE];
	_ =	sdelay $0x1  }
0x8a: {  	s1 =	srdreg.scid  }
0x8b: {  	s0 =	sand.u32 $0x1, s1  }
0x8c: {  	s17 =	sshll.u32 s0, $0xA;
	s2 =	sadd.s32 s3, s2  }
0x8d: {  	s2 =	sadd.s32 s2, s17  }
0x8e: {  	[smem:$0x3FBC] =	sst s2  }
0x8f: {  	_ = 	snop  }
0x90: {  	s2 =	sld [smem:$0x3FC9]  }
0x91: {  	s18 =	sld [smem:$0x3FD0];
	(tm) =	ssettm $0x1  }
0x92: {  	s4 =	sld [smem:$0x3FFB];
	_ =	sdelay $0x3  }
0x93: {  	_ =	strace s4  }
0x94: {  	s4 =	sld [smem:$0x3FFC];
	_ =	sdelay $0x3  }
0x95: {  	_ =	strace s4  }
0x96: {  	s4 =	sld [smem:$0x3FFD];
	_ =	sdelay $0x3  }
0x97: {  	_ =	strace s4  }
0x98: {  	_ =	strace $0x8FFFFFFF  }
0x99: {  	s19 =	sld [smem:$0x3FDB];
	_ =	sdelay $0x1  }
0x9a: {  	s5 =	simm.s32 $_scs_section_size  }
0x9b: {  	s6 =	simm.s32 $_size__tile_overlayer_lowered;
	s7 =	simm.s32 $_tile_overlayer_lowered  }
0x9c: {  	s22 =	simm.s32 $0x1BFF;
	s21 =	sshll.u32 s7, $0x1;
	s4 =	sadd.s32 s5, s19  }
0x9d: {  	s8 =	simm.s32 $0x0;
	s20 =	sshll.u32 s6, $0x1;
	s6 =	sadd.s32 s21, s4  }
0x9e: {  	[timem:s8], [sflag:s22] =	dma.local [hbm:s6], s20  }
0x9f: {  	_ =	swait.ge [sflag:s22], s20  }
0xa0: {  	s5 =	ssub.s32 $0x0, s20;
	[sflag:s22] =	ssyncset.done $0x0  }
0xa1: {  	[sflag:s22] =	ssyncadd.s32 s5;
	_ =	sdelay $0x1  }
0xa2: {  	s23 =	simm.s32 $0x1B8B  }
0xa3: {  	_ =	swait.ge [sflag:s23], $0x1  }
0xa4: {  	[sflag:s23] =	ssyncset.done $0x0  }
0xa5: {  	s25 =	simm.s32 $0x1B8E;
	s24 =	sld [smem:$0x3FFE];
	[sflag:s23] =	ssyncadd.s32 $0xFFFFFFFF  }
0xa6: {  	s26 =	simm.s32 $execute0_lowered;
	[smem:$0x3FD2] =	sst s25  }
0xa7: {  	s6 =	sshll.u32 s26, $0x1;
	_ =	strace $0x80000046;
	[dreg:$0x1] =	wrdreg $0xFFFFFFFF  }
0xa8: {  	s28 =	simm.s32 $_size_execute0_lowered;
	s4 =	sadd.s32 s4, s6;
	[dreg:$0x0] =	wrdreg $0x0  }
0xa9: {  	s6 =	sshll.u32 s28, $0x1;
	[dreg:$0x2] =	wrdreg s4  }
0xaa: {  	[dreg:$0x3] =	wrdreg s6  }
0xab: {  	[dreg:$0x4] =	wrdreg $0xC0  }
0xac: {  	_ =	task [dreg:s8], $0x5FFFF  }
0xad: {  	[dreg:$0x1] =	wrdreg $0xFFFFFFFF  }
0xae: {  	[dreg:$0x0] =	wrdreg $0x60  }
0xaf: {  	[dreg:$0x2] =	wrdreg s2  }
0xb0: {  	[dreg:$0x3] =	wrdreg s18  }
0xb1: {  	[dreg:$0x4] =	wrdreg s24  }
0xb2: {  	[dreg:$0x5] =	wrdreg $0x90800  }
0xb3: {  	[dreg:$0x6] =	wrdreg $0x1D0800  }
0xb4: {  	[dreg:$0x7] =	wrdreg $0x9  }
0xb5: {  	_ =	task.clear_ibuf [dreg:s8], $0x8FFFF;
	_ =	strace $0x90000046  }
0xb6: {  	s29 =	simm.s32 $0x9;
	_ =	strace $0x80000048  }
0xb7: {  	_ =	swait.ge [sflag:s29], $0x1  }
0xb8: {  	[sflag:s29] =	ssyncadd.s32 $0xFFFFFFFF  }
0xb9: {  	_ =	strace $0x90000048  }
0xba: {  	_ =	sfence  }
0xbb: {  	s30 =	sld [smem:$0x0];
	_ =	sdelay $0x2  }
0xbc: {  	s31 =	sshll.u32 s1, $0xD;
	s1 =	sshrl.u32 s1, $0x2  }
0xbd: {  	s3 =	sand.u32 $0x4000, s31;
	s1 =	sadd.s32 s1, s30  }
0xbe: {  	s0 =	sor.u32 s3, s0;
	s1 =	sshll.u32 s1, $0x11  }
0xbf: {  	s0 =	sor.u32 s1, s0  }
0xc0: {  	s0 =	sadd.s32 $0x8F2B, s0  }
0xc1: {  	[sflag:s0] =	ssyncadd.remote.s32 $0x1  }
0xc2: {  	_ =	sfence.sel $0xFFFF  }
0xc3: {  	[dreg:$0x0] =	wrdreg $0xFFFFFFFF;
	(pc) =	sbr.abs _section_cstart, $3  }
0xc4: {  	[dreg:$0x1] =	wrdreg $0xFFFFFFFF  }
0xc5: {  	_ =	task.clear_ibuf [dreg:s8], $0x2FFFF;
	_ =	strace $0x9FFFFFFF  }
0xc6: {  	(tm) =	ssettm $0x7FFFFFFF  }
0xc7: {  	_ =	shalt  }
tec
execute0_lowered:
.L_overlay_start_1:
0x0: {  	(tag) =	ssettag $0x1  }
0x1: {  	s0 =	rddreg [dreg:$0x0]  }
0x2: {  	s1 =	rddreg [dreg:$0x2]  }
0x3: {  	s3 =	rddreg [dreg:$0x3]  }
0x4: {  	s4 =	rddreg [dreg:$0x4];
	s5 =	simm.s32 $0x0;
	s10 =	stileid.u32  }
0x5: {  	s6 =	srdreg.scid;
	s12 =	simm.s32 $0x8D00;
	s13 =	simm.s32 $0x8980  }
0x6: {  	s14 =	simm.s32 $0x8C00;
	s28 =	simm.s32 $0x8880;
	s29 =	simm.s32 $0x8E00  }
0x7: {  	s30 =	simm.s32 $0x1;
	s31 =	simm.s32 $0x7D;
	[smem:$0x7FF] =	sst s5  }
0x8: {  	s11 =	smul.u32 $0x280, s10;
	s2 =	sadd.s32 $0x2200, s1;
	s7 =	sadd.s32 $0x1BA00, s1  }
0x9: {  	s6 =	sand.u32 $0x1, s6;
	s16 =	sadd.s32 $0x1B200, s1;
	s8 =	smul.u32 $0x50000, s10  }
0xa: {  	s21 =	smul.u32 $0x14000, s10;
	_ =	strace $0x80000047;
	[dreg:$0x7] =	wrdreg s2  }
0xb: {  	s9 =	sadd.s32 $0x1FC00, s1;
	s23 =	smul.u32 $0x2800, s10;
	[dreg:$0x8] =	wrdreg s7  }
0xc: {  	s26 =	sshll.u32 s10, $0x6;
	s10 =	simm.s32 $0x8C80;
	[dreg:$0x9] =	wrdreg s16  }
0xd: {  	s17 =	ssub.s32 $0x2, s6;
	[dreg:$0xa] =	wrdreg s9;
	s20 =	smul.u32 $0x140000, s6  }
0xe: {  	p0 =	seq.s32 s6, $0x1;
	s22 =	sshll.u32 s6, $0x7;
	s6 =	simm.s32 $0x8900  }
0xf: {  	s16 =	simm.s32 $0x8B80;
	s9 =	simm.s32 $0x4;
	s15 =	sshrl.u32 s11, $0x3  }
0x10: {  	s18 =	sshrl.u32 s17, $0x1;
	s19 =	sshrl.u32 s8, $0x2;
	[dreg:$0x6] =	wrdreg s11  }
0x11: {  	s11 =	sadd.s32 s11, s4;
	[dreg:$0xe] =	wrdreg s23;
	p1 =	por !p0, !p0  }
0x12: {  	s8 =	simm.s32 $0x0;
	s2 =	sadd.s32 s15, s1;
	s1 =	sadd.s32 $0x1E200, s1  }
0x13: {  	s7 =	sadd.s32 s19, s3;
	[dreg:$0xc] =	wrdreg s11;
	s15 =	sadd.s32 s0, s22  }
0x14: {  	s24 =	sadd.s32 s20, s21;
	s19 =	sor.u32 $0x1C06, s26;
	s22 =	simm.s32 $0x6  }
0x15: {  	v0 =	vimm.s32 $0x7;
	s11 =	simm.s32 $0x8D80;
	s21 =	simm.s32 $0x8A00;
	s20 =	simm.s32 $0x8B00  }
0x16: {  	v1 =	vimm.s32 $0x1;
	v2 =	vimm.s32 $0x0;
	v3 =	vlaneseq.u32;
	s26 =	simm.s32 $0x8800;
	s0 =	simm.s32 $0x3;
	[dreg:$0xb] =	wrdreg s1  }
.Ltmp0:
0x17: {  	vm0 =	vmmov $0x1;
	v4 =	vimm.s32 $0x2;
	v5 =	vimm.s32 $0x3;
	s1 =	ssub.s32 s17, s18;
	[dreg:$0xf] =	wrdreg s24;
	(pc) =	sbr.rel .LBB2_1-.Ltmp0, $4  }
0x18: {  	v6 =	vimm.s32 $0x4;
	v7 =	vimm.s32 $0x5;
	v8 =	vimm.s32 $0x6;
	s2 =	sadd.s32 $0x1B400, s2;
	s17 =	sshrl.u32 s7, $0x3;
	[dreg:$0x11] =	wrdreg s19  }
0x19: {  	v9 =	vimm.s32 $0x8;
	v10 =	vimm.s32 $0x9;
	v11 =	vimm.s32 $0xA;
	s24 =	simm.s32 $0x1000;
	s7 =	simm.s32 $0x5000;
	[dreg:$0xd] =	wrdreg s2  }
0x1a: {  	v12 =	vimm.s32 $0xB;
	v13 =	vimm.s32 $0xC;
	v14 =	vimm.s32 $0xD;
	s18 =	simm.s32 $0x2;
	s25 =	smax.u32 s1, $0x1;
	[dreg:$0x12] =	wrdreg s17  }
0x1b: {  	v15 =	vimm.s32 $0xE;
	v16 =	vimm.s32 $0xF;
	v3 =	vmul.u32 $0x8, v3;
	s1 =	simm.s32 $0x8A80;
	[dreg:$0x10] =	wrdreg s25;
	s25 =	simm.s32 $0x8780  }
.LBB2_23:
0x1c: {  	s8 =	rddreg [dreg:$0x13]  }
0x1d: {  	s2 =	rddreg [dreg:$0x10];
	s8 =	sadd.s32 $0x1, s8  }
0x1e: {  	p2 =	sne.s32 s8, s2  }
.Ltmp1:
0x1f: {  	_ = 	snop;
	(pc) =	sbr.rel @!p2 .LBB2_24-.Ltmp1, $1  }
0x20: {  	_ =	sdelay $0x3  }
.LBB2_1:
0x21: {  	s2 =	rddreg [dreg:$0x9];
	s23 =	simm.s32 $0x9000  }
0x22: {  	[tilespmem:s23], [sflag:$0x5] =	stream.linear.gather [hbm4b:s2+s5], $0x80, $0x38;
	[tilespmem:$0x1D300] =	vst v63  }
.Ltmp2:
0x23: {  	_ = 	snop;
	(pc) =	sbr.rel .LBB2_2-.Ltmp2, $4  }
0x24: {  	[dreg:$0x13] =	wrdreg s8;
	s23 =	simm.s32 $0x5  }
0x25: {  	_ =	swait.ge [sflag:s23], $0x80  }
0x26: {  	[sflag:s23] =	ssyncset.done $0x0  }
0x27: {  	[sflag:s23] =	ssyncadd.s32 $0xFFFFFF80;
	s23 =	simm.s32 $0x0  }
.LBB2_22:
0x28: {  	s23 =	rddreg [dreg:$0x14]  }
0x29: {  	s2 =	smul.u32 $0x280000, s23  }
0x2a: {  	s8 =	rddreg [dreg:$0xf];
	[bflag:$0x0] =	sbarrier.arrive $0xFFFF  }
0x2b: {  	s19 =	rddreg [dreg:$0xa];
	s2 =	sadd.s32 s2, s8  }
0x2c: {  	s17 =	rddreg [dreg:$0x11];
	s2 =	sshrl.u32 s2, $0x3  }
0x2d: {  	s2 =	sadd.s32 s19, s2;
	s19 =	rddreg [dreg:$0x12]  }
0x2e: {  	[hbm:s2], [sflag:s17] =	dma.local [spmem:s19], $0x2800  }
0x2f: {  	s8 =	smul.u32 @p2 $0x2800, s23;
	s23 =	sadd.s32 $0x1, s23;
	_ =	swait.ge [sflag:s22], $0x2800  }
0x30: {  	p3 =	sne.s32 s23, $0x5;
	s2 =	rddreg [dreg:$0x6];
	[sflag:s22] =	ssyncset.done $0x0  }
0x31: {  	s17 =	rddreg [dreg:$0xb];
	s2 =	sadd.s32 @p2 s2, s8;
	s8 =	stileid.u32  }
0x32: {  	[sflag:s22] =	ssyncadd.s32 $0xFFFFD800;
	s2 =	sshrl.u32 @p2 s2, $0x3;
	s8 =	sshll.u32 @p2 s8, $0x6  }
0x33: {  	s2 =	sadd.s32 @p2 s17, s2;
	s8 =	sor.u32 @p2 $0x1C05, s8;
	s17 =	rddreg [dreg:$0x15]  }
0x34: {  	[hbm:s2], [sflag:s8] =	dma.local @p2 [spmem:s17], $0x50  }
.Ltmp3:
0x35: {  	_ = 	snop;
	(pc) =	sbr.rel @!p3 .LBB2_23-.Ltmp3, $4  }
0x36: {  	s2 =	simm.s32 @p2 $0x5  }
0x37: {  	s17 =	smov.u32 s19;
	s19 =	rddreg [dreg:$0x11];
	_ =	swait.ge @p2 [sflag:s2], $0x50  }
0x38: {  	[sflag:s2] =	ssyncset.done @p2 $0x0  }
0x39: {  	[sflag:s2] =	ssyncadd.s32 @p2 $0xFFFFFFB0  }
.LBB2_2:
0x3a: {  	s2 =	rddreg [dreg:$0x8]  }
0x3b: {  	[spmem:s17], [sflag:s19] =	dma.local [hbm:s2], $0x2800  }
0x3c: {  	p3 =	slt.u32 s23, $0x3;
	p2 =	por p1, p1;
	_ =	swait.ge [sflag:s22], $0x2800  }
0x3d: {  	p2 =	por @!p3 p0, p0;
	s2 =	rddreg [dreg:$0xc]  }
0x3e: {  	[sflag:s22] =	ssyncset.done $0x0;
	s17 =	sshrl.u32 @p2 s2, $0x3;
	s2 =	rddreg [dreg:$0xd]  }
0x3f: {  	[sflag:s22] =	ssyncadd.s32 $0xFFFFD800;
	[dreg:$0x15] =	wrdreg s17  }
0x40: {  	[spmem:s17], [sflag:s19] =	dma.local @p2 [hbm:s2], $0x50  }
0x41: {  	[dreg:$0x14] =	wrdreg s23;
	s19 =	simm.s32 @p2 $0x6  }
0x42: {  	s17 =	smul.u32 $0x28000, s23;
	_ =	swait.ge @p2 [sflag:s19], $0x50  }
0x43: {  	s8 =	rddreg [dreg:$0xe];
	[sflag:s19] =	ssyncset.done @p2 $0x0  }
0x44: {  	s17 =	sadd.s32 s8, s17;
	[sflag:s19] =	ssyncadd.s32 @p2 $0xFFFFFFB0  }
0x45: {  	s2 =	sshrl.u32 s17, $0x3;
	s23 =	rddreg [dreg:$0x1]  }
0x46: {  	s8 =	sadd.s32 s23, s2;
	s23 =	simm.s32 $0x0  }
0x47: {  	[tilespmem:s23], [sflag:$0x6] =	stream.linear.gather [hbm4b:s8+s23], $0x400, $0x38;
	[tilespmem:$0x1D300] =	vst v63  }
0x48: {  	_ =	swait.ge [sflag:s22], $0x400  }
0x49: {  	[sflag:s22] =	ssyncset.done $0x0;
	s19 =	rddreg [dreg:$0x7]  }
0x4a: {  	[sflag:s22] =	ssyncadd.s32 $0xFFFFFC00;
	s2 =	sadd.s32 s19, s2;
	s19 =	simm.s32 $0x400  }
0x4b: {  	[tilespmem:s19], [sflag:$0x6] =	stream.linear.gather [hbm4b:s2+s23], $0x400, $0x38;
	[tilespmem:$0x1D300] =	vst v63  }
0x4c: {  	_ =	swait.ge [sflag:s22], $0x400  }
0x4d: {  	[sflag:s22] =	ssyncset.done $0x0  }
0x4e: {  	[sflag:s22] =	ssyncadd.s32 $0xFFFFFC00  }
0x4f: {  	[bflag:$0x0] =	sbarrier.arrive $0xFFFF  }
0x50: {  	v17 =	vld [tilespmem:$0x0];
	_ =	sdelay $0x4  }
0x51: {  	v18 =	vshll.u32 v17, $0x1  }
0x52: {  	v17 =	vand.u32 $0x7, v17;
	v18 =	vand.u32 $0xFFFFFFF0, v18  }
0x53: {  	v17 =	vor.u32 v17, v18  }
0x54: {  	v18 =	vperm.xlane v17, v2;
	_ =	sdelay $0x1  }
0x55: {  	v19 =	vperm.xlane v17, v1;
	v18 =	vadd.s32 v3, v18;
	_ =	sdelay $0x1  }
0x56: {  	v20 =	vperm.xlane v17, v4;
	v19 =	vadd.s32 v3, v19;
	_ =	sdelay $0x1  }
0x57: {  	v21 =	vperm.xlane v17, v5;
	v20 =	vadd.s32 v3, v20  }
0x58: {  	[tilespmem:s24], [sflag:$0x1] =	stream.indirect_vreg.gather [hbm4b:s15+s23], $0x80, v18, vm0, $0xb8;
	[tilespmem:$0x1D300] =	vst v63  }
0x59: {  	s19 =	simm.s32 $0x1080;
	v42 =	vperm.xlane v17, v6;
	v18 =	vadd.s32 v3, v21  }
0x5a: {  	[tilespmem:s19], [sflag:$0x1] =	stream.indirect_vreg.gather [hbm4b:s15+s23], $0x80, v19, vm0, $0xb8;
	[tilespmem:$0x1D300] =	vst v63  }
0x5b: {  	s8 =	simm.s32 $0x1100;
	v43 =	vperm.xlane v17, v7;
	v19 =	vadd.s32 v3, v42  }
0x5c: {  	[tilespmem:s8], [sflag:$0x1] =	stream.indirect_vreg.gather [hbm4b:s15+s23], $0x80, v20, vm0, $0xb8;
	[tilespmem:$0x1D300] =	vst v63  }
0x5d: {  	v45 =	vperm.xlane v17, v8;
	v44 =	vadd.s32 v3, v43;
	s19 =	simm.s32 $0x1180  }
0x5e: {  	[tilespmem:s19], [sflag:$0x1] =	stream.indirect_vreg.gather [hbm4b:s15+s23], $0x80, v18, vm0, $0xb8;
	[tilespmem:$0x1D300] =	vst v63  }
0x5f: {  	v46 =	vperm.xlane v17, v0;
	s8 =	simm.s32 $0x1200;
	v18 =	vadd.s32 v3, v45  }
0x60: {  	[tilespmem:s8], [sflag:$0x1] =	stream.indirect_vreg.gather [hbm4b:s15+s23], $0x80, v19, vm0, $0xb8;
	[tilespmem:$0x1D300] =	vst v63  }
0x61: {  	v47 =	vperm.xlane v17, v9;
	s19 =	simm.s32 $0x1280;
	v19 =	vadd.s32 v3, v46  }
0x62: {  	[tilespmem:s19], [sflag:$0x1] =	stream.indirect_vreg.gather [hbm4b:s15+s23], $0x80, v44, vm0, $0xb8;
	[tilespmem:$0x1D300] =	vst v63  }
0x63: {  	v49 =	vperm.xlane v17, v10;
	v48 =	vadd.s32 v3, v47;
	s8 =	simm.s32 $0x1300  }
0x64: {  	[tilespmem:s8], [sflag:$0x1] =	stream.indirect_vreg.gather [hbm4b:s15+s23], $0x80, v18, vm0, $0xb8;
	[tilespmem:$0x1D300] =	vst v63  }
0x65: {  	v50 =	vperm.xlane v17, v11;
	s19 =	simm.s32 $0x1380;
	v18 =	vadd.s32 v3, v49  }
0x66: {  	[tilespmem:s19], [sflag:$0x1] =	stream.indirect_vreg.gather [hbm4b:s15+s23], $0x80, v19, vm0, $0xb8;
	[tilespmem:$0x1D300] =	vst v63  }
0x67: {  	v51 =	vperm.xlane v17, v12;
	s8 =	simm.s32 $0x1400;
	v19 =	vadd.s32 v3, v50  }
0x68: {  	[tilespmem:s8], [sflag:$0x1] =	stream.indirect_vreg.gather [hbm4b:s15+s23], $0x80, v48, vm0, $0xb8;
	[tilespmem:$0x1D300] =	vst v63  }
0x69: {  	v53 =	vperm.xlane v17, v13;
	v52 =	vadd.s32 v3, v51;
	s19 =	simm.s32 $0x1480  }
0x6a: {  	[tilespmem:s19], [sflag:$0x1] =	stream.indirect_vreg.gather [hbm4b:s15+s23], $0x80, v18, vm0, $0xb8;
	[tilespmem:$0x1D300] =	vst v63  }
0x6b: {  	v54 =	vperm.xlane v17, v14;
	s8 =	simm.s32 $0x1500;
	v18 =	vadd.s32 v3, v53  }
0x6c: {  	[tilespmem:s8], [sflag:$0x1] =	stream.indirect_vreg.gather [hbm4b:s15+s23], $0x80, v19, vm0, $0xb8;
	[tilespmem:$0x1D300] =	vst v63  }
0x6d: {  	v55 =	vperm.xlane v17, v15;
	s19 =	simm.s32 $0x1580;
	v19 =	vadd.s32 v3, v54  }
0x6e: {  	[tilespmem:s19], [sflag:$0x1] =	stream.indirect_vreg.gather [hbm4b:s15+s23], $0x80, v52, vm0, $0xb8;
	[tilespmem:$0x1D300] =	vst v63  }
0x6f: {  	v17 =	vperm.xlane v17, v16;
	v56 =	vadd.s32 v3, v55;
	s8 =	simm.s32 $0x1600  }
0x70: {  	[tilespmem:s8], [sflag:$0x1] =	stream.indirect_vreg.gather [hbm4b:s15+s23], $0x80, v18, vm0, $0xb8;
	[tilespmem:$0x1D300] =	vst v63  }
0x71: {  	v17 =	vadd.s32 v3, v17;
	s19 =	simm.s32 $0x1680  }
0x72: {  	[tilespmem:s19], [sflag:$0x1] =	stream.indirect_vreg.gather [hbm4b:s15+s23], $0x80, v19, vm0, $0xb8;
	[tilespmem:$0x1D300] =	vst v63  }
0x73: {  	s8 =	simm.s32 $0x1700  }
0x74: {  	[tilespmem:s8], [sflag:$0x1] =	stream.indirect_vreg.gather [hbm4b:s15+s23], $0x80, v56, vm0, $0xb8;
	[tilespmem:$0x1D300] =	vst v63  }
0x75: {  	s19 =	simm.s32 $0x1780  }
0x76: {  	[tilespmem:s19], [sflag:$0x1] =	stream.indirect_vreg.gather [hbm4b:s15+s23], $0x80, v17, vm0, $0xb8;
	[tilespmem:$0x1D300] =	vst v63  }
0x77: {  	v17 =	vld [tilespmem:$0x10];
	_ =	sdelay $0x4  }
0x78: {  	v18 =	vshll.u32 v17, $0x1  }
0x79: {  	v17 =	vand.u32 $0x7, v17;
	v18 =	vand.u32 $0xFFFFFFF0, v18  }
0x7a: {  	v17 =	vor.u32 v17, v18  }
0x7b: {  	v18 =	vperm.xlane v17, v2;
	_ =	sdelay $0x1  }
0x7c: {  	v19 =	vperm.xlane v17, v1;
	v18 =	vadd.s32 v3, v18;
	_ =	sdelay $0x1  }
0x7d: {  	v57 =	vperm.xlane v17, v4;
	v19 =	vadd.s32 v3, v19;
	_ =	sdelay $0x1  }
0x7e: {  	s8 =	simm.s32 $0x1800;
	v58 =	vperm.xlane v17, v5;
	v20 =	vadd.s32 v3, v57  }
0x7f: {  	[tilespmem:s8], [sflag:$0x1] =	stream.indirect_vreg.gather [hbm4b:s15+s23], $0x80, v18, vm0, $0xb8;
	[tilespmem:$0x1D300] =	vst v63  }
0x80: {  	s19 =	simm.s32 $0x1880;
	v59 =	vperm.xlane v17, v6;
	v18 =	vadd.s32 v3, v58  }
0x81: {  	[tilespmem:s19], [sflag:$0x1] =	stream.indirect_vreg.gather [hbm4b:s15+s23], $0x80, v19, vm0, $0xb8;
	[tilespmem:$0x1D300] =	vst v63  }
0x82: {  	v60 =	vperm.xlane v17, v7;
	s8 =	simm.s32 $0x1900;
	v19 =	vadd.s32 v3, v59  }
0x83: {  	[tilespmem:s8], [sflag:$0x1] =	stream.indirect_vreg.gather [hbm4b:s15+s23], $0x80, v20, vm0, $0xb8;
	[tilespmem:$0x1D300] =	vst v63  }
0x84: {  	v62 =	vperm.xlane v17, v8;
	v61 =	vadd.s32 v3, v60;
	s19 =	simm.s32 $0x1980  }
0x85: {  	[tilespmem:s19], [sflag:$0x1] =	stream.indirect_vreg.gather [hbm4b:s15+s23], $0x80, v18, vm0, $0xb8;
	[tilespmem:$0x1D300] =	vst v63  }
0x86: {  	v63 =	vperm.xlane v17, v0;
	s8 =	simm.s32 $0x1A00;
	v18 =	vadd.s32 v3, v62  }
0x87: {  	[tilespmem:s8], [sflag:$0x1] =	stream.indirect_vreg.gather [hbm4b:s15+s23], $0x80, v19, vm0, $0xb8;
	[tilespmem:$0x1D300] =	vst v63  }
0x88: {  	v24 =	vperm.xlane v17, v9;
	s19 =	simm.s32 $0x1A80;
	v19 =	vadd.s32 v3, v63  }
0x89: {  	[tilespmem:s19], [sflag:$0x1] =	stream.indirect_vreg.gather [hbm4b:s15+s23], $0x80, v61, vm0, $0xb8;
	[tilespmem:$0x1D300] =	vst v63  }
0x8a: {  	v26 =	vperm.xlane v17, v10;
	v25 =	vadd.s32 v3, v24;
	s8 =	simm.s32 $0x1B00  }
0x8b: {  	[tilespmem:s8], [sflag:$0x1] =	stream.indirect_vreg.gather [hbm4b:s15+s23], $0x80, v18, vm0, $0xb8;
	[tilespmem:$0x1D300] =	vst v63  }
0x8c: {  	v27 =	vperm.xlane v17, v11;
	s19 =	simm.s32 $0x1B80;
	v18 =	vadd.s32 v3, v26  }
0x8d: {  	[tilespmem:s19], [sflag:$0x1] =	stream.indirect_vreg.gather [hbm4b:s15+s23], $0x80, v19, vm0, $0xb8;
	[tilespmem:$0x1D300] =	vst v63  }
0x8e: {  	v28 =	vperm.xlane v17, v12;
	s8 =	simm.s32 $0x1C00;
	v19 =	vadd.s32 v3, v27  }
0x8f: {  	[tilespmem:s8], [sflag:$0x1] =	stream.indirect_vreg.gather [hbm4b:s15+s23], $0x80, v25, vm0, $0xb8;
	[tilespmem:$0x1D300] =	vst v63  }
0x90: {  	v30 =	vperm.xlane v17, v13;
	v29 =	vadd.s32 v3, v28;
	s19 =	simm.s32 $0x1C80  }
0x91: {  	[tilespmem:s19], [sflag:$0x1] =	stream.indirect_vreg.gather [hbm4b:s15+s23], $0x80, v18, vm0, $0xb8;
	[tilespmem:$0x1D300] =	vst v63  }
0x92: {  	v31 =	vperm.xlane v17, v14;
	s8 =	simm.s32 $0x1D00;
	v18 =	vadd.s32 v3, v30  }
0x93: {  	[tilespmem:s8], [sflag:$0x1] =	stream.indirect_vreg.gather [hbm4b:s15+s23], $0x80, v19, vm0, $0xb8;
	[tilespmem:$0x1D300] =	vst v63  }
0x94: {  	v32 =	vperm.xlane v17, v15;
	s19 =	simm.s32 $0x1D80;
	v19 =	vadd.s32 v3, v31  }
0x95: {  	[tilespmem:s19], [sflag:$0x1] =	stream.indirect_vreg.gather [hbm4b:s15+s23], $0x80, v29, vm0, $0xb8;
	[tilespmem:$0x1D300] =	vst v63  }
0x96: {  	v17 =	vperm.xlane v17, v16;
	v33 =	vadd.s32 v3, v32;
	s8 =	simm.s32 $0x1E00  }
0x97: {  	[tilespmem:s8], [sflag:$0x1] =	stream.indirect_vreg.gather [hbm4b:s15+s23], $0x80, v18, vm0, $0xb8;
	[tilespmem:$0x1D300] =	vst v63  }
0x98: {  	v17 =	vadd.s32 v3, v17;
	s19 =	simm.s32 $0x1E80  }
0x99: {  	[tilespmem:s19], [sflag:$0x1] =	stream.indirect_vreg.gather [hbm4b:s15+s23], $0x80, v19, vm0, $0xb8;
	[tilespmem:$0x1D300] =	vst v63  }
0x9a: {  	s8 =	simm.s32 $0x1F00  }
0x9b: {  	[tilespmem:s8], [sflag:$0x1] =	stream.indirect_vreg.gather [hbm4b:s15+s23], $0x80, v33, vm0, $0xb8;
	[tilespmem:$0x1D300] =	vst v63  }
0x9c: {  	s19 =	simm.s32 $0x1F80  }
0x9d: {  	[tilespmem:s19], [sflag:$0x1] =	stream.indirect_vreg.gather [hbm4b:s15+s23], $0x80, v17, vm0, $0xb8;
	[tilespmem:$0x1D300] =	vst v63  }
0x9e: {  	v17 =	vld [tilespmem:$0x20];
	_ =	sdelay $0x4  }
0x9f: {  	v18 =	vshll.u32 v17, $0x1  }
0xa0: {  	v17 =	vand.u32 $0x7, v17;
	v18 =	vand.u32 $0xFFFFFFF0, v18  }
0xa1: {  	v17 =	vor.u32 v17, v18  }
0xa2: {  	v18 =	vperm.xlane v17, v2;
	_ =	sdelay $0x1  }
0xa3: {  	v19 =	vperm.xlane v17, v1;
	v18 =	vadd.s32 v3, v18;
	_ =	sdelay $0x1  }
0xa4: {  	v34 =	vperm.xlane v17, v4;
	v19 =	vadd.s32 v3, v19;
	_ =	sdelay $0x1  }
0xa5: {  	s8 =	simm.s32 $0x2000;
	v35 =	vperm.xlane v17, v5;
	v20 =	vadd.s32 v3, v34  }
0xa6: {  	[tilespmem:s8], [sflag:$0x1] =	stream.indirect_vreg.gather [hbm4b:s15+s23], $0x80, v18, vm0, $0xb8;
	[tilespmem:$0x1D300] =	vst v63  }
0xa7: {  	s19 =	simm.s32 $0x2080;
	v36 =	vperm.xlane v17, v6;
	v18 =	vadd.s32 v3, v35  }
0xa8: {  	[tilespmem:s19], [sflag:$0x1] =	stream.indirect_vreg.gather [hbm4b:s15+s23], $0x80, v19, vm0, $0xb8;
	[tilespmem:$0x1D300] =	vst v63  }
0xa9: {  	v37 =	vperm.xlane v17, v7;
	s8 =	simm.s32 $0x2100;
	v19 =	vadd.s32 v3, v36  }
0xaa: {  	[tilespmem:s8], [sflag:$0x1] =	stream.indirect_vreg.gather [hbm4b:s15+s23], $0x80, v20, vm0, $0xb8;
	[tilespmem:$0x1D300] =	vst v63  }
0xab: {  	v39 =	vperm.xlane v17, v8;
	v38 =	vadd.s32 v3, v37;
	s19 =	simm.s32 $0x2180  }
0xac: {  	[tilespmem:s19], [sflag:$0x1] =	stream.indirect_vreg.gather [hbm4b:s15+s23], $0x80, v18, vm0, $0xb8;
	[tilespmem:$0x1D300] =	vst v63  }
0xad: {  	v40 =	vperm.xlane v17, v0;
	s8 =	simm.s32 $0x2200;
	v18 =	vadd.s32 v3, v39  }
0xae: {  	[tilespmem:s8], [sflag:$0x1] =	stream.indirect_vreg.gather [hbm4b:s15+s23], $0x80, v19, vm0, $0xb8;
	[tilespmem:$0x1D300] =	vst v63  }
0xaf: {  	v41 =	vperm.xlane v17, v9;
	s19 =	simm.s32 $0x2280;
	v19 =	vadd.s32 v3, v40  }
0xb0: {  	[tilespmem:s19], [sflag:$0x1] =	stream.indirect_vreg.gather [hbm4b:s15+s23], $0x80, v38, vm0, $0xb8;
	[tilespmem:$0x1D300] =	vst v63  }
0xb1: {  	v43 =	vperm.xlane v17, v10;
	v42 =	vadd.s32 v3, v41;
	s8 =	simm.s32 $0x2300  }
0xb2: {  	[tilespmem:s8], [sflag:$0x1] =	stream.indirect_vreg.gather [hbm4b:s15+s23], $0x80, v18, vm0, $0xb8;
	[tilespmem:$0x1D300] =	vst v63  }
0xb3: {  	v44 =	vperm.xlane v17, v11;
	s19 =	simm.s32 $0x2380;
	v18 =	vadd.s32 v3, v43  }
0xb4: {  	[tilespmem:s19], [sflag:$0x1] =	stream.indirect_vreg.gather [hbm4b:s15+s23], $0x80, v19, vm0, $0xb8;
	[tilespmem:$0x1D300] =	vst v63  }
0xb5: {  	v45 =	vperm.xlane v17, v12;
	s8 =	simm.s32 $0x2400;
	v19 =	vadd.s32 v3, v44  }
0xb6: {  	[tilespmem:s8], [sflag:$0x1] =	stream.indirect_vreg.gather [hbm4b:s15+s23], $0x80, v42, vm0, $0xb8;
	[tilespmem:$0x1D300] =	vst v63  }
0xb7: {  	v47 =	vperm.xlane v17, v13;
	v46 =	vadd.s32 v3, v45;
	s19 =	simm.s32 $0x2480  }
0xb8: {  	[tilespmem:s19], [sflag:$0x1] =	stream.indirect_vreg.gather [hbm4b:s15+s23], $0x80, v18, vm0, $0xb8;
	[tilespmem:$0x1D300] =	vst v63  }
0xb9: {  	v48 =	vperm.xlane v17, v14;
	s8 =	simm.s32 $0x2500;
	v18 =	vadd.s32 v3, v47  }
0xba: {  	[tilespmem:s8], [sflag:$0x1] =	stream.indirect_vreg.gather [hbm4b:s15+s23], $0x80, v19, vm0, $0xb8;
	[tilespmem:$0x1D300] =	vst v63  }
0xbb: {  	v49 =	vperm.xlane v17, v15;
	s19 =	simm.s32 $0x2580;
	v19 =	vadd.s32 v3, v48  }
0xbc: {  	[tilespmem:s19], [sflag:$0x1] =	stream.indirect_vreg.gather [hbm4b:s15+s23], $0x80, v46, vm0, $0xb8;
	[tilespmem:$0x1D300] =	vst v63  }
0xbd: {  	v17 =	vperm.xlane v17, v16;
	v50 =	vadd.s32 v3, v49;
	s8 =	simm.s32 $0x2600  }
0xbe: {  	[tilespmem:s8], [sflag:$0x1] =	stream.indirect_vreg.gather [hbm4b:s15+s23], $0x80, v18, vm0, $0xb8;
	[tilespmem:$0x1D300] =	vst v63  }
0xbf: {  	v17 =	vadd.s32 v3, v17;
	s19 =	simm.s32 $0x2680  }
0xc0: {  	[tilespmem:s19], [sflag:$0x1] =	stream.indirect_vreg.gather [hbm4b:s15+s23], $0x80, v19, vm0, $0xb8;
	[tilespmem:$0x1D300] =	vst v63  }
0xc1: {  	s8 =	simm.s32 $0x2700  }
0xc2: {  	[tilespmem:s8], [sflag:$0x1] =	stream.indirect_vreg.gather [hbm4b:s15+s23], $0x80, v50, vm0, $0xb8;
	[tilespmem:$0x1D300] =	vst v63  }
0xc3: {  	s19 =	simm.s32 $0x2780  }
0xc4: {  	[tilespmem:s19], [sflag:$0x1] =	stream.indirect_vreg.gather [hbm4b:s15+s23], $0x80, v17, vm0, $0xb8;
	[tilespmem:$0x1D300] =	vst v63  }
0xc5: {  	v17 =	vld [tilespmem:$0x30];
	_ =	sdelay $0x4  }
0xc6: {  	v18 =	vshll.u32 v17, $0x1  }
0xc7: {  	v17 =	vand.u32 $0x7, v17;
	v18 =	vand.u32 $0xFFFFFFF0, v18  }
0xc8: {  	v17 =	vor.u32 v17, v18  }
0xc9: {  	v18 =	vperm.xlane v17, v2;
	_ =	sdelay $0x1  }
0xca: {  	v19 =	vperm.xlane v17, v1;
	v18 =	vadd.s32 v3, v18;
	_ =	sdelay $0x1  }
0xcb: {  	v51 =	vperm.xlane v17, v4;
	v19 =	vadd.s32 v3, v19;
	_ =	sdelay $0x1  }
0xcc: {  	s8 =	simm.s32 $0x2800;
	v52 =	vperm.xlane v17, v5;
	v20 =	vadd.s32 v3, v51  }
0xcd: {  	[tilespmem:s8], [sflag:$0x1] =	stream.indirect_vreg.gather [hbm4b:s15+s23], $0x80, v18, vm0, $0xb8;
	[tilespmem:$0x1D300] =	vst v63  }
0xce: {  	s19 =	simm.s32 $0x2880;
	v53 =	vperm.xlane v17, v6;
	v18 =	vadd.s32 v3, v52  }
0xcf: {  	[tilespmem:s19], [sflag:$0x1] =	stream.indirect_vreg.gather [hbm4b:s15+s23], $0x80, v19, vm0, $0xb8;
	[tilespmem:$0x1D300] =	vst v63  }
0xd0: {  	v54 =	vperm.xlane v17, v7;
	s8 =	simm.s32 $0x2900;
	v19 =	vadd.s32 v3, v53  }
0xd1: {  	[tilespmem:s8], [sflag:$0x1] =	stream.indirect_vreg.gather [hbm4b:s15+s23], $0x80, v20, vm0, $0xb8;
	[tilespmem:$0x1D300] =	vst v63  }
0xd2: {  	v56 =	vperm.xlane v17, v8;
	v55 =	vadd.s32 v3, v54;
	s19 =	simm.s32 $0x2980  }
0xd3: {  	[tilespmem:s19], [sflag:$0x1] =	stream.indirect_vreg.gather [hbm4b:s15+s23], $0x80, v18, vm0, $0xb8;
	[tilespmem:$0x1D300] =	vst v63  }
0xd4: {  	v57 =	vperm.xlane v17, v0;
	s8 =	simm.s32 $0x2A00;
	v18 =	vadd.s32 v3, v56  }
0xd5: {  	[tilespmem:s8], [sflag:$0x1] =	stream.indirect_vreg.gather [hbm4b:s15+s23], $0x80, v19, vm0, $0xb8;
	[tilespmem:$0x1D300] =	vst v63  }
0xd6: {  	v58 =	vperm.xlane v17, v9;
	s19 =	simm.s32 $0x2A80;
	v19 =	vadd.s32 v3, v57  }
0xd7: {  	[tilespmem:s19], [sflag:$0x1] =	stream.indirect_vreg.gather [hbm4b:s15+s23], $0x80, v55, vm0, $0xb8;
	[tilespmem:$0x1D300] =	vst v63  }
0xd8: {  	v60 =	vperm.xlane v17, v10;
	v59 =	vadd.s32 v3, v58;
	s8 =	simm.s32 $0x2B00  }
0xd9: {  	[tilespmem:s8], [sflag:$0x1] =	stream.indirect_vreg.gather [hbm4b:s15+s23], $0x80, v18, vm0, $0xb8;
	[tilespmem:$0x1D300] =	vst v63  }
0xda: {  	v61 =	vperm.xlane v17, v11;
	s19 =	simm.s32 $0x2B80;
	v18 =	vadd.s32 v3, v60  }
0xdb: {  	[tilespmem:s19], [sflag:$0x1] =	stream.indirect_vreg.gather [hbm4b:s15+s23], $0x80, v19, vm0, $0xb8;
	[tilespmem:$0x1D300] =	vst v63  }
0xdc: {  	v62 =	vperm.xlane v17, v12;
	s8 =	simm.s32 $0x2C00;
	v19 =	vadd.s32 v3, v61  }
0xdd: {  	[tilespmem:s8], [sflag:$0x1] =	stream.indirect_vreg.gather [hbm4b:s15+s23], $0x80, v59, vm0, $0xb8;
	[tilespmem:$0x1D300] =	vst v63  }
0xde: {  	v24 =	vperm.xlane v17, v13;
	v63 =	vadd.s32 v3, v62;
	s19 =	simm.s32 $0x2C80  }
0xdf: {  	[tilespmem:s19], [sflag:$0x1] =	stream.indirect_vreg.gather [hbm4b:s15+s23], $0x80, v18, vm0, $0xb8;
	[tilespmem:$0x1D300] =	vst v63  }
0xe0: {  	v25 =	vperm.xlane v17, v14;
	s8 =	simm.s32 $0x2D00;
	v18 =	vadd.s32 v3, v24  }
0xe1: {  	[tilespmem:s8], [sflag:$0x1] =	stream.indirect_vreg.gather [hbm4b:s15+s23], $0x80, v19, vm0, $0xb8;
	[tilespmem:$0x1D300] =	vst v63  }
0xe2: {  	v26 =	vperm.xlane v17, v15;
	s19 =	simm.s32 $0x2D80;
	v19 =	vadd.s32 v3, v25  }
0xe3: {  	[tilespmem:s19], [sflag:$0x1] =	stream.indirect_vreg.gather [hbm4b:s15+s23], $0x80, v63, vm0, $0xb8;
	[tilespmem:$0x1D300] =	vst v63  }
0xe4: {  	v17 =	vperm.xlane v17, v16;
	v27 =	vadd.s32 v3, v26;
	s8 =	simm.s32 $0x2E00  }
0xe5: {  	[tilespmem:s8], [sflag:$0x1] =	stream.indirect_vreg.gather [hbm4b:s15+s23], $0x80, v18, vm0, $0xb8;
	[tilespmem:$0x1D300] =	vst v63  }
0xe6: {  	v17 =	vadd.s32 v3, v17;
	s19 =	simm.s32 $0x2E80  }
0xe7: {  	[tilespmem:s19], [sflag:$0x1] =	stream.indirect_vreg.gather [hbm4b:s15+s23], $0x80, v19, vm0, $0xb8;
	[tilespmem:$0x1D300] =	vst v63  }
0xe8: {  	s8 =	simm.s32 $0x2F00  }
0xe9: {  	[tilespmem:s8], [sflag:$0x1] =	stream.indirect_vreg.gather [hbm4b:s15+s23], $0x80, v27, vm0, $0xb8;
	[tilespmem:$0x1D300] =	vst v63  }
0xea: {  	s19 =	simm.s32 $0x2F80  }
0xeb: {  	[tilespmem:s19], [sflag:$0x1] =	stream.indirect_vreg.gather [hbm4b:s15+s23], $0x80, v17, vm0, $0xb8;
	[tilespmem:$0x1D300] =	vst v63  }
0xec: {  	v17 =	vld [tilespmem:$0x40];
	_ =	sdelay $0x4  }
0xed: {  	v18 =	vshll.u32 v17, $0x1  }
0xee: {  	v17 =	vand.u32 $0x7, v17;
	v18 =	vand.u32 $0xFFFFFFF0, v18  }
0xef: {  	v17 =	vor.u32 v17, v18  }
0xf0: {  	v18 =	vperm.xlane v17, v2;
	_ =	sdelay $0x1  }
0xf1: {  	v19 =	vperm.xlane v17, v1;
	v18 =	vadd.s32 v3, v18;
	_ =	sdelay $0x1  }
0xf2: {  	v28 =	vperm.xlane v17, v4;
	v19 =	vadd.s32 v3, v19;
	_ =	sdelay $0x1  }
0xf3: {  	s8 =	simm.s32 $0x3000;
	v29 =	vperm.xlane v17, v5;
	v20 =	vadd.s32 v3, v28  }
0xf4: {  	[tilespmem:s8], [sflag:$0x1] =	stream.indirect_vreg.gather [hbm4b:s15+s23], $0x80, v18, vm0, $0xb8;
	[tilespmem:$0x1D300] =	vst v63  }
0xf5: {  	s19 =	simm.s32 $0x3080;
	v30 =	vperm.xlane v17, v6;
	v18 =	vadd.s32 v3, v29  }
0xf6: {  	[tilespmem:s19], [sflag:$0x1] =	stream.indirect_vreg.gather [hbm4b:s15+s23], $0x80, v19, vm0, $0xb8;
	[tilespmem:$0x1D300] =	vst v63  }
0xf7: {  	v31 =	vperm.xlane v17, v7;
	s8 =	simm.s32 $0x3100;
	v19 =	vadd.s32 v3, v30  }
0xf8: {  	[tilespmem:s8], [sflag:$0x1] =	stream.indirect_vreg.gather [hbm4b:s15+s23], $0x80, v20, vm0, $0xb8;
	[tilespmem:$0x1D300] =	vst v63  }
0xf9: {  	v33 =	vperm.xlane v17, v8;
	v32 =	vadd.s32 v3, v31;
	s19 =	simm.s32 $0x3180  }
0xfa: {  	[tilespmem:s19], [sflag:$0x1] =	stream.indirect_vreg.gather [hbm4b:s15+s23], $0x80, v18, vm0, $0xb8;
	[tilespmem:$0x1D300] =	vst v63  }
0xfb: {  	v34 =	vperm.xlane v17, v0;
	s8 =	simm.s32 $0x3200;
	v18 =	vadd.s32 v3, v33  }
0xfc: {  	[tilespmem:s8], [sflag:$0x1] =	stream.indirect_vreg.gather [hbm4b:s15+s23], $0x80, v19, vm0, $0xb8;
	[tilespmem:$0x1D300] =	vst v63  }
0xfd: {  	v35 =	vperm.xlane v17, v9;
	s19 =	simm.s32 $0x3280;
	v19 =	vadd.s32 v3, v34  }
0xfe: {  	[tilespmem:s19], [sflag:$0x1] =	stream.indirect_vreg.gather [hbm4b:s15+s23], $0x80, v32, vm0, $0xb8;
	[tilespmem:$0x1D300] =	vst v63  }
0xff: {  	v37 =	vperm.xlane v17, v10;
	v36 =	vadd.s32 v3, v35;
	s8 =	simm.s32 $0x3300  }
0x100: {  	[tilespmem:s8], [sflag:$0x1] =	stream.indirect_vreg.gather [hbm4b:s15+s23], $0x80, v18, vm0, $0xb8;
	[tilespmem:$0x1D300] =	vst v63  }
0x101: {  	v38 =	vperm.xlane v17, v11;
	s19 =	simm.s32 $0x3380;
	v18 =	vadd.s32 v3, v37  }
0x102: {  	[tilespmem:s19], [sflag:$0x1] =	stream.indirect_vreg.gather [hbm4b:s15+s23], $0x80, v19, vm0, $0xb8;
	[tilespmem:$0x1D300] =	vst v63  }
0x103: {  	v39 =	vperm.xlane v17, v12;
	s8 =	simm.s32 $0x3400;
	v19 =	vadd.s32 v3, v38  }
0x104: {  	[tilespmem:s8], [sflag:$0x1] =	stream.indirect_vreg.gather [hbm4b:s15+s23], $0x80, v36, vm0, $0xb8;
	[tilespmem:$0x1D300] =	vst v63  }
0x105: {  	v41 =	vperm.xlane v17, v13;
	v40 =	vadd.s32 v3, v39;
	s19 =	simm.s32 $0x3480  }
0x106: {  	[tilespmem:s19], [sflag:$0x1] =	stream.indirect_vreg.gather [hbm4b:s15+s23], $0x80, v18, vm0, $0xb8;
	[tilespmem:$0x1D300] =	vst v63  }
0x107: {  	v42 =	vperm.xlane v17, v14;
	s8 =	simm.s32 $0x3500;
	v18 =	vadd.s32 v3, v41  }
0x108: {  	[tilespmem:s8], [sflag:$0x1] =	stream.indirect_vreg.gather [hbm4b:s15+s23], $0x80, v19, vm0, $0xb8;
	[tilespmem:$0x1D300] =	vst v63  }
0x109: {  	v43 =	vperm.xlane v17, v15;
	s19 =	simm.s32 $0x3580;
	v19 =	vadd.s32 v3, v42  }
0x10a: {  	[tilespmem:s19], [sflag:$0x1] =	stream.indirect_vreg.gather [hbm4b:s15+s23], $0x80, v40, vm0, $0xb8;
	[tilespmem:$0x1D300] =	vst v63  }
0x10b: {  	v17 =	vperm.xlane v17, v16;
	v44 =	vadd.s32 v3, v43;
	s8 =	simm.s32 $0x3600  }
0x10c: {  	[tilespmem:s8], [sflag:$0x1] =	stream.indirect_vreg.gather [hbm4b:s15+s23], $0x80, v18, vm0, $0xb8;
	[tilespmem:$0x1D300] =	vst v63  }
0x10d: {  	v17 =	vadd.s32 v3, v17;
	s19 =	simm.s32 $0x3680  }
0x10e: {  	[tilespmem:s19], [sflag:$0x1] =	stream.indirect_vreg.gather [hbm4b:s15+s23], $0x80, v19, vm0, $0xb8;
	[tilespmem:$0x1D300] =	vst v63  }
0x10f: {  	s8 =	simm.s32 $0x3700  }
0x110: {  	[tilespmem:s8], [sflag:$0x1] =	stream.indirect_vreg.gather [hbm4b:s15+s23], $0x80, v44, vm0, $0xb8;
	[tilespmem:$0x1D300] =	vst v63  }
0x111: {  	s19 =	simm.s32 $0x3780  }
0x112: {  	[tilespmem:s19], [sflag:$0x1] =	stream.indirect_vreg.gather [hbm4b:s15+s23], $0x80, v17, vm0, $0xb8;
	[tilespmem:$0x1D300] =	vst v63  }
0x113: {  	v17 =	vld [tilespmem:$0x50];
	_ =	sdelay $0x4  }
0x114: {  	v18 =	vshll.u32 v17, $0x1  }
0x115: {  	v17 =	vand.u32 $0x7, v17;
	v18 =	vand.u32 $0xFFFFFFF0, v18  }
0x116: {  	v17 =	vor.u32 v17, v18  }
0x117: {  	v18 =	vperm.xlane v17, v2;
	_ =	sdelay $0x1  }
0x118: {  	v19 =	vperm.xlane v17, v1;
	v18 =	vadd.s32 v3, v18;
	_ =	sdelay $0x1  }
0x119: {  	v45 =	vperm.xlane v17, v4;
	v19 =	vadd.s32 v3, v19;
	_ =	sdelay $0x1  }
0x11a: {  	s8 =	simm.s32 $0x3800;
	v46 =	vperm.xlane v17, v5;
	v20 =	vadd.s32 v3, v45  }
0x11b: {  	[tilespmem:s8], [sflag:$0x1] =	stream.indirect_vreg.gather [hbm4b:s15+s23], $0x80, v18, vm0, $0xb8;
	[tilespmem:$0x1D300] =	vst v63  }
0x11c: {  	s19 =	simm.s32 $0x3880;
	v47 =	vperm.xlane v17, v6;
	v18 =	vadd.s32 v3, v46  }
0x11d: {  	[tilespmem:s19], [sflag:$0x1] =	stream.indirect_vreg.gather [hbm4b:s15+s23], $0x80, v19, vm0, $0xb8;
	[tilespmem:$0x1D300] =	vst v63  }
0x11e: {  	v48 =	vperm.xlane v17, v7;
	s8 =	simm.s32 $0x3900;
	v19 =	vadd.s32 v3, v47  }
0x11f: {  	[tilespmem:s8], [sflag:$0x1] =	stream.indirect_vreg.gather [hbm4b:s15+s23], $0x80, v20, vm0, $0xb8;
	[tilespmem:$0x1D300] =	vst v63  }
0x120: {  	v50 =	vperm.xlane v17, v8;
	v49 =	vadd.s32 v3, v48;
	s19 =	simm.s32 $0x3980  }
0x121: {  	[tilespmem:s19], [sflag:$0x1] =	stream.indirect_vreg.gather [hbm4b:s15+s23], $0x80, v18, vm0, $0xb8;
	[tilespmem:$0x1D300] =	vst v63  }
0x122: {  	v51 =	vperm.xlane v17, v0;
	s8 =	simm.s32 $0x3A00;
	v18 =	vadd.s32 v3, v50  }
0x123: {  	[tilespmem:s8], [sflag:$0x1] =	stream.indirect_vreg.gather [hbm4b:s15+s23], $0x80, v19, vm0, $0xb8;
	[tilespmem:$0x1D300] =	vst v63  }
0x124: {  	v52 =	vperm.xlane v17, v9;
	s19 =	simm.s32 $0x3A80;
	v19 =	vadd.s32 v3, v51  }
0x125: {  	[tilespmem:s19], [sflag:$0x1] =	stream.indirect_vreg.gather [hbm4b:s15+s23], $0x80, v49, vm0, $0xb8;
	[tilespmem:$0x1D300] =	vst v63  }
0x126: {  	v54 =	vperm.xlane v17, v10;
	v53 =	vadd.s32 v3, v52;
	s8 =	simm.s32 $0x3B00  }
0x127: {  	[tilespmem:s8], [sflag:$0x1] =	stream.indirect_vreg.gather [hbm4b:s15+s23], $0x80, v18, vm0, $0xb8;
	[tilespmem:$0x1D300] =	vst v63  }
0x128: {  	v55 =	vperm.xlane v17, v11;
	s19 =	simm.s32 $0x3B80;
	v18 =	vadd.s32 v3, v54  }
0x129: {  	[tilespmem:s19], [sflag:$0x1] =	stream.indirect_vreg.gather [hbm4b:s15+s23], $0x80, v19, vm0, $0xb8;
	[tilespmem:$0x1D300] =	vst v63  }
0x12a: {  	v56 =	vperm.xlane v17, v12;
	s8 =	simm.s32 $0x3C00;
	v19 =	vadd.s32 v3, v55  }
0x12b: {  	[tilespmem:s8], [sflag:$0x1] =	stream.indirect_vreg.gather [hbm4b:s15+s23], $0x80, v53, vm0, $0xb8;
	[tilespmem:$0x1D300] =	vst v63  }
0x12c: {  	v58 =	vperm.xlane v17, v13;
	v57 =	vadd.s32 v3, v56;
	s19 =	simm.s32 $0x3C80  }
0x12d: {  	[tilespmem:s19], [sflag:$0x1] =	stream.indirect_vreg.gather [hbm4b:s15+s23], $0x80, v18, vm0, $0xb8;
	[tilespmem:$0x1D300] =	vst v63  }
0x12e: {  	v59 =	vperm.xlane v17, v14;
	s8 =	simm.s32 $0x3D00;
	v18 =	vadd.s32 v3, v58  }
0x12f: {  	[tilespmem:s8], [sflag:$0x1] =	stream.indirect_vreg.gather [hbm4b:s15+s23], $0x80, v19, vm0, $0xb8;
	[tilespmem:$0x1D300] =	vst v63  }
0x130: {  	v60 =	vperm.xlane v17, v15;
	s19 =	simm.s32 $0x3D80;
	v19 =	vadd.s32 v3, v59  }
0x131: {  	[tilespmem:s19], [sflag:$0x1] =	stream.indirect_vreg.gather [hbm4b:s15+s23], $0x80, v57, vm0, $0xb8;
	[tilespmem:$0x1D300] =	vst v63  }
0x132: {  	v17 =	vperm.xlane v17, v16;
	v61 =	vadd.s32 v3, v60;
	s8 =	simm.s32 $0x3E00  }
0x133: {  	[tilespmem:s8], [sflag:$0x1] =	stream.indirect_vreg.gather [hbm4b:s15+s23], $0x80, v18, vm0, $0xb8;
	[tilespmem:$0x1D300] =	vst v63  }
0x134: {  	v17 =	vadd.s32 v3, v17;
	s19 =	simm.s32 $0x3E80  }
0x135: {  	[tilespmem:s19], [sflag:$0x1] =	stream.indirect_vreg.gather [hbm4b:s15+s23], $0x80, v19, vm0, $0xb8;
	[tilespmem:$0x1D300] =	vst v63  }
0x136: {  	s8 =	simm.s32 $0x3F00  }
0x137: {  	[tilespmem:s8], [sflag:$0x1] =	stream.indirect_vreg.gather [hbm4b:s15+s23], $0x80, v61, vm0, $0xb8;
	[tilespmem:$0x1D300] =	vst v63  }
0x138: {  	s19 =	simm.s32 $0x3F80  }
0x139: {  	[tilespmem:s19], [sflag:$0x1] =	stream.indirect_vreg.gather [hbm4b:s15+s23], $0x80, v17, vm0, $0xb8;
	[tilespmem:$0x1D300] =	vst v63  }
0x13a: {  	v17 =	vld [tilespmem:$0x60];
	_ =	sdelay $0x4  }
0x13b: {  	v18 =	vshll.u32 v17, $0x1  }
0x13c: {  	v17 =	vand.u32 $0x7, v17;
	v18 =	vand.u32 $0xFFFFFFF0, v18  }
0x13d: {  	v17 =	vor.u32 v17, v18  }
0x13e: {  	v18 =	vperm.xlane v17, v2;
	_ =	sdelay $0x1  }
0x13f: {  	v19 =	vperm.xlane v17, v1;
	v18 =	vadd.s32 v3, v18;
	_ =	sdelay $0x1  }
0x140: {  	v62 =	vperm.xlane v17, v4;
	v19 =	vadd.s32 v3, v19;
	_ =	sdelay $0x1  }
0x141: {  	s8 =	simm.s32 $0x4000;
	v63 =	vperm.xlane v17, v5;
	v20 =	vadd.s32 v3, v62  }
0x142: {  	[tilespmem:s8], [sflag:$0x1] =	stream.indirect_vreg.gather [hbm4b:s15+s23], $0x80, v18, vm0, $0xb8;
	[tilespmem:$0x1D300] =	vst v63  }
0x143: {  	s19 =	simm.s32 $0x4080;
	v24 =	vperm.xlane v17, v6;
	v18 =	vadd.s32 v3, v63  }
0x144: {  	[tilespmem:s19], [sflag:$0x1] =	stream.indirect_vreg.gather [hbm4b:s15+s23], $0x80, v19, vm0, $0xb8;
	[tilespmem:$0x1D300] =	vst v63  }
0x145: {  	v25 =	vperm.xlane v17, v7;
	s8 =	simm.s32 $0x4100;
	v19 =	vadd.s32 v3, v24  }
0x146: {  	[tilespmem:s8], [sflag:$0x1] =	stream.indirect_vreg.gather [hbm4b:s15+s23], $0x80, v20, vm0, $0xb8;
	[tilespmem:$0x1D300] =	vst v63  }
0x147: {  	v27 =	vperm.xlane v17, v8;
	v26 =	vadd.s32 v3, v25;
	s19 =	simm.s32 $0x4180  }
0x148: {  	[tilespmem:s19], [sflag:$0x1] =	stream.indirect_vreg.gather [hbm4b:s15+s23], $0x80, v18, vm0, $0xb8;
	[tilespmem:$0x1D300] =	vst v63  }
0x149: {  	v28 =	vperm.xlane v17, v0;
	s8 =	simm.s32 $0x4200;
	v18 =	vadd.s32 v3, v27  }
0x14a: {  	[tilespmem:s8], [sflag:$0x1] =	stream.indirect_vreg.gather [hbm4b:s15+s23], $0x80, v19, vm0, $0xb8;
	[tilespmem:$0x1D300] =	vst v63  }
0x14b: {  	v29 =	vperm.xlane v17, v9;
	s19 =	simm.s32 $0x4280;
	v19 =	vadd.s32 v3, v28  }
0x14c: {  	[tilespmem:s19], [sflag:$0x1] =	stream.indirect_vreg.gather [hbm4b:s15+s23], $0x80, v26, vm0, $0xb8;
	[tilespmem:$0x1D300] =	vst v63  }
0x14d: {  	v31 =	vperm.xlane v17, v10;
	v30 =	vadd.s32 v3, v29;
	s8 =	simm.s32 $0x4300  }
0x14e: {  	[tilespmem:s8], [sflag:$0x1] =	stream.indirect_vreg.gather [hbm4b:s15+s23], $0x80, v18, vm0, $0xb8;
	[tilespmem:$0x1D300] =	vst v63  }
0x14f: {  	v32 =	vperm.xlane v17, v11;
	s19 =	simm.s32 $0x4380;
	v18 =	vadd.s32 v3, v31  }
0x150: {  	[tilespmem:s19], [sflag:$0x1] =	stream.indirect_vreg.gather [hbm4b:s15+s23], $0x80, v19, vm0, $0xb8;
	[tilespmem:$0x1D300] =	vst v63  }
0x151: {  	v33 =	vperm.xlane v17, v12;
	s8 =	simm.s32 $0x4400;
	v19 =	vadd.s32 v3, v32  }
0x152: {  	[tilespmem:s8], [sflag:$0x1] =	stream.indirect_vreg.gather [hbm4b:s15+s23], $0x80, v30, vm0, $0xb8;
	[tilespmem:$0x1D300] =	vst v63  }
0x153: {  	v35 =	vperm.xlane v17, v13;
	v34 =	vadd.s32 v3, v33;
	s19 =	simm.s32 $0x4480  }
0x154: {  	[tilespmem:s19], [sflag:$0x1] =	stream.indirect_vreg.gather [hbm4b:s15+s23], $0x80, v18, vm0, $0xb8;
	[tilespmem:$0x1D300] =	vst v63  }
0x155: {  	v36 =	vperm.xlane v17, v14;
	s8 =	simm.s32 $0x4500;
	v18 =	vadd.s32 v3, v35  }
0x156: {  	[tilespmem:s8], [sflag:$0x1] =	stream.indirect_vreg.gather [hbm4b:s15+s23], $0x80, v19, vm0, $0xb8;
	[tilespmem:$0x1D300] =	vst v63  }
0x157: {  	v37 =	vperm.xlane v17, v15;
	s19 =	simm.s32 $0x4580;
	v19 =	vadd.s32 v3, v36  }
0x158: {  	[tilespmem:s19], [sflag:$0x1] =	stream.indirect_vreg.gather [hbm4b:s15+s23], $0x80, v34, vm0, $0xb8;
	[tilespmem:$0x1D300] =	vst v63  }
0x159: {  	v17 =	vperm.xlane v17, v16;
	v38 =	vadd.s32 v3, v37;
	s8 =	simm.s32 $0x4600  }
0x15a: {  	[tilespmem:s8], [sflag:$0x1] =	stream.indirect_vreg.gather [hbm4b:s15+s23], $0x80, v18, vm0, $0xb8;
	[tilespmem:$0x1D300] =	vst v63  }
0x15b: {  	v17 =	vadd.s32 v3, v17;
	s19 =	simm.s32 $0x4680  }
0x15c: {  	[tilespmem:s19], [sflag:$0x1] =	stream.indirect_vreg.gather [hbm4b:s15+s23], $0x80, v19, vm0, $0xb8;
	[tilespmem:$0x1D300] =	vst v63  }
0x15d: {  	s8 =	simm.s32 $0x4700  }
0x15e: {  	[tilespmem:s8], [sflag:$0x1] =	stream.indirect_vreg.gather [hbm4b:s15+s23], $0x80, v38, vm0, $0xb8;
	[tilespmem:$0x1D300] =	vst v63  }
0x15f: {  	s19 =	simm.s32 $0x4780  }
0x160: {  	[tilespmem:s19], [sflag:$0x1] =	stream.indirect_vreg.gather [hbm4b:s15+s23], $0x80, v17, vm0, $0xb8;
	[tilespmem:$0x1D300] =	vst v63  }
0x161: {  	v17 =	vld.msk [tilespmem:$0x70], $0x1fff;
	_ =	sdelay $0x4  }
0x162: {  	v18 =	vshll.u32 v17, $0x1  }
0x163: {  	v17 =	vand.u32 $0x7, v17;
	v18 =	vand.u32 $0xFFFFFFF0, v18  }
0x164: {  	v17 =	vor.u32 v17, v18  }
0x165: {  	v18 =	vperm.xlane v17, v2;
	_ =	sdelay $0x1  }
0x166: {  	v19 =	vperm.xlane v17, v1;
	v18 =	vadd.s32 v3, v18;
	_ =	sdelay $0x1  }
0x167: {  	v39 =	vperm.xlane v17, v4;
	v19 =	vadd.s32 v3, v19;
	_ =	sdelay $0x1  }
0x168: {  	s8 =	simm.s32 $0x4800;
	v40 =	vperm.xlane v17, v5;
	v20 =	vadd.s32 v3, v39  }
0x169: {  	[tilespmem:s8], [sflag:$0x1] =	stream.indirect_vreg.gather [hbm4b:s15+s23], $0x80, v18, vm0, $0xb8;
	[tilespmem:$0x1D300] =	vst v63  }
0x16a: {  	s19 =	simm.s32 $0x4880;
	v41 =	vperm.xlane v17, v6;
	v18 =	vadd.s32 v3, v40  }
0x16b: {  	[tilespmem:s19], [sflag:$0x1] =	stream.indirect_vreg.gather [hbm4b:s15+s23], $0x80, v19, vm0, $0xb8;
	[tilespmem:$0x1D300] =	vst v63  }
0x16c: {  	v42 =	vperm.xlane v17, v7;
	s8 =	simm.s32 $0x4900;
	v19 =	vadd.s32 v3, v41  }
0x16d: {  	[tilespmem:s8], [sflag:$0x1] =	stream.indirect_vreg.gather [hbm4b:s15+s23], $0x80, v20, vm0, $0xb8;
	[tilespmem:$0x1D300] =	vst v63  }
0x16e: {  	v44 =	vperm.xlane v17, v8;
	v43 =	vadd.s32 v3, v42;
	s19 =	simm.s32 $0x4980  }
0x16f: {  	[tilespmem:s19], [sflag:$0x1] =	stream.indirect_vreg.gather [hbm4b:s15+s23], $0x80, v18, vm0, $0xb8;
	[tilespmem:$0x1D300] =	vst v63  }
0x170: {  	v45 =	vperm.xlane v17, v0;
	s8 =	simm.s32 $0x4A00;
	v18 =	vadd.s32 v3, v44  }
0x171: {  	[tilespmem:s8], [sflag:$0x1] =	stream.indirect_vreg.gather [hbm4b:s15+s23], $0x80, v19, vm0, $0xb8;
	[tilespmem:$0x1D300] =	vst v63  }
0x172: {  	v46 =	vperm.xlane v17, v9;
	s19 =	simm.s32 $0x4A80;
	v19 =	vadd.s32 v3, v45  }
0x173: {  	[tilespmem:s19], [sflag:$0x1] =	stream.indirect_vreg.gather [hbm4b:s15+s23], $0x80, v43, vm0, $0xb8;
	[tilespmem:$0x1D300] =	vst v63  }
0x174: {  	v48 =	vperm.xlane v17, v10;
	v47 =	vadd.s32 v3, v46;
	s8 =	simm.s32 $0x4B00  }
0x175: {  	[tilespmem:s8], [sflag:$0x1] =	stream.indirect_vreg.gather [hbm4b:s15+s23], $0x80, v18, vm0, $0xb8;
	[tilespmem:$0x1D300] =	vst v63  }
0x176: {  	v49 =	vperm.xlane v17, v11;
	s19 =	simm.s32 $0x4B80;
	v18 =	vadd.s32 v3, v48  }
0x177: {  	[tilespmem:s19], [sflag:$0x1] =	stream.indirect_vreg.gather [hbm4b:s15+s23], $0x80, v19, vm0, $0xb8;
	[tilespmem:$0x1D300] =	vst v63  }
0x178: {  	v50 =	vperm.xlane v17, v12;
	s8 =	simm.s32 $0x4C00;
	v19 =	vadd.s32 v3, v49  }
0x179: {  	[tilespmem:s8], [sflag:$0x1] =	stream.indirect_vreg.gather [hbm4b:s15+s23], $0x80, v47, vm0, $0xb8;
	[tilespmem:$0x1D300] =	vst v63  }
0x17a: {  	v17 =	vperm.xlane v17, v13;
	v51 =	vadd.s32 v3, v50;
	s19 =	simm.s32 $0x4C80  }
0x17b: {  	[tilespmem:s19], [sflag:$0x1] =	stream.indirect_vreg.gather [hbm4b:s15+s23], $0x80, v18, vm0, $0xb8;
	[tilespmem:$0x1D300] =	vst v63  }
0x17c: {  	v17 =	vadd.s32 v3, v17;
	s8 =	simm.s32 $0x4D00  }
0x17d: {  	[tilespmem:s8], [sflag:$0x1] =	stream.indirect_vreg.gather [hbm4b:s15+s23], $0x80, v19, vm0, $0xb8;
	[tilespmem:$0x1D300] =	vst v63  }
0x17e: {  	s19 =	simm.s32 $0x4D80  }
0x17f: {  	[tilespmem:s19], [sflag:$0x1] =	stream.indirect_vreg.gather [hbm4b:s15+s23], $0x80, v51, vm0, $0xb8;
	[tilespmem:$0x1D300] =	vst v63  }
0x180: {  	s8 =	simm.s32 $0x4E00  }
0x181: {  	[tilespmem:s8], [sflag:$0x1] =	stream.indirect_vreg.gather [hbm4b:s15+s23], $0x80, v17, vm0, $0xb8;
	[tilespmem:$0x1D300] =	vst v63  }
0x182: {  	v17 =	vld [tilespmem:$0x80];
	_ =	sdelay $0x4  }
0x183: {  	v18 =	vshll.u32 v17, $0x1  }
0x184: {  	v17 =	vand.u32 $0x7, v17;
	v18 =	vand.u32 $0xFFFFFFF0, v18  }
0x185: {  	v17 =	vor.u32 v17, v18  }
0x186: {  	v18 =	vperm.xlane v17, v2;
	_ =	sdelay $0x1  }
0x187: {  	v19 =	vperm.xlane v17, v1;
	v18 =	vadd.s32 v3, v18;
	_ =	sdelay $0x1  }
0x188: {  	v52 =	vperm.xlane v17, v4;
	v19 =	vadd.s32 v3, v19;
	_ =	sdelay $0x1  }
0x189: {  	v53 =	vperm.xlane v17, v5;
	v20 =	vadd.s32 v3, v52  }
0x18a: {  	[tilespmem:s7], [sflag:$0x2] =	stream.indirect_vreg.gather [hbm4b:s15+s23], $0x80, v18, vm0, $0xb8;
	[tilespmem:$0x1D300] =	vst v63  }
0x18b: {  	s19 =	simm.s32 $0x5080;
	v54 =	vperm.xlane v17, v6;
	v18 =	vadd.s32 v3, v53  }
0x18c: {  	[tilespmem:s19], [sflag:$0x2] =	stream.indirect_vreg.gather [hbm4b:s15+s23], $0x80, v19, vm0, $0xb8;
	[tilespmem:$0x1D300] =	vst v63  }
0x18d: {  	s8 =	simm.s32 $0x5100;
	v55 =	vperm.xlane v17, v7;
	v19 =	vadd.s32 v3, v54  }
0x18e: {  	[tilespmem:s8], [sflag:$0x2] =	stream.indirect_vreg.gather [hbm4b:s15+s23], $0x80, v20, vm0, $0xb8;
	[tilespmem:$0x1D300] =	vst v63  }
0x18f: {  	v57 =	vperm.xlane v17, v8;
	v56 =	vadd.s32 v3, v55;
	s19 =	simm.s32 $0x5180  }
0x190: {  	[tilespmem:s19], [sflag:$0x2] =	stream.indirect_vreg.gather [hbm4b:s15+s23], $0x80, v18, vm0, $0xb8;
	[tilespmem:$0x1D300] =	vst v63  }
0x191: {  	v58 =	vperm.xlane v17, v0;
	s8 =	simm.s32 $0x5200;
	v18 =	vadd.s32 v3, v57  }
0x192: {  	[tilespmem:s8], [sflag:$0x2] =	stream.indirect_vreg.gather [hbm4b:s15+s23], $0x80, v19, vm0, $0xb8;
	[tilespmem:$0x1D300] =	vst v63  }
0x193: {  	v59 =	vperm.xlane v17, v9;
	s19 =	simm.s32 $0x5280;
	v19 =	vadd.s32 v3, v58  }
0x194: {  	[tilespmem:s19], [sflag:$0x2] =	stream.indirect_vreg.gather [hbm4b:s15+s23], $0x80, v56, vm0, $0xb8;
	[tilespmem:$0x1D300] =	vst v63  }
0x195: {  	v61 =	vperm.xlane v17, v10;
	v60 =	vadd.s32 v3, v59;
	s8 =	simm.s32 $0x5300  }
0x196: {  	[tilespmem:s8], [sflag:$0x2] =	stream.indirect_vreg.gather [hbm4b:s15+s23], $0x80, v18, vm0, $0xb8;
	[tilespmem:$0x1D300] =	vst v63  }
0x197: {  	v62 =	vperm.xlane v17, v11;
	s19 =	simm.s32 $0x5380;
	v18 =	vadd.s32 v3, v61  }
0x198: {  	[tilespmem:s19], [sflag:$0x2] =	stream.indirect_vreg.gather [hbm4b:s15+s23], $0x80, v19, vm0, $0xb8;
	[tilespmem:$0x1D300] =	vst v63  }
0x199: {  	v63 =	vperm.xlane v17, v12;
	s8 =	simm.s32 $0x5400;
	v19 =	vadd.s32 v3, v62  }
0x19a: {  	[tilespmem:s8], [sflag:$0x2] =	stream.indirect_vreg.gather [hbm4b:s15+s23], $0x80, v60, vm0, $0xb8;
	[tilespmem:$0x1D300] =	vst v63  }
0x19b: {  	v25 =	vperm.xlane v17, v13;
	v24 =	vadd.s32 v3, v63;
	s19 =	simm.s32 $0x5480  }
0x19c: {  	[tilespmem:s19], [sflag:$0x2] =	stream.indirect_vreg.gather [hbm4b:s15+s23], $0x80, v18, vm0, $0xb8;
	[tilespmem:$0x1D300] =	vst v63  }
0x19d: {  	v26 =	vperm.xlane v17, v14;
	s8 =	simm.s32 $0x5500;
	v18 =	vadd.s32 v3, v25  }
0x19e: {  	[tilespmem:s8], [sflag:$0x2] =	stream.indirect_vreg.gather [hbm4b:s15+s23], $0x80, v19, vm0, $0xb8;
	[tilespmem:$0x1D300] =	vst v63  }
0x19f: {  	v27 =	vperm.xlane v17, v15;
	s19 =	simm.s32 $0x5580;
	v19 =	vadd.s32 v3, v26  }
0x1a0: {  	[tilespmem:s19], [sflag:$0x2] =	stream.indirect_vreg.gather [hbm4b:s15+s23], $0x80, v24, vm0, $0xb8;
	[tilespmem:$0x1D300] =	vst v63  }
0x1a1: {  	v17 =	vperm.xlane v17, v16;
	v28 =	vadd.s32 v3, v27;
	s8 =	simm.s32 $0x5600  }
0x1a2: {  	[tilespmem:s8], [sflag:$0x2] =	stream.indirect_vreg.gather [hbm4b:s15+s23], $0x80, v18, vm0, $0xb8;
	[tilespmem:$0x1D300] =	vst v63  }
0x1a3: {  	v17 =	vadd.s32 v3, v17;
	s19 =	simm.s32 $0x5680  }
0x1a4: {  	[tilespmem:s19], [sflag:$0x2] =	stream.indirect_vreg.gather [hbm4b:s15+s23], $0x80, v19, vm0, $0xb8;
	[tilespmem:$0x1D300] =	vst v63  }
0x1a5: {  	s8 =	simm.s32 $0x5700  }
0x1a6: {  	[tilespmem:s8], [sflag:$0x2] =	stream.indirect_vreg.gather [hbm4b:s15+s23], $0x80, v28, vm0, $0xb8;
	[tilespmem:$0x1D300] =	vst v63  }
0x1a7: {  	s19 =	simm.s32 $0x5780  }
0x1a8: {  	[tilespmem:s19], [sflag:$0x2] =	stream.indirect_vreg.gather [hbm4b:s15+s23], $0x80, v17, vm0, $0xb8;
	[tilespmem:$0x1D300] =	vst v63  }
0x1a9: {  	v17 =	vld [tilespmem:$0x90];
	_ =	sdelay $0x4  }
0x1aa: {  	v18 =	vshll.u32 v17, $0x1  }
0x1ab: {  	v17 =	vand.u32 $0x7, v17;
	v18 =	vand.u32 $0xFFFFFFF0, v18  }
0x1ac: {  	v17 =	vor.u32 v17, v18  }
0x1ad: {  	v18 =	vperm.xlane v17, v2;
	_ =	sdelay $0x1  }
0x1ae: {  	v19 =	vperm.xlane v17, v1;
	v18 =	vadd.s32 v3, v18;
	_ =	sdelay $0x1  }
0x1af: {  	v29 =	vperm.xlane v17, v4;
	v19 =	vadd.s32 v3, v19;
	_ =	sdelay $0x1  }
0x1b0: {  	s8 =	simm.s32 $0x5800;
	v30 =	vperm.xlane v17, v5;
	v20 =	vadd.s32 v3, v29  }
0x1b1: {  	[tilespmem:s8], [sflag:$0x2] =	stream.indirect_vreg.gather [hbm4b:s15+s23], $0x80, v18, vm0, $0xb8;
	[tilespmem:$0x1D300] =	vst v63  }
0x1b2: {  	s19 =	simm.s32 $0x5880;
	v31 =	vperm.xlane v17, v6;
	v18 =	vadd.s32 v3, v30  }
0x1b3: {  	[tilespmem:s19], [sflag:$0x2] =	stream.indirect_vreg.gather [hbm4b:s15+s23], $0x80, v19, vm0, $0xb8;
	[tilespmem:$0x1D300] =	vst v63  }
0x1b4: {  	v32 =	vperm.xlane v17, v7;
	s8 =	simm.s32 $0x5900;
	v19 =	vadd.s32 v3, v31  }
0x1b5: {  	[tilespmem:s8], [sflag:$0x2] =	stream.indirect_vreg.gather [hbm4b:s15+s23], $0x80, v20, vm0, $0xb8;
	[tilespmem:$0x1D300] =	vst v63  }
0x1b6: {  	v34 =	vperm.xlane v17, v8;
	v33 =	vadd.s32 v3, v32;
	s19 =	simm.s32 $0x5980  }
0x1b7: {  	[tilespmem:s19], [sflag:$0x2] =	stream.indirect_vreg.gather [hbm4b:s15+s23], $0x80, v18, vm0, $0xb8;
	[tilespmem:$0x1D300] =	vst v63  }
0x1b8: {  	v35 =	vperm.xlane v17, v0;
	s8 =	simm.s32 $0x5A00;
	v18 =	vadd.s32 v3, v34  }
0x1b9: {  	[tilespmem:s8], [sflag:$0x2] =	stream.indirect_vreg.gather [hbm4b:s15+s23], $0x80, v19, vm0, $0xb8;
	[tilespmem:$0x1D300] =	vst v63  }
0x1ba: {  	v36 =	vperm.xlane v17, v9;
	s19 =	simm.s32 $0x5A80;
	v19 =	vadd.s32 v3, v35  }
0x1bb: {  	[tilespmem:s19], [sflag:$0x2] =	stream.indirect_vreg.gather [hbm4b:s15+s23], $0x80, v33, vm0, $0xb8;
	[tilespmem:$0x1D300] =	vst v63  }
0x1bc: {  	v38 =	vperm.xlane v17, v10;
	v37 =	vadd.s32 v3, v36;
	s8 =	simm.s32 $0x5B00  }
0x1bd: {  	[tilespmem:s8], [sflag:$0x2] =	stream.indirect_vreg.gather [hbm4b:s15+s23], $0x80, v18, vm0, $0xb8;
	[tilespmem:$0x1D300] =	vst v63  }
0x1be: {  	v39 =	vperm.xlane v17, v11;
	s19 =	simm.s32 $0x5B80;
	v18 =	vadd.s32 v3, v38  }
0x1bf: {  	[tilespmem:s19], [sflag:$0x2] =	stream.indirect_vreg.gather [hbm4b:s15+s23], $0x80, v19, vm0, $0xb8;
	[tilespmem:$0x1D300] =	vst v63  }
0x1c0: {  	v40 =	vperm.xlane v17, v12;
	s8 =	simm.s32 $0x5C00;
	v19 =	vadd.s32 v3, v39  }
0x1c1: {  	[tilespmem:s8], [sflag:$0x2] =	stream.indirect_vreg.gather [hbm4b:s15+s23], $0x80, v37, vm0, $0xb8;
	[tilespmem:$0x1D300] =	vst v63  }
0x1c2: {  	v42 =	vperm.xlane v17, v13;
	v41 =	vadd.s32 v3, v40;
	s19 =	simm.s32 $0x5C80  }
0x1c3: {  	[tilespmem:s19], [sflag:$0x2] =	stream.indirect_vreg.gather [hbm4b:s15+s23], $0x80, v18, vm0, $0xb8;
	[tilespmem:$0x1D300] =	vst v63  }
0x1c4: {  	v43 =	vperm.xlane v17, v14;
	s8 =	simm.s32 $0x5D00;
	v18 =	vadd.s32 v3, v42  }
0x1c5: {  	[tilespmem:s8], [sflag:$0x2] =	stream.indirect_vreg.gather [hbm4b:s15+s23], $0x80, v19, vm0, $0xb8;
	[tilespmem:$0x1D300] =	vst v63  }
0x1c6: {  	v44 =	vperm.xlane v17, v15;
	s19 =	simm.s32 $0x5D80;
	v19 =	vadd.s32 v3, v43  }
0x1c7: {  	[tilespmem:s19], [sflag:$0x2] =	stream.indirect_vreg.gather [hbm4b:s15+s23], $0x80, v41, vm0, $0xb8;
	[tilespmem:$0x1D300] =	vst v63  }
0x1c8: {  	v17 =	vperm.xlane v17, v16;
	v45 =	vadd.s32 v3, v44;
	s8 =	simm.s32 $0x5E00  }
0x1c9: {  	[tilespmem:s8], [sflag:$0x2] =	stream.indirect_vreg.gather [hbm4b:s15+s23], $0x80, v18, vm0, $0xb8;
	[tilespmem:$0x1D300] =	vst v63  }
0x1ca: {  	v17 =	vadd.s32 v3, v17;
	s19 =	simm.s32 $0x5E80  }
0x1cb: {  	[tilespmem:s19], [sflag:$0x2] =	stream.indirect_vreg.gather [hbm4b:s15+s23], $0x80, v19, vm0, $0xb8;
	[tilespmem:$0x1D300] =	vst v63  }
0x1cc: {  	s8 =	simm.s32 $0x5F00  }
0x1cd: {  	[tilespmem:s8], [sflag:$0x2] =	stream.indirect_vreg.gather [hbm4b:s15+s23], $0x80, v45, vm0, $0xb8;
	[tilespmem:$0x1D300] =	vst v63  }
0x1ce: {  	s19 =	simm.s32 $0x5F80  }
0x1cf: {  	[tilespmem:s19], [sflag:$0x2] =	stream.indirect_vreg.gather [hbm4b:s15+s23], $0x80, v17, vm0, $0xb8;
	[tilespmem:$0x1D300] =	vst v63  }
0x1d0: {  	v17 =	vld [tilespmem:$0xA0];
	_ =	sdelay $0x4  }
0x1d1: {  	v18 =	vshll.u32 v17, $0x1  }
0x1d2: {  	v17 =	vand.u32 $0x7, v17;
	v18 =	vand.u32 $0xFFFFFFF0, v18  }
0x1d3: {  	v17 =	vor.u32 v17, v18  }
0x1d4: {  	v18 =	vperm.xlane v17, v2;
	_ =	sdelay $0x1  }
0x1d5: {  	v19 =	vperm.xlane v17, v1;
	v18 =	vadd.s32 v3, v18;
	_ =	sdelay $0x1  }
0x1d6: {  	v46 =	vperm.xlane v17, v4;
	v19 =	vadd.s32 v3, v19;
	_ =	sdelay $0x1  }
0x1d7: {  	s8 =	simm.s32 $0x6000;
	v47 =	vperm.xlane v17, v5;
	v20 =	vadd.s32 v3, v46  }
0x1d8: {  	[tilespmem:s8], [sflag:$0x2] =	stream.indirect_vreg.gather [hbm4b:s15+s23], $0x80, v18, vm0, $0xb8;
	[tilespmem:$0x1D300] =	vst v63  }
0x1d9: {  	s19 =	simm.s32 $0x6080;
	v48 =	vperm.xlane v17, v6;
	v18 =	vadd.s32 v3, v47  }
0x1da: {  	[tilespmem:s19], [sflag:$0x2] =	stream.indirect_vreg.gather [hbm4b:s15+s23], $0x80, v19, vm0, $0xb8;
	[tilespmem:$0x1D300] =	vst v63  }
0x1db: {  	v49 =	vperm.xlane v17, v7;
	s8 =	simm.s32 $0x6100;
	v19 =	vadd.s32 v3, v48  }
0x1dc: {  	[tilespmem:s8], [sflag:$0x2] =	stream.indirect_vreg.gather [hbm4b:s15+s23], $0x80, v20, vm0, $0xb8;
	[tilespmem:$0x1D300] =	vst v63  }
0x1dd: {  	v51 =	vperm.xlane v17, v8;
	v50 =	vadd.s32 v3, v49;
	s19 =	simm.s32 $0x6180  }
0x1de: {  	[tilespmem:s19], [sflag:$0x2] =	stream.indirect_vreg.gather [hbm4b:s15+s23], $0x80, v18, vm0, $0xb8;
	[tilespmem:$0x1D300] =	vst v63  }
0x1df: {  	v52 =	vperm.xlane v17, v0;
	s8 =	simm.s32 $0x6200;
	v18 =	vadd.s32 v3, v51  }
0x1e0: {  	[tilespmem:s8], [sflag:$0x2] =	stream.indirect_vreg.gather [hbm4b:s15+s23], $0x80, v19, vm0, $0xb8;
	[tilespmem:$0x1D300] =	vst v63  }
0x1e1: {  	v53 =	vperm.xlane v17, v9;
	s19 =	simm.s32 $0x6280;
	v19 =	vadd.s32 v3, v52  }
0x1e2: {  	[tilespmem:s19], [sflag:$0x2] =	stream.indirect_vreg.gather [hbm4b:s15+s23], $0x80, v50, vm0, $0xb8;
	[tilespmem:$0x1D300] =	vst v63  }
0x1e3: {  	v55 =	vperm.xlane v17, v10;
	v54 =	vadd.s32 v3, v53;
	s8 =	simm.s32 $0x6300  }
0x1e4: {  	[tilespmem:s8], [sflag:$0x2] =	stream.indirect_vreg.gather [hbm4b:s15+s23], $0x80, v18, vm0, $0xb8;
	[tilespmem:$0x1D300] =	vst v63  }
0x1e5: {  	v56 =	vperm.xlane v17, v11;
	s19 =	simm.s32 $0x6380;
	v18 =	vadd.s32 v3, v55  }
0x1e6: {  	[tilespmem:s19], [sflag:$0x2] =	stream.indirect_vreg.gather [hbm4b:s15+s23], $0x80, v19, vm0, $0xb8;
	[tilespmem:$0x1D300] =	vst v63  }
0x1e7: {  	v57 =	vperm.xlane v17, v12;
	s8 =	simm.s32 $0x6400;
	v19 =	vadd.s32 v3, v56  }
0x1e8: {  	[tilespmem:s8], [sflag:$0x2] =	stream.indirect_vreg.gather [hbm4b:s15+s23], $0x80, v54, vm0, $0xb8;
	[tilespmem:$0x1D300] =	vst v63  }
0x1e9: {  	v59 =	vperm.xlane v17, v13;
	v58 =	vadd.s32 v3, v57;
	s19 =	simm.s32 $0x6480  }
0x1ea: {  	[tilespmem:s19], [sflag:$0x2] =	stream.indirect_vreg.gather [hbm4b:s15+s23], $0x80, v18, vm0, $0xb8;
	[tilespmem:$0x1D300] =	vst v63  }
0x1eb: {  	v60 =	vperm.xlane v17, v14;
	s8 =	simm.s32 $0x6500;
	v18 =	vadd.s32 v3, v59  }
0x1ec: {  	[tilespmem:s8], [sflag:$0x2] =	stream.indirect_vreg.gather [hbm4b:s15+s23], $0x80, v19, vm0, $0xb8;
	[tilespmem:$0x1D300] =	vst v63  }
0x1ed: {  	v61 =	vperm.xlane v17, v15;
	s19 =	simm.s32 $0x6580;
	v19 =	vadd.s32 v3, v60  }
0x1ee: {  	[tilespmem:s19], [sflag:$0x2] =	stream.indirect_vreg.gather [hbm4b:s15+s23], $0x80, v58, vm0, $0xb8;
	[tilespmem:$0x1D300] =	vst v63  }
0x1ef: {  	v17 =	vperm.xlane v17, v16;
	v62 =	vadd.s32 v3, v61;
	s8 =	simm.s32 $0x6600  }
0x1f0: {  	[tilespmem:s8], [sflag:$0x2] =	stream.indirect_vreg.gather [hbm4b:s15+s23], $0x80, v18, vm0, $0xb8;
	[tilespmem:$0x1D300] =	vst v63  }
0x1f1: {  	v17 =	vadd.s32 v3, v17;
	s19 =	simm.s32 $0x6680  }
0x1f2: {  	[tilespmem:s19], [sflag:$0x2] =	stream.indirect_vreg.gather [hbm4b:s15+s23], $0x80, v19, vm0, $0xb8;
	[tilespmem:$0x1D300] =	vst v63  }
0x1f3: {  	s8 =	simm.s32 $0x6700  }
0x1f4: {  	[tilespmem:s8], [sflag:$0x2] =	stream.indirect_vreg.gather [hbm4b:s15+s23], $0x80, v62, vm0, $0xb8;
	[tilespmem:$0x1D300] =	vst v63  }
0x1f5: {  	s19 =	simm.s32 $0x6780  }
0x1f6: {  	[tilespmem:s19], [sflag:$0x2] =	stream.indirect_vreg.gather [hbm4b:s15+s23], $0x80, v17, vm0, $0xb8;
	[tilespmem:$0x1D300] =	vst v63  }
0x1f7: {  	v17 =	vld [tilespmem:$0xB0];
	_ =	sdelay $0x4  }
0x1f8: {  	v18 =	vshll.u32 v17, $0x1  }
0x1f9: {  	v17 =	vand.u32 $0x7, v17;
	v18 =	vand.u32 $0xFFFFFFF0, v18  }
0x1fa: {  	v17 =	vor.u32 v17, v18  }
0x1fb: {  	v18 =	vperm.xlane v17, v2;
	_ =	sdelay $0x1  }
0x1fc: {  	v19 =	vperm.xlane v17, v1;
	v18 =	vadd.s32 v3, v18;
	_ =	sdelay $0x1  }
0x1fd: {  	v63 =	vperm.xlane v17, v4;
	v19 =	vadd.s32 v3, v19;
	_ =	sdelay $0x1  }
0x1fe: {  	s8 =	simm.s32 $0x6800;
	v24 =	vperm.xlane v17, v5;
	v20 =	vadd.s32 v3, v63  }
0x1ff: {  	[tilespmem:s8], [sflag:$0x2] =	stream.indirect_vreg.gather [hbm4b:s15+s23], $0x80, v18, vm0, $0xb8;
	[tilespmem:$0x1D300] =	vst v63  }
0x200: {  	s19 =	simm.s32 $0x6880;
	v25 =	vperm.xlane v17, v6;
	v18 =	vadd.s32 v3, v24  }
0x201: {  	[tilespmem:s19], [sflag:$0x2] =	stream.indirect_vreg.gather [hbm4b:s15+s23], $0x80, v19, vm0, $0xb8;
	[tilespmem:$0x1D300] =	vst v63  }
0x202: {  	v26 =	vperm.xlane v17, v7;
	s8 =	simm.s32 $0x6900;
	v19 =	vadd.s32 v3, v25  }
0x203: {  	[tilespmem:s8], [sflag:$0x2] =	stream.indirect_vreg.gather [hbm4b:s15+s23], $0x80, v20, vm0, $0xb8;
	[tilespmem:$0x1D300] =	vst v63  }
0x204: {  	v28 =	vperm.xlane v17, v8;
	v27 =	vadd.s32 v3, v26;
	s19 =	simm.s32 $0x6980  }
0x205: {  	[tilespmem:s19], [sflag:$0x2] =	stream.indirect_vreg.gather [hbm4b:s15+s23], $0x80, v18, vm0, $0xb8;
	[tilespmem:$0x1D300] =	vst v63  }
0x206: {  	v29 =	vperm.xlane v17, v0;
	s8 =	simm.s32 $0x6A00;
	v18 =	vadd.s32 v3, v28  }
0x207: {  	[tilespmem:s8], [sflag:$0x2] =	stream.indirect_vreg.gather [hbm4b:s15+s23], $0x80, v19, vm0, $0xb8;
	[tilespmem:$0x1D300] =	vst v63  }
0x208: {  	v30 =	vperm.xlane v17, v9;
	s19 =	simm.s32 $0x6A80;
	v19 =	vadd.s32 v3, v29  }
0x209: {  	[tilespmem:s19], [sflag:$0x2] =	stream.indirect_vreg.gather [hbm4b:s15+s23], $0x80, v27, vm0, $0xb8;
	[tilespmem:$0x1D300] =	vst v63  }
0x20a: {  	v32 =	vperm.xlane v17, v10;
	v31 =	vadd.s32 v3, v30;
	s8 =	simm.s32 $0x6B00  }
0x20b: {  	[tilespmem:s8], [sflag:$0x2] =	stream.indirect_vreg.gather [hbm4b:s15+s23], $0x80, v18, vm0, $0xb8;
	[tilespmem:$0x1D300] =	vst v63  }
0x20c: {  	v33 =	vperm.xlane v17, v11;
	s19 =	simm.s32 $0x6B80;
	v18 =	vadd.s32 v3, v32  }
0x20d: {  	[tilespmem:s19], [sflag:$0x2] =	stream.indirect_vreg.gather [hbm4b:s15+s23], $0x80, v19, vm0, $0xb8;
	[tilespmem:$0x1D300] =	vst v63  }
0x20e: {  	v34 =	vperm.xlane v17, v12;
	s8 =	simm.s32 $0x6C00;
	v19 =	vadd.s32 v3, v33  }
0x20f: {  	[tilespmem:s8], [sflag:$0x2] =	stream.indirect_vreg.gather [hbm4b:s15+s23], $0x80, v31, vm0, $0xb8;
	[tilespmem:$0x1D300] =	vst v63  }
0x210: {  	v36 =	vperm.xlane v17, v13;
	v35 =	vadd.s32 v3, v34;
	s19 =	simm.s32 $0x6C80  }
0x211: {  	[tilespmem:s19], [sflag:$0x2] =	stream.indirect_vreg.gather [hbm4b:s15+s23], $0x80, v18, vm0, $0xb8;
	[tilespmem:$0x1D300] =	vst v63  }
0x212: {  	v37 =	vperm.xlane v17, v14;
	s8 =	simm.s32 $0x6D00;
	v18 =	vadd.s32 v3, v36  }
0x213: {  	[tilespmem:s8], [sflag:$0x2] =	stream.indirect_vreg.gather [hbm4b:s15+s23], $0x80, v19, vm0, $0xb8;
	[tilespmem:$0x1D300] =	vst v63  }
0x214: {  	v38 =	vperm.xlane v17, v15;
	s19 =	simm.s32 $0x6D80;
	v19 =	vadd.s32 v3, v37  }
0x215: {  	[tilespmem:s19], [sflag:$0x2] =	stream.indirect_vreg.gather [hbm4b:s15+s23], $0x80, v35, vm0, $0xb8;
	[tilespmem:$0x1D300] =	vst v63  }
0x216: {  	v17 =	vperm.xlane v17, v16;
	v39 =	vadd.s32 v3, v38;
	s8 =	simm.s32 $0x6E00  }
0x217: {  	[tilespmem:s8], [sflag:$0x2] =	stream.indirect_vreg.gather [hbm4b:s15+s23], $0x80, v18, vm0, $0xb8;
	[tilespmem:$0x1D300] =	vst v63  }
0x218: {  	v17 =	vadd.s32 v3, v17;
	s19 =	simm.s32 $0x6E80  }
0x219: {  	[tilespmem:s19], [sflag:$0x2] =	stream.indirect_vreg.gather [hbm4b:s15+s23], $0x80, v19, vm0, $0xb8;
	[tilespmem:$0x1D300] =	vst v63  }
0x21a: {  	s8 =	simm.s32 $0x6F00  }
0x21b: {  	[tilespmem:s8], [sflag:$0x2] =	stream.indirect_vreg.gather [hbm4b:s15+s23], $0x80, v39, vm0, $0xb8;
	[tilespmem:$0x1D300] =	vst v63  }
0x21c: {  	s19 =	simm.s32 $0x6F80  }
0x21d: {  	[tilespmem:s19], [sflag:$0x2] =	stream.indirect_vreg.gather [hbm4b:s15+s23], $0x80, v17, vm0, $0xb8;
	[tilespmem:$0x1D300] =	vst v63  }
0x21e: {  	v17 =	vld [tilespmem:$0xC0];
	_ =	sdelay $0x4  }
0x21f: {  	v18 =	vshll.u32 v17, $0x1  }
0x220: {  	v17 =	vand.u32 $0x7, v17;
	v18 =	vand.u32 $0xFFFFFFF0, v18  }
0x221: {  	v17 =	vor.u32 v17, v18  }
0x222: {  	v18 =	vperm.xlane v17, v2;
	_ =	sdelay $0x1  }
0x223: {  	v19 =	vperm.xlane v17, v1;
	v18 =	vadd.s32 v3, v18;
	_ =	sdelay $0x1  }
0x224: {  	v40 =	vperm.xlane v17, v4;
	v19 =	vadd.s32 v3, v19;
	_ =	sdelay $0x1  }
0x225: {  	s8 =	simm.s32 $0x7000;
	v41 =	vperm.xlane v17, v5;
	v20 =	vadd.s32 v3, v40  }
0x226: {  	[tilespmem:s8], [sflag:$0x2] =	stream.indirect_vreg.gather [hbm4b:s15+s23], $0x80, v18, vm0, $0xb8;
	[tilespmem:$0x1D300] =	vst v63  }
0x227: {  	s19 =	simm.s32 $0x7080;
	v42 =	vperm.xlane v17, v6;
	v18 =	vadd.s32 v3, v41  }
0x228: {  	[tilespmem:s19], [sflag:$0x2] =	stream.indirect_vreg.gather [hbm4b:s15+s23], $0x80, v19, vm0, $0xb8;
	[tilespmem:$0x1D300] =	vst v63  }
0x229: {  	v43 =	vperm.xlane v17, v7;
	s8 =	simm.s32 $0x7100;
	v19 =	vadd.s32 v3, v42  }
0x22a: {  	[tilespmem:s8], [sflag:$0x2] =	stream.indirect_vreg.gather [hbm4b:s15+s23], $0x80, v20, vm0, $0xb8;
	[tilespmem:$0x1D300] =	vst v63  }
0x22b: {  	v45 =	vperm.xlane v17, v8;
	v44 =	vadd.s32 v3, v43;
	s19 =	simm.s32 $0x7180  }
0x22c: {  	[tilespmem:s19], [sflag:$0x2] =	stream.indirect_vreg.gather [hbm4b:s15+s23], $0x80, v18, vm0, $0xb8;
	[tilespmem:$0x1D300] =	vst v63  }
0x22d: {  	v46 =	vperm.xlane v17, v0;
	s8 =	simm.s32 $0x7200;
	v18 =	vadd.s32 v3, v45  }
0x22e: {  	[tilespmem:s8], [sflag:$0x2] =	stream.indirect_vreg.gather [hbm4b:s15+s23], $0x80, v19, vm0, $0xb8;
	[tilespmem:$0x1D300] =	vst v63  }
0x22f: {  	v47 =	vperm.xlane v17, v9;
	s19 =	simm.s32 $0x7280;
	v19 =	vadd.s32 v3, v46  }
0x230: {  	[tilespmem:s19], [sflag:$0x2] =	stream.indirect_vreg.gather [hbm4b:s15+s23], $0x80, v44, vm0, $0xb8;
	[tilespmem:$0x1D300] =	vst v63  }
0x231: {  	v49 =	vperm.xlane v17, v10;
	v48 =	vadd.s32 v3, v47;
	s8 =	simm.s32 $0x7300  }
0x232: {  	[tilespmem:s8], [sflag:$0x2] =	stream.indirect_vreg.gather [hbm4b:s15+s23], $0x80, v18, vm0, $0xb8;
	[tilespmem:$0x1D300] =	vst v63  }
0x233: {  	v50 =	vperm.xlane v17, v11;
	s19 =	simm.s32 $0x7380;
	v18 =	vadd.s32 v3, v49  }
0x234: {  	[tilespmem:s19], [sflag:$0x2] =	stream.indirect_vreg.gather [hbm4b:s15+s23], $0x80, v19, vm0, $0xb8;
	[tilespmem:$0x1D300] =	vst v63  }
0x235: {  	v51 =	vperm.xlane v17, v12;
	s8 =	simm.s32 $0x7400;
	v19 =	vadd.s32 v3, v50  }
0x236: {  	[tilespmem:s8], [sflag:$0x2] =	stream.indirect_vreg.gather [hbm4b:s15+s23], $0x80, v48, vm0, $0xb8;
	[tilespmem:$0x1D300] =	vst v63  }
0x237: {  	v53 =	vperm.xlane v17, v13;
	v52 =	vadd.s32 v3, v51;
	s19 =	simm.s32 $0x7480  }
0x238: {  	[tilespmem:s19], [sflag:$0x2] =	stream.indirect_vreg.gather [hbm4b:s15+s23], $0x80, v18, vm0, $0xb8;
	[tilespmem:$0x1D300] =	vst v63  }
0x239: {  	v54 =	vperm.xlane v17, v14;
	s8 =	simm.s32 $0x7500;
	v18 =	vadd.s32 v3, v53  }
0x23a: {  	[tilespmem:s8], [sflag:$0x2] =	stream.indirect_vreg.gather [hbm4b:s15+s23], $0x80, v19, vm0, $0xb8;
	[tilespmem:$0x1D300] =	vst v63  }
0x23b: {  	v55 =	vperm.xlane v17, v15;
	s19 =	simm.s32 $0x7580;
	v19 =	vadd.s32 v3, v54  }
0x23c: {  	[tilespmem:s19], [sflag:$0x2] =	stream.indirect_vreg.gather [hbm4b:s15+s23], $0x80, v52, vm0, $0xb8;
	[tilespmem:$0x1D300] =	vst v63  }
0x23d: {  	v17 =	vperm.xlane v17, v16;
	v56 =	vadd.s32 v3, v55;
	s8 =	simm.s32 $0x7600  }
0x23e: {  	[tilespmem:s8], [sflag:$0x2] =	stream.indirect_vreg.gather [hbm4b:s15+s23], $0x80, v18, vm0, $0xb8;
	[tilespmem:$0x1D300] =	vst v63  }
0x23f: {  	v17 =	vadd.s32 v3, v17;
	s19 =	simm.s32 $0x7680  }
0x240: {  	[tilespmem:s19], [sflag:$0x2] =	stream.indirect_vreg.gather [hbm4b:s15+s23], $0x80, v19, vm0, $0xb8;
	[tilespmem:$0x1D300] =	vst v63  }
0x241: {  	s8 =	simm.s32 $0x7700  }
0x242: {  	[tilespmem:s8], [sflag:$0x2] =	stream.indirect_vreg.gather [hbm4b:s15+s23], $0x80, v56, vm0, $0xb8;
	[tilespmem:$0x1D300] =	vst v63  }
0x243: {  	s19 =	simm.s32 $0x7780  }
0x244: {  	[tilespmem:s19], [sflag:$0x2] =	stream.indirect_vreg.gather [hbm4b:s15+s23], $0x80, v17, vm0, $0xb8;
	[tilespmem:$0x1D300] =	vst v63  }
0x245: {  	v17 =	vld [tilespmem:$0xD0];
	_ =	sdelay $0x4  }
0x246: {  	v18 =	vshll.u32 v17, $0x1  }
0x247: {  	v17 =	vand.u32 $0x7, v17;
	v18 =	vand.u32 $0xFFFFFFF0, v18  }
0x248: {  	v17 =	vor.u32 v17, v18  }
0x249: {  	v18 =	vperm.xlane v17, v2;
	_ =	sdelay $0x1  }
0x24a: {  	v19 =	vperm.xlane v17, v1;
	v18 =	vadd.s32 v3, v18;
	_ =	sdelay $0x1  }
0x24b: {  	v57 =	vperm.xlane v17, v4;
	v19 =	vadd.s32 v3, v19;
	_ =	sdelay $0x1  }
0x24c: {  	s8 =	simm.s32 $0x7800;
	v58 =	vperm.xlane v17, v5;
	v20 =	vadd.s32 v3, v57  }
0x24d: {  	[tilespmem:s8], [sflag:$0x2] =	stream.indirect_vreg.gather [hbm4b:s15+s23], $0x80, v18, vm0, $0xb8;
	[tilespmem:$0x1D300] =	vst v63  }
0x24e: {  	s19 =	simm.s32 $0x7880;
	v59 =	vperm.xlane v17, v6;
	v18 =	vadd.s32 v3, v58  }
0x24f: {  	[tilespmem:s19], [sflag:$0x2] =	stream.indirect_vreg.gather [hbm4b:s15+s23], $0x80, v19, vm0, $0xb8;
	[tilespmem:$0x1D300] =	vst v63  }
0x250: {  	v60 =	vperm.xlane v17, v7;
	s8 =	simm.s32 $0x7900;
	v19 =	vadd.s32 v3, v59  }
0x251: {  	[tilespmem:s8], [sflag:$0x2] =	stream.indirect_vreg.gather [hbm4b:s15+s23], $0x80, v20, vm0, $0xb8;
	[tilespmem:$0x1D300] =	vst v63  }
0x252: {  	v62 =	vperm.xlane v17, v8;
	v61 =	vadd.s32 v3, v60;
	s19 =	simm.s32 $0x7980  }
0x253: {  	[tilespmem:s19], [sflag:$0x2] =	stream.indirect_vreg.gather [hbm4b:s15+s23], $0x80, v18, vm0, $0xb8;
	[tilespmem:$0x1D300] =	vst v63  }
0x254: {  	v63 =	vperm.xlane v17, v0;
	s8 =	simm.s32 $0x7A00;
	v18 =	vadd.s32 v3, v62  }
0x255: {  	[tilespmem:s8], [sflag:$0x2] =	stream.indirect_vreg.gather [hbm4b:s15+s23], $0x80, v19, vm0, $0xb8;
	[tilespmem:$0x1D300] =	vst v63  }
0x256: {  	v24 =	vperm.xlane v17, v9;
	s19 =	simm.s32 $0x7A80;
	v19 =	vadd.s32 v3, v63  }
0x257: {  	[tilespmem:s19], [sflag:$0x2] =	stream.indirect_vreg.gather [hbm4b:s15+s23], $0x80, v61, vm0, $0xb8;
	[tilespmem:$0x1D300] =	vst v63  }
0x258: {  	v26 =	vperm.xlane v17, v10;
	v25 =	vadd.s32 v3, v24;
	s8 =	simm.s32 $0x7B00  }
0x259: {  	[tilespmem:s8], [sflag:$0x2] =	stream.indirect_vreg.gather [hbm4b:s15+s23], $0x80, v18, vm0, $0xb8;
	[tilespmem:$0x1D300] =	vst v63  }
0x25a: {  	v27 =	vperm.xlane v17, v11;
	s19 =	simm.s32 $0x7B80;
	v18 =	vadd.s32 v3, v26  }
0x25b: {  	[tilespmem:s19], [sflag:$0x2] =	stream.indirect_vreg.gather [hbm4b:s15+s23], $0x80, v19, vm0, $0xb8;
	[tilespmem:$0x1D300] =	vst v63  }
0x25c: {  	v28 =	vperm.xlane v17, v12;
	s8 =	simm.s32 $0x7C00;
	v19 =	vadd.s32 v3, v27  }
0x25d: {  	[tilespmem:s8], [sflag:$0x2] =	stream.indirect_vreg.gather [hbm4b:s15+s23], $0x80, v25, vm0, $0xb8;
	[tilespmem:$0x1D300] =	vst v63  }
0x25e: {  	v30 =	vperm.xlane v17, v13;
	v29 =	vadd.s32 v3, v28;
	s19 =	simm.s32 $0x7C80  }
0x25f: {  	[tilespmem:s19], [sflag:$0x2] =	stream.indirect_vreg.gather [hbm4b:s15+s23], $0x80, v18, vm0, $0xb8;
	[tilespmem:$0x1D300] =	vst v63  }
0x260: {  	v31 =	vperm.xlane v17, v14;
	s8 =	simm.s32 $0x7D00;
	v18 =	vadd.s32 v3, v30  }
0x261: {  	[tilespmem:s8], [sflag:$0x2] =	stream.indirect_vreg.gather [hbm4b:s15+s23], $0x80, v19, vm0, $0xb8;
	[tilespmem:$0x1D300] =	vst v63  }
0x262: {  	v32 =	vperm.xlane v17, v15;
	s19 =	simm.s32 $0x7D80;
	v19 =	vadd.s32 v3, v31  }
0x263: {  	[tilespmem:s19], [sflag:$0x2] =	stream.indirect_vreg.gather [hbm4b:s15+s23], $0x80, v29, vm0, $0xb8;
	[tilespmem:$0x1D300] =	vst v63  }
0x264: {  	v17 =	vperm.xlane v17, v16;
	v33 =	vadd.s32 v3, v32;
	s8 =	simm.s32 $0x7E00  }
0x265: {  	[tilespmem:s8], [sflag:$0x2] =	stream.indirect_vreg.gather [hbm4b:s15+s23], $0x80, v18, vm0, $0xb8;
	[tilespmem:$0x1D300] =	vst v63  }
0x266: {  	v17 =	vadd.s32 v3, v17;
	s19 =	simm.s32 $0x7E80  }
0x267: {  	[tilespmem:s19], [sflag:$0x2] =	stream.indirect_vreg.gather [hbm4b:s15+s23], $0x80, v19, vm0, $0xb8;
	[tilespmem:$0x1D300] =	vst v63  }
0x268: {  	s8 =	simm.s32 $0x7F00  }
0x269: {  	[tilespmem:s8], [sflag:$0x2] =	stream.indirect_vreg.gather [hbm4b:s15+s23], $0x80, v33, vm0, $0xb8;
	[tilespmem:$0x1D300] =	vst v63  }
0x26a: {  	s19 =	simm.s32 $0x7F80  }
0x26b: {  	[tilespmem:s19], [sflag:$0x2] =	stream.indirect_vreg.gather [hbm4b:s15+s23], $0x80, v17, vm0, $0xb8;
	[tilespmem:$0x1D300] =	vst v63  }
0x26c: {  	v17 =	vld [tilespmem:$0xE0];
	_ =	sdelay $0x4  }
0x26d: {  	v18 =	vshll.u32 v17, $0x1  }
0x26e: {  	v17 =	vand.u32 $0x7, v17;
	v18 =	vand.u32 $0xFFFFFFF0, v18  }
0x26f: {  	v17 =	vor.u32 v17, v18  }
0x270: {  	v18 =	vperm.xlane v17, v2;
	_ =	sdelay $0x1  }
0x271: {  	v19 =	vperm.xlane v17, v1;
	v18 =	vadd.s32 v3, v18;
	_ =	sdelay $0x1  }
0x272: {  	v34 =	vperm.xlane v17, v4;
	v19 =	vadd.s32 v3, v19;
	_ =	sdelay $0x1  }
0x273: {  	s8 =	simm.s32 $0x8000;
	v35 =	vperm.xlane v17, v5;
	v20 =	vadd.s32 v3, v34  }
0x274: {  	[tilespmem:s8], [sflag:$0x2] =	stream.indirect_vreg.gather [hbm4b:s15+s23], $0x80, v18, vm0, $0xb8;
	[tilespmem:$0x1D300] =	vst v63  }
0x275: {  	s19 =	simm.s32 $0x8080;
	v36 =	vperm.xlane v17, v6;
	v18 =	vadd.s32 v3, v35  }
0x276: {  	[tilespmem:s19], [sflag:$0x2] =	stream.indirect_vreg.gather [hbm4b:s15+s23], $0x80, v19, vm0, $0xb8;
	[tilespmem:$0x1D300] =	vst v63  }
0x277: {  	v37 =	vperm.xlane v17, v7;
	s8 =	simm.s32 $0x8100;
	v19 =	vadd.s32 v3, v36  }
0x278: {  	[tilespmem:s8], [sflag:$0x2] =	stream.indirect_vreg.gather [hbm4b:s15+s23], $0x80, v20, vm0, $0xb8;
	[tilespmem:$0x1D300] =	vst v63  }
0x279: {  	v39 =	vperm.xlane v17, v8;
	v38 =	vadd.s32 v3, v37;
	s19 =	simm.s32 $0x8180  }
0x27a: {  	[tilespmem:s19], [sflag:$0x2] =	stream.indirect_vreg.gather [hbm4b:s15+s23], $0x80, v18, vm0, $0xb8;
	[tilespmem:$0x1D300] =	vst v63  }
0x27b: {  	v40 =	vperm.xlane v17, v0;
	s8 =	simm.s32 $0x8200;
	v18 =	vadd.s32 v3, v39  }
0x27c: {  	[tilespmem:s8], [sflag:$0x2] =	stream.indirect_vreg.gather [hbm4b:s15+s23], $0x80, v19, vm0, $0xb8;
	[tilespmem:$0x1D300] =	vst v63  }
0x27d: {  	v41 =	vperm.xlane v17, v9;
	s19 =	simm.s32 $0x8280;
	v19 =	vadd.s32 v3, v40  }
0x27e: {  	[tilespmem:s19], [sflag:$0x2] =	stream.indirect_vreg.gather [hbm4b:s15+s23], $0x80, v38, vm0, $0xb8;
	[tilespmem:$0x1D300] =	vst v63  }
0x27f: {  	v43 =	vperm.xlane v17, v10;
	v42 =	vadd.s32 v3, v41;
	s8 =	simm.s32 $0x8300  }
0x280: {  	[tilespmem:s8], [sflag:$0x2] =	stream.indirect_vreg.gather [hbm4b:s15+s23], $0x80, v18, vm0, $0xb8;
	[tilespmem:$0x1D300] =	vst v63  }
0x281: {  	v44 =	vperm.xlane v17, v11;
	s19 =	simm.s32 $0x8380;
	v18 =	vadd.s32 v3, v43  }
0x282: {  	[tilespmem:s19], [sflag:$0x2] =	stream.indirect_vreg.gather [hbm4b:s15+s23], $0x80, v19, vm0, $0xb8;
	[tilespmem:$0x1D300] =	vst v63  }
0x283: {  	v45 =	vperm.xlane v17, v12;
	s8 =	simm.s32 $0x8400;
	v19 =	vadd.s32 v3, v44  }
0x284: {  	[tilespmem:s8], [sflag:$0x2] =	stream.indirect_vreg.gather [hbm4b:s15+s23], $0x80, v42, vm0, $0xb8;
	[tilespmem:$0x1D300] =	vst v63  }
0x285: {  	v47 =	vperm.xlane v17, v13;
	v46 =	vadd.s32 v3, v45;
	s19 =	simm.s32 $0x8480  }
0x286: {  	[tilespmem:s19], [sflag:$0x2] =	stream.indirect_vreg.gather [hbm4b:s15+s23], $0x80, v18, vm0, $0xb8;
	[tilespmem:$0x1D300] =	vst v63  }
0x287: {  	v48 =	vperm.xlane v17, v14;
	s8 =	simm.s32 $0x8500;
	v18 =	vadd.s32 v3, v47  }
0x288: {  	[tilespmem:s8], [sflag:$0x2] =	stream.indirect_vreg.gather [hbm4b:s15+s23], $0x80, v19, vm0, $0xb8;
	[tilespmem:$0x1D300] =	vst v63  }
0x289: {  	v49 =	vperm.xlane v17, v15;
	s19 =	simm.s32 $0x8580;
	v19 =	vadd.s32 v3, v48  }
0x28a: {  	[tilespmem:s19], [sflag:$0x2] =	stream.indirect_vreg.gather [hbm4b:s15+s23], $0x80, v46, vm0, $0xb8;
	[tilespmem:$0x1D300] =	vst v63  }
0x28b: {  	v17 =	vperm.xlane v17, v16;
	v50 =	vadd.s32 v3, v49;
	s8 =	simm.s32 $0x8600  }
0x28c: {  	[tilespmem:s8], [sflag:$0x2] =	stream.indirect_vreg.gather [hbm4b:s15+s23], $0x80, v18, vm0, $0xb8;
	[tilespmem:$0x1D300] =	vst v63  }
0x28d: {  	v17 =	vadd.s32 v3, v17;
	s19 =	simm.s32 $0x8680  }
0x28e: {  	[tilespmem:s19], [sflag:$0x2] =	stream.indirect_vreg.gather [hbm4b:s15+s23], $0x80, v19, vm0, $0xb8;
	[tilespmem:$0x1D300] =	vst v63  }
0x28f: {  	s8 =	simm.s32 $0x8700  }
0x290: {  	[tilespmem:s8], [sflag:$0x2] =	stream.indirect_vreg.gather [hbm4b:s15+s23], $0x80, v50, vm0, $0xb8;
	[tilespmem:$0x1D300] =	vst v63  }
0x291: {  	_ = 	snop  }
0x292: {  	[tilespmem:s25], [sflag:$0x2] =	stream.indirect_vreg.gather [hbm4b:s15+s23], $0x80, v17, vm0, $0xb8;
	[tilespmem:$0x1D300] =	vst v63  }
0x293: {  	v17 =	vld.msk [tilespmem:$0xF0], $0x1fff;
	_ =	sdelay $0x4  }
0x294: {  	v18 =	vshll.u32 v17, $0x1  }
0x295: {  	v17 =	vand.u32 $0x7, v17;
	v18 =	vand.u32 $0xFFFFFFF0, v18  }
0x296: {  	v17 =	vor.u32 v17, v18  }
0x297: {  	v18 =	vperm.xlane v17, v2;
	_ =	sdelay $0x1  }
0x298: {  	v19 =	vperm.xlane v17, v1;
	v18 =	vadd.s32 v3, v18;
	_ =	sdelay $0x1  }
0x299: {  	v51 =	vperm.xlane v17, v4;
	v19 =	vadd.s32 v3, v19;
	_ =	sdelay $0x1  }
0x29a: {  	v52 =	vperm.xlane v17, v5;
	v20 =	vadd.s32 v3, v51  }
0x29b: {  	[tilespmem:s26], [sflag:$0x2] =	stream.indirect_vreg.gather [hbm4b:s15+s23], $0x80, v18, vm0, $0xb8;
	[tilespmem:$0x1D300] =	vst v63  }
0x29c: {  	v53 =	vperm.xlane v17, v6;
	v18 =	vadd.s32 v3, v52  }
0x29d: {  	[tilespmem:s28], [sflag:$0x2] =	stream.indirect_vreg.gather [hbm4b:s15+s23], $0x80, v19, vm0, $0xb8;
	[tilespmem:$0x1D300] =	vst v63  }
0x29e: {  	v54 =	vperm.xlane v17, v7;
	v19 =	vadd.s32 v3, v53  }
0x29f: {  	[tilespmem:s6], [sflag:$0x2] =	stream.indirect_vreg.gather [hbm4b:s15+s23], $0x80, v20, vm0, $0xb8;
	[tilespmem:$0x1D300] =	vst v63  }
0x2a0: {  	v56 =	vperm.xlane v17, v8;
	v55 =	vadd.s32 v3, v54  }
0x2a1: {  	[tilespmem:s13], [sflag:$0x2] =	stream.indirect_vreg.gather [hbm4b:s15+s23], $0x80, v18, vm0, $0xb8;
	[tilespmem:$0x1D300] =	vst v63  }
0x2a2: {  	v57 =	vperm.xlane v17, v0;
	v18 =	vadd.s32 v3, v56  }
0x2a3: {  	[tilespmem:s21], [sflag:$0x2] =	stream.indirect_vreg.gather [hbm4b:s15+s23], $0x80, v19, vm0, $0xb8;
	[tilespmem:$0x1D300] =	vst v63  }
0x2a4: {  	v58 =	vperm.xlane v17, v9;
	v19 =	vadd.s32 v3, v57  }
0x2a5: {  	[tilespmem:s1], [sflag:$0x2] =	stream.indirect_vreg.gather [hbm4b:s15+s23], $0x80, v55, vm0, $0xb8;
	[tilespmem:$0x1D300] =	vst v63  }
0x2a6: {  	v60 =	vperm.xlane v17, v10;
	v59 =	vadd.s32 v3, v58  }
0x2a7: {  	[tilespmem:s20], [sflag:$0x2] =	stream.indirect_vreg.gather [hbm4b:s15+s23], $0x80, v18, vm0, $0xb8;
	[tilespmem:$0x1D300] =	vst v63  }
0x2a8: {  	v61 =	vperm.xlane v17, v11;
	v18 =	vadd.s32 v3, v60  }
0x2a9: {  	[tilespmem:s16], [sflag:$0x2] =	stream.indirect_vreg.gather [hbm4b:s15+s23], $0x80, v19, vm0, $0xb8;
	[tilespmem:$0x1D300] =	vst v63  }
0x2aa: {  	v62 =	vperm.xlane v17, v12;
	v19 =	vadd.s32 v3, v61  }
0x2ab: {  	[tilespmem:s14], [sflag:$0x2] =	stream.indirect_vreg.gather [hbm4b:s15+s23], $0x80, v59, vm0, $0xb8;
	[tilespmem:$0x1D300] =	vst v63  }
0x2ac: {  	v63 =	vadd.s32 v3, v62  }
0x2ad: {  	v17 =	vperm.xlane v17, v13;
	[tilespmem:s10], [sflag:$0x2] =	stream.indirect_vreg.gather [hbm4b:s15+s23], $0x80, v18, vm0, $0xb8;
	[tilespmem:$0x1D300] =	vst v63  }
0x2ae: {  	_ = 	snop  }
0x2af: {  	v17 =	vadd.s32 v3, v17;
	[tilespmem:s12], [sflag:$0x2] =	stream.indirect_vreg.gather [hbm4b:s15+s23], $0x80, v19, vm0, $0xb8;
	[tilespmem:$0x1D300] =	vst v63  }
0x2b0: {  	_ = 	snop  }
0x2b1: {  	[tilespmem:s11], [sflag:$0x2] =	stream.indirect_vreg.gather [hbm4b:s15+s23], $0x80, v63, vm0, $0xb8;
	[tilespmem:$0x1D300] =	vst v63  }
.Ltmp4:
0x2b2: {  	_ = 	snop;
	(pc) =	sbr.rel .LBB2_4-.Ltmp4, $4  }
0x2b3: {  	s19 =	sor.u32 $0x400, s17  }
0x2b4: {  	[tilespmem:s29], [sflag:$0x2] =	stream.indirect_vreg.gather [hbm4b:s15+s23], $0x80, v17, vm0, $0xb8;
	[tilespmem:$0x1D300] =	vst v63  }
0x2b5: {  	[dreg:$0x16] =	wrdreg s19;
	s23 =	sadd.s32 $0x800, s17  }
0x2b6: {  	s2 =	simm.s32 $0x0;
	[dreg:$0x17] =	wrdreg s23  }
.LBB2_3:
0x2b7: {  	s2 =	rddreg [dreg:$0x19]  }
0x2b8: {  	p3 =	seq.s32 s2, $0x5  }
.Ltmp5:
0x2b9: {  	_ = 	snop;
	(pc) =	sbr.rel @p3 .LBB2_22-.Ltmp5, $1  }
0x2ba: {  	_ =	sdelay $0x3  }
.LBB2_4:
0x2bb: {  	s8 =	sshll.u32 s2, $0xB;
	s17 =	rddreg [dreg:$0x16]  }
0x2bc: {  	[dreg:$0x18] =	wrdreg s2;
	s2 =	sadd.s32 s8, s17  }
0x2bd: {  	s19 =	rddreg [dreg:$0x1];
	s23 =	simm.s32 $0x800;
	s2 =	sshrl.u32 s2, $0x3  }
0x2be: {  	[dreg:$0x1a] =	wrdreg s8;
	s17 =	sadd.s32 s19, s2;
	s19 =	simm.s32 $0x0  }
0x2bf: {  	[tilespmem:s23], [sflag:$0x3] =	stream.linear.gather [hbm4b:s17+s19], $0x400, $0x38;
	[tilespmem:$0x1D300] =	vst v63  }
0x2c0: {  	s17 =	rddreg [dreg:$0x7]  }
0x2c1: {  	s23 =	simm.s32 $0xC00;
	s2 =	sadd.s32 s17, s2;
	s17 =	simm.s32 $0x0  }
0x2c2: {  	[tilespmem:s23], [sflag:$0x4] =	stream.linear.gather [hbm4b:s2+s19], $0x400, $0x38;
	[tilespmem:$0x1D300] =	vst v63  }
.LBB2_5:
0x2c3: {  	_ =	swait.ge [sflag:s30], $0x3E80  }
0x2c4: {  	s19 =	sshra.s32 s17, $0x2;
	[sflag:s30] =	ssyncset.done $0x0  }
0x2c5: {  	s2 =	sadd.s32 $0x400, s19;
	[sflag:s30] =	ssyncadd.s32 $0xFFFFC180  }
0x2c6: {  	[spmem:s3] =	stream.indirect.scatter.add.f32 [tilespmem:s24], [sflag:$0x6], $0x80, s2, s31, $0xb8;
	[tilespmem:$0x1D300] =	vst v63  }
0x2c7: {  	_ =	swait.ge [sflag:s22], $0x3E80  }
0x2c8: {  	s23 =	simm.s32 @p2 $0x7D;
	[sflag:s22] =	ssyncset.done $0x0  }
0x2c9: {  	s8 =	simm.s32 @p2 $0x9000;
	p3 =	seq.s32 s17, $0xC00;
	[sflag:s22] =	ssyncadd.s32 $0xFFFFC180  }
0x2ca: {  	[spmem:s4] =	stream.indirect.scatter.add.f32 @p2 [tilespmem:s8], [sflag:$0x6], $0x1, s2, s23, $0xb8;
	[tilespmem:$0x1D300] =	vst v63  }
.Ltmp6:
0x2cb: {  	_ = 	snop;
	(pc) =	sbr.rel @!p3 .LBB2_6-.Ltmp6, $4  }
0x2cc: {  	s2 =	simm.s32 @p2 $0x6  }
0x2cd: {  	_ =	swait.ge @p2 [sflag:s2], $0x7D  }
0x2ce: {  	[sflag:s2] =	ssyncset.done @p2 $0x0  }
0x2cf: {  	[sflag:s2] =	ssyncadd.s32 @p2 $0xFFFFFF83  }
0x2d0: {  	_ =	swait.ge [sflag:s0], $0x400  }
0x2d1: {  	[sflag:s0] =	ssyncset.done $0x0  }
0x2d2: {  	[sflag:s0] =	ssyncadd.s32 $0xFFFFFC00  }
0x2d3: {  	v17 =	vld [tilespmem:$0x800];
	_ =	sdelay $0x4  }
0x2d4: {  	v18 =	vshll.u32 v17, $0x1  }
0x2d5: {  	v17 =	vand.u32 $0x7, v17;
	v18 =	vand.u32 $0xFFFFFFF0, v18  }
0x2d6: {  	v17 =	vor.u32 v17, v18  }
0x2d7: {  	v18 =	vperm.xlane v17, v2;
	_ =	sdelay $0x1  }
0x2d8: {  	v19 =	vperm.xlane v17, v1;
	v18 =	vadd.s32 v3, v18;
	_ =	sdelay $0x1  }
0x2d9: {  	v20 =	vperm.xlane v17, v4;
	v19 =	vadd.s32 v3, v19;
	_ =	sdelay $0x1  }
0x2da: {  	v21 =	vperm.xlane v17, v5;
	v20 =	vadd.s32 v3, v20  }
0x2db: {  	[tilespmem:s24], [sflag:$0x1] =	stream.indirect_vreg.gather [hbm4b:s15+s5], $0x80, v18, vm0, $0xb8;
	[tilespmem:$0x1D300] =	vst v63  }
0x2dc: {  	s2 =	simm.s32 $0x1080;
	v27 =	vperm.xlane v17, v6;
	v18 =	vadd.s32 v3, v21  }
0x2dd: {  	[tilespmem:s2], [sflag:$0x1] =	stream.indirect_vreg.gather [hbm4b:s15+s5], $0x80, v19, vm0, $0xb8;
	[tilespmem:$0x1D300] =	vst v63  }
0x2de: {  	s8 =	simm.s32 $0x1100;
	v28 =	vperm.xlane v17, v7;
	v19 =	vadd.s32 v3, v27  }
0x2df: {  	[tilespmem:s8], [sflag:$0x1] =	stream.indirect_vreg.gather [hbm4b:s15+s5], $0x80, v20, vm0, $0xb8;
	[tilespmem:$0x1D300] =	vst v63  }
0x2e0: {  	s23 =	simm.s32 $0x1180;
	v30 =	vperm.xlane v17, v8;
	v29 =	vadd.s32 v3, v28  }
0x2e1: {  	[tilespmem:s23], [sflag:$0x1] =	stream.indirect_vreg.gather [hbm4b:s15+s5], $0x80, v18, vm0, $0xb8;
	[tilespmem:$0x1D300] =	vst v63  }
0x2e2: {  	v31 =	vperm.xlane v17, v0;
	s8 =	simm.s32 $0x1200;
	v18 =	vadd.s32 v3, v30  }
0x2e3: {  	[tilespmem:s8], [sflag:$0x1] =	stream.indirect_vreg.gather [hbm4b:s15+s5], $0x80, v19, vm0, $0xb8;
	[tilespmem:$0x1D300] =	vst v63  }
0x2e4: {  	v32 =	vperm.xlane v17, v9;
	s23 =	simm.s32 $0x1280;
	v19 =	vadd.s32 v3, v31  }
0x2e5: {  	[tilespmem:s23], [sflag:$0x1] =	stream.indirect_vreg.gather [hbm4b:s15+s5], $0x80, v29, vm0, $0xb8;
	[tilespmem:$0x1D300] =	vst v63  }
0x2e6: {  	v34 =	vperm.xlane v17, v10;
	v33 =	vadd.s32 v3, v32;
	s8 =	simm.s32 $0x1300  }
0x2e7: {  	[tilespmem:s8], [sflag:$0x1] =	stream.indirect_vreg.gather [hbm4b:s15+s5], $0x80, v18, vm0, $0xb8;
	[tilespmem:$0x1D300] =	vst v63  }
0x2e8: {  	v35 =	vperm.xlane v17, v11;
	s23 =	simm.s32 $0x1380;
	v18 =	vadd.s32 v3, v34  }
0x2e9: {  	[tilespmem:s23], [sflag:$0x1] =	stream.indirect_vreg.gather [hbm4b:s15+s5], $0x80, v19, vm0, $0xb8;
	[tilespmem:$0x1D300] =	vst v63  }
0x2ea: {  	v36 =	vperm.xlane v17, v12;
	s8 =	simm.s32 $0x1400;
	v19 =	vadd.s32 v3, v35  }
0x2eb: {  	[tilespmem:s8], [sflag:$0x1] =	stream.indirect_vreg.gather [hbm4b:s15+s5], $0x80, v33, vm0, $0xb8;
	[tilespmem:$0x1D300] =	vst v63  }
0x2ec: {  	v38 =	vperm.xlane v17, v13;
	v37 =	vadd.s32 v3, v36;
	s23 =	simm.s32 $0x1480  }
0x2ed: {  	[tilespmem:s23], [sflag:$0x1] =	stream.indirect_vreg.gather [hbm4b:s15+s5], $0x80, v18, vm0, $0xb8;
	[tilespmem:$0x1D300] =	vst v63  }
0x2ee: {  	v39 =	vperm.xlane v17, v14;
	s8 =	simm.s32 $0x1500;
	v18 =	vadd.s32 v3, v38  }
0x2ef: {  	[tilespmem:s8], [sflag:$0x1] =	stream.indirect_vreg.gather [hbm4b:s15+s5], $0x80, v19, vm0, $0xb8;
	[tilespmem:$0x1D300] =	vst v63  }
0x2f0: {  	v40 =	vperm.xlane v17, v15;
	s23 =	simm.s32 $0x1580;
	v19 =	vadd.s32 v3, v39  }
0x2f1: {  	[tilespmem:s23], [sflag:$0x1] =	stream.indirect_vreg.gather [hbm4b:s15+s5], $0x80, v37, vm0, $0xb8;
	[tilespmem:$0x1D300] =	vst v63  }
0x2f2: {  	v17 =	vperm.xlane v17, v16;
	v41 =	vadd.s32 v3, v40;
	s8 =	simm.s32 $0x1600  }
0x2f3: {  	[tilespmem:s8], [sflag:$0x1] =	stream.indirect_vreg.gather [hbm4b:s15+s5], $0x80, v18, vm0, $0xb8;
	[tilespmem:$0x1D300] =	vst v63  }
0x2f4: {  	v17 =	vadd.s32 v3, v17;
	s23 =	simm.s32 $0x1680  }
0x2f5: {  	[tilespmem:s23], [sflag:$0x1] =	stream.indirect_vreg.gather [hbm4b:s15+s5], $0x80, v19, vm0, $0xb8;
	[tilespmem:$0x1D300] =	vst v63  }
0x2f6: {  	s8 =	simm.s32 $0x1700  }
0x2f7: {  	[tilespmem:s8], [sflag:$0x1] =	stream.indirect_vreg.gather [hbm4b:s15+s5], $0x80, v41, vm0, $0xb8;
	[tilespmem:$0x1D300] =	vst v63  }
0x2f8: {  	s23 =	simm.s32 $0x1780  }
0x2f9: {  	[tilespmem:s23], [sflag:$0x1] =	stream.indirect_vreg.gather [hbm4b:s15+s5], $0x80, v17, vm0, $0xb8;
	[tilespmem:$0x1D300] =	vst v63  }
0x2fa: {  	v17 =	vld [tilespmem:$0x810];
	_ =	sdelay $0x4  }
0x2fb: {  	v18 =	vshll.u32 v17, $0x1  }
0x2fc: {  	v17 =	vand.u32 $0x7, v17;
	v18 =	vand.u32 $0xFFFFFFF0, v18  }
0x2fd: {  	v17 =	vor.u32 v17, v18  }
0x2fe: {  	v18 =	vperm.xlane v17, v2;
	_ =	sdelay $0x1  }
0x2ff: {  	v19 =	vperm.xlane v17, v1;
	v18 =	vadd.s32 v3, v18;
	_ =	sdelay $0x1  }
0x300: {  	v42 =	vperm.xlane v17, v4;
	v19 =	vadd.s32 v3, v19;
	_ =	sdelay $0x1  }
0x301: {  	s8 =	simm.s32 $0x1800;
	v43 =	vperm.xlane v17, v5;
	v20 =	vadd.s32 v3, v42  }
0x302: {  	[tilespmem:s8], [sflag:$0x1] =	stream.indirect_vreg.gather [hbm4b:s15+s5], $0x80, v18, vm0, $0xb8;
	[tilespmem:$0x1D300] =	vst v63  }
0x303: {  	s23 =	simm.s32 $0x1880;
	v44 =	vperm.xlane v17, v6;
	v18 =	vadd.s32 v3, v43  }
0x304: {  	[tilespmem:s23], [sflag:$0x1] =	stream.indirect_vreg.gather [hbm4b:s15+s5], $0x80, v19, vm0, $0xb8;
	[tilespmem:$0x1D300] =	vst v63  }
0x305: {  	v45 =	vperm.xlane v17, v7;
	s8 =	simm.s32 $0x1900;
	v19 =	vadd.s32 v3, v44  }
0x306: {  	[tilespmem:s8], [sflag:$0x1] =	stream.indirect_vreg.gather [hbm4b:s15+s5], $0x80, v20, vm0, $0xb8;
	[tilespmem:$0x1D300] =	vst v63  }
0x307: {  	v47 =	vperm.xlane v17, v8;
	v46 =	vadd.s32 v3, v45;
	s23 =	simm.s32 $0x1980  }
0x308: {  	[tilespmem:s23], [sflag:$0x1] =	stream.indirect_vreg.gather [hbm4b:s15+s5], $0x80, v18, vm0, $0xb8;
	[tilespmem:$0x1D300] =	vst v63  }
0x309: {  	v48 =	vperm.xlane v17, v0;
	s8 =	simm.s32 $0x1A00;
	v18 =	vadd.s32 v3, v47  }
0x30a: {  	[tilespmem:s8], [sflag:$0x1] =	stream.indirect_vreg.gather [hbm4b:s15+s5], $0x80, v19, vm0, $0xb8;
	[tilespmem:$0x1D300] =	vst v63  }
0x30b: {  	v49 =	vperm.xlane v17, v9;
	s23 =	simm.s32 $0x1A80;
	v19 =	vadd.s32 v3, v48  }
0x30c: {  	[tilespmem:s23], [sflag:$0x1] =	stream.indirect_vreg.gather [hbm4b:s15+s5], $0x80, v46, vm0, $0xb8;
	[tilespmem:$0x1D300] =	vst v63  }
0x30d: {  	v51 =	vperm.xlane v17, v10;
	v50 =	vadd.s32 v3, v49;
	s8 =	simm.s32 $0x1B00  }
0x30e: {  	[tilespmem:s8], [sflag:$0x1] =	stream.indirect_vreg.gather [hbm4b:s15+s5], $0x80, v18, vm0, $0xb8;
	[tilespmem:$0x1D300] =	vst v63  }
0x30f: {  	v52 =	vperm.xlane v17, v11;
	s23 =	simm.s32 $0x1B80;
	v18 =	vadd.s32 v3, v51  }
0x310: {  	[tilespmem:s23], [sflag:$0x1] =	stream.indirect_vreg.gather [hbm4b:s15+s5], $0x80, v19, vm0, $0xb8;
	[tilespmem:$0x1D300] =	vst v63  }
0x311: {  	v53 =	vperm.xlane v17, v12;
	s8 =	simm.s32 $0x1C00;
	v19 =	vadd.s32 v3, v52  }
0x312: {  	[tilespmem:s8], [sflag:$0x1] =	stream.indirect_vreg.gather [hbm4b:s15+s5], $0x80, v50, vm0, $0xb8;
	[tilespmem:$0x1D300] =	vst v63  }
0x313: {  	v55 =	vperm.xlane v17, v13;
	v54 =	vadd.s32 v3, v53;
	s23 =	simm.s32 $0x1C80  }
0x314: {  	[tilespmem:s23], [sflag:$0x1] =	stream.indirect_vreg.gather [hbm4b:s15+s5], $0x80, v18, vm0, $0xb8;
	[tilespmem:$0x1D300] =	vst v63  }
0x315: {  	v56 =	vperm.xlane v17, v14;
	s8 =	simm.s32 $0x1D00;
	v18 =	vadd.s32 v3, v55  }
0x316: {  	[tilespmem:s8], [sflag:$0x1] =	stream.indirect_vreg.gather [hbm4b:s15+s5], $0x80, v19, vm0, $0xb8;
	[tilespmem:$0x1D300] =	vst v63  }
0x317: {  	v57 =	vperm.xlane v17, v15;
	s23 =	simm.s32 $0x1D80;
	v19 =	vadd.s32 v3, v56  }
0x318: {  	[tilespmem:s23], [sflag:$0x1] =	stream.indirect_vreg.gather [hbm4b:s15+s5], $0x80, v54, vm0, $0xb8;
	[tilespmem:$0x1D300] =	vst v63  }
0x319: {  	v17 =	vperm.xlane v17, v16;
	v58 =	vadd.s32 v3, v57;
	s8 =	simm.s32 $0x1E00  }
0x31a: {  	[tilespmem:s8], [sflag:$0x1] =	stream.indirect_vreg.gather [hbm4b:s15+s5], $0x80, v18, vm0, $0xb8;
	[tilespmem:$0x1D300] =	vst v63  }
0x31b: {  	v17 =	vadd.s32 v3, v17;
	s23 =	simm.s32 $0x1E80  }
0x31c: {  	[tilespmem:s23], [sflag:$0x1] =	stream.indirect_vreg.gather [hbm4b:s15+s5], $0x80, v19, vm0, $0xb8;
	[tilespmem:$0x1D300] =	vst v63  }
0x31d: {  	s8 =	simm.s32 $0x1F00  }
0x31e: {  	[tilespmem:s8], [sflag:$0x1] =	stream.indirect_vreg.gather [hbm4b:s15+s5], $0x80, v58, vm0, $0xb8;
	[tilespmem:$0x1D300] =	vst v63  }
0x31f: {  	s23 =	simm.s32 $0x1F80  }
0x320: {  	[tilespmem:s23], [sflag:$0x1] =	stream.indirect_vreg.gather [hbm4b:s15+s5], $0x80, v17, vm0, $0xb8;
	[tilespmem:$0x1D300] =	vst v63  }
0x321: {  	v17 =	vld [tilespmem:$0x820];
	_ =	sdelay $0x4  }
0x322: {  	v18 =	vshll.u32 v17, $0x1  }
0x323: {  	v17 =	vand.u32 $0x7, v17;
	v18 =	vand.u32 $0xFFFFFFF0, v18  }
0x324: {  	v17 =	vor.u32 v17, v18  }
0x325: {  	v18 =	vperm.xlane v17, v2;
	_ =	sdelay $0x1  }
0x326: {  	v19 =	vperm.xlane v17, v1;
	v18 =	vadd.s32 v3, v18;
	_ =	sdelay $0x1  }
0x327: {  	v59 =	vperm.xlane v17, v4;
	v19 =	vadd.s32 v3, v19;
	_ =	sdelay $0x1  }
0x328: {  	s8 =	simm.s32 $0x2000;
	v60 =	vperm.xlane v17, v5;
	v20 =	vadd.s32 v3, v59  }
0x329: {  	[tilespmem:s8], [sflag:$0x1] =	stream.indirect_vreg.gather [hbm4b:s15+s5], $0x80, v18, vm0, $0xb8;
	[tilespmem:$0x1D300] =	vst v63  }
0x32a: {  	s23 =	simm.s32 $0x2080;
	v61 =	vperm.xlane v17, v6;
	v18 =	vadd.s32 v3, v60  }
0x32b: {  	[tilespmem:s23], [sflag:$0x1] =	stream.indirect_vreg.gather [hbm4b:s15+s5], $0x80, v19, vm0, $0xb8;
	[tilespmem:$0x1D300] =	vst v63  }
0x32c: {  	v62 =	vperm.xlane v17, v7;
	s8 =	simm.s32 $0x2100;
	v19 =	vadd.s32 v3, v61  }
0x32d: {  	[tilespmem:s8], [sflag:$0x1] =	stream.indirect_vreg.gather [hbm4b:s15+s5], $0x80, v20, vm0, $0xb8;
	[tilespmem:$0x1D300] =	vst v63  }
0x32e: {  	v24 =	vperm.xlane v17, v8;
	v63 =	vadd.s32 v3, v62;
	s23 =	simm.s32 $0x2180  }
0x32f: {  	[tilespmem:s23], [sflag:$0x1] =	stream.indirect_vreg.gather [hbm4b:s15+s5], $0x80, v18, vm0, $0xb8;
	[tilespmem:$0x1D300] =	vst v63  }
0x330: {  	v25 =	vperm.xlane v17, v0;
	s8 =	simm.s32 $0x2200;
	v18 =	vadd.s32 v3, v24  }
0x331: {  	[tilespmem:s8], [sflag:$0x1] =	stream.indirect_vreg.gather [hbm4b:s15+s5], $0x80, v19, vm0, $0xb8;
	[tilespmem:$0x1D300] =	vst v63  }
0x332: {  	v26 =	vperm.xlane v17, v9;
	s23 =	simm.s32 $0x2280;
	v19 =	vadd.s32 v3, v25  }
0x333: {  	[tilespmem:s23], [sflag:$0x1] =	stream.indirect_vreg.gather [hbm4b:s15+s5], $0x80, v63, vm0, $0xb8;
	[tilespmem:$0x1D300] =	vst v63  }
0x334: {  	v28 =	vperm.xlane v17, v10;
	v27 =	vadd.s32 v3, v26;
	s8 =	simm.s32 $0x2300  }
0x335: {  	[tilespmem:s8], [sflag:$0x1] =	stream.indirect_vreg.gather [hbm4b:s15+s5], $0x80, v18, vm0, $0xb8;
	[tilespmem:$0x1D300] =	vst v63  }
0x336: {  	v29 =	vperm.xlane v17, v11;
	s23 =	simm.s32 $0x2380;
	v18 =	vadd.s32 v3, v28  }
0x337: {  	[tilespmem:s23], [sflag:$0x1] =	stream.indirect_vreg.gather [hbm4b:s15+s5], $0x80, v19, vm0, $0xb8;
	[tilespmem:$0x1D300] =	vst v63  }
0x338: {  	v30 =	vperm.xlane v17, v12;
	s8 =	simm.s32 $0x2400;
	v19 =	vadd.s32 v3, v29  }
0x339: {  	[tilespmem:s8], [sflag:$0x1] =	stream.indirect_vreg.gather [hbm4b:s15+s5], $0x80, v27, vm0, $0xb8;
	[tilespmem:$0x1D300] =	vst v63  }
0x33a: {  	v32 =	vperm.xlane v17, v13;
	v31 =	vadd.s32 v3, v30;
	s23 =	simm.s32 $0x2480  }
0x33b: {  	[tilespmem:s23], [sflag:$0x1] =	stream.indirect_vreg.gather [hbm4b:s15+s5], $0x80, v18, vm0, $0xb8;
	[tilespmem:$0x1D300] =	vst v63  }
0x33c: {  	v33 =	vperm.xlane v17, v14;
	s8 =	simm.s32 $0x2500;
	v18 =	vadd.s32 v3, v32  }
0x33d: {  	[tilespmem:s8], [sflag:$0x1] =	stream.indirect_vreg.gather [hbm4b:s15+s5], $0x80, v19, vm0, $0xb8;
	[tilespmem:$0x1D300] =	vst v63  }
0x33e: {  	v34 =	vperm.xlane v17, v15;
	s23 =	simm.s32 $0x2580;
	v19 =	vadd.s32 v3, v33  }
0x33f: {  	[tilespmem:s23], [sflag:$0x1] =	stream.indirect_vreg.gather [hbm4b:s15+s5], $0x80, v31, vm0, $0xb8;
	[tilespmem:$0x1D300] =	vst v63  }
0x340: {  	v17 =	vperm.xlane v17, v16;
	v35 =	vadd.s32 v3, v34;
	s8 =	simm.s32 $0x2600  }
0x341: {  	[tilespmem:s8], [sflag:$0x1] =	stream.indirect_vreg.gather [hbm4b:s15+s5], $0x80, v18, vm0, $0xb8;
	[tilespmem:$0x1D300] =	vst v63  }
0x342: {  	v17 =	vadd.s32 v3, v17;
	s23 =	simm.s32 $0x2680  }
0x343: {  	[tilespmem:s23], [sflag:$0x1] =	stream.indirect_vreg.gather [hbm4b:s15+s5], $0x80, v19, vm0, $0xb8;
	[tilespmem:$0x1D300] =	vst v63  }
0x344: {  	s8 =	simm.s32 $0x2700  }
0x345: {  	[tilespmem:s8], [sflag:$0x1] =	stream.indirect_vreg.gather [hbm4b:s15+s5], $0x80, v35, vm0, $0xb8;
	[tilespmem:$0x1D300] =	vst v63  }
0x346: {  	s23 =	simm.s32 $0x2780  }
0x347: {  	[tilespmem:s23], [sflag:$0x1] =	stream.indirect_vreg.gather [hbm4b:s15+s5], $0x80, v17, vm0, $0xb8;
	[tilespmem:$0x1D300] =	vst v63  }
0x348: {  	v17 =	vld [tilespmem:$0x830];
	_ =	sdelay $0x4  }
0x349: {  	v18 =	vshll.u32 v17, $0x1  }
0x34a: {  	v17 =	vand.u32 $0x7, v17;
	v18 =	vand.u32 $0xFFFFFFF0, v18  }
0x34b: {  	v17 =	vor.u32 v17, v18  }
0x34c: {  	v18 =	vperm.xlane v17, v2;
	_ =	sdelay $0x1  }
0x34d: {  	v19 =	vperm.xlane v17, v1;
	v18 =	vadd.s32 v3, v18;
	_ =	sdelay $0x1  }
0x34e: {  	v36 =	vperm.xlane v17, v4;
	v19 =	vadd.s32 v3, v19;
	_ =	sdelay $0x1  }
0x34f: {  	s8 =	simm.s32 $0x2800;
	v37 =	vperm.xlane v17, v5;
	v20 =	vadd.s32 v3, v36  }
0x350: {  	[tilespmem:s8], [sflag:$0x1] =	stream.indirect_vreg.gather [hbm4b:s15+s5], $0x80, v18, vm0, $0xb8;
	[tilespmem:$0x1D300] =	vst v63  }
0x351: {  	s23 =	simm.s32 $0x2880;
	v38 =	vperm.xlane v17, v6;
	v18 =	vadd.s32 v3, v37  }
0x352: {  	[tilespmem:s23], [sflag:$0x1] =	stream.indirect_vreg.gather [hbm4b:s15+s5], $0x80, v19, vm0, $0xb8;
	[tilespmem:$0x1D300] =	vst v63  }
0x353: {  	v39 =	vperm.xlane v17, v7;
	s8 =	simm.s32 $0x2900;
	v19 =	vadd.s32 v3, v38  }
0x354: {  	[tilespmem:s8], [sflag:$0x1] =	stream.indirect_vreg.gather [hbm4b:s15+s5], $0x80, v20, vm0, $0xb8;
	[tilespmem:$0x1D300] =	vst v63  }
0x355: {  	v41 =	vperm.xlane v17, v8;
	v40 =	vadd.s32 v3, v39;
	s23 =	simm.s32 $0x2980  }
0x356: {  	[tilespmem:s23], [sflag:$0x1] =	stream.indirect_vreg.gather [hbm4b:s15+s5], $0x80, v18, vm0, $0xb8;
	[tilespmem:$0x1D300] =	vst v63  }
0x357: {  	v42 =	vperm.xlane v17, v0;
	s8 =	simm.s32 $0x2A00;
	v18 =	vadd.s32 v3, v41  }
0x358: {  	[tilespmem:s8], [sflag:$0x1] =	stream.indirect_vreg.gather [hbm4b:s15+s5], $0x80, v19, vm0, $0xb8;
	[tilespmem:$0x1D300] =	vst v63  }
0x359: {  	v43 =	vperm.xlane v17, v9;
	s23 =	simm.s32 $0x2A80;
	v19 =	vadd.s32 v3, v42  }
0x35a: {  	[tilespmem:s23], [sflag:$0x1] =	stream.indirect_vreg.gather [hbm4b:s15+s5], $0x80, v40, vm0, $0xb8;
	[tilespmem:$0x1D300] =	vst v63  }
0x35b: {  	v45 =	vperm.xlane v17, v10;
	v44 =	vadd.s32 v3, v43;
	s8 =	simm.s32 $0x2B00  }
0x35c: {  	[tilespmem:s8], [sflag:$0x1] =	stream.indirect_vreg.gather [hbm4b:s15+s5], $0x80, v18, vm0, $0xb8;
	[tilespmem:$0x1D300] =	vst v63  }
0x35d: {  	v46 =	vperm.xlane v17, v11;
	s23 =	simm.s32 $0x2B80;
	v18 =	vadd.s32 v3, v45  }
0x35e: {  	[tilespmem:s23], [sflag:$0x1] =	stream.indirect_vreg.gather [hbm4b:s15+s5], $0x80, v19, vm0, $0xb8;
	[tilespmem:$0x1D300] =	vst v63  }
0x35f: {  	v47 =	vperm.xlane v17, v12;
	s8 =	simm.s32 $0x2C00;
	v19 =	vadd.s32 v3, v46  }
0x360: {  	[tilespmem:s8], [sflag:$0x1] =	stream.indirect_vreg.gather [hbm4b:s15+s5], $0x80, v44, vm0, $0xb8;
	[tilespmem:$0x1D300] =	vst v63  }
0x361: {  	v49 =	vperm.xlane v17, v13;
	v48 =	vadd.s32 v3, v47;
	s23 =	simm.s32 $0x2C80  }
0x362: {  	[tilespmem:s23], [sflag:$0x1] =	stream.indirect_vreg.gather [hbm4b:s15+s5], $0x80, v18, vm0, $0xb8;
	[tilespmem:$0x1D300] =	vst v63  }
0x363: {  	v50 =	vperm.xlane v17, v14;
	s8 =	simm.s32 $0x2D00;
	v18 =	vadd.s32 v3, v49  }
0x364: {  	[tilespmem:s8], [sflag:$0x1] =	stream.indirect_vreg.gather [hbm4b:s15+s5], $0x80, v19, vm0, $0xb8;
	[tilespmem:$0x1D300] =	vst v63  }
0x365: {  	v51 =	vperm.xlane v17, v15;
	s23 =	simm.s32 $0x2D80;
	v19 =	vadd.s32 v3, v50  }
0x366: {  	[tilespmem:s23], [sflag:$0x1] =	stream.indirect_vreg.gather [hbm4b:s15+s5], $0x80, v48, vm0, $0xb8;
	[tilespmem:$0x1D300] =	vst v63  }
0x367: {  	v17 =	vperm.xlane v17, v16;
	v52 =	vadd.s32 v3, v51;
	s8 =	simm.s32 $0x2E00  }
0x368: {  	[tilespmem:s8], [sflag:$0x1] =	stream.indirect_vreg.gather [hbm4b:s15+s5], $0x80, v18, vm0, $0xb8;
	[tilespmem:$0x1D300] =	vst v63  }
0x369: {  	v17 =	vadd.s32 v3, v17;
	s23 =	simm.s32 $0x2E80  }
0x36a: {  	[tilespmem:s23], [sflag:$0x1] =	stream.indirect_vreg.gather [hbm4b:s15+s5], $0x80, v19, vm0, $0xb8;
	[tilespmem:$0x1D300] =	vst v63  }
0x36b: {  	s8 =	simm.s32 $0x2F00  }
0x36c: {  	[tilespmem:s8], [sflag:$0x1] =	stream.indirect_vreg.gather [hbm4b:s15+s5], $0x80, v52, vm0, $0xb8;
	[tilespmem:$0x1D300] =	vst v63  }
0x36d: {  	s23 =	simm.s32 $0x2F80  }
0x36e: {  	[tilespmem:s23], [sflag:$0x1] =	stream.indirect_vreg.gather [hbm4b:s15+s5], $0x80, v17, vm0, $0xb8;
	[tilespmem:$0x1D300] =	vst v63  }
0x36f: {  	v17 =	vld [tilespmem:$0x840];
	_ =	sdelay $0x4  }
0x370: {  	v18 =	vshll.u32 v17, $0x1  }
0x371: {  	v17 =	vand.u32 $0x7, v17;
	v18 =	vand.u32 $0xFFFFFFF0, v18  }
0x372: {  	v17 =	vor.u32 v17, v18  }
0x373: {  	v18 =	vperm.xlane v17, v2;
	_ =	sdelay $0x1  }
0x374: {  	v19 =	vperm.xlane v17, v1;
	v18 =	vadd.s32 v3, v18;
	_ =	sdelay $0x1  }
0x375: {  	v53 =	vperm.xlane v17, v4;
	v19 =	vadd.s32 v3, v19;
	_ =	sdelay $0x1  }
0x376: {  	s8 =	simm.s32 $0x3000;
	v54 =	vperm.xlane v17, v5;
	v20 =	vadd.s32 v3, v53  }
0x377: {  	[tilespmem:s8], [sflag:$0x1] =	stream.indirect_vreg.gather [hbm4b:s15+s5], $0x80, v18, vm0, $0xb8;
	[tilespmem:$0x1D300] =	vst v63  }
0x378: {  	s23 =	simm.s32 $0x3080;
	v55 =	vperm.xlane v17, v6;
	v18 =	vadd.s32 v3, v54  }
0x379: {  	[tilespmem:s23], [sflag:$0x1] =	stream.indirect_vreg.gather [hbm4b:s15+s5], $0x80, v19, vm0, $0xb8;
	[tilespmem:$0x1D300] =	vst v63  }
0x37a: {  	v56 =	vperm.xlane v17, v7;
	s8 =	simm.s32 $0x3100;
	v19 =	vadd.s32 v3, v55  }
0x37b: {  	[tilespmem:s8], [sflag:$0x1] =	stream.indirect_vreg.gather [hbm4b:s15+s5], $0x80, v20, vm0, $0xb8;
	[tilespmem:$0x1D300] =	vst v63  }
0x37c: {  	v58 =	vperm.xlane v17, v8;
	v57 =	vadd.s32 v3, v56;
	s23 =	simm.s32 $0x3180  }
0x37d: {  	[tilespmem:s23], [sflag:$0x1] =	stream.indirect_vreg.gather [hbm4b:s15+s5], $0x80, v18, vm0, $0xb8;
	[tilespmem:$0x1D300] =	vst v63  }
0x37e: {  	v59 =	vperm.xlane v17, v0;
	s8 =	simm.s32 $0x3200;
	v18 =	vadd.s32 v3, v58  }
0x37f: {  	[tilespmem:s8], [sflag:$0x1] =	stream.indirect_vreg.gather [hbm4b:s15+s5], $0x80, v19, vm0, $0xb8;
	[tilespmem:$0x1D300] =	vst v63  }
0x380: {  	v60 =	vperm.xlane v17, v9;
	s23 =	simm.s32 $0x3280;
	v19 =	vadd.s32 v3, v59  }
0x381: {  	[tilespmem:s23], [sflag:$0x1] =	stream.indirect_vreg.gather [hbm4b:s15+s5], $0x80, v57, vm0, $0xb8;
	[tilespmem:$0x1D300] =	vst v63  }
0x382: {  	v62 =	vperm.xlane v17, v10;
	v61 =	vadd.s32 v3, v60;
	s8 =	simm.s32 $0x3300  }
0x383: {  	[tilespmem:s8], [sflag:$0x1] =	stream.indirect_vreg.gather [hbm4b:s15+s5], $0x80, v18, vm0, $0xb8;
	[tilespmem:$0x1D300] =	vst v63  }
0x384: {  	v63 =	vperm.xlane v17, v11;
	s23 =	simm.s32 $0x3380;
	v18 =	vadd.s32 v3, v62  }
0x385: {  	[tilespmem:s23], [sflag:$0x1] =	stream.indirect_vreg.gather [hbm4b:s15+s5], $0x80, v19, vm0, $0xb8;
	[tilespmem:$0x1D300] =	vst v63  }
0x386: {  	v24 =	vperm.xlane v17, v12;
	s8 =	simm.s32 $0x3400;
	v19 =	vadd.s32 v3, v63  }
0x387: {  	[tilespmem:s8], [sflag:$0x1] =	stream.indirect_vreg.gather [hbm4b:s15+s5], $0x80, v61, vm0, $0xb8;
	[tilespmem:$0x1D300] =	vst v63  }
0x388: {  	v26 =	vperm.xlane v17, v13;
	v25 =	vadd.s32 v3, v24;
	s23 =	simm.s32 $0x3480  }
0x389: {  	[tilespmem:s23], [sflag:$0x1] =	stream.indirect_vreg.gather [hbm4b:s15+s5], $0x80, v18, vm0, $0xb8;
	[tilespmem:$0x1D300] =	vst v63  }
0x38a: {  	v27 =	vperm.xlane v17, v14;
	s8 =	simm.s32 $0x3500;
	v18 =	vadd.s32 v3, v26  }
0x38b: {  	[tilespmem:s8], [sflag:$0x1] =	stream.indirect_vreg.gather [hbm4b:s15+s5], $0x80, v19, vm0, $0xb8;
	[tilespmem:$0x1D300] =	vst v63  }
0x38c: {  	v28 =	vperm.xlane v17, v15;
	s23 =	simm.s32 $0x3580;
	v19 =	vadd.s32 v3, v27  }
0x38d: {  	[tilespmem:s23], [sflag:$0x1] =	stream.indirect_vreg.gather [hbm4b:s15+s5], $0x80, v25, vm0, $0xb8;
	[tilespmem:$0x1D300] =	vst v63  }
0x38e: {  	v17 =	vperm.xlane v17, v16;
	v29 =	vadd.s32 v3, v28;
	s8 =	simm.s32 $0x3600  }
0x38f: {  	[tilespmem:s8], [sflag:$0x1] =	stream.indirect_vreg.gather [hbm4b:s15+s5], $0x80, v18, vm0, $0xb8;
	[tilespmem:$0x1D300] =	vst v63  }
0x390: {  	v17 =	vadd.s32 v3, v17;
	s23 =	simm.s32 $0x3680  }
0x391: {  	[tilespmem:s23], [sflag:$0x1] =	stream.indirect_vreg.gather [hbm4b:s15+s5], $0x80, v19, vm0, $0xb8;
	[tilespmem:$0x1D300] =	vst v63  }
0x392: {  	s8 =	simm.s32 $0x3700  }
0x393: {  	[tilespmem:s8], [sflag:$0x1] =	stream.indirect_vreg.gather [hbm4b:s15+s5], $0x80, v29, vm0, $0xb8;
	[tilespmem:$0x1D300] =	vst v63  }
0x394: {  	s23 =	simm.s32 $0x3780  }
0x395: {  	[tilespmem:s23], [sflag:$0x1] =	stream.indirect_vreg.gather [hbm4b:s15+s5], $0x80, v17, vm0, $0xb8;
	[tilespmem:$0x1D300] =	vst v63  }
0x396: {  	v17 =	vld [tilespmem:$0x850];
	_ =	sdelay $0x4  }
0x397: {  	v18 =	vshll.u32 v17, $0x1  }
0x398: {  	v17 =	vand.u32 $0x7, v17;
	v18 =	vand.u32 $0xFFFFFFF0, v18  }
0x399: {  	v17 =	vor.u32 v17, v18  }
0x39a: {  	v18 =	vperm.xlane v17, v2;
	_ =	sdelay $0x1  }
0x39b: {  	v19 =	vperm.xlane v17, v1;
	v18 =	vadd.s32 v3, v18;
	_ =	sdelay $0x1  }
0x39c: {  	v30 =	vperm.xlane v17, v4;
	v19 =	vadd.s32 v3, v19;
	_ =	sdelay $0x1  }
0x39d: {  	s8 =	simm.s32 $0x3800;
	v31 =	vperm.xlane v17, v5;
	v20 =	vadd.s32 v3, v30  }
0x39e: {  	[tilespmem:s8], [sflag:$0x1] =	stream.indirect_vreg.gather [hbm4b:s15+s5], $0x80, v18, vm0, $0xb8;
	[tilespmem:$0x1D300] =	vst v63  }
0x39f: {  	s23 =	simm.s32 $0x3880;
	v32 =	vperm.xlane v17, v6;
	v18 =	vadd.s32 v3, v31  }
0x3a0: {  	[tilespmem:s23], [sflag:$0x1] =	stream.indirect_vreg.gather [hbm4b:s15+s5], $0x80, v19, vm0, $0xb8;
	[tilespmem:$0x1D300] =	vst v63  }
0x3a1: {  	v33 =	vperm.xlane v17, v7;
	s8 =	simm.s32 $0x3900;
	v19 =	vadd.s32 v3, v32  }
0x3a2: {  	[tilespmem:s8], [sflag:$0x1] =	stream.indirect_vreg.gather [hbm4b:s15+s5], $0x80, v20, vm0, $0xb8;
	[tilespmem:$0x1D300] =	vst v63  }
0x3a3: {  	v35 =	vperm.xlane v17, v8;
	v34 =	vadd.s32 v3, v33;
	s23 =	simm.s32 $0x3980  }
0x3a4: {  	[tilespmem:s23], [sflag:$0x1] =	stream.indirect_vreg.gather [hbm4b:s15+s5], $0x80, v18, vm0, $0xb8;
	[tilespmem:$0x1D300] =	vst v63  }
0x3a5: {  	v36 =	vperm.xlane v17, v0;
	s8 =	simm.s32 $0x3A00;
	v18 =	vadd.s32 v3, v35  }
0x3a6: {  	[tilespmem:s8], [sflag:$0x1] =	stream.indirect_vreg.gather [hbm4b:s15+s5], $0x80, v19, vm0, $0xb8;
	[tilespmem:$0x1D300] =	vst v63  }
0x3a7: {  	v37 =	vperm.xlane v17, v9;
	s23 =	simm.s32 $0x3A80;
	v19 =	vadd.s32 v3, v36  }
0x3a8: {  	[tilespmem:s23], [sflag:$0x1] =	stream.indirect_vreg.gather [hbm4b:s15+s5], $0x80, v34, vm0, $0xb8;
	[tilespmem:$0x1D300] =	vst v63  }
0x3a9: {  	v39 =	vperm.xlane v17, v10;
	v38 =	vadd.s32 v3, v37;
	s8 =	simm.s32 $0x3B00  }
0x3aa: {  	[tilespmem:s8], [sflag:$0x1] =	stream.indirect_vreg.gather [hbm4b:s15+s5], $0x80, v18, vm0, $0xb8;
	[tilespmem:$0x1D300] =	vst v63  }
0x3ab: {  	v40 =	vperm.xlane v17, v11;
	s23 =	simm.s32 $0x3B80;
	v18 =	vadd.s32 v3, v39  }
0x3ac: {  	[tilespmem:s23], [sflag:$0x1] =	stream.indirect_vreg.gather [hbm4b:s15+s5], $0x80, v19, vm0, $0xb8;
	[tilespmem:$0x1D300] =	vst v63  }
0x3ad: {  	v41 =	vperm.xlane v17, v12;
	s8 =	simm.s32 $0x3C00;
	v19 =	vadd.s32 v3, v40  }
0x3ae: {  	[tilespmem:s8], [sflag:$0x1] =	stream.indirect_vreg.gather [hbm4b:s15+s5], $0x80, v38, vm0, $0xb8;
	[tilespmem:$0x1D300] =	vst v63  }
0x3af: {  	v43 =	vperm.xlane v17, v13;
	v42 =	vadd.s32 v3, v41;
	s23 =	simm.s32 $0x3C80  }
0x3b0: {  	[tilespmem:s23], [sflag:$0x1] =	stream.indirect_vreg.gather [hbm4b:s15+s5], $0x80, v18, vm0, $0xb8;
	[tilespmem:$0x1D300] =	vst v63  }
0x3b1: {  	v44 =	vperm.xlane v17, v14;
	s8 =	simm.s32 $0x3D00;
	v18 =	vadd.s32 v3, v43  }
0x3b2: {  	[tilespmem:s8], [sflag:$0x1] =	stream.indirect_vreg.gather [hbm4b:s15+s5], $0x80, v19, vm0, $0xb8;
	[tilespmem:$0x1D300] =	vst v63  }
0x3b3: {  	v45 =	vperm.xlane v17, v15;
	s23 =	simm.s32 $0x3D80;
	v19 =	vadd.s32 v3, v44  }
0x3b4: {  	[tilespmem:s23], [sflag:$0x1] =	stream.indirect_vreg.gather [hbm4b:s15+s5], $0x80, v42, vm0, $0xb8;
	[tilespmem:$0x1D300] =	vst v63  }
0x3b5: {  	v17 =	vperm.xlane v17, v16;
	v46 =	vadd.s32 v3, v45;
	s8 =	simm.s32 $0x3E00  }
0x3b6: {  	[tilespmem:s8], [sflag:$0x1] =	stream.indirect_vreg.gather [hbm4b:s15+s5], $0x80, v18, vm0, $0xb8;
	[tilespmem:$0x1D300] =	vst v63  }
0x3b7: {  	v17 =	vadd.s32 v3, v17;
	s23 =	simm.s32 $0x3E80  }
0x3b8: {  	[tilespmem:s23], [sflag:$0x1] =	stream.indirect_vreg.gather [hbm4b:s15+s5], $0x80, v19, vm0, $0xb8;
	[tilespmem:$0x1D300] =	vst v63  }
0x3b9: {  	s8 =	simm.s32 $0x3F00  }
0x3ba: {  	[tilespmem:s8], [sflag:$0x1] =	stream.indirect_vreg.gather [hbm4b:s15+s5], $0x80, v46, vm0, $0xb8;
	[tilespmem:$0x1D300] =	vst v63  }
0x3bb: {  	s23 =	simm.s32 $0x3F80  }
0x3bc: {  	[tilespmem:s23], [sflag:$0x1] =	stream.indirect_vreg.gather [hbm4b:s15+s5], $0x80, v17, vm0, $0xb8;
	[tilespmem:$0x1D300] =	vst v63  }
0x3bd: {  	v17 =	vld [tilespmem:$0x860];
	_ =	sdelay $0x4  }
0x3be: {  	v18 =	vshll.u32 v17, $0x1  }
0x3bf: {  	v17 =	vand.u32 $0x7, v17;
	v18 =	vand.u32 $0xFFFFFFF0, v18  }
0x3c0: {  	v17 =	vor.u32 v17, v18  }
0x3c1: {  	v18 =	vperm.xlane v17, v2;
	_ =	sdelay $0x1  }
0x3c2: {  	v19 =	vperm.xlane v17, v1;
	v18 =	vadd.s32 v3, v18;
	_ =	sdelay $0x1  }
0x3c3: {  	v47 =	vperm.xlane v17, v4;
	v19 =	vadd.s32 v3, v19;
	_ =	sdelay $0x1  }
0x3c4: {  	s8 =	simm.s32 $0x4000;
	v48 =	vperm.xlane v17, v5;
	v20 =	vadd.s32 v3, v47  }
0x3c5: {  	[tilespmem:s8], [sflag:$0x1] =	stream.indirect_vreg.gather [hbm4b:s15+s5], $0x80, v18, vm0, $0xb8;
	[tilespmem:$0x1D300] =	vst v63  }
0x3c6: {  	s23 =	simm.s32 $0x4080;
	v49 =	vperm.xlane v17, v6;
	v18 =	vadd.s32 v3, v48  }
0x3c7: {  	[tilespmem:s23], [sflag:$0x1] =	stream.indirect_vreg.gather [hbm4b:s15+s5], $0x80, v19, vm0, $0xb8;
	[tilespmem:$0x1D300] =	vst v63  }
0x3c8: {  	v50 =	vperm.xlane v17, v7;
	s8 =	simm.s32 $0x4100;
	v19 =	vadd.s32 v3, v49  }
0x3c9: {  	[tilespmem:s8], [sflag:$0x1] =	stream.indirect_vreg.gather [hbm4b:s15+s5], $0x80, v20, vm0, $0xb8;
	[tilespmem:$0x1D300] =	vst v63  }
0x3ca: {  	v52 =	vperm.xlane v17, v8;
	v51 =	vadd.s32 v3, v50;
	s23 =	simm.s32 $0x4180  }
0x3cb: {  	[tilespmem:s23], [sflag:$0x1] =	stream.indirect_vreg.gather [hbm4b:s15+s5], $0x80, v18, vm0, $0xb8;
	[tilespmem:$0x1D300] =	vst v63  }
0x3cc: {  	v53 =	vperm.xlane v17, v0;
	s8 =	simm.s32 $0x4200;
	v18 =	vadd.s32 v3, v52  }
0x3cd: {  	[tilespmem:s8], [sflag:$0x1] =	stream.indirect_vreg.gather [hbm4b:s15+s5], $0x80, v19, vm0, $0xb8;
	[tilespmem:$0x1D300] =	vst v63  }
0x3ce: {  	v54 =	vperm.xlane v17, v9;
	s23 =	simm.s32 $0x4280;
	v19 =	vadd.s32 v3, v53  }
0x3cf: {  	[tilespmem:s23], [sflag:$0x1] =	stream.indirect_vreg.gather [hbm4b:s15+s5], $0x80, v51, vm0, $0xb8;
	[tilespmem:$0x1D300] =	vst v63  }
0x3d0: {  	v56 =	vperm.xlane v17, v10;
	v55 =	vadd.s32 v3, v54;
	s8 =	simm.s32 $0x4300  }
0x3d1: {  	[tilespmem:s8], [sflag:$0x1] =	stream.indirect_vreg.gather [hbm4b:s15+s5], $0x80, v18, vm0, $0xb8;
	[tilespmem:$0x1D300] =	vst v63  }
0x3d2: {  	v57 =	vperm.xlane v17, v11;
	s23 =	simm.s32 $0x4380;
	v18 =	vadd.s32 v3, v56  }
0x3d3: {  	[tilespmem:s23], [sflag:$0x1] =	stream.indirect_vreg.gather [hbm4b:s15+s5], $0x80, v19, vm0, $0xb8;
	[tilespmem:$0x1D300] =	vst v63  }
0x3d4: {  	v58 =	vperm.xlane v17, v12;
	s8 =	simm.s32 $0x4400;
	v19 =	vadd.s32 v3, v57  }
0x3d5: {  	[tilespmem:s8], [sflag:$0x1] =	stream.indirect_vreg.gather [hbm4b:s15+s5], $0x80, v55, vm0, $0xb8;
	[tilespmem:$0x1D300] =	vst v63  }
0x3d6: {  	v60 =	vperm.xlane v17, v13;
	v59 =	vadd.s32 v3, v58;
	s23 =	simm.s32 $0x4480  }
0x3d7: {  	[tilespmem:s23], [sflag:$0x1] =	stream.indirect_vreg.gather [hbm4b:s15+s5], $0x80, v18, vm0, $0xb8;
	[tilespmem:$0x1D300] =	vst v63  }
0x3d8: {  	v61 =	vperm.xlane v17, v14;
	s8 =	simm.s32 $0x4500;
	v18 =	vadd.s32 v3, v60  }
0x3d9: {  	[tilespmem:s8], [sflag:$0x1] =	stream.indirect_vreg.gather [hbm4b:s15+s5], $0x80, v19, vm0, $0xb8;
	[tilespmem:$0x1D300] =	vst v63  }
0x3da: {  	s23 =	simm.s32 $0x4580;
	v19 =	vadd.s32 v3, v61  }
0x3db: {  	v62 =	vperm.xlane v17, v15;
	[tilespmem:s23], [sflag:$0x1] =	stream.indirect_vreg.gather [hbm4b:s15+s5], $0x80, v59, vm0, $0xb8;
	[tilespmem:$0x1D300] =	vst v63  }
0x3dc: {  	s8 =	simm.s32 $0x4600  }
0x3dd: {  	v17 =	vperm.xlane v17, v16;
	v63 =	vadd.s32 v3, v62;
	[tilespmem:s8], [sflag:$0x1] =	stream.indirect_vreg.gather [hbm4b:s15+s5], $0x80, v18, vm0, $0xb8;
	[tilespmem:$0x1D300] =	vst v63  }
0x3de: {  	s23 =	simm.s32 $0x4680  }
0x3df: {  	v17 =	vadd.s32 v3, v17;
	[tilespmem:s23], [sflag:$0x1] =	stream.indirect_vreg.gather [hbm4b:s15+s5], $0x80, v19, vm0, $0xb8;
	[tilespmem:$0x1D300] =	vst v63  }
.Ltmp7:
0x3e0: {  	_ = 	snop;
	(pc) =	sbr.rel .LBB2_8-.Ltmp7, $4  }
0x3e1: {  	s8 =	simm.s32 $0x4700  }
0x3e2: {  	[tilespmem:s8], [sflag:$0x1] =	stream.indirect_vreg.gather [hbm4b:s15+s5], $0x80, v63, vm0, $0xb8;
	[tilespmem:$0x1D300] =	vst v63  }
0x3e3: {  	s2 =	simm.s32 $0x870;
	s23 =	simm.s32 $0x4780  }
0x3e4: {  	[tilespmem:s23], [sflag:$0x1] =	stream.indirect_vreg.gather [hbm4b:s15+s5], $0x80, v17, vm0, $0xb8;
	[tilespmem:$0x1D300] =	vst v63  }
.LBB2_6:
0x3e5: {  	v17 =	vld [tilespmem:s19+$0x100];
	_ =	sdelay $0x4  }
0x3e6: {  	v18 =	vshll.u32 v17, $0x1  }
0x3e7: {  	v17 =	vand.u32 $0x7, v17;
	v18 =	vand.u32 $0xFFFFFFF0, v18  }
0x3e8: {  	v17 =	vor.u32 v17, v18  }
0x3e9: {  	v18 =	vperm.xlane v17, v2;
	_ =	sdelay $0x1  }
0x3ea: {  	v19 =	vperm.xlane v17, v1;
	v18 =	vadd.s32 v3, v18;
	_ =	sdelay $0x1  }
0x3eb: {  	v20 =	vperm.xlane v17, v4;
	v19 =	vadd.s32 v3, v19;
	_ =	sdelay $0x1  }
0x3ec: {  	v21 =	vperm.xlane v17, v5;
	v20 =	vadd.s32 v3, v20  }
0x3ed: {  	[tilespmem:s24], [sflag:$0x1] =	stream.indirect_vreg.gather [hbm4b:s15+s5], $0x80, v18, vm0, $0xb8;
	[tilespmem:$0x1D300] =	vst v63  }
0x3ee: {  	s2 =	simm.s32 $0x1080;
	v27 =	vperm.xlane v17, v6;
	v18 =	vadd.s32 v3, v21  }
0x3ef: {  	[tilespmem:s2], [sflag:$0x1] =	stream.indirect_vreg.gather [hbm4b:s15+s5], $0x80, v19, vm0, $0xb8;
	[tilespmem:$0x1D300] =	vst v63  }
0x3f0: {  	s8 =	simm.s32 $0x1100;
	v28 =	vperm.xlane v17, v7;
	v19 =	vadd.s32 v3, v27  }
0x3f1: {  	[tilespmem:s8], [sflag:$0x1] =	stream.indirect_vreg.gather [hbm4b:s15+s5], $0x80, v20, vm0, $0xb8;
	[tilespmem:$0x1D300] =	vst v63  }
0x3f2: {  	s23 =	simm.s32 $0x1180;
	v30 =	vperm.xlane v17, v8;
	v29 =	vadd.s32 v3, v28  }
0x3f3: {  	[tilespmem:s23], [sflag:$0x1] =	stream.indirect_vreg.gather [hbm4b:s15+s5], $0x80, v18, vm0, $0xb8;
	[tilespmem:$0x1D300] =	vst v63  }
0x3f4: {  	v31 =	vperm.xlane v17, v0;
	s8 =	simm.s32 $0x1200;
	v18 =	vadd.s32 v3, v30  }
0x3f5: {  	[tilespmem:s8], [sflag:$0x1] =	stream.indirect_vreg.gather [hbm4b:s15+s5], $0x80, v19, vm0, $0xb8;
	[tilespmem:$0x1D300] =	vst v63  }
0x3f6: {  	v32 =	vperm.xlane v17, v9;
	s23 =	simm.s32 $0x1280;
	v19 =	vadd.s32 v3, v31  }
0x3f7: {  	[tilespmem:s23], [sflag:$0x1] =	stream.indirect_vreg.gather [hbm4b:s15+s5], $0x80, v29, vm0, $0xb8;
	[tilespmem:$0x1D300] =	vst v63  }
0x3f8: {  	v34 =	vperm.xlane v17, v10;
	v33 =	vadd.s32 v3, v32;
	s8 =	simm.s32 $0x1300  }
0x3f9: {  	[tilespmem:s8], [sflag:$0x1] =	stream.indirect_vreg.gather [hbm4b:s15+s5], $0x80, v18, vm0, $0xb8;
	[tilespmem:$0x1D300] =	vst v63  }
0x3fa: {  	v35 =	vperm.xlane v17, v11;
	s23 =	simm.s32 $0x1380;
	v18 =	vadd.s32 v3, v34  }
0x3fb: {  	[tilespmem:s23], [sflag:$0x1] =	stream.indirect_vreg.gather [hbm4b:s15+s5], $0x80, v19, vm0, $0xb8;
	[tilespmem:$0x1D300] =	vst v63  }
0x3fc: {  	v36 =	vperm.xlane v17, v12;
	s8 =	simm.s32 $0x1400;
	v19 =	vadd.s32 v3, v35  }
0x3fd: {  	[tilespmem:s8], [sflag:$0x1] =	stream.indirect_vreg.gather [hbm4b:s15+s5], $0x80, v33, vm0, $0xb8;
	[tilespmem:$0x1D300] =	vst v63  }
0x3fe: {  	v38 =	vperm.xlane v17, v13;
	v37 =	vadd.s32 v3, v36;
	s23 =	simm.s32 $0x1480  }
0x3ff: {  	[tilespmem:s23], [sflag:$0x1] =	stream.indirect_vreg.gather [hbm4b:s15+s5], $0x80, v18, vm0, $0xb8;
	[tilespmem:$0x1D300] =	vst v63  }
0x400: {  	v39 =	vperm.xlane v17, v14;
	s8 =	simm.s32 $0x1500;
	v18 =	vadd.s32 v3, v38  }
0x401: {  	[tilespmem:s8], [sflag:$0x1] =	stream.indirect_vreg.gather [hbm4b:s15+s5], $0x80, v19, vm0, $0xb8;
	[tilespmem:$0x1D300] =	vst v63  }
0x402: {  	v40 =	vperm.xlane v17, v15;
	s23 =	simm.s32 $0x1580;
	v19 =	vadd.s32 v3, v39  }
0x403: {  	[tilespmem:s23], [sflag:$0x1] =	stream.indirect_vreg.gather [hbm4b:s15+s5], $0x80, v37, vm0, $0xb8;
	[tilespmem:$0x1D300] =	vst v63  }
0x404: {  	v17 =	vperm.xlane v17, v16;
	v41 =	vadd.s32 v3, v40;
	s8 =	simm.s32 $0x1600  }
0x405: {  	[tilespmem:s8], [sflag:$0x1] =	stream.indirect_vreg.gather [hbm4b:s15+s5], $0x80, v18, vm0, $0xb8;
	[tilespmem:$0x1D300] =	vst v63  }
0x406: {  	v17 =	vadd.s32 v3, v17;
	s23 =	simm.s32 $0x1680  }
0x407: {  	[tilespmem:s23], [sflag:$0x1] =	stream.indirect_vreg.gather [hbm4b:s15+s5], $0x80, v19, vm0, $0xb8;
	[tilespmem:$0x1D300] =	vst v63  }
0x408: {  	s8 =	simm.s32 $0x1700  }
0x409: {  	[tilespmem:s8], [sflag:$0x1] =	stream.indirect_vreg.gather [hbm4b:s15+s5], $0x80, v41, vm0, $0xb8;
	[tilespmem:$0x1D300] =	vst v63  }
0x40a: {  	s23 =	simm.s32 $0x1780  }
0x40b: {  	[tilespmem:s23], [sflag:$0x1] =	stream.indirect_vreg.gather [hbm4b:s15+s5], $0x80, v17, vm0, $0xb8;
	[tilespmem:$0x1D300] =	vst v63  }
0x40c: {  	v17 =	vld [tilespmem:s19+$0x110];
	_ =	sdelay $0x4  }
0x40d: {  	v18 =	vshll.u32 v17, $0x1  }
0x40e: {  	v17 =	vand.u32 $0x7, v17;
	v18 =	vand.u32 $0xFFFFFFF0, v18  }
0x40f: {  	v17 =	vor.u32 v17, v18  }
0x410: {  	v18 =	vperm.xlane v17, v2;
	_ =	sdelay $0x1  }
0x411: {  	v19 =	vperm.xlane v17, v1;
	v18 =	vadd.s32 v3, v18;
	_ =	sdelay $0x1  }
0x412: {  	v42 =	vperm.xlane v17, v4;
	v19 =	vadd.s32 v3, v19;
	_ =	sdelay $0x1  }
0x413: {  	s8 =	simm.s32 $0x1800;
	v43 =	vperm.xlane v17, v5;
	v20 =	vadd.s32 v3, v42  }
0x414: {  	[tilespmem:s8], [sflag:$0x1] =	stream.indirect_vreg.gather [hbm4b:s15+s5], $0x80, v18, vm0, $0xb8;
	[tilespmem:$0x1D300] =	vst v63  }
0x415: {  	s23 =	simm.s32 $0x1880;
	v44 =	vperm.xlane v17, v6;
	v18 =	vadd.s32 v3, v43  }
0x416: {  	[tilespmem:s23], [sflag:$0x1] =	stream.indirect_vreg.gather [hbm4b:s15+s5], $0x80, v19, vm0, $0xb8;
	[tilespmem:$0x1D300] =	vst v63  }
0x417: {  	v45 =	vperm.xlane v17, v7;
	s8 =	simm.s32 $0x1900;
	v19 =	vadd.s32 v3, v44  }
0x418: {  	[tilespmem:s8], [sflag:$0x1] =	stream.indirect_vreg.gather [hbm4b:s15+s5], $0x80, v20, vm0, $0xb8;
	[tilespmem:$0x1D300] =	vst v63  }
0x419: {  	v47 =	vperm.xlane v17, v8;
	v46 =	vadd.s32 v3, v45;
	s23 =	simm.s32 $0x1980  }
0x41a: {  	[tilespmem:s23], [sflag:$0x1] =	stream.indirect_vreg.gather [hbm4b:s15+s5], $0x80, v18, vm0, $0xb8;
	[tilespmem:$0x1D300] =	vst v63  }
0x41b: {  	v48 =	vperm.xlane v17, v0;
	s8 =	simm.s32 $0x1A00;
	v18 =	vadd.s32 v3, v47  }
0x41c: {  	[tilespmem:s8], [sflag:$0x1] =	stream.indirect_vreg.gather [hbm4b:s15+s5], $0x80, v19, vm0, $0xb8;
	[tilespmem:$0x1D300] =	vst v63  }
0x41d: {  	v49 =	vperm.xlane v17, v9;
	s23 =	simm.s32 $0x1A80;
	v19 =	vadd.s32 v3, v48  }
0x41e: {  	[tilespmem:s23], [sflag:$0x1] =	stream.indirect_vreg.gather [hbm4b:s15+s5], $0x80, v46, vm0, $0xb8;
	[tilespmem:$0x1D300] =	vst v63  }
0x41f: {  	v51 =	vperm.xlane v17, v10;
	v50 =	vadd.s32 v3, v49;
	s8 =	simm.s32 $0x1B00  }
0x420: {  	[tilespmem:s8], [sflag:$0x1] =	stream.indirect_vreg.gather [hbm4b:s15+s5], $0x80, v18, vm0, $0xb8;
	[tilespmem:$0x1D300] =	vst v63  }
0x421: {  	v52 =	vperm.xlane v17, v11;
	s23 =	simm.s32 $0x1B80;
	v18 =	vadd.s32 v3, v51  }
0x422: {  	[tilespmem:s23], [sflag:$0x1] =	stream.indirect_vreg.gather [hbm4b:s15+s5], $0x80, v19, vm0, $0xb8;
	[tilespmem:$0x1D300] =	vst v63  }
0x423: {  	v53 =	vperm.xlane v17, v12;
	s8 =	simm.s32 $0x1C00;
	v19 =	vadd.s32 v3, v52  }
0x424: {  	[tilespmem:s8], [sflag:$0x1] =	stream.indirect_vreg.gather [hbm4b:s15+s5], $0x80, v50, vm0, $0xb8;
	[tilespmem:$0x1D300] =	vst v63  }
0x425: {  	v55 =	vperm.xlane v17, v13;
	v54 =	vadd.s32 v3, v53;
	s23 =	simm.s32 $0x1C80  }
0x426: {  	[tilespmem:s23], [sflag:$0x1] =	stream.indirect_vreg.gather [hbm4b:s15+s5], $0x80, v18, vm0, $0xb8;
	[tilespmem:$0x1D300] =	vst v63  }
0x427: {  	v56 =	vperm.xlane v17, v14;
	s8 =	simm.s32 $0x1D00;
	v18 =	vadd.s32 v3, v55  }
0x428: {  	[tilespmem:s8], [sflag:$0x1] =	stream.indirect_vreg.gather [hbm4b:s15+s5], $0x80, v19, vm0, $0xb8;
	[tilespmem:$0x1D300] =	vst v63  }
0x429: {  	v57 =	vperm.xlane v17, v15;
	s23 =	simm.s32 $0x1D80;
	v19 =	vadd.s32 v3, v56  }
0x42a: {  	[tilespmem:s23], [sflag:$0x1] =	stream.indirect_vreg.gather [hbm4b:s15+s5], $0x80, v54, vm0, $0xb8;
	[tilespmem:$0x1D300] =	vst v63  }
0x42b: {  	v17 =	vperm.xlane v17, v16;
	v58 =	vadd.s32 v3, v57;
	s8 =	simm.s32 $0x1E00  }
0x42c: {  	[tilespmem:s8], [sflag:$0x1] =	stream.indirect_vreg.gather [hbm4b:s15+s5], $0x80, v18, vm0, $0xb8;
	[tilespmem:$0x1D300] =	vst v63  }
0x42d: {  	v17 =	vadd.s32 v3, v17;
	s23 =	simm.s32 $0x1E80  }
0x42e: {  	[tilespmem:s23], [sflag:$0x1] =	stream.indirect_vreg.gather [hbm4b:s15+s5], $0x80, v19, vm0, $0xb8;
	[tilespmem:$0x1D300] =	vst v63  }
0x42f: {  	s8 =	simm.s32 $0x1F00  }
0x430: {  	[tilespmem:s8], [sflag:$0x1] =	stream.indirect_vreg.gather [hbm4b:s15+s5], $0x80, v58, vm0, $0xb8;
	[tilespmem:$0x1D300] =	vst v63  }
0x431: {  	s23 =	simm.s32 $0x1F80  }
0x432: {  	[tilespmem:s23], [sflag:$0x1] =	stream.indirect_vreg.gather [hbm4b:s15+s5], $0x80, v17, vm0, $0xb8;
	[tilespmem:$0x1D300] =	vst v63  }
0x433: {  	v17 =	vld [tilespmem:s19+$0x120];
	_ =	sdelay $0x4  }
0x434: {  	v18 =	vshll.u32 v17, $0x1  }
0x435: {  	v17 =	vand.u32 $0x7, v17;
	v18 =	vand.u32 $0xFFFFFFF0, v18  }
0x436: {  	v17 =	vor.u32 v17, v18  }
0x437: {  	v18 =	vperm.xlane v17, v2;
	_ =	sdelay $0x1  }
0x438: {  	v19 =	vperm.xlane v17, v1;
	v18 =	vadd.s32 v3, v18;
	_ =	sdelay $0x1  }
0x439: {  	v59 =	vperm.xlane v17, v4;
	v19 =	vadd.s32 v3, v19;
	_ =	sdelay $0x1  }
0x43a: {  	s8 =	simm.s32 $0x2000;
	v60 =	vperm.xlane v17, v5;
	v20 =	vadd.s32 v3, v59  }
0x43b: {  	[tilespmem:s8], [sflag:$0x1] =	stream.indirect_vreg.gather [hbm4b:s15+s5], $0x80, v18, vm0, $0xb8;
	[tilespmem:$0x1D300] =	vst v63  }
0x43c: {  	s23 =	simm.s32 $0x2080;
	v61 =	vperm.xlane v17, v6;
	v18 =	vadd.s32 v3, v60  }
0x43d: {  	[tilespmem:s23], [sflag:$0x1] =	stream.indirect_vreg.gather [hbm4b:s15+s5], $0x80, v19, vm0, $0xb8;
	[tilespmem:$0x1D300] =	vst v63  }
0x43e: {  	v62 =	vperm.xlane v17, v7;
	s8 =	simm.s32 $0x2100;
	v19 =	vadd.s32 v3, v61  }
0x43f: {  	[tilespmem:s8], [sflag:$0x1] =	stream.indirect_vreg.gather [hbm4b:s15+s5], $0x80, v20, vm0, $0xb8;
	[tilespmem:$0x1D300] =	vst v63  }
0x440: {  	v24 =	vperm.xlane v17, v8;
	v63 =	vadd.s32 v3, v62;
	s23 =	simm.s32 $0x2180  }
0x441: {  	[tilespmem:s23], [sflag:$0x1] =	stream.indirect_vreg.gather [hbm4b:s15+s5], $0x80, v18, vm0, $0xb8;
	[tilespmem:$0x1D300] =	vst v63  }
0x442: {  	v25 =	vperm.xlane v17, v0;
	s8 =	simm.s32 $0x2200;
	v18 =	vadd.s32 v3, v24  }
0x443: {  	[tilespmem:s8], [sflag:$0x1] =	stream.indirect_vreg.gather [hbm4b:s15+s5], $0x80, v19, vm0, $0xb8;
	[tilespmem:$0x1D300] =	vst v63  }
0x444: {  	v26 =	vperm.xlane v17, v9;
	s23 =	simm.s32 $0x2280;
	v19 =	vadd.s32 v3, v25  }
0x445: {  	[tilespmem:s23], [sflag:$0x1] =	stream.indirect_vreg.gather [hbm4b:s15+s5], $0x80, v63, vm0, $0xb8;
	[tilespmem:$0x1D300] =	vst v63  }
0x446: {  	v28 =	vperm.xlane v17, v10;
	v27 =	vadd.s32 v3, v26;
	s8 =	simm.s32 $0x2300  }
0x447: {  	[tilespmem:s8], [sflag:$0x1] =	stream.indirect_vreg.gather [hbm4b:s15+s5], $0x80, v18, vm0, $0xb8;
	[tilespmem:$0x1D300] =	vst v63  }
0x448: {  	v29 =	vperm.xlane v17, v11;
	s23 =	simm.s32 $0x2380;
	v18 =	vadd.s32 v3, v28  }
0x449: {  	[tilespmem:s23], [sflag:$0x1] =	stream.indirect_vreg.gather [hbm4b:s15+s5], $0x80, v19, vm0, $0xb8;
	[tilespmem:$0x1D300] =	vst v63  }
0x44a: {  	v30 =	vperm.xlane v17, v12;
	s8 =	simm.s32 $0x2400;
	v19 =	vadd.s32 v3, v29  }
0x44b: {  	[tilespmem:s8], [sflag:$0x1] =	stream.indirect_vreg.gather [hbm4b:s15+s5], $0x80, v27, vm0, $0xb8;
	[tilespmem:$0x1D300] =	vst v63  }
0x44c: {  	v32 =	vperm.xlane v17, v13;
	v31 =	vadd.s32 v3, v30;
	s23 =	simm.s32 $0x2480  }
0x44d: {  	[tilespmem:s23], [sflag:$0x1] =	stream.indirect_vreg.gather [hbm4b:s15+s5], $0x80, v18, vm0, $0xb8;
	[tilespmem:$0x1D300] =	vst v63  }
0x44e: {  	v33 =	vperm.xlane v17, v14;
	s8 =	simm.s32 $0x2500;
	v18 =	vadd.s32 v3, v32  }
0x44f: {  	[tilespmem:s8], [sflag:$0x1] =	stream.indirect_vreg.gather [hbm4b:s15+s5], $0x80, v19, vm0, $0xb8;
	[tilespmem:$0x1D300] =	vst v63  }
0x450: {  	v34 =	vperm.xlane v17, v15;
	s23 =	simm.s32 $0x2580;
	v19 =	vadd.s32 v3, v33  }
0x451: {  	[tilespmem:s23], [sflag:$0x1] =	stream.indirect_vreg.gather [hbm4b:s15+s5], $0x80, v31, vm0, $0xb8;
	[tilespmem:$0x1D300] =	vst v63  }
0x452: {  	v17 =	vperm.xlane v17, v16;
	v35 =	vadd.s32 v3, v34;
	s8 =	simm.s32 $0x2600  }
0x453: {  	[tilespmem:s8], [sflag:$0x1] =	stream.indirect_vreg.gather [hbm4b:s15+s5], $0x80, v18, vm0, $0xb8;
	[tilespmem:$0x1D300] =	vst v63  }
0x454: {  	v17 =	vadd.s32 v3, v17;
	s23 =	simm.s32 $0x2680  }
0x455: {  	[tilespmem:s23], [sflag:$0x1] =	stream.indirect_vreg.gather [hbm4b:s15+s5], $0x80, v19, vm0, $0xb8;
	[tilespmem:$0x1D300] =	vst v63  }
0x456: {  	s8 =	simm.s32 $0x2700  }
0x457: {  	[tilespmem:s8], [sflag:$0x1] =	stream.indirect_vreg.gather [hbm4b:s15+s5], $0x80, v35, vm0, $0xb8;
	[tilespmem:$0x1D300] =	vst v63  }
0x458: {  	s23 =	simm.s32 $0x2780  }
0x459: {  	[tilespmem:s23], [sflag:$0x1] =	stream.indirect_vreg.gather [hbm4b:s15+s5], $0x80, v17, vm0, $0xb8;
	[tilespmem:$0x1D300] =	vst v63  }
0x45a: {  	v17 =	vld [tilespmem:s19+$0x130];
	_ =	sdelay $0x4  }
0x45b: {  	v18 =	vshll.u32 v17, $0x1  }
0x45c: {  	v17 =	vand.u32 $0x7, v17;
	v18 =	vand.u32 $0xFFFFFFF0, v18  }
0x45d: {  	v17 =	vor.u32 v17, v18  }
0x45e: {  	v18 =	vperm.xlane v17, v2;
	_ =	sdelay $0x1  }
0x45f: {  	v19 =	vperm.xlane v17, v1;
	v18 =	vadd.s32 v3, v18;
	_ =	sdelay $0x1  }
0x460: {  	v36 =	vperm.xlane v17, v4;
	v19 =	vadd.s32 v3, v19;
	_ =	sdelay $0x1  }
0x461: {  	s8 =	simm.s32 $0x2800;
	v37 =	vperm.xlane v17, v5;
	v20 =	vadd.s32 v3, v36  }
0x462: {  	[tilespmem:s8], [sflag:$0x1] =	stream.indirect_vreg.gather [hbm4b:s15+s5], $0x80, v18, vm0, $0xb8;
	[tilespmem:$0x1D300] =	vst v63  }
0x463: {  	s23 =	simm.s32 $0x2880;
	v38 =	vperm.xlane v17, v6;
	v18 =	vadd.s32 v3, v37  }
0x464: {  	[tilespmem:s23], [sflag:$0x1] =	stream.indirect_vreg.gather [hbm4b:s15+s5], $0x80, v19, vm0, $0xb8;
	[tilespmem:$0x1D300] =	vst v63  }
0x465: {  	v39 =	vperm.xlane v17, v7;
	s8 =	simm.s32 $0x2900;
	v19 =	vadd.s32 v3, v38  }
0x466: {  	[tilespmem:s8], [sflag:$0x1] =	stream.indirect_vreg.gather [hbm4b:s15+s5], $0x80, v20, vm0, $0xb8;
	[tilespmem:$0x1D300] =	vst v63  }
0x467: {  	v41 =	vperm.xlane v17, v8;
	v40 =	vadd.s32 v3, v39;
	s23 =	simm.s32 $0x2980  }
0x468: {  	[tilespmem:s23], [sflag:$0x1] =	stream.indirect_vreg.gather [hbm4b:s15+s5], $0x80, v18, vm0, $0xb8;
	[tilespmem:$0x1D300] =	vst v63  }
0x469: {  	v42 =	vperm.xlane v17, v0;
	s8 =	simm.s32 $0x2A00;
	v18 =	vadd.s32 v3, v41  }
0x46a: {  	[tilespmem:s8], [sflag:$0x1] =	stream.indirect_vreg.gather [hbm4b:s15+s5], $0x80, v19, vm0, $0xb8;
	[tilespmem:$0x1D300] =	vst v63  }
0x46b: {  	v43 =	vperm.xlane v17, v9;
	s23 =	simm.s32 $0x2A80;
	v19 =	vadd.s32 v3, v42  }
0x46c: {  	[tilespmem:s23], [sflag:$0x1] =	stream.indirect_vreg.gather [hbm4b:s15+s5], $0x80, v40, vm0, $0xb8;
	[tilespmem:$0x1D300] =	vst v63  }
0x46d: {  	v45 =	vperm.xlane v17, v10;
	v44 =	vadd.s32 v3, v43;
	s8 =	simm.s32 $0x2B00  }
0x46e: {  	[tilespmem:s8], [sflag:$0x1] =	stream.indirect_vreg.gather [hbm4b:s15+s5], $0x80, v18, vm0, $0xb8;
	[tilespmem:$0x1D300] =	vst v63  }
0x46f: {  	v46 =	vperm.xlane v17, v11;
	s23 =	simm.s32 $0x2B80;
	v18 =	vadd.s32 v3, v45  }
0x470: {  	[tilespmem:s23], [sflag:$0x1] =	stream.indirect_vreg.gather [hbm4b:s15+s5], $0x80, v19, vm0, $0xb8;
	[tilespmem:$0x1D300] =	vst v63  }
0x471: {  	v47 =	vperm.xlane v17, v12;
	s8 =	simm.s32 $0x2C00;
	v19 =	vadd.s32 v3, v46  }
0x472: {  	[tilespmem:s8], [sflag:$0x1] =	stream.indirect_vreg.gather [hbm4b:s15+s5], $0x80, v44, vm0, $0xb8;
	[tilespmem:$0x1D300] =	vst v63  }
0x473: {  	v49 =	vperm.xlane v17, v13;
	v48 =	vadd.s32 v3, v47;
	s23 =	simm.s32 $0x2C80  }
0x474: {  	[tilespmem:s23], [sflag:$0x1] =	stream.indirect_vreg.gather [hbm4b:s15+s5], $0x80, v18, vm0, $0xb8;
	[tilespmem:$0x1D300] =	vst v63  }
0x475: {  	v50 =	vperm.xlane v17, v14;
	s8 =	simm.s32 $0x2D00;
	v18 =	vadd.s32 v3, v49  }
0x476: {  	[tilespmem:s8], [sflag:$0x1] =	stream.indirect_vreg.gather [hbm4b:s15+s5], $0x80, v19, vm0, $0xb8;
	[tilespmem:$0x1D300] =	vst v63  }
0x477: {  	v51 =	vperm.xlane v17, v15;
	s23 =	simm.s32 $0x2D80;
	v19 =	vadd.s32 v3, v50  }
0x478: {  	[tilespmem:s23], [sflag:$0x1] =	stream.indirect_vreg.gather [hbm4b:s15+s5], $0x80, v48, vm0, $0xb8;
	[tilespmem:$0x1D300] =	vst v63  }
0x479: {  	v17 =	vperm.xlane v17, v16;
	v52 =	vadd.s32 v3, v51;
	s8 =	simm.s32 $0x2E00  }
0x47a: {  	[tilespmem:s8], [sflag:$0x1] =	stream.indirect_vreg.gather [hbm4b:s15+s5], $0x80, v18, vm0, $0xb8;
	[tilespmem:$0x1D300] =	vst v63  }
0x47b: {  	v17 =	vadd.s32 v3, v17;
	s23 =	simm.s32 $0x2E80  }
0x47c: {  	[tilespmem:s23], [sflag:$0x1] =	stream.indirect_vreg.gather [hbm4b:s15+s5], $0x80, v19, vm0, $0xb8;
	[tilespmem:$0x1D300] =	vst v63  }
0x47d: {  	s8 =	simm.s32 $0x2F00  }
0x47e: {  	[tilespmem:s8], [sflag:$0x1] =	stream.indirect_vreg.gather [hbm4b:s15+s5], $0x80, v52, vm0, $0xb8;
	[tilespmem:$0x1D300] =	vst v63  }
0x47f: {  	s23 =	simm.s32 $0x2F80  }
0x480: {  	[tilespmem:s23], [sflag:$0x1] =	stream.indirect_vreg.gather [hbm4b:s15+s5], $0x80, v17, vm0, $0xb8;
	[tilespmem:$0x1D300] =	vst v63  }
0x481: {  	v17 =	vld [tilespmem:s19+$0x140];
	_ =	sdelay $0x4  }
0x482: {  	v18 =	vshll.u32 v17, $0x1  }
0x483: {  	v17 =	vand.u32 $0x7, v17;
	v18 =	vand.u32 $0xFFFFFFF0, v18  }
0x484: {  	v17 =	vor.u32 v17, v18  }
0x485: {  	v18 =	vperm.xlane v17, v2;
	_ =	sdelay $0x1  }
0x486: {  	v19 =	vperm.xlane v17, v1;
	v18 =	vadd.s32 v3, v18;
	_ =	sdelay $0x1  }
0x487: {  	v53 =	vperm.xlane v17, v4;
	v19 =	vadd.s32 v3, v19;
	_ =	sdelay $0x1  }
0x488: {  	s8 =	simm.s32 $0x3000;
	v54 =	vperm.xlane v17, v5;
	v20 =	vadd.s32 v3, v53  }
0x489: {  	[tilespmem:s8], [sflag:$0x1] =	stream.indirect_vreg.gather [hbm4b:s15+s5], $0x80, v18, vm0, $0xb8;
	[tilespmem:$0x1D300] =	vst v63  }
0x48a: {  	s23 =	simm.s32 $0x3080;
	v55 =	vperm.xlane v17, v6;
	v18 =	vadd.s32 v3, v54  }
0x48b: {  	[tilespmem:s23], [sflag:$0x1] =	stream.indirect_vreg.gather [hbm4b:s15+s5], $0x80, v19, vm0, $0xb8;
	[tilespmem:$0x1D300] =	vst v63  }
0x48c: {  	v56 =	vperm.xlane v17, v7;
	s8 =	simm.s32 $0x3100;
	v19 =	vadd.s32 v3, v55  }
0x48d: {  	[tilespmem:s8], [sflag:$0x1] =	stream.indirect_vreg.gather [hbm4b:s15+s5], $0x80, v20, vm0, $0xb8;
	[tilespmem:$0x1D300] =	vst v63  }
0x48e: {  	v58 =	vperm.xlane v17, v8;
	v57 =	vadd.s32 v3, v56;
	s23 =	simm.s32 $0x3180  }
0x48f: {  	[tilespmem:s23], [sflag:$0x1] =	stream.indirect_vreg.gather [hbm4b:s15+s5], $0x80, v18, vm0, $0xb8;
	[tilespmem:$0x1D300] =	vst v63  }
0x490: {  	v59 =	vperm.xlane v17, v0;
	s8 =	simm.s32 $0x3200;
	v18 =	vadd.s32 v3, v58  }
0x491: {  	[tilespmem:s8], [sflag:$0x1] =	stream.indirect_vreg.gather [hbm4b:s15+s5], $0x80, v19, vm0, $0xb8;
	[tilespmem:$0x1D300] =	vst v63  }
0x492: {  	v60 =	vperm.xlane v17, v9;
	s23 =	simm.s32 $0x3280;
	v19 =	vadd.s32 v3, v59  }
0x493: {  	[tilespmem:s23], [sflag:$0x1] =	stream.indirect_vreg.gather [hbm4b:s15+s5], $0x80, v57, vm0, $0xb8;
	[tilespmem:$0x1D300] =	vst v63  }
0x494: {  	v62 =	vperm.xlane v17, v10;
	v61 =	vadd.s32 v3, v60;
	s8 =	simm.s32 $0x3300  }
0x495: {  	[tilespmem:s8], [sflag:$0x1] =	stream.indirect_vreg.gather [hbm4b:s15+s5], $0x80, v18, vm0, $0xb8;
	[tilespmem:$0x1D300] =	vst v63  }
0x496: {  	v63 =	vperm.xlane v17, v11;
	s23 =	simm.s32 $0x3380;
	v18 =	vadd.s32 v3, v62  }
0x497: {  	[tilespmem:s23], [sflag:$0x1] =	stream.indirect_vreg.gather [hbm4b:s15+s5], $0x80, v19, vm0, $0xb8;
	[tilespmem:$0x1D300] =	vst v63  }
0x498: {  	v24 =	vperm.xlane v17, v12;
	s8 =	simm.s32 $0x3400;
	v19 =	vadd.s32 v3, v63  }
0x499: {  	[tilespmem:s8], [sflag:$0x1] =	stream.indirect_vreg.gather [hbm4b:s15+s5], $0x80, v61, vm0, $0xb8;
	[tilespmem:$0x1D300] =	vst v63  }
0x49a: {  	v26 =	vperm.xlane v17, v13;
	v25 =	vadd.s32 v3, v24;
	s23 =	simm.s32 $0x3480  }
0x49b: {  	[tilespmem:s23], [sflag:$0x1] =	stream.indirect_vreg.gather [hbm4b:s15+s5], $0x80, v18, vm0, $0xb8;
	[tilespmem:$0x1D300] =	vst v63  }
0x49c: {  	v27 =	vperm.xlane v17, v14;
	s8 =	simm.s32 $0x3500;
	v18 =	vadd.s32 v3, v26  }
0x49d: {  	[tilespmem:s8], [sflag:$0x1] =	stream.indirect_vreg.gather [hbm4b:s15+s5], $0x80, v19, vm0, $0xb8;
	[tilespmem:$0x1D300] =	vst v63  }
0x49e: {  	v28 =	vperm.xlane v17, v15;
	s23 =	simm.s32 $0x3580;
	v19 =	vadd.s32 v3, v27  }
0x49f: {  	[tilespmem:s23], [sflag:$0x1] =	stream.indirect_vreg.gather [hbm4b:s15+s5], $0x80, v25, vm0, $0xb8;
	[tilespmem:$0x1D300] =	vst v63  }
0x4a0: {  	v17 =	vperm.xlane v17, v16;
	v29 =	vadd.s32 v3, v28;
	s8 =	simm.s32 $0x3600  }
0x4a1: {  	[tilespmem:s8], [sflag:$0x1] =	stream.indirect_vreg.gather [hbm4b:s15+s5], $0x80, v18, vm0, $0xb8;
	[tilespmem:$0x1D300] =	vst v63  }
0x4a2: {  	v17 =	vadd.s32 v3, v17;
	s23 =	simm.s32 $0x3680  }
0x4a3: {  	[tilespmem:s23], [sflag:$0x1] =	stream.indirect_vreg.gather [hbm4b:s15+s5], $0x80, v19, vm0, $0xb8;
	[tilespmem:$0x1D300] =	vst v63  }
0x4a4: {  	s8 =	simm.s32 $0x3700  }
0x4a5: {  	[tilespmem:s8], [sflag:$0x1] =	stream.indirect_vreg.gather [hbm4b:s15+s5], $0x80, v29, vm0, $0xb8;
	[tilespmem:$0x1D300] =	vst v63  }
0x4a6: {  	s23 =	simm.s32 $0x3780  }
0x4a7: {  	[tilespmem:s23], [sflag:$0x1] =	stream.indirect_vreg.gather [hbm4b:s15+s5], $0x80, v17, vm0, $0xb8;
	[tilespmem:$0x1D300] =	vst v63  }
0x4a8: {  	v17 =	vld [tilespmem:s19+$0x150];
	_ =	sdelay $0x4  }
0x4a9: {  	v18 =	vshll.u32 v17, $0x1  }
0x4aa: {  	v17 =	vand.u32 $0x7, v17;
	v18 =	vand.u32 $0xFFFFFFF0, v18  }
0x4ab: {  	v17 =	vor.u32 v17, v18  }
0x4ac: {  	v18 =	vperm.xlane v17, v2;
	_ =	sdelay $0x1  }
0x4ad: {  	v19 =	vperm.xlane v17, v1;
	v18 =	vadd.s32 v3, v18;
	_ =	sdelay $0x1  }
0x4ae: {  	v30 =	vperm.xlane v17, v4;
	v19 =	vadd.s32 v3, v19;
	_ =	sdelay $0x1  }
0x4af: {  	s8 =	simm.s32 $0x3800;
	v31 =	vperm.xlane v17, v5;
	v20 =	vadd.s32 v3, v30  }
0x4b0: {  	[tilespmem:s8], [sflag:$0x1] =	stream.indirect_vreg.gather [hbm4b:s15+s5], $0x80, v18, vm0, $0xb8;
	[tilespmem:$0x1D300] =	vst v63  }
0x4b1: {  	s23 =	simm.s32 $0x3880;
	v32 =	vperm.xlane v17, v6;
	v18 =	vadd.s32 v3, v31  }
0x4b2: {  	[tilespmem:s23], [sflag:$0x1] =	stream.indirect_vreg.gather [hbm4b:s15+s5], $0x80, v19, vm0, $0xb8;
	[tilespmem:$0x1D300] =	vst v63  }
0x4b3: {  	v33 =	vperm.xlane v17, v7;
	s8 =	simm.s32 $0x3900;
	v19 =	vadd.s32 v3, v32  }
0x4b4: {  	[tilespmem:s8], [sflag:$0x1] =	stream.indirect_vreg.gather [hbm4b:s15+s5], $0x80, v20, vm0, $0xb8;
	[tilespmem:$0x1D300] =	vst v63  }
0x4b5: {  	v35 =	vperm.xlane v17, v8;
	v34 =	vadd.s32 v3, v33;
	s23 =	simm.s32 $0x3980  }
0x4b6: {  	[tilespmem:s23], [sflag:$0x1] =	stream.indirect_vreg.gather [hbm4b:s15+s5], $0x80, v18, vm0, $0xb8;
	[tilespmem:$0x1D300] =	vst v63  }
0x4b7: {  	v36 =	vperm.xlane v17, v0;
	s8 =	simm.s32 $0x3A00;
	v18 =	vadd.s32 v3, v35  }
0x4b8: {  	[tilespmem:s8], [sflag:$0x1] =	stream.indirect_vreg.gather [hbm4b:s15+s5], $0x80, v19, vm0, $0xb8;
	[tilespmem:$0x1D300] =	vst v63  }
0x4b9: {  	v37 =	vperm.xlane v17, v9;
	s23 =	simm.s32 $0x3A80;
	v19 =	vadd.s32 v3, v36  }
0x4ba: {  	[tilespmem:s23], [sflag:$0x1] =	stream.indirect_vreg.gather [hbm4b:s15+s5], $0x80, v34, vm0, $0xb8;
	[tilespmem:$0x1D300] =	vst v63  }
0x4bb: {  	v39 =	vperm.xlane v17, v10;
	v38 =	vadd.s32 v3, v37;
	s8 =	simm.s32 $0x3B00  }
0x4bc: {  	[tilespmem:s8], [sflag:$0x1] =	stream.indirect_vreg.gather [hbm4b:s15+s5], $0x80, v18, vm0, $0xb8;
	[tilespmem:$0x1D300] =	vst v63  }
0x4bd: {  	v40 =	vperm.xlane v17, v11;
	s23 =	simm.s32 $0x3B80;
	v18 =	vadd.s32 v3, v39  }
0x4be: {  	[tilespmem:s23], [sflag:$0x1] =	stream.indirect_vreg.gather [hbm4b:s15+s5], $0x80, v19, vm0, $0xb8;
	[tilespmem:$0x1D300] =	vst v63  }
0x4bf: {  	v41 =	vperm.xlane v17, v12;
	s8 =	simm.s32 $0x3C00;
	v19 =	vadd.s32 v3, v40  }
0x4c0: {  	[tilespmem:s8], [sflag:$0x1] =	stream.indirect_vreg.gather [hbm4b:s15+s5], $0x80, v38, vm0, $0xb8;
	[tilespmem:$0x1D300] =	vst v63  }
0x4c1: {  	v43 =	vperm.xlane v17, v13;
	v42 =	vadd.s32 v3, v41;
	s23 =	simm.s32 $0x3C80  }
0x4c2: {  	[tilespmem:s23], [sflag:$0x1] =	stream.indirect_vreg.gather [hbm4b:s15+s5], $0x80, v18, vm0, $0xb8;
	[tilespmem:$0x1D300] =	vst v63  }
0x4c3: {  	v44 =	vperm.xlane v17, v14;
	s8 =	simm.s32 $0x3D00;
	v18 =	vadd.s32 v3, v43  }
0x4c4: {  	[tilespmem:s8], [sflag:$0x1] =	stream.indirect_vreg.gather [hbm4b:s15+s5], $0x80, v19, vm0, $0xb8;
	[tilespmem:$0x1D300] =	vst v63  }
0x4c5: {  	v45 =	vperm.xlane v17, v15;
	s23 =	simm.s32 $0x3D80;
	v19 =	vadd.s32 v3, v44  }
0x4c6: {  	[tilespmem:s23], [sflag:$0x1] =	stream.indirect_vreg.gather [hbm4b:s15+s5], $0x80, v42, vm0, $0xb8;
	[tilespmem:$0x1D300] =	vst v63  }
0x4c7: {  	v17 =	vperm.xlane v17, v16;
	v46 =	vadd.s32 v3, v45;
	s8 =	simm.s32 $0x3E00  }
0x4c8: {  	[tilespmem:s8], [sflag:$0x1] =	stream.indirect_vreg.gather [hbm4b:s15+s5], $0x80, v18, vm0, $0xb8;
	[tilespmem:$0x1D300] =	vst v63  }
0x4c9: {  	v17 =	vadd.s32 v3, v17;
	s23 =	simm.s32 $0x3E80  }
0x4ca: {  	[tilespmem:s23], [sflag:$0x1] =	stream.indirect_vreg.gather [hbm4b:s15+s5], $0x80, v19, vm0, $0xb8;
	[tilespmem:$0x1D300] =	vst v63  }
0x4cb: {  	s8 =	simm.s32 $0x3F00  }
0x4cc: {  	[tilespmem:s8], [sflag:$0x1] =	stream.indirect_vreg.gather [hbm4b:s15+s5], $0x80, v46, vm0, $0xb8;
	[tilespmem:$0x1D300] =	vst v63  }
0x4cd: {  	s23 =	simm.s32 $0x3F80  }
0x4ce: {  	[tilespmem:s23], [sflag:$0x1] =	stream.indirect_vreg.gather [hbm4b:s15+s5], $0x80, v17, vm0, $0xb8;
	[tilespmem:$0x1D300] =	vst v63  }
0x4cf: {  	v17 =	vld [tilespmem:s19+$0x160];
	_ =	sdelay $0x4  }
0x4d0: {  	v18 =	vshll.u32 v17, $0x1  }
0x4d1: {  	v17 =	vand.u32 $0x7, v17;
	v18 =	vand.u32 $0xFFFFFFF0, v18  }
0x4d2: {  	v17 =	vor.u32 v17, v18  }
0x4d3: {  	v18 =	vperm.xlane v17, v2;
	_ =	sdelay $0x1  }
0x4d4: {  	v19 =	vperm.xlane v17, v1;
	v18 =	vadd.s32 v3, v18;
	_ =	sdelay $0x1  }
0x4d5: {  	v47 =	vperm.xlane v17, v4;
	v19 =	vadd.s32 v3, v19;
	_ =	sdelay $0x1  }
0x4d6: {  	s8 =	simm.s32 $0x4000;
	v48 =	vperm.xlane v17, v5;
	v20 =	vadd.s32 v3, v47  }
0x4d7: {  	[tilespmem:s8], [sflag:$0x1] =	stream.indirect_vreg.gather [hbm4b:s15+s5], $0x80, v18, vm0, $0xb8;
	[tilespmem:$0x1D300] =	vst v63  }
0x4d8: {  	s23 =	simm.s32 $0x4080;
	v49 =	vperm.xlane v17, v6;
	v18 =	vadd.s32 v3, v48  }
0x4d9: {  	[tilespmem:s23], [sflag:$0x1] =	stream.indirect_vreg.gather [hbm4b:s15+s5], $0x80, v19, vm0, $0xb8;
	[tilespmem:$0x1D300] =	vst v63  }
0x4da: {  	v50 =	vperm.xlane v17, v7;
	s8 =	simm.s32 $0x4100;
	v19 =	vadd.s32 v3, v49  }
0x4db: {  	[tilespmem:s8], [sflag:$0x1] =	stream.indirect_vreg.gather [hbm4b:s15+s5], $0x80, v20, vm0, $0xb8;
	[tilespmem:$0x1D300] =	vst v63  }
0x4dc: {  	v52 =	vperm.xlane v17, v8;
	v51 =	vadd.s32 v3, v50;
	s23 =	simm.s32 $0x4180  }
0x4dd: {  	[tilespmem:s23], [sflag:$0x1] =	stream.indirect_vreg.gather [hbm4b:s15+s5], $0x80, v18, vm0, $0xb8;
	[tilespmem:$0x1D300] =	vst v63  }
0x4de: {  	v53 =	vperm.xlane v17, v0;
	s8 =	simm.s32 $0x4200;
	v18 =	vadd.s32 v3, v52  }
0x4df: {  	[tilespmem:s8], [sflag:$0x1] =	stream.indirect_vreg.gather [hbm4b:s15+s5], $0x80, v19, vm0, $0xb8;
	[tilespmem:$0x1D300] =	vst v63  }
0x4e0: {  	v54 =	vperm.xlane v17, v9;
	s23 =	simm.s32 $0x4280;
	v19 =	vadd.s32 v3, v53  }
0x4e1: {  	[tilespmem:s23], [sflag:$0x1] =	stream.indirect_vreg.gather [hbm4b:s15+s5], $0x80, v51, vm0, $0xb8;
	[tilespmem:$0x1D300] =	vst v63  }
0x4e2: {  	v56 =	vperm.xlane v17, v10;
	v55 =	vadd.s32 v3, v54;
	s8 =	simm.s32 $0x4300  }
0x4e3: {  	[tilespmem:s8], [sflag:$0x1] =	stream.indirect_vreg.gather [hbm4b:s15+s5], $0x80, v18, vm0, $0xb8;
	[tilespmem:$0x1D300] =	vst v63  }
0x4e4: {  	v57 =	vperm.xlane v17, v11;
	s23 =	simm.s32 $0x4380;
	v18 =	vadd.s32 v3, v56  }
0x4e5: {  	[tilespmem:s23], [sflag:$0x1] =	stream.indirect_vreg.gather [hbm4b:s15+s5], $0x80, v19, vm0, $0xb8;
	[tilespmem:$0x1D300] =	vst v63  }
0x4e6: {  	v58 =	vperm.xlane v17, v12;
	s8 =	simm.s32 $0x4400;
	v19 =	vadd.s32 v3, v57  }
0x4e7: {  	[tilespmem:s8], [sflag:$0x1] =	stream.indirect_vreg.gather [hbm4b:s15+s5], $0x80, v55, vm0, $0xb8;
	[tilespmem:$0x1D300] =	vst v63  }
0x4e8: {  	v60 =	vperm.xlane v17, v13;
	v59 =	vadd.s32 v3, v58;
	s23 =	simm.s32 $0x4480  }
0x4e9: {  	[tilespmem:s23], [sflag:$0x1] =	stream.indirect_vreg.gather [hbm4b:s15+s5], $0x80, v18, vm0, $0xb8;
	[tilespmem:$0x1D300] =	vst v63  }
0x4ea: {  	v61 =	vperm.xlane v17, v14;
	s8 =	simm.s32 $0x4500;
	v18 =	vadd.s32 v3, v60  }
0x4eb: {  	[tilespmem:s8], [sflag:$0x1] =	stream.indirect_vreg.gather [hbm4b:s15+s5], $0x80, v19, vm0, $0xb8;
	[tilespmem:$0x1D300] =	vst v63  }
0x4ec: {  	v62 =	vperm.xlane v17, v15;
	s23 =	simm.s32 $0x4580;
	v19 =	vadd.s32 v3, v61  }
0x4ed: {  	[tilespmem:s23], [sflag:$0x1] =	stream.indirect_vreg.gather [hbm4b:s15+s5], $0x80, v59, vm0, $0xb8;
	[tilespmem:$0x1D300] =	vst v63  }
0x4ee: {  	v17 =	vperm.xlane v17, v16;
	v63 =	vadd.s32 v3, v62;
	s8 =	simm.s32 $0x4600  }
0x4ef: {  	[tilespmem:s8], [sflag:$0x1] =	stream.indirect_vreg.gather [hbm4b:s15+s5], $0x80, v18, vm0, $0xb8;
	[tilespmem:$0x1D300] =	vst v63  }
0x4f0: {  	v17 =	vadd.s32 v3, v17;
	s23 =	simm.s32 $0x4680  }
0x4f1: {  	[tilespmem:s23], [sflag:$0x1] =	stream.indirect_vreg.gather [hbm4b:s15+s5], $0x80, v19, vm0, $0xb8;
	[tilespmem:$0x1D300] =	vst v63  }
0x4f2: {  	s8 =	simm.s32 $0x4700  }
0x4f3: {  	[tilespmem:s8], [sflag:$0x1] =	stream.indirect_vreg.gather [hbm4b:s15+s5], $0x80, v63, vm0, $0xb8;
	[tilespmem:$0x1D300] =	vst v63  }
0x4f4: {  	s2 =	sadd.s32 $0x170, s19;
	s23 =	simm.s32 $0x4780  }
0x4f5: {  	[tilespmem:s23], [sflag:$0x1] =	stream.indirect_vreg.gather [hbm4b:s15+s5], $0x80, v17, vm0, $0xb8;
	[tilespmem:$0x1D300] =	vst v63  }
.LBB2_8:
0x4f6: {  	v17 =	vld.msk [tilespmem:s2+$0x0], $0x1fff;
	_ =	sdelay $0x4  }
0x4f7: {  	v18 =	vshll.u32 v17, $0x1  }
0x4f8: {  	v17 =	vand.u32 $0x7, v17;
	v18 =	vand.u32 $0xFFFFFFF0, v18  }
0x4f9: {  	v17 =	vor.u32 v17, v18  }
0x4fa: {  	v18 =	vperm.xlane v17, v2;
	_ =	sdelay $0x1  }
0x4fb: {  	v19 =	vperm.xlane v17, v1;
	v18 =	vadd.s32 v3, v18;
	_ =	sdelay $0x1  }
0x4fc: {  	v20 =	vperm.xlane v17, v4;
	v19 =	vadd.s32 v3, v19;
	_ =	sdelay $0x1  }
0x4fd: {  	s23 =	simm.s32 $0x4800;
	v21 =	vperm.xlane v17, v5;
	v20 =	vadd.s32 v3, v20  }
0x4fe: {  	[tilespmem:s23], [sflag:$0x1] =	stream.indirect_vreg.gather [hbm4b:s15+s5], $0x80, v18, vm0, $0xb8;
	[tilespmem:$0x1D300] =	vst v63  }
0x4ff: {  	s8 =	simm.s32 $0x4880;
	v53 =	vperm.xlane v17, v6;
	v18 =	vadd.s32 v3, v21  }
0x500: {  	[tilespmem:s8], [sflag:$0x1] =	stream.indirect_vreg.gather [hbm4b:s15+s5], $0x80, v19, vm0, $0xb8;
	[tilespmem:$0x1D300] =	vst v63  }
0x501: {  	v54 =	vperm.xlane v17, v7;
	s23 =	simm.s32 $0x4900;
	v19 =	vadd.s32 v3, v53  }
0x502: {  	[tilespmem:s23], [sflag:$0x1] =	stream.indirect_vreg.gather [hbm4b:s15+s5], $0x80, v20, vm0, $0xb8;
	[tilespmem:$0x1D300] =	vst v63  }
0x503: {  	v56 =	vperm.xlane v17, v8;
	v55 =	vadd.s32 v3, v54;
	s8 =	simm.s32 $0x4980  }
0x504: {  	[tilespmem:s8], [sflag:$0x1] =	stream.indirect_vreg.gather [hbm4b:s15+s5], $0x80, v18, vm0, $0xb8;
	[tilespmem:$0x1D300] =	vst v63  }
0x505: {  	v57 =	vperm.xlane v17, v0;
	s23 =	simm.s32 $0x4A00;
	v18 =	vadd.s32 v3, v56  }
0x506: {  	[tilespmem:s23], [sflag:$0x1] =	stream.indirect_vreg.gather [hbm4b:s15+s5], $0x80, v19, vm0, $0xb8;
	[tilespmem:$0x1D300] =	vst v63  }
0x507: {  	v58 =	vperm.xlane v17, v9;
	s8 =	simm.s32 $0x4A80;
	v19 =	vadd.s32 v3, v57  }
0x508: {  	[tilespmem:s8], [sflag:$0x1] =	stream.indirect_vreg.gather [hbm4b:s15+s5], $0x80, v55, vm0, $0xb8;
	[tilespmem:$0x1D300] =	vst v63  }
0x509: {  	v60 =	vperm.xlane v17, v10;
	v59 =	vadd.s32 v3, v58;
	s23 =	simm.s32 $0x4B00  }
0x50a: {  	[tilespmem:s23], [sflag:$0x1] =	stream.indirect_vreg.gather [hbm4b:s15+s5], $0x80, v18, vm0, $0xb8;
	[tilespmem:$0x1D300] =	vst v63  }
0x50b: {  	v61 =	vperm.xlane v17, v11;
	s8 =	simm.s32 $0x4B80;
	v18 =	vadd.s32 v3, v60  }
0x50c: {  	[tilespmem:s8], [sflag:$0x1] =	stream.indirect_vreg.gather [hbm4b:s15+s5], $0x80, v19, vm0, $0xb8;
	[tilespmem:$0x1D300] =	vst v63  }
0x50d: {  	v62 =	vperm.xlane v17, v12;
	s23 =	simm.s32 $0x4C00;
	v19 =	vadd.s32 v3, v61  }
0x50e: {  	[tilespmem:s23], [sflag:$0x1] =	stream.indirect_vreg.gather [hbm4b:s15+s5], $0x80, v59, vm0, $0xb8;
	[tilespmem:$0x1D300] =	vst v63  }
0x50f: {  	v17 =	vperm.xlane v17, v13;
	v63 =	vadd.s32 v3, v62;
	s8 =	simm.s32 $0x4C80  }
0x510: {  	[tilespmem:s8], [sflag:$0x1] =	stream.indirect_vreg.gather [hbm4b:s15+s5], $0x80, v18, vm0, $0xb8;
	[tilespmem:$0x1D300] =	vst v63  }
0x511: {  	v17 =	vadd.s32 v3, v17;
	s23 =	simm.s32 $0x4D00  }
0x512: {  	[tilespmem:s23], [sflag:$0x1] =	stream.indirect_vreg.gather [hbm4b:s15+s5], $0x80, v19, vm0, $0xb8;
	[tilespmem:$0x1D300] =	vst v63  }
0x513: {  	s8 =	simm.s32 $0x4D80  }
0x514: {  	[tilespmem:s8], [sflag:$0x1] =	stream.indirect_vreg.gather [hbm4b:s15+s5], $0x80, v63, vm0, $0xb8;
	[tilespmem:$0x1D300] =	vst v63  }
0x515: {  	s23 =	simm.s32 $0x4E00  }
0x516: {  	[tilespmem:s23], [sflag:$0x1] =	stream.indirect_vreg.gather [hbm4b:s15+s5], $0x80, v17, vm0, $0xb8;
	[tilespmem:$0x1D300] =	vst v63  }
0x517: {  	_ =	swait.ge [sflag:s18], $0x3E80  }
0x518: {  	[sflag:s18] =	ssyncset.done $0x0  }
0x519: {  	s2 =	sadd.s32 $0x480, s19;
	[sflag:s18] =	ssyncadd.s32 $0xFFFFC180  }
0x51a: {  	[spmem:s3] =	stream.indirect.scatter.add.f32 [tilespmem:s7], [sflag:$0x6], $0x80, s2, s31, $0xb8;
	[tilespmem:$0x1D300] =	vst v63  }
0x51b: {  	_ =	swait.ge [sflag:s22], $0x3E80  }
0x51c: {  	p3 =	sne.s32 s17, $0xC00;
	[sflag:s22] =	ssyncset.done $0x0  }
0x51d: {  	s8 =	simm.s32 @p2 $0x7D;
	s23 =	simm.s32 @p2 $0x9000;
	[sflag:s22] =	ssyncadd.s32 $0xFFFFC180  }
0x51e: {  	[spmem:s4] =	stream.indirect.scatter.add.f32 @p2 [tilespmem:s23], [sflag:$0x6], $0x1, s2, s8, $0xb8;
	[tilespmem:$0x1D300] =	vst v63  }
.Ltmp8:
0x51f: {  	_ = 	snop;
	(pc) =	sbr.rel @!p3 .LBB2_9-.Ltmp8, $4  }
0x520: {  	s2 =	simm.s32 @p2 $0x6  }
0x521: {  	_ =	swait.ge @p2 [sflag:s2], $0x7D  }
0x522: {  	[sflag:s2] =	ssyncset.done @p2 $0x0  }
0x523: {  	[sflag:s2] =	ssyncadd.s32 @p2 $0xFFFFFF83  }
0x524: {  	v17 =	vld [tilespmem:s19+$0x180];
	_ =	sdelay $0x4  }
0x525: {  	v18 =	vshll.u32 v17, $0x1  }
0x526: {  	v17 =	vand.u32 $0x7, v17;
	v18 =	vand.u32 $0xFFFFFFF0, v18  }
0x527: {  	v17 =	vor.u32 v17, v18  }
0x528: {  	v18 =	vperm.xlane v17, v2;
	_ =	sdelay $0x1  }
0x529: {  	v19 =	vperm.xlane v17, v1;
	v18 =	vadd.s32 v3, v18;
	_ =	sdelay $0x1  }
0x52a: {  	v20 =	vperm.xlane v17, v4;
	v19 =	vadd.s32 v3, v19;
	_ =	sdelay $0x1  }
0x52b: {  	v21 =	vperm.xlane v17, v5;
	v20 =	vadd.s32 v3, v20  }
0x52c: {  	[tilespmem:s7], [sflag:$0x2] =	stream.indirect_vreg.gather [hbm4b:s15+s5], $0x80, v18, vm0, $0xb8;
	[tilespmem:$0x1D300] =	vst v63  }
0x52d: {  	s2 =	simm.s32 $0x5080;
	v54 =	vperm.xlane v17, v6;
	v18 =	vadd.s32 v3, v21  }
0x52e: {  	[tilespmem:s2], [sflag:$0x2] =	stream.indirect_vreg.gather [hbm4b:s15+s5], $0x80, v19, vm0, $0xb8;
	[tilespmem:$0x1D300] =	vst v63  }
0x52f: {  	s23 =	simm.s32 $0x5100;
	v55 =	vperm.xlane v17, v7;
	v19 =	vadd.s32 v3, v54  }
0x530: {  	[tilespmem:s23], [sflag:$0x2] =	stream.indirect_vreg.gather [hbm4b:s15+s5], $0x80, v20, vm0, $0xb8;
	[tilespmem:$0x1D300] =	vst v63  }
0x531: {  	s8 =	simm.s32 $0x5180;
	v57 =	vperm.xlane v17, v8;
	v56 =	vadd.s32 v3, v55  }
0x532: {  	[tilespmem:s8], [sflag:$0x2] =	stream.indirect_vreg.gather [hbm4b:s15+s5], $0x80, v18, vm0, $0xb8;
	[tilespmem:$0x1D300] =	vst v63  }
0x533: {  	v58 =	vperm.xlane v17, v0;
	s23 =	simm.s32 $0x5200;
	v18 =	vadd.s32 v3, v57  }
0x534: {  	[tilespmem:s23], [sflag:$0x2] =	stream.indirect_vreg.gather [hbm4b:s15+s5], $0x80, v19, vm0, $0xb8;
	[tilespmem:$0x1D300] =	vst v63  }
0x535: {  	v59 =	vperm.xlane v17, v9;
	s8 =	simm.s32 $0x5280;
	v19 =	vadd.s32 v3, v58  }
0x536: {  	[tilespmem:s8], [sflag:$0x2] =	stream.indirect_vreg.gather [hbm4b:s15+s5], $0x80, v56, vm0, $0xb8;
	[tilespmem:$0x1D300] =	vst v63  }
0x537: {  	v61 =	vperm.xlane v17, v10;
	v60 =	vadd.s32 v3, v59;
	s23 =	simm.s32 $0x5300  }
0x538: {  	[tilespmem:s23], [sflag:$0x2] =	stream.indirect_vreg.gather [hbm4b:s15+s5], $0x80, v18, vm0, $0xb8;
	[tilespmem:$0x1D300] =	vst v63  }
0x539: {  	v62 =	vperm.xlane v17, v11;
	s8 =	simm.s32 $0x5380;
	v18 =	vadd.s32 v3, v61  }
0x53a: {  	[tilespmem:s8], [sflag:$0x2] =	stream.indirect_vreg.gather [hbm4b:s15+s5], $0x80, v19, vm0, $0xb8;
	[tilespmem:$0x1D300] =	vst v63  }
0x53b: {  	v63 =	vperm.xlane v17, v12;
	s23 =	simm.s32 $0x5400;
	v19 =	vadd.s32 v3, v62  }
0x53c: {  	[tilespmem:s23], [sflag:$0x2] =	stream.indirect_vreg.gather [hbm4b:s15+s5], $0x80, v60, vm0, $0xb8;
	[tilespmem:$0x1D300] =	vst v63  }
0x53d: {  	v25 =	vperm.xlane v17, v13;
	v24 =	vadd.s32 v3, v63;
	s8 =	simm.s32 $0x5480  }
0x53e: {  	[tilespmem:s8], [sflag:$0x2] =	stream.indirect_vreg.gather [hbm4b:s15+s5], $0x80, v18, vm0, $0xb8;
	[tilespmem:$0x1D300] =	vst v63  }
0x53f: {  	v26 =	vperm.xlane v17, v14;
	s23 =	simm.s32 $0x5500;
	v18 =	vadd.s32 v3, v25  }
0x540: {  	[tilespmem:s23], [sflag:$0x2] =	stream.indirect_vreg.gather [hbm4b:s15+s5], $0x80, v19, vm0, $0xb8;
	[tilespmem:$0x1D300] =	vst v63  }
0x541: {  	v27 =	vperm.xlane v17, v15;
	s8 =	simm.s32 $0x5580;
	v19 =	vadd.s32 v3, v26  }
0x542: {  	[tilespmem:s8], [sflag:$0x2] =	stream.indirect_vreg.gather [hbm4b:s15+s5], $0x80, v24, vm0, $0xb8;
	[tilespmem:$0x1D300] =	vst v63  }
0x543: {  	v17 =	vperm.xlane v17, v16;
	v28 =	vadd.s32 v3, v27;
	s23 =	simm.s32 $0x5600  }
0x544: {  	[tilespmem:s23], [sflag:$0x2] =	stream.indirect_vreg.gather [hbm4b:s15+s5], $0x80, v18, vm0, $0xb8;
	[tilespmem:$0x1D300] =	vst v63  }
0x545: {  	v17 =	vadd.s32 v3, v17;
	s8 =	simm.s32 $0x5680  }
0x546: {  	[tilespmem:s8], [sflag:$0x2] =	stream.indirect_vreg.gather [hbm4b:s15+s5], $0x80, v19, vm0, $0xb8;
	[tilespmem:$0x1D300] =	vst v63  }
0x547: {  	s23 =	simm.s32 $0x5700  }
0x548: {  	[tilespmem:s23], [sflag:$0x2] =	stream.indirect_vreg.gather [hbm4b:s15+s5], $0x80, v28, vm0, $0xb8;
	[tilespmem:$0x1D300] =	vst v63  }
0x549: {  	s8 =	simm.s32 $0x5780  }
0x54a: {  	[tilespmem:s8], [sflag:$0x2] =	stream.indirect_vreg.gather [hbm4b:s15+s5], $0x80, v17, vm0, $0xb8;
	[tilespmem:$0x1D300] =	vst v63  }
0x54b: {  	v17 =	vld [tilespmem:s19+$0x190];
	_ =	sdelay $0x4  }
0x54c: {  	v18 =	vshll.u32 v17, $0x1  }
0x54d: {  	v17 =	vand.u32 $0x7, v17;
	v18 =	vand.u32 $0xFFFFFFF0, v18  }
0x54e: {  	v17 =	vor.u32 v17, v18  }
0x54f: {  	v18 =	vperm.xlane v17, v2;
	_ =	sdelay $0x1  }
0x550: {  	v19 =	vperm.xlane v17, v1;
	v18 =	vadd.s32 v3, v18;
	_ =	sdelay $0x1  }
0x551: {  	v29 =	vperm.xlane v17, v4;
	v19 =	vadd.s32 v3, v19;
	_ =	sdelay $0x1  }
0x552: {  	s23 =	simm.s32 $0x5800;
	v30 =	vperm.xlane v17, v5;
	v20 =	vadd.s32 v3, v29  }
0x553: {  	[tilespmem:s23], [sflag:$0x2] =	stream.indirect_vreg.gather [hbm4b:s15+s5], $0x80, v18, vm0, $0xb8;
	[tilespmem:$0x1D300] =	vst v63  }
0x554: {  	s8 =	simm.s32 $0x5880;
	v31 =	vperm.xlane v17, v6;
	v18 =	vadd.s32 v3, v30  }
0x555: {  	[tilespmem:s8], [sflag:$0x2] =	stream.indirect_vreg.gather [hbm4b:s15+s5], $0x80, v19, vm0, $0xb8;
	[tilespmem:$0x1D300] =	vst v63  }
0x556: {  	v32 =	vperm.xlane v17, v7;
	s23 =	simm.s32 $0x5900;
	v19 =	vadd.s32 v3, v31  }
0x557: {  	[tilespmem:s23], [sflag:$0x2] =	stream.indirect_vreg.gather [hbm4b:s15+s5], $0x80, v20, vm0, $0xb8;
	[tilespmem:$0x1D300] =	vst v63  }
0x558: {  	v34 =	vperm.xlane v17, v8;
	v33 =	vadd.s32 v3, v32;
	s8 =	simm.s32 $0x5980  }
0x559: {  	[tilespmem:s8], [sflag:$0x2] =	stream.indirect_vreg.gather [hbm4b:s15+s5], $0x80, v18, vm0, $0xb8;
	[tilespmem:$0x1D300] =	vst v63  }
0x55a: {  	v35 =	vperm.xlane v17, v0;
	s23 =	simm.s32 $0x5A00;
	v18 =	vadd.s32 v3, v34  }
0x55b: {  	[tilespmem:s23], [sflag:$0x2] =	stream.indirect_vreg.gather [hbm4b:s15+s5], $0x80, v19, vm0, $0xb8;
	[tilespmem:$0x1D300] =	vst v63  }
0x55c: {  	v36 =	vperm.xlane v17, v9;
	s8 =	simm.s32 $0x5A80;
	v19 =	vadd.s32 v3, v35  }
0x55d: {  	[tilespmem:s8], [sflag:$0x2] =	stream.indirect_vreg.gather [hbm4b:s15+s5], $0x80, v33, vm0, $0xb8;
	[tilespmem:$0x1D300] =	vst v63  }
0x55e: {  	v38 =	vperm.xlane v17, v10;
	v37 =	vadd.s32 v3, v36;
	s23 =	simm.s32 $0x5B00  }
0x55f: {  	[tilespmem:s23], [sflag:$0x2] =	stream.indirect_vreg.gather [hbm4b:s15+s5], $0x80, v18, vm0, $0xb8;
	[tilespmem:$0x1D300] =	vst v63  }
0x560: {  	v39 =	vperm.xlane v17, v11;
	s8 =	simm.s32 $0x5B80;
	v18 =	vadd.s32 v3, v38  }
0x561: {  	[tilespmem:s8], [sflag:$0x2] =	stream.indirect_vreg.gather [hbm4b:s15+s5], $0x80, v19, vm0, $0xb8;
	[tilespmem:$0x1D300] =	vst v63  }
0x562: {  	v40 =	vperm.xlane v17, v12;
	s23 =	simm.s32 $0x5C00;
	v19 =	vadd.s32 v3, v39  }
0x563: {  	[tilespmem:s23], [sflag:$0x2] =	stream.indirect_vreg.gather [hbm4b:s15+s5], $0x80, v37, vm0, $0xb8;
	[tilespmem:$0x1D300] =	vst v63  }
0x564: {  	v42 =	vperm.xlane v17, v13;
	v41 =	vadd.s32 v3, v40;
	s8 =	simm.s32 $0x5C80  }
0x565: {  	[tilespmem:s8], [sflag:$0x2] =	stream.indirect_vreg.gather [hbm4b:s15+s5], $0x80, v18, vm0, $0xb8;
	[tilespmem:$0x1D300] =	vst v63  }
0x566: {  	v43 =	vperm.xlane v17, v14;
	s23 =	simm.s32 $0x5D00;
	v18 =	vadd.s32 v3, v42  }
0x567: {  	[tilespmem:s23], [sflag:$0x2] =	stream.indirect_vreg.gather [hbm4b:s15+s5], $0x80, v19, vm0, $0xb8;
	[tilespmem:$0x1D300] =	vst v63  }
0x568: {  	v44 =	vperm.xlane v17, v15;
	s8 =	simm.s32 $0x5D80;
	v19 =	vadd.s32 v3, v43  }
0x569: {  	[tilespmem:s8], [sflag:$0x2] =	stream.indirect_vreg.gather [hbm4b:s15+s5], $0x80, v41, vm0, $0xb8;
	[tilespmem:$0x1D300] =	vst v63  }
0x56a: {  	v17 =	vperm.xlane v17, v16;
	v45 =	vadd.s32 v3, v44;
	s23 =	simm.s32 $0x5E00  }
0x56b: {  	[tilespmem:s23], [sflag:$0x2] =	stream.indirect_vreg.gather [hbm4b:s15+s5], $0x80, v18, vm0, $0xb8;
	[tilespmem:$0x1D300] =	vst v63  }
0x56c: {  	v17 =	vadd.s32 v3, v17;
	s8 =	simm.s32 $0x5E80  }
0x56d: {  	[tilespmem:s8], [sflag:$0x2] =	stream.indirect_vreg.gather [hbm4b:s15+s5], $0x80, v19, vm0, $0xb8;
	[tilespmem:$0x1D300] =	vst v63  }
0x56e: {  	s23 =	simm.s32 $0x5F00  }
0x56f: {  	[tilespmem:s23], [sflag:$0x2] =	stream.indirect_vreg.gather [hbm4b:s15+s5], $0x80, v45, vm0, $0xb8;
	[tilespmem:$0x1D300] =	vst v63  }
0x570: {  	s8 =	simm.s32 $0x5F80  }
0x571: {  	[tilespmem:s8], [sflag:$0x2] =	stream.indirect_vreg.gather [hbm4b:s15+s5], $0x80, v17, vm0, $0xb8;
	[tilespmem:$0x1D300] =	vst v63  }
0x572: {  	v17 =	vld [tilespmem:s19+$0x1A0];
	_ =	sdelay $0x4  }
0x573: {  	v18 =	vshll.u32 v17, $0x1  }
0x574: {  	v17 =	vand.u32 $0x7, v17;
	v18 =	vand.u32 $0xFFFFFFF0, v18  }
0x575: {  	v17 =	vor.u32 v17, v18  }
0x576: {  	v18 =	vperm.xlane v17, v2;
	_ =	sdelay $0x1  }
0x577: {  	v19 =	vperm.xlane v17, v1;
	v18 =	vadd.s32 v3, v18;
	_ =	sdelay $0x1  }
0x578: {  	v46 =	vperm.xlane v17, v4;
	v19 =	vadd.s32 v3, v19;
	_ =	sdelay $0x1  }
0x579: {  	s23 =	simm.s32 $0x6000;
	v47 =	vperm.xlane v17, v5;
	v20 =	vadd.s32 v3, v46  }
0x57a: {  	[tilespmem:s23], [sflag:$0x2] =	stream.indirect_vreg.gather [hbm4b:s15+s5], $0x80, v18, vm0, $0xb8;
	[tilespmem:$0x1D300] =	vst v63  }
0x57b: {  	s8 =	simm.s32 $0x6080;
	v48 =	vperm.xlane v17, v6;
	v18 =	vadd.s32 v3, v47  }
0x57c: {  	[tilespmem:s8], [sflag:$0x2] =	stream.indirect_vreg.gather [hbm4b:s15+s5], $0x80, v19, vm0, $0xb8;
	[tilespmem:$0x1D300] =	vst v63  }
0x57d: {  	v49 =	vperm.xlane v17, v7;
	s23 =	simm.s32 $0x6100;
	v19 =	vadd.s32 v3, v48  }
0x57e: {  	[tilespmem:s23], [sflag:$0x2] =	stream.indirect_vreg.gather [hbm4b:s15+s5], $0x80, v20, vm0, $0xb8;
	[tilespmem:$0x1D300] =	vst v63  }
0x57f: {  	v51 =	vperm.xlane v17, v8;
	v50 =	vadd.s32 v3, v49;
	s8 =	simm.s32 $0x6180  }
0x580: {  	[tilespmem:s8], [sflag:$0x2] =	stream.indirect_vreg.gather [hbm4b:s15+s5], $0x80, v18, vm0, $0xb8;
	[tilespmem:$0x1D300] =	vst v63  }
0x581: {  	v52 =	vperm.xlane v17, v0;
	s23 =	simm.s32 $0x6200;
	v18 =	vadd.s32 v3, v51  }
0x582: {  	[tilespmem:s23], [sflag:$0x2] =	stream.indirect_vreg.gather [hbm4b:s15+s5], $0x80, v19, vm0, $0xb8;
	[tilespmem:$0x1D300] =	vst v63  }
0x583: {  	v53 =	vperm.xlane v17, v9;
	s8 =	simm.s32 $0x6280;
	v19 =	vadd.s32 v3, v52  }
0x584: {  	[tilespmem:s8], [sflag:$0x2] =	stream.indirect_vreg.gather [hbm4b:s15+s5], $0x80, v50, vm0, $0xb8;
	[tilespmem:$0x1D300] =	vst v63  }
0x585: {  	v55 =	vperm.xlane v17, v10;
	v54 =	vadd.s32 v3, v53;
	s23 =	simm.s32 $0x6300  }
0x586: {  	[tilespmem:s23], [sflag:$0x2] =	stream.indirect_vreg.gather [hbm4b:s15+s5], $0x80, v18, vm0, $0xb8;
	[tilespmem:$0x1D300] =	vst v63  }
0x587: {  	v56 =	vperm.xlane v17, v11;
	s8 =	simm.s32 $0x6380;
	v18 =	vadd.s32 v3, v55  }
0x588: {  	[tilespmem:s8], [sflag:$0x2] =	stream.indirect_vreg.gather [hbm4b:s15+s5], $0x80, v19, vm0, $0xb8;
	[tilespmem:$0x1D300] =	vst v63  }
0x589: {  	v57 =	vperm.xlane v17, v12;
	s23 =	simm.s32 $0x6400;
	v19 =	vadd.s32 v3, v56  }
0x58a: {  	[tilespmem:s23], [sflag:$0x2] =	stream.indirect_vreg.gather [hbm4b:s15+s5], $0x80, v54, vm0, $0xb8;
	[tilespmem:$0x1D300] =	vst v63  }
0x58b: {  	v59 =	vperm.xlane v17, v13;
	v58 =	vadd.s32 v3, v57;
	s8 =	simm.s32 $0x6480  }
0x58c: {  	[tilespmem:s8], [sflag:$0x2] =	stream.indirect_vreg.gather [hbm4b:s15+s5], $0x80, v18, vm0, $0xb8;
	[tilespmem:$0x1D300] =	vst v63  }
0x58d: {  	v60 =	vperm.xlane v17, v14;
	s23 =	simm.s32 $0x6500;
	v18 =	vadd.s32 v3, v59  }
0x58e: {  	[tilespmem:s23], [sflag:$0x2] =	stream.indirect_vreg.gather [hbm4b:s15+s5], $0x80, v19, vm0, $0xb8;
	[tilespmem:$0x1D300] =	vst v63  }
0x58f: {  	v61 =	vperm.xlane v17, v15;
	s8 =	simm.s32 $0x6580;
	v19 =	vadd.s32 v3, v60  }
0x590: {  	[tilespmem:s8], [sflag:$0x2] =	stream.indirect_vreg.gather [hbm4b:s15+s5], $0x80, v58, vm0, $0xb8;
	[tilespmem:$0x1D300] =	vst v63  }
0x591: {  	v17 =	vperm.xlane v17, v16;
	v62 =	vadd.s32 v3, v61;
	s23 =	simm.s32 $0x6600  }
0x592: {  	[tilespmem:s23], [sflag:$0x2] =	stream.indirect_vreg.gather [hbm4b:s15+s5], $0x80, v18, vm0, $0xb8;
	[tilespmem:$0x1D300] =	vst v63  }
0x593: {  	v17 =	vadd.s32 v3, v17;
	s8 =	simm.s32 $0x6680  }
0x594: {  	[tilespmem:s8], [sflag:$0x2] =	stream.indirect_vreg.gather [hbm4b:s15+s5], $0x80, v19, vm0, $0xb8;
	[tilespmem:$0x1D300] =	vst v63  }
0x595: {  	s23 =	simm.s32 $0x6700  }
0x596: {  	[tilespmem:s23], [sflag:$0x2] =	stream.indirect_vreg.gather [hbm4b:s15+s5], $0x80, v62, vm0, $0xb8;
	[tilespmem:$0x1D300] =	vst v63  }
0x597: {  	s8 =	simm.s32 $0x6780  }
0x598: {  	[tilespmem:s8], [sflag:$0x2] =	stream.indirect_vreg.gather [hbm4b:s15+s5], $0x80, v17, vm0, $0xb8;
	[tilespmem:$0x1D300] =	vst v63  }
0x599: {  	v17 =	vld [tilespmem:s19+$0x1B0];
	_ =	sdelay $0x4  }
0x59a: {  	v18 =	vshll.u32 v17, $0x1  }
0x59b: {  	v17 =	vand.u32 $0x7, v17;
	v18 =	vand.u32 $0xFFFFFFF0, v18  }
0x59c: {  	v17 =	vor.u32 v17, v18  }
0x59d: {  	v18 =	vperm.xlane v17, v2;
	_ =	sdelay $0x1  }
0x59e: {  	v19 =	vperm.xlane v17, v1;
	v18 =	vadd.s32 v3, v18;
	_ =	sdelay $0x1  }
0x59f: {  	v63 =	vperm.xlane v17, v4;
	v19 =	vadd.s32 v3, v19;
	_ =	sdelay $0x1  }
0x5a0: {  	s23 =	simm.s32 $0x6800;
	v24 =	vperm.xlane v17, v5;
	v20 =	vadd.s32 v3, v63  }
0x5a1: {  	[tilespmem:s23], [sflag:$0x2] =	stream.indirect_vreg.gather [hbm4b:s15+s5], $0x80, v18, vm0, $0xb8;
	[tilespmem:$0x1D300] =	vst v63  }
0x5a2: {  	s8 =	simm.s32 $0x6880;
	v25 =	vperm.xlane v17, v6;
	v18 =	vadd.s32 v3, v24  }
0x5a3: {  	[tilespmem:s8], [sflag:$0x2] =	stream.indirect_vreg.gather [hbm4b:s15+s5], $0x80, v19, vm0, $0xb8;
	[tilespmem:$0x1D300] =	vst v63  }
0x5a4: {  	v26 =	vperm.xlane v17, v7;
	s23 =	simm.s32 $0x6900;
	v19 =	vadd.s32 v3, v25  }
0x5a5: {  	[tilespmem:s23], [sflag:$0x2] =	stream.indirect_vreg.gather [hbm4b:s15+s5], $0x80, v20, vm0, $0xb8;
	[tilespmem:$0x1D300] =	vst v63  }
0x5a6: {  	v28 =	vperm.xlane v17, v8;
	v27 =	vadd.s32 v3, v26;
	s8 =	simm.s32 $0x6980  }
0x5a7: {  	[tilespmem:s8], [sflag:$0x2] =	stream.indirect_vreg.gather [hbm4b:s15+s5], $0x80, v18, vm0, $0xb8;
	[tilespmem:$0x1D300] =	vst v63  }
0x5a8: {  	v29 =	vperm.xlane v17, v0;
	s23 =	simm.s32 $0x6A00;
	v18 =	vadd.s32 v3, v28  }
0x5a9: {  	[tilespmem:s23], [sflag:$0x2] =	stream.indirect_vreg.gather [hbm4b:s15+s5], $0x80, v19, vm0, $0xb8;
	[tilespmem:$0x1D300] =	vst v63  }
0x5aa: {  	v30 =	vperm.xlane v17, v9;
	s8 =	simm.s32 $0x6A80;
	v19 =	vadd.s32 v3, v29  }
0x5ab: {  	[tilespmem:s8], [sflag:$0x2] =	stream.indirect_vreg.gather [hbm4b:s15+s5], $0x80, v27, vm0, $0xb8;
	[tilespmem:$0x1D300] =	vst v63  }
0x5ac: {  	v32 =	vperm.xlane v17, v10;
	v31 =	vadd.s32 v3, v30;
	s23 =	simm.s32 $0x6B00  }
0x5ad: {  	[tilespmem:s23], [sflag:$0x2] =	stream.indirect_vreg.gather [hbm4b:s15+s5], $0x80, v18, vm0, $0xb8;
	[tilespmem:$0x1D300] =	vst v63  }
0x5ae: {  	v33 =	vperm.xlane v17, v11;
	s8 =	simm.s32 $0x6B80;
	v18 =	vadd.s32 v3, v32  }
0x5af: {  	[tilespmem:s8], [sflag:$0x2] =	stream.indirect_vreg.gather [hbm4b:s15+s5], $0x80, v19, vm0, $0xb8;
	[tilespmem:$0x1D300] =	vst v63  }
0x5b0: {  	v34 =	vperm.xlane v17, v12;
	s23 =	simm.s32 $0x6C00;
	v19 =	vadd.s32 v3, v33  }
0x5b1: {  	[tilespmem:s23], [sflag:$0x2] =	stream.indirect_vreg.gather [hbm4b:s15+s5], $0x80, v31, vm0, $0xb8;
	[tilespmem:$0x1D300] =	vst v63  }
0x5b2: {  	v36 =	vperm.xlane v17, v13;
	v35 =	vadd.s32 v3, v34;
	s8 =	simm.s32 $0x6C80  }
0x5b3: {  	[tilespmem:s8], [sflag:$0x2] =	stream.indirect_vreg.gather [hbm4b:s15+s5], $0x80, v18, vm0, $0xb8;
	[tilespmem:$0x1D300] =	vst v63  }
0x5b4: {  	v37 =	vperm.xlane v17, v14;
	s23 =	simm.s32 $0x6D00;
	v18 =	vadd.s32 v3, v36  }
0x5b5: {  	[tilespmem:s23], [sflag:$0x2] =	stream.indirect_vreg.gather [hbm4b:s15+s5], $0x80, v19, vm0, $0xb8;
	[tilespmem:$0x1D300] =	vst v63  }
0x5b6: {  	v38 =	vperm.xlane v17, v15;
	s8 =	simm.s32 $0x6D80;
	v19 =	vadd.s32 v3, v37  }
0x5b7: {  	[tilespmem:s8], [sflag:$0x2] =	stream.indirect_vreg.gather [hbm4b:s15+s5], $0x80, v35, vm0, $0xb8;
	[tilespmem:$0x1D300] =	vst v63  }
0x5b8: {  	v17 =	vperm.xlane v17, v16;
	v39 =	vadd.s32 v3, v38;
	s23 =	simm.s32 $0x6E00  }
0x5b9: {  	[tilespmem:s23], [sflag:$0x2] =	stream.indirect_vreg.gather [hbm4b:s15+s5], $0x80, v18, vm0, $0xb8;
	[tilespmem:$0x1D300] =	vst v63  }
0x5ba: {  	v17 =	vadd.s32 v3, v17;
	s8 =	simm.s32 $0x6E80  }
0x5bb: {  	[tilespmem:s8], [sflag:$0x2] =	stream.indirect_vreg.gather [hbm4b:s15+s5], $0x80, v19, vm0, $0xb8;
	[tilespmem:$0x1D300] =	vst v63  }
0x5bc: {  	s23 =	simm.s32 $0x6F00  }
0x5bd: {  	[tilespmem:s23], [sflag:$0x2] =	stream.indirect_vreg.gather [hbm4b:s15+s5], $0x80, v39, vm0, $0xb8;
	[tilespmem:$0x1D300] =	vst v63  }
0x5be: {  	s8 =	simm.s32 $0x6F80  }
0x5bf: {  	[tilespmem:s8], [sflag:$0x2] =	stream.indirect_vreg.gather [hbm4b:s15+s5], $0x80, v17, vm0, $0xb8;
	[tilespmem:$0x1D300] =	vst v63  }
0x5c0: {  	v17 =	vld [tilespmem:s19+$0x1C0];
	_ =	sdelay $0x4  }
0x5c1: {  	v18 =	vshll.u32 v17, $0x1  }
0x5c2: {  	v17 =	vand.u32 $0x7, v17;
	v18 =	vand.u32 $0xFFFFFFF0, v18  }
0x5c3: {  	v17 =	vor.u32 v17, v18  }
0x5c4: {  	v18 =	vperm.xlane v17, v2;
	_ =	sdelay $0x1  }
0x5c5: {  	v19 =	vperm.xlane v17, v1;
	v18 =	vadd.s32 v3, v18;
	_ =	sdelay $0x1  }
0x5c6: {  	v40 =	vperm.xlane v17, v4;
	v19 =	vadd.s32 v3, v19;
	_ =	sdelay $0x1  }
0x5c7: {  	s23 =	simm.s32 $0x7000;
	v41 =	vperm.xlane v17, v5;
	v20 =	vadd.s32 v3, v40  }
0x5c8: {  	[tilespmem:s23], [sflag:$0x2] =	stream.indirect_vreg.gather [hbm4b:s15+s5], $0x80, v18, vm0, $0xb8;
	[tilespmem:$0x1D300] =	vst v63  }
0x5c9: {  	s8 =	simm.s32 $0x7080;
	v42 =	vperm.xlane v17, v6;
	v18 =	vadd.s32 v3, v41  }
0x5ca: {  	[tilespmem:s8], [sflag:$0x2] =	stream.indirect_vreg.gather [hbm4b:s15+s5], $0x80, v19, vm0, $0xb8;
	[tilespmem:$0x1D300] =	vst v63  }
0x5cb: {  	v43 =	vperm.xlane v17, v7;
	s23 =	simm.s32 $0x7100;
	v19 =	vadd.s32 v3, v42  }
0x5cc: {  	[tilespmem:s23], [sflag:$0x2] =	stream.indirect_vreg.gather [hbm4b:s15+s5], $0x80, v20, vm0, $0xb8;
	[tilespmem:$0x1D300] =	vst v63  }
0x5cd: {  	v45 =	vperm.xlane v17, v8;
	v44 =	vadd.s32 v3, v43;
	s8 =	simm.s32 $0x7180  }
0x5ce: {  	[tilespmem:s8], [sflag:$0x2] =	stream.indirect_vreg.gather [hbm4b:s15+s5], $0x80, v18, vm0, $0xb8;
	[tilespmem:$0x1D300] =	vst v63  }
0x5cf: {  	v46 =	vperm.xlane v17, v0;
	s23 =	simm.s32 $0x7200;
	v18 =	vadd.s32 v3, v45  }
0x5d0: {  	[tilespmem:s23], [sflag:$0x2] =	stream.indirect_vreg.gather [hbm4b:s15+s5], $0x80, v19, vm0, $0xb8;
	[tilespmem:$0x1D300] =	vst v63  }
0x5d1: {  	v47 =	vperm.xlane v17, v9;
	s8 =	simm.s32 $0x7280;
	v19 =	vadd.s32 v3, v46  }
0x5d2: {  	[tilespmem:s8], [sflag:$0x2] =	stream.indirect_vreg.gather [hbm4b:s15+s5], $0x80, v44, vm0, $0xb8;
	[tilespmem:$0x1D300] =	vst v63  }
0x5d3: {  	v49 =	vperm.xlane v17, v10;
	v48 =	vadd.s32 v3, v47;
	s23 =	simm.s32 $0x7300  }
0x5d4: {  	[tilespmem:s23], [sflag:$0x2] =	stream.indirect_vreg.gather [hbm4b:s15+s5], $0x80, v18, vm0, $0xb8;
	[tilespmem:$0x1D300] =	vst v63  }
0x5d5: {  	v50 =	vperm.xlane v17, v11;
	s8 =	simm.s32 $0x7380;
	v18 =	vadd.s32 v3, v49  }
0x5d6: {  	[tilespmem:s8], [sflag:$0x2] =	stream.indirect_vreg.gather [hbm4b:s15+s5], $0x80, v19, vm0, $0xb8;
	[tilespmem:$0x1D300] =	vst v63  }
0x5d7: {  	v51 =	vperm.xlane v17, v12;
	s23 =	simm.s32 $0x7400;
	v19 =	vadd.s32 v3, v50  }
0x5d8: {  	[tilespmem:s23], [sflag:$0x2] =	stream.indirect_vreg.gather [hbm4b:s15+s5], $0x80, v48, vm0, $0xb8;
	[tilespmem:$0x1D300] =	vst v63  }
0x5d9: {  	v53 =	vperm.xlane v17, v13;
	v52 =	vadd.s32 v3, v51;
	s8 =	simm.s32 $0x7480  }
0x5da: {  	[tilespmem:s8], [sflag:$0x2] =	stream.indirect_vreg.gather [hbm4b:s15+s5], $0x80, v18, vm0, $0xb8;
	[tilespmem:$0x1D300] =	vst v63  }
0x5db: {  	v54 =	vperm.xlane v17, v14;
	s23 =	simm.s32 $0x7500;
	v18 =	vadd.s32 v3, v53  }
0x5dc: {  	[tilespmem:s23], [sflag:$0x2] =	stream.indirect_vreg.gather [hbm4b:s15+s5], $0x80, v19, vm0, $0xb8;
	[tilespmem:$0x1D300] =	vst v63  }
0x5dd: {  	v55 =	vperm.xlane v17, v15;
	s8 =	simm.s32 $0x7580;
	v19 =	vadd.s32 v3, v54  }
0x5de: {  	[tilespmem:s8], [sflag:$0x2] =	stream.indirect_vreg.gather [hbm4b:s15+s5], $0x80, v52, vm0, $0xb8;
	[tilespmem:$0x1D300] =	vst v63  }
0x5df: {  	v17 =	vperm.xlane v17, v16;
	v56 =	vadd.s32 v3, v55;
	s23 =	simm.s32 $0x7600  }
0x5e0: {  	[tilespmem:s23], [sflag:$0x2] =	stream.indirect_vreg.gather [hbm4b:s15+s5], $0x80, v18, vm0, $0xb8;
	[tilespmem:$0x1D300] =	vst v63  }
0x5e1: {  	v17 =	vadd.s32 v3, v17;
	s8 =	simm.s32 $0x7680  }
0x5e2: {  	[tilespmem:s8], [sflag:$0x2] =	stream.indirect_vreg.gather [hbm4b:s15+s5], $0x80, v19, vm0, $0xb8;
	[tilespmem:$0x1D300] =	vst v63  }
0x5e3: {  	s23 =	simm.s32 $0x7700  }
0x5e4: {  	[tilespmem:s23], [sflag:$0x2] =	stream.indirect_vreg.gather [hbm4b:s15+s5], $0x80, v56, vm0, $0xb8;
	[tilespmem:$0x1D300] =	vst v63  }
0x5e5: {  	s8 =	simm.s32 $0x7780  }
0x5e6: {  	[tilespmem:s8], [sflag:$0x2] =	stream.indirect_vreg.gather [hbm4b:s15+s5], $0x80, v17, vm0, $0xb8;
	[tilespmem:$0x1D300] =	vst v63  }
0x5e7: {  	v17 =	vld [tilespmem:s19+$0x1D0];
	_ =	sdelay $0x4  }
0x5e8: {  	v18 =	vshll.u32 v17, $0x1  }
0x5e9: {  	v17 =	vand.u32 $0x7, v17;
	v18 =	vand.u32 $0xFFFFFFF0, v18  }
0x5ea: {  	v17 =	vor.u32 v17, v18  }
0x5eb: {  	v18 =	vperm.xlane v17, v2;
	_ =	sdelay $0x1  }
0x5ec: {  	v19 =	vperm.xlane v17, v1;
	v18 =	vadd.s32 v3, v18;
	_ =	sdelay $0x1  }
0x5ed: {  	v57 =	vperm.xlane v17, v4;
	v19 =	vadd.s32 v3, v19;
	_ =	sdelay $0x1  }
0x5ee: {  	s23 =	simm.s32 $0x7800;
	v58 =	vperm.xlane v17, v5;
	v20 =	vadd.s32 v3, v57  }
0x5ef: {  	[tilespmem:s23], [sflag:$0x2] =	stream.indirect_vreg.gather [hbm4b:s15+s5], $0x80, v18, vm0, $0xb8;
	[tilespmem:$0x1D300] =	vst v63  }
0x5f0: {  	s8 =	simm.s32 $0x7880;
	v59 =	vperm.xlane v17, v6;
	v18 =	vadd.s32 v3, v58  }
0x5f1: {  	[tilespmem:s8], [sflag:$0x2] =	stream.indirect_vreg.gather [hbm4b:s15+s5], $0x80, v19, vm0, $0xb8;
	[tilespmem:$0x1D300] =	vst v63  }
0x5f2: {  	v60 =	vperm.xlane v17, v7;
	s23 =	simm.s32 $0x7900;
	v19 =	vadd.s32 v3, v59  }
0x5f3: {  	[tilespmem:s23], [sflag:$0x2] =	stream.indirect_vreg.gather [hbm4b:s15+s5], $0x80, v20, vm0, $0xb8;
	[tilespmem:$0x1D300] =	vst v63  }
0x5f4: {  	v62 =	vperm.xlane v17, v8;
	v61 =	vadd.s32 v3, v60;
	s8 =	simm.s32 $0x7980  }
0x5f5: {  	[tilespmem:s8], [sflag:$0x2] =	stream.indirect_vreg.gather [hbm4b:s15+s5], $0x80, v18, vm0, $0xb8;
	[tilespmem:$0x1D300] =	vst v63  }
0x5f6: {  	v63 =	vperm.xlane v17, v0;
	s23 =	simm.s32 $0x7A00;
	v18 =	vadd.s32 v3, v62  }
0x5f7: {  	[tilespmem:s23], [sflag:$0x2] =	stream.indirect_vreg.gather [hbm4b:s15+s5], $0x80, v19, vm0, $0xb8;
	[tilespmem:$0x1D300] =	vst v63  }
0x5f8: {  	v24 =	vperm.xlane v17, v9;
	s8 =	simm.s32 $0x7A80;
	v19 =	vadd.s32 v3, v63  }
0x5f9: {  	[tilespmem:s8], [sflag:$0x2] =	stream.indirect_vreg.gather [hbm4b:s15+s5], $0x80, v61, vm0, $0xb8;
	[tilespmem:$0x1D300] =	vst v63  }
0x5fa: {  	v26 =	vperm.xlane v17, v10;
	v25 =	vadd.s32 v3, v24;
	s23 =	simm.s32 $0x7B00  }
0x5fb: {  	[tilespmem:s23], [sflag:$0x2] =	stream.indirect_vreg.gather [hbm4b:s15+s5], $0x80, v18, vm0, $0xb8;
	[tilespmem:$0x1D300] =	vst v63  }
0x5fc: {  	v27 =	vperm.xlane v17, v11;
	s8 =	simm.s32 $0x7B80;
	v18 =	vadd.s32 v3, v26  }
0x5fd: {  	[tilespmem:s8], [sflag:$0x2] =	stream.indirect_vreg.gather [hbm4b:s15+s5], $0x80, v19, vm0, $0xb8;
	[tilespmem:$0x1D300] =	vst v63  }
0x5fe: {  	v28 =	vperm.xlane v17, v12;
	s23 =	simm.s32 $0x7C00;
	v19 =	vadd.s32 v3, v27  }
0x5ff: {  	[tilespmem:s23], [sflag:$0x2] =	stream.indirect_vreg.gather [hbm4b:s15+s5], $0x80, v25, vm0, $0xb8;
	[tilespmem:$0x1D300] =	vst v63  }
0x600: {  	v30 =	vperm.xlane v17, v13;
	v29 =	vadd.s32 v3, v28;
	s8 =	simm.s32 $0x7C80  }
0x601: {  	[tilespmem:s8], [sflag:$0x2] =	stream.indirect_vreg.gather [hbm4b:s15+s5], $0x80, v18, vm0, $0xb8;
	[tilespmem:$0x1D300] =	vst v63  }
0x602: {  	v31 =	vperm.xlane v17, v14;
	s23 =	simm.s32 $0x7D00;
	v18 =	vadd.s32 v3, v30  }
0x603: {  	[tilespmem:s23], [sflag:$0x2] =	stream.indirect_vreg.gather [hbm4b:s15+s5], $0x80, v19, vm0, $0xb8;
	[tilespmem:$0x1D300] =	vst v63  }
0x604: {  	v32 =	vperm.xlane v17, v15;
	s8 =	simm.s32 $0x7D80;
	v19 =	vadd.s32 v3, v31  }
0x605: {  	[tilespmem:s8], [sflag:$0x2] =	stream.indirect_vreg.gather [hbm4b:s15+s5], $0x80, v29, vm0, $0xb8;
	[tilespmem:$0x1D300] =	vst v63  }
0x606: {  	v17 =	vperm.xlane v17, v16;
	v33 =	vadd.s32 v3, v32;
	s23 =	simm.s32 $0x7E00  }
0x607: {  	[tilespmem:s23], [sflag:$0x2] =	stream.indirect_vreg.gather [hbm4b:s15+s5], $0x80, v18, vm0, $0xb8;
	[tilespmem:$0x1D300] =	vst v63  }
0x608: {  	v17 =	vadd.s32 v3, v17;
	s8 =	simm.s32 $0x7E80  }
0x609: {  	[tilespmem:s8], [sflag:$0x2] =	stream.indirect_vreg.gather [hbm4b:s15+s5], $0x80, v19, vm0, $0xb8;
	[tilespmem:$0x1D300] =	vst v63  }
0x60a: {  	s23 =	simm.s32 $0x7F00  }
0x60b: {  	[tilespmem:s23], [sflag:$0x2] =	stream.indirect_vreg.gather [hbm4b:s15+s5], $0x80, v33, vm0, $0xb8;
	[tilespmem:$0x1D300] =	vst v63  }
0x60c: {  	s8 =	simm.s32 $0x7F80  }
0x60d: {  	[tilespmem:s8], [sflag:$0x2] =	stream.indirect_vreg.gather [hbm4b:s15+s5], $0x80, v17, vm0, $0xb8;
	[tilespmem:$0x1D300] =	vst v63  }
0x60e: {  	v17 =	vld [tilespmem:s19+$0x1E0];
	_ =	sdelay $0x4  }
0x60f: {  	v18 =	vshll.u32 v17, $0x1  }
0x610: {  	v17 =	vand.u32 $0x7, v17;
	v18 =	vand.u32 $0xFFFFFFF0, v18  }
0x611: {  	v17 =	vor.u32 v17, v18  }
0x612: {  	v18 =	vperm.xlane v17, v2;
	_ =	sdelay $0x1  }
0x613: {  	v19 =	vperm.xlane v17, v1;
	v18 =	vadd.s32 v3, v18;
	_ =	sdelay $0x1  }
0x614: {  	v34 =	vperm.xlane v17, v4;
	v19 =	vadd.s32 v3, v19;
	_ =	sdelay $0x1  }
0x615: {  	s23 =	simm.s32 $0x8000;
	v35 =	vperm.xlane v17, v5;
	v20 =	vadd.s32 v3, v34  }
0x616: {  	[tilespmem:s23], [sflag:$0x2] =	stream.indirect_vreg.gather [hbm4b:s15+s5], $0x80, v18, vm0, $0xb8;
	[tilespmem:$0x1D300] =	vst v63  }
0x617: {  	s8 =	simm.s32 $0x8080;
	v36 =	vperm.xlane v17, v6;
	v18 =	vadd.s32 v3, v35  }
0x618: {  	[tilespmem:s8], [sflag:$0x2] =	stream.indirect_vreg.gather [hbm4b:s15+s5], $0x80, v19, vm0, $0xb8;
	[tilespmem:$0x1D300] =	vst v63  }
0x619: {  	v37 =	vperm.xlane v17, v7;
	s23 =	simm.s32 $0x8100;
	v19 =	vadd.s32 v3, v36  }
0x61a: {  	[tilespmem:s23], [sflag:$0x2] =	stream.indirect_vreg.gather [hbm4b:s15+s5], $0x80, v20, vm0, $0xb8;
	[tilespmem:$0x1D300] =	vst v63  }
0x61b: {  	v39 =	vperm.xlane v17, v8;
	v38 =	vadd.s32 v3, v37;
	s8 =	simm.s32 $0x8180  }
0x61c: {  	[tilespmem:s8], [sflag:$0x2] =	stream.indirect_vreg.gather [hbm4b:s15+s5], $0x80, v18, vm0, $0xb8;
	[tilespmem:$0x1D300] =	vst v63  }
0x61d: {  	v40 =	vperm.xlane v17, v0;
	s23 =	simm.s32 $0x8200;
	v18 =	vadd.s32 v3, v39  }
0x61e: {  	[tilespmem:s23], [sflag:$0x2] =	stream.indirect_vreg.gather [hbm4b:s15+s5], $0x80, v19, vm0, $0xb8;
	[tilespmem:$0x1D300] =	vst v63  }
0x61f: {  	v41 =	vperm.xlane v17, v9;
	s8 =	simm.s32 $0x8280;
	v19 =	vadd.s32 v3, v40  }
0x620: {  	[tilespmem:s8], [sflag:$0x2] =	stream.indirect_vreg.gather [hbm4b:s15+s5], $0x80, v38, vm0, $0xb8;
	[tilespmem:$0x1D300] =	vst v63  }
0x621: {  	v43 =	vperm.xlane v17, v10;
	v42 =	vadd.s32 v3, v41;
	s23 =	simm.s32 $0x8300  }
0x622: {  	[tilespmem:s23], [sflag:$0x2] =	stream.indirect_vreg.gather [hbm4b:s15+s5], $0x80, v18, vm0, $0xb8;
	[tilespmem:$0x1D300] =	vst v63  }
0x623: {  	v44 =	vperm.xlane v17, v11;
	s8 =	simm.s32 $0x8380;
	v18 =	vadd.s32 v3, v43  }
0x624: {  	[tilespmem:s8], [sflag:$0x2] =	stream.indirect_vreg.gather [hbm4b:s15+s5], $0x80, v19, vm0, $0xb8;
	[tilespmem:$0x1D300] =	vst v63  }
0x625: {  	v45 =	vperm.xlane v17, v12;
	s23 =	simm.s32 $0x8400;
	v19 =	vadd.s32 v3, v44  }
0x626: {  	[tilespmem:s23], [sflag:$0x2] =	stream.indirect_vreg.gather [hbm4b:s15+s5], $0x80, v42, vm0, $0xb8;
	[tilespmem:$0x1D300] =	vst v63  }
0x627: {  	v47 =	vperm.xlane v17, v13;
	v46 =	vadd.s32 v3, v45;
	s8 =	simm.s32 $0x8480  }
0x628: {  	[tilespmem:s8], [sflag:$0x2] =	stream.indirect_vreg.gather [hbm4b:s15+s5], $0x80, v18, vm0, $0xb8;
	[tilespmem:$0x1D300] =	vst v63  }
0x629: {  	v48 =	vperm.xlane v17, v14;
	s23 =	simm.s32 $0x8500;
	v18 =	vadd.s32 v3, v47  }
0x62a: {  	[tilespmem:s23], [sflag:$0x2] =	stream.indirect_vreg.gather [hbm4b:s15+s5], $0x80, v19, vm0, $0xb8;
	[tilespmem:$0x1D300] =	vst v63  }
0x62b: {  	v49 =	vperm.xlane v17, v15;
	s8 =	simm.s32 $0x8580;
	v19 =	vadd.s32 v3, v48  }
0x62c: {  	[tilespmem:s8], [sflag:$0x2] =	stream.indirect_vreg.gather [hbm4b:s15+s5], $0x80, v46, vm0, $0xb8;
	[tilespmem:$0x1D300] =	vst v63  }
0x62d: {  	v17 =	vperm.xlane v17, v16;
	v50 =	vadd.s32 v3, v49;
	s23 =	simm.s32 $0x8600  }
0x62e: {  	[tilespmem:s23], [sflag:$0x2] =	stream.indirect_vreg.gather [hbm4b:s15+s5], $0x80, v18, vm0, $0xb8;
	[tilespmem:$0x1D300] =	vst v63  }
0x62f: {  	v17 =	vadd.s32 v3, v17;
	s8 =	simm.s32 $0x8680  }
0x630: {  	[tilespmem:s8], [sflag:$0x2] =	stream.indirect_vreg.gather [hbm4b:s15+s5], $0x80, v19, vm0, $0xb8;
	[tilespmem:$0x1D300] =	vst v63  }
0x631: {  	s23 =	simm.s32 $0x8700  }
0x632: {  	[tilespmem:s23], [sflag:$0x2] =	stream.indirect_vreg.gather [hbm4b:s15+s5], $0x80, v50, vm0, $0xb8;
	[tilespmem:$0x1D300] =	vst v63  }
0x633: {  	_ = 	snop  }
0x634: {  	[tilespmem:s25], [sflag:$0x2] =	stream.indirect_vreg.gather [hbm4b:s15+s5], $0x80, v17, vm0, $0xb8;
	[tilespmem:$0x1D300] =	vst v63  }
0x635: {  	v17 =	vld.msk [tilespmem:s19+$0x1F0], $0x1fff;
	_ =	sdelay $0x4  }
0x636: {  	v18 =	vshll.u32 v17, $0x1  }
0x637: {  	v17 =	vand.u32 $0x7, v17;
	v18 =	vand.u32 $0xFFFFFFF0, v18  }
0x638: {  	v17 =	vor.u32 v17, v18  }
0x639: {  	v18 =	vperm.xlane v17, v2;
	_ =	sdelay $0x1  }
0x63a: {  	v19 =	vperm.xlane v17, v1;
	v18 =	vadd.s32 v3, v18;
	_ =	sdelay $0x1  }
0x63b: {  	v51 =	vperm.xlane v17, v4;
	v19 =	vadd.s32 v3, v19;
	_ =	sdelay $0x1  }
0x63c: {  	v52 =	vperm.xlane v17, v5;
	v20 =	vadd.s32 v3, v51  }
0x63d: {  	[tilespmem:s26], [sflag:$0x2] =	stream.indirect_vreg.gather [hbm4b:s15+s5], $0x80, v18, vm0, $0xb8;
	[tilespmem:$0x1D300] =	vst v63  }
0x63e: {  	v53 =	vperm.xlane v17, v6;
	v18 =	vadd.s32 v3, v52  }
0x63f: {  	[tilespmem:s28], [sflag:$0x2] =	stream.indirect_vreg.gather [hbm4b:s15+s5], $0x80, v19, vm0, $0xb8;
	[tilespmem:$0x1D300] =	vst v63  }
0x640: {  	v54 =	vperm.xlane v17, v7;
	v19 =	vadd.s32 v3, v53  }
0x641: {  	[tilespmem:s6], [sflag:$0x2] =	stream.indirect_vreg.gather [hbm4b:s15+s5], $0x80, v20, vm0, $0xb8;
	[tilespmem:$0x1D300] =	vst v63  }
0x642: {  	v56 =	vperm.xlane v17, v8;
	v55 =	vadd.s32 v3, v54  }
0x643: {  	[tilespmem:s13], [sflag:$0x2] =	stream.indirect_vreg.gather [hbm4b:s15+s5], $0x80, v18, vm0, $0xb8;
	[tilespmem:$0x1D300] =	vst v63  }
0x644: {  	v57 =	vperm.xlane v17, v0;
	v18 =	vadd.s32 v3, v56  }
0x645: {  	[tilespmem:s21], [sflag:$0x2] =	stream.indirect_vreg.gather [hbm4b:s15+s5], $0x80, v19, vm0, $0xb8;
	[tilespmem:$0x1D300] =	vst v63  }
0x646: {  	v58 =	vperm.xlane v17, v9;
	v19 =	vadd.s32 v3, v57  }
0x647: {  	[tilespmem:s1], [sflag:$0x2] =	stream.indirect_vreg.gather [hbm4b:s15+s5], $0x80, v55, vm0, $0xb8;
	[tilespmem:$0x1D300] =	vst v63  }
0x648: {  	v60 =	vperm.xlane v17, v10;
	v59 =	vadd.s32 v3, v58  }
0x649: {  	[tilespmem:s20], [sflag:$0x2] =	stream.indirect_vreg.gather [hbm4b:s15+s5], $0x80, v18, vm0, $0xb8;
	[tilespmem:$0x1D300] =	vst v63  }
0x64a: {  	v61 =	vperm.xlane v17, v11;
	v18 =	vadd.s32 v3, v60  }
0x64b: {  	[tilespmem:s16], [sflag:$0x2] =	stream.indirect_vreg.gather [hbm4b:s15+s5], $0x80, v19, vm0, $0xb8;
	[tilespmem:$0x1D300] =	vst v63  }
0x64c: {  	v19 =	vadd.s32 v3, v61  }
0x64d: {  	v62 =	vperm.xlane v17, v12;
	[tilespmem:s14], [sflag:$0x2] =	stream.indirect_vreg.gather [hbm4b:s15+s5], $0x80, v59, vm0, $0xb8;
	[tilespmem:$0x1D300] =	vst v63  }
0x64e: {  	s17 =	sadd.s32 $0x400, s17  }
0x64f: {  	v17 =	vperm.xlane v17, v13;
	v63 =	vadd.s32 v3, v62;
	[tilespmem:s10], [sflag:$0x2] =	stream.indirect_vreg.gather [hbm4b:s15+s5], $0x80, v18, vm0, $0xb8;
	[tilespmem:$0x1D300] =	vst v63  }
0x650: {  	p3 =	sne.s32 s17, $0x1000  }
0x651: {  	v17 =	vadd.s32 v3, v17;
	[tilespmem:s12], [sflag:$0x2] =	stream.indirect_vreg.gather [hbm4b:s15+s5], $0x80, v19, vm0, $0xb8;
	[tilespmem:$0x1D300] =	vst v63  }
.Ltmp9:
0x652: {  	_ = 	snop;
	(pc) =	sbr.rel @p3 .LBB2_5-.Ltmp9, $4  }
.Ltmp10:
0x653: {  	_ = 	snop;
	(pc) =	sbr.rel @!p3 .LBB2_11-.Ltmp10, $4  }
0x654: {  	[tilespmem:s11], [sflag:$0x2] =	stream.indirect_vreg.gather [hbm4b:s15+s5], $0x80, v63, vm0, $0xb8;
	[tilespmem:$0x1D300] =	vst v63  }
0x655: {  	_ = 	snop  }
0x656: {  	[tilespmem:s29], [sflag:$0x2] =	stream.indirect_vreg.gather [hbm4b:s15+s5], $0x80, v17, vm0, $0xb8;
	[tilespmem:$0x1D300] =	vst v63  }
0x657: {  	_ = 	snop  }
.LBB2_9:
0x658: {  	_ =	swait.ge [sflag:s9], $0x400  }
0x659: {  	[sflag:s9] =	ssyncset.done $0x0  }
0x65a: {  	[sflag:s9] =	ssyncadd.s32 $0xFFFFFC00  }
0x65b: {  	v17 =	vld [tilespmem:$0x880];
	_ =	sdelay $0x4  }
0x65c: {  	v18 =	vshll.u32 v17, $0x1  }
0x65d: {  	v17 =	vand.u32 $0x7, v17;
	v18 =	vand.u32 $0xFFFFFFF0, v18  }
0x65e: {  	v17 =	vor.u32 v17, v18  }
0x65f: {  	v18 =	vperm.xlane v17, v2;
	_ =	sdelay $0x1  }
0x660: {  	v19 =	vperm.xlane v17, v1;
	v18 =	vadd.s32 v3, v18;
	_ =	sdelay $0x1  }
0x661: {  	v20 =	vperm.xlane v17, v4;
	v19 =	vadd.s32 v3, v19;
	_ =	sdelay $0x1  }
0x662: {  	v21 =	vperm.xlane v17, v5;
	v20 =	vadd.s32 v3, v20  }
0x663: {  	[tilespmem:s7], [sflag:$0x2] =	stream.indirect_vreg.gather [hbm4b:s15+s5], $0x80, v18, vm0, $0xb8;
	[tilespmem:$0x1D300] =	vst v63  }
0x664: {  	s2 =	simm.s32 $0x5080;
	v54 =	vperm.xlane v17, v6;
	v18 =	vadd.s32 v3, v21  }
0x665: {  	[tilespmem:s2], [sflag:$0x2] =	stream.indirect_vreg.gather [hbm4b:s15+s5], $0x80, v19, vm0, $0xb8;
	[tilespmem:$0x1D300] =	vst v63  }
0x666: {  	s23 =	simm.s32 $0x5100;
	v55 =	vperm.xlane v17, v7;
	v19 =	vadd.s32 v3, v54  }
0x667: {  	[tilespmem:s23], [sflag:$0x2] =	stream.indirect_vreg.gather [hbm4b:s15+s5], $0x80, v20, vm0, $0xb8;
	[tilespmem:$0x1D300] =	vst v63  }
0x668: {  	s8 =	simm.s32 $0x5180;
	v57 =	vperm.xlane v17, v8;
	v56 =	vadd.s32 v3, v55  }
0x669: {  	[tilespmem:s8], [sflag:$0x2] =	stream.indirect_vreg.gather [hbm4b:s15+s5], $0x80, v18, vm0, $0xb8;
	[tilespmem:$0x1D300] =	vst v63  }
0x66a: {  	s17 =	simm.s32 $0x5200;
	v58 =	vperm.xlane v17, v0;
	v18 =	vadd.s32 v3, v57  }
0x66b: {  	[tilespmem:s17], [sflag:$0x2] =	stream.indirect_vreg.gather [hbm4b:s15+s5], $0x80, v19, vm0, $0xb8;
	[tilespmem:$0x1D300] =	vst v63  }
0x66c: {  	s19 =	simm.s32 $0x5280;
	v59 =	vperm.xlane v17, v9;
	v19 =	vadd.s32 v3, v58  }
0x66d: {  	[tilespmem:s19], [sflag:$0x2] =	stream.indirect_vreg.gather [hbm4b:s15+s5], $0x80, v56, vm0, $0xb8;
	[tilespmem:$0x1D300] =	vst v63  }
0x66e: {  	v61 =	vperm.xlane v17, v10;
	v60 =	vadd.s32 v3, v59;
	s23 =	simm.s32 $0x5300  }
0x66f: {  	[tilespmem:s23], [sflag:$0x2] =	stream.indirect_vreg.gather [hbm4b:s15+s5], $0x80, v18, vm0, $0xb8;
	[tilespmem:$0x1D300] =	vst v63  }
0x670: {  	v62 =	vperm.xlane v17, v11;
	s8 =	simm.s32 $0x5380;
	v18 =	vadd.s32 v3, v61  }
0x671: {  	[tilespmem:s8], [sflag:$0x2] =	stream.indirect_vreg.gather [hbm4b:s15+s5], $0x80, v19, vm0, $0xb8;
	[tilespmem:$0x1D300] =	vst v63  }
0x672: {  	v63 =	vperm.xlane v17, v12;
	s17 =	simm.s32 $0x5400;
	v19 =	vadd.s32 v3, v62  }
0x673: {  	[tilespmem:s17], [sflag:$0x2] =	stream.indirect_vreg.gather [hbm4b:s15+s5], $0x80, v60, vm0, $0xb8;
	[tilespmem:$0x1D300] =	vst v63  }
0x674: {  	v25 =	vperm.xlane v17, v13;
	v24 =	vadd.s32 v3, v63;
	s19 =	simm.s32 $0x5480  }
0x675: {  	[tilespmem:s19], [sflag:$0x2] =	stream.indirect_vreg.gather [hbm4b:s15+s5], $0x80, v18, vm0, $0xb8;
	[tilespmem:$0x1D300] =	vst v63  }
0x676: {  	v26 =	vperm.xlane v17, v14;
	s23 =	simm.s32 $0x5500;
	v18 =	vadd.s32 v3, v25  }
0x677: {  	[tilespmem:s23], [sflag:$0x2] =	stream.indirect_vreg.gather [hbm4b:s15+s5], $0x80, v19, vm0, $0xb8;
	[tilespmem:$0x1D300] =	vst v63  }
0x678: {  	v27 =	vperm.xlane v17, v15;
	s8 =	simm.s32 $0x5580;
	v19 =	vadd.s32 v3, v26  }
0x679: {  	[tilespmem:s8], [sflag:$0x2] =	stream.indirect_vreg.gather [hbm4b:s15+s5], $0x80, v24, vm0, $0xb8;
	[tilespmem:$0x1D300] =	vst v63  }
0x67a: {  	v17 =	vperm.xlane v17, v16;
	v28 =	vadd.s32 v3, v27;
	s17 =	simm.s32 $0x5600  }
0x67b: {  	[tilespmem:s17], [sflag:$0x2] =	stream.indirect_vreg.gather [hbm4b:s15+s5], $0x80, v18, vm0, $0xb8;
	[tilespmem:$0x1D300] =	vst v63  }
0x67c: {  	v17 =	vadd.s32 v3, v17;
	s19 =	simm.s32 $0x5680  }
0x67d: {  	[tilespmem:s19], [sflag:$0x2] =	stream.indirect_vreg.gather [hbm4b:s15+s5], $0x80, v19, vm0, $0xb8;
	[tilespmem:$0x1D300] =	vst v63  }
0x67e: {  	s23 =	simm.s32 $0x5700  }
0x67f: {  	[tilespmem:s23], [sflag:$0x2] =	stream.indirect_vreg.gather [hbm4b:s15+s5], $0x80, v28, vm0, $0xb8;
	[tilespmem:$0x1D300] =	vst v63  }
0x680: {  	s8 =	simm.s32 $0x5780  }
0x681: {  	[tilespmem:s8], [sflag:$0x2] =	stream.indirect_vreg.gather [hbm4b:s15+s5], $0x80, v17, vm0, $0xb8;
	[tilespmem:$0x1D300] =	vst v63  }
0x682: {  	v17 =	vld [tilespmem:$0x890];
	_ =	sdelay $0x4  }
0x683: {  	v18 =	vshll.u32 v17, $0x1  }
0x684: {  	v17 =	vand.u32 $0x7, v17;
	v18 =	vand.u32 $0xFFFFFFF0, v18  }
0x685: {  	v17 =	vor.u32 v17, v18  }
0x686: {  	v18 =	vperm.xlane v17, v2;
	_ =	sdelay $0x1  }
0x687: {  	v19 =	vperm.xlane v17, v1;
	v18 =	vadd.s32 v3, v18;
	_ =	sdelay $0x1  }
0x688: {  	v29 =	vperm.xlane v17, v4;
	v19 =	vadd.s32 v3, v19;
	_ =	sdelay $0x1  }
0x689: {  	s17 =	simm.s32 $0x5800;
	v30 =	vperm.xlane v17, v5;
	v20 =	vadd.s32 v3, v29  }
0x68a: {  	[tilespmem:s17], [sflag:$0x2] =	stream.indirect_vreg.gather [hbm4b:s15+s5], $0x80, v18, vm0, $0xb8;
	[tilespmem:$0x1D300] =	vst v63  }
0x68b: {  	s19 =	simm.s32 $0x5880;
	v31 =	vperm.xlane v17, v6;
	v18 =	vadd.s32 v3, v30  }
0x68c: {  	[tilespmem:s19], [sflag:$0x2] =	stream.indirect_vreg.gather [hbm4b:s15+s5], $0x80, v19, vm0, $0xb8;
	[tilespmem:$0x1D300] =	vst v63  }
0x68d: {  	s23 =	simm.s32 $0x5900;
	v32 =	vperm.xlane v17, v7;
	v19 =	vadd.s32 v3, v31  }
0x68e: {  	[tilespmem:s23], [sflag:$0x2] =	stream.indirect_vreg.gather [hbm4b:s15+s5], $0x80, v20, vm0, $0xb8;
	[tilespmem:$0x1D300] =	vst v63  }
0x68f: {  	s8 =	simm.s32 $0x5980;
	v34 =	vperm.xlane v17, v8;
	v33 =	vadd.s32 v3, v32  }
0x690: {  	[tilespmem:s8], [sflag:$0x2] =	stream.indirect_vreg.gather [hbm4b:s15+s5], $0x80, v18, vm0, $0xb8;
	[tilespmem:$0x1D300] =	vst v63  }
0x691: {  	v35 =	vperm.xlane v17, v0;
	s17 =	simm.s32 $0x5A00;
	v18 =	vadd.s32 v3, v34  }
0x692: {  	[tilespmem:s17], [sflag:$0x2] =	stream.indirect_vreg.gather [hbm4b:s15+s5], $0x80, v19, vm0, $0xb8;
	[tilespmem:$0x1D300] =	vst v63  }
0x693: {  	v36 =	vperm.xlane v17, v9;
	s19 =	simm.s32 $0x5A80;
	v19 =	vadd.s32 v3, v35  }
0x694: {  	[tilespmem:s19], [sflag:$0x2] =	stream.indirect_vreg.gather [hbm4b:s15+s5], $0x80, v33, vm0, $0xb8;
	[tilespmem:$0x1D300] =	vst v63  }
0x695: {  	v38 =	vperm.xlane v17, v10;
	v37 =	vadd.s32 v3, v36;
	s23 =	simm.s32 $0x5B00  }
0x696: {  	[tilespmem:s23], [sflag:$0x2] =	stream.indirect_vreg.gather [hbm4b:s15+s5], $0x80, v18, vm0, $0xb8;
	[tilespmem:$0x1D300] =	vst v63  }
0x697: {  	v39 =	vperm.xlane v17, v11;
	s8 =	simm.s32 $0x5B80;
	v18 =	vadd.s32 v3, v38  }
0x698: {  	[tilespmem:s8], [sflag:$0x2] =	stream.indirect_vreg.gather [hbm4b:s15+s5], $0x80, v19, vm0, $0xb8;
	[tilespmem:$0x1D300] =	vst v63  }
0x699: {  	v40 =	vperm.xlane v17, v12;
	s17 =	simm.s32 $0x5C00;
	v19 =	vadd.s32 v3, v39  }
0x69a: {  	[tilespmem:s17], [sflag:$0x2] =	stream.indirect_vreg.gather [hbm4b:s15+s5], $0x80, v37, vm0, $0xb8;
	[tilespmem:$0x1D300] =	vst v63  }
0x69b: {  	v42 =	vperm.xlane v17, v13;
	v41 =	vadd.s32 v3, v40;
	s19 =	simm.s32 $0x5C80  }
0x69c: {  	[tilespmem:s19], [sflag:$0x2] =	stream.indirect_vreg.gather [hbm4b:s15+s5], $0x80, v18, vm0, $0xb8;
	[tilespmem:$0x1D300] =	vst v63  }
0x69d: {  	v43 =	vperm.xlane v17, v14;
	s23 =	simm.s32 $0x5D00;
	v18 =	vadd.s32 v3, v42  }
0x69e: {  	[tilespmem:s23], [sflag:$0x2] =	stream.indirect_vreg.gather [hbm4b:s15+s5], $0x80, v19, vm0, $0xb8;
	[tilespmem:$0x1D300] =	vst v63  }
0x69f: {  	v44 =	vperm.xlane v17, v15;
	s8 =	simm.s32 $0x5D80;
	v19 =	vadd.s32 v3, v43  }
0x6a0: {  	[tilespmem:s8], [sflag:$0x2] =	stream.indirect_vreg.gather [hbm4b:s15+s5], $0x80, v41, vm0, $0xb8;
	[tilespmem:$0x1D300] =	vst v63  }
0x6a1: {  	v17 =	vperm.xlane v17, v16;
	v45 =	vadd.s32 v3, v44;
	s17 =	simm.s32 $0x5E00  }
0x6a2: {  	[tilespmem:s17], [sflag:$0x2] =	stream.indirect_vreg.gather [hbm4b:s15+s5], $0x80, v18, vm0, $0xb8;
	[tilespmem:$0x1D300] =	vst v63  }
0x6a3: {  	v17 =	vadd.s32 v3, v17;
	s19 =	simm.s32 $0x5E80  }
0x6a4: {  	[tilespmem:s19], [sflag:$0x2] =	stream.indirect_vreg.gather [hbm4b:s15+s5], $0x80, v19, vm0, $0xb8;
	[tilespmem:$0x1D300] =	vst v63  }
0x6a5: {  	s23 =	simm.s32 $0x5F00  }
0x6a6: {  	[tilespmem:s23], [sflag:$0x2] =	stream.indirect_vreg.gather [hbm4b:s15+s5], $0x80, v45, vm0, $0xb8;
	[tilespmem:$0x1D300] =	vst v63  }
0x6a7: {  	s8 =	simm.s32 $0x5F80  }
0x6a8: {  	[tilespmem:s8], [sflag:$0x2] =	stream.indirect_vreg.gather [hbm4b:s15+s5], $0x80, v17, vm0, $0xb8;
	[tilespmem:$0x1D300] =	vst v63  }
0x6a9: {  	v17 =	vld [tilespmem:$0x8A0];
	_ =	sdelay $0x4  }
0x6aa: {  	v18 =	vshll.u32 v17, $0x1  }
0x6ab: {  	v17 =	vand.u32 $0x7, v17;
	v18 =	vand.u32 $0xFFFFFFF0, v18  }
0x6ac: {  	v17 =	vor.u32 v17, v18  }
0x6ad: {  	v18 =	vperm.xlane v17, v2;
	_ =	sdelay $0x1  }
0x6ae: {  	v19 =	vperm.xlane v17, v1;
	v18 =	vadd.s32 v3, v18;
	_ =	sdelay $0x1  }
0x6af: {  	v46 =	vperm.xlane v17, v4;
	v19 =	vadd.s32 v3, v19;
	_ =	sdelay $0x1  }
0x6b0: {  	s17 =	simm.s32 $0x6000;
	v47 =	vperm.xlane v17, v5;
	v20 =	vadd.s32 v3, v46  }
0x6b1: {  	[tilespmem:s17], [sflag:$0x2] =	stream.indirect_vreg.gather [hbm4b:s15+s5], $0x80, v18, vm0, $0xb8;
	[tilespmem:$0x1D300] =	vst v63  }
0x6b2: {  	s19 =	simm.s32 $0x6080;
	v48 =	vperm.xlane v17, v6;
	v18 =	vadd.s32 v3, v47  }
0x6b3: {  	[tilespmem:s19], [sflag:$0x2] =	stream.indirect_vreg.gather [hbm4b:s15+s5], $0x80, v19, vm0, $0xb8;
	[tilespmem:$0x1D300] =	vst v63  }
0x6b4: {  	s23 =	simm.s32 $0x6100;
	v49 =	vperm.xlane v17, v7;
	v19 =	vadd.s32 v3, v48  }
0x6b5: {  	[tilespmem:s23], [sflag:$0x2] =	stream.indirect_vreg.gather [hbm4b:s15+s5], $0x80, v20, vm0, $0xb8;
	[tilespmem:$0x1D300] =	vst v63  }
0x6b6: {  	s8 =	simm.s32 $0x6180;
	v51 =	vperm.xlane v17, v8;
	v50 =	vadd.s32 v3, v49  }
0x6b7: {  	[tilespmem:s8], [sflag:$0x2] =	stream.indirect_vreg.gather [hbm4b:s15+s5], $0x80, v18, vm0, $0xb8;
	[tilespmem:$0x1D300] =	vst v63  }
0x6b8: {  	v52 =	vperm.xlane v17, v0;
	s17 =	simm.s32 $0x6200;
	v18 =	vadd.s32 v3, v51  }
0x6b9: {  	[tilespmem:s17], [sflag:$0x2] =	stream.indirect_vreg.gather [hbm4b:s15+s5], $0x80, v19, vm0, $0xb8;
	[tilespmem:$0x1D300] =	vst v63  }
0x6ba: {  	v53 =	vperm.xlane v17, v9;
	s19 =	simm.s32 $0x6280;
	v19 =	vadd.s32 v3, v52  }
0x6bb: {  	[tilespmem:s19], [sflag:$0x2] =	stream.indirect_vreg.gather [hbm4b:s15+s5], $0x80, v50, vm0, $0xb8;
	[tilespmem:$0x1D300] =	vst v63  }
0x6bc: {  	v55 =	vperm.xlane v17, v10;
	v54 =	vadd.s32 v3, v53;
	s23 =	simm.s32 $0x6300  }
0x6bd: {  	[tilespmem:s23], [sflag:$0x2] =	stream.indirect_vreg.gather [hbm4b:s15+s5], $0x80, v18, vm0, $0xb8;
	[tilespmem:$0x1D300] =	vst v63  }
0x6be: {  	v56 =	vperm.xlane v17, v11;
	s8 =	simm.s32 $0x6380;
	v18 =	vadd.s32 v3, v55  }
0x6bf: {  	[tilespmem:s8], [sflag:$0x2] =	stream.indirect_vreg.gather [hbm4b:s15+s5], $0x80, v19, vm0, $0xb8;
	[tilespmem:$0x1D300] =	vst v63  }
0x6c0: {  	v57 =	vperm.xlane v17, v12;
	s17 =	simm.s32 $0x6400;
	v19 =	vadd.s32 v3, v56  }
0x6c1: {  	[tilespmem:s17], [sflag:$0x2] =	stream.indirect_vreg.gather [hbm4b:s15+s5], $0x80, v54, vm0, $0xb8;
	[tilespmem:$0x1D300] =	vst v63  }
0x6c2: {  	v59 =	vperm.xlane v17, v13;
	v58 =	vadd.s32 v3, v57;
	s19 =	simm.s32 $0x6480  }
0x6c3: {  	[tilespmem:s19], [sflag:$0x2] =	stream.indirect_vreg.gather [hbm4b:s15+s5], $0x80, v18, vm0, $0xb8;
	[tilespmem:$0x1D300] =	vst v63  }
0x6c4: {  	v60 =	vperm.xlane v17, v14;
	s23 =	simm.s32 $0x6500;
	v18 =	vadd.s32 v3, v59  }
0x6c5: {  	[tilespmem:s23], [sflag:$0x2] =	stream.indirect_vreg.gather [hbm4b:s15+s5], $0x80, v19, vm0, $0xb8;
	[tilespmem:$0x1D300] =	vst v63  }
0x6c6: {  	v61 =	vperm.xlane v17, v15;
	s8 =	simm.s32 $0x6580;
	v19 =	vadd.s32 v3, v60  }
0x6c7: {  	[tilespmem:s8], [sflag:$0x2] =	stream.indirect_vreg.gather [hbm4b:s15+s5], $0x80, v58, vm0, $0xb8;
	[tilespmem:$0x1D300] =	vst v63  }
0x6c8: {  	v17 =	vperm.xlane v17, v16;
	v62 =	vadd.s32 v3, v61;
	s17 =	simm.s32 $0x6600  }
0x6c9: {  	[tilespmem:s17], [sflag:$0x2] =	stream.indirect_vreg.gather [hbm4b:s15+s5], $0x80, v18, vm0, $0xb8;
	[tilespmem:$0x1D300] =	vst v63  }
0x6ca: {  	v17 =	vadd.s32 v3, v17;
	s19 =	simm.s32 $0x6680  }
0x6cb: {  	[tilespmem:s19], [sflag:$0x2] =	stream.indirect_vreg.gather [hbm4b:s15+s5], $0x80, v19, vm0, $0xb8;
	[tilespmem:$0x1D300] =	vst v63  }
0x6cc: {  	s23 =	simm.s32 $0x6700  }
0x6cd: {  	[tilespmem:s23], [sflag:$0x2] =	stream.indirect_vreg.gather [hbm4b:s15+s5], $0x80, v62, vm0, $0xb8;
	[tilespmem:$0x1D300] =	vst v63  }
0x6ce: {  	s8 =	simm.s32 $0x6780  }
0x6cf: {  	[tilespmem:s8], [sflag:$0x2] =	stream.indirect_vreg.gather [hbm4b:s15+s5], $0x80, v17, vm0, $0xb8;
	[tilespmem:$0x1D300] =	vst v63  }
0x6d0: {  	v17 =	vld [tilespmem:$0x8B0];
	_ =	sdelay $0x4  }
0x6d1: {  	v18 =	vshll.u32 v17, $0x1  }
0x6d2: {  	v17 =	vand.u32 $0x7, v17;
	v18 =	vand.u32 $0xFFFFFFF0, v18  }
0x6d3: {  	v17 =	vor.u32 v17, v18  }
0x6d4: {  	v18 =	vperm.xlane v17, v2;
	_ =	sdelay $0x1  }
0x6d5: {  	v19 =	vperm.xlane v17, v1;
	v18 =	vadd.s32 v3, v18;
	_ =	sdelay $0x1  }
0x6d6: {  	v63 =	vperm.xlane v17, v4;
	v19 =	vadd.s32 v3, v19;
	_ =	sdelay $0x1  }
0x6d7: {  	s17 =	simm.s32 $0x6800;
	v24 =	vperm.xlane v17, v5;
	v20 =	vadd.s32 v3, v63  }
0x6d8: {  	[tilespmem:s17], [sflag:$0x2] =	stream.indirect_vreg.gather [hbm4b:s15+s5], $0x80, v18, vm0, $0xb8;
	[tilespmem:$0x1D300] =	vst v63  }
0x6d9: {  	s19 =	simm.s32 $0x6880;
	v25 =	vperm.xlane v17, v6;
	v18 =	vadd.s32 v3, v24  }
0x6da: {  	[tilespmem:s19], [sflag:$0x2] =	stream.indirect_vreg.gather [hbm4b:s15+s5], $0x80, v19, vm0, $0xb8;
	[tilespmem:$0x1D300] =	vst v63  }
0x6db: {  	s23 =	simm.s32 $0x6900;
	v26 =	vperm.xlane v17, v7;
	v19 =	vadd.s32 v3, v25  }
0x6dc: {  	[tilespmem:s23], [sflag:$0x2] =	stream.indirect_vreg.gather [hbm4b:s15+s5], $0x80, v20, vm0, $0xb8;
	[tilespmem:$0x1D300] =	vst v63  }
0x6dd: {  	s8 =	simm.s32 $0x6980;
	v28 =	vperm.xlane v17, v8;
	v27 =	vadd.s32 v3, v26  }
0x6de: {  	[tilespmem:s8], [sflag:$0x2] =	stream.indirect_vreg.gather [hbm4b:s15+s5], $0x80, v18, vm0, $0xb8;
	[tilespmem:$0x1D300] =	vst v63  }
0x6df: {  	v29 =	vperm.xlane v17, v0;
	s17 =	simm.s32 $0x6A00;
	v18 =	vadd.s32 v3, v28  }
0x6e0: {  	[tilespmem:s17], [sflag:$0x2] =	stream.indirect_vreg.gather [hbm4b:s15+s5], $0x80, v19, vm0, $0xb8;
	[tilespmem:$0x1D300] =	vst v63  }
0x6e1: {  	v30 =	vperm.xlane v17, v9;
	s19 =	simm.s32 $0x6A80;
	v19 =	vadd.s32 v3, v29  }
0x6e2: {  	[tilespmem:s19], [sflag:$0x2] =	stream.indirect_vreg.gather [hbm4b:s15+s5], $0x80, v27, vm0, $0xb8;
	[tilespmem:$0x1D300] =	vst v63  }
0x6e3: {  	v32 =	vperm.xlane v17, v10;
	v31 =	vadd.s32 v3, v30;
	s23 =	simm.s32 $0x6B00  }
0x6e4: {  	[tilespmem:s23], [sflag:$0x2] =	stream.indirect_vreg.gather [hbm4b:s15+s5], $0x80, v18, vm0, $0xb8;
	[tilespmem:$0x1D300] =	vst v63  }
0x6e5: {  	v33 =	vperm.xlane v17, v11;
	s8 =	simm.s32 $0x6B80;
	v18 =	vadd.s32 v3, v32  }
0x6e6: {  	[tilespmem:s8], [sflag:$0x2] =	stream.indirect_vreg.gather [hbm4b:s15+s5], $0x80, v19, vm0, $0xb8;
	[tilespmem:$0x1D300] =	vst v63  }
0x6e7: {  	v34 =	vperm.xlane v17, v12;
	s17 =	simm.s32 $0x6C00;
	v19 =	vadd.s32 v3, v33  }
0x6e8: {  	[tilespmem:s17], [sflag:$0x2] =	stream.indirect_vreg.gather [hbm4b:s15+s5], $0x80, v31, vm0, $0xb8;
	[tilespmem:$0x1D300] =	vst v63  }
0x6e9: {  	v36 =	vperm.xlane v17, v13;
	v35 =	vadd.s32 v3, v34;
	s19 =	simm.s32 $0x6C80  }
0x6ea: {  	[tilespmem:s19], [sflag:$0x2] =	stream.indirect_vreg.gather [hbm4b:s15+s5], $0x80, v18, vm0, $0xb8;
	[tilespmem:$0x1D300] =	vst v63  }
0x6eb: {  	v37 =	vperm.xlane v17, v14;
	s23 =	simm.s32 $0x6D00;
	v18 =	vadd.s32 v3, v36  }
0x6ec: {  	[tilespmem:s23], [sflag:$0x2] =	stream.indirect_vreg.gather [hbm4b:s15+s5], $0x80, v19, vm0, $0xb8;
	[tilespmem:$0x1D300] =	vst v63  }
0x6ed: {  	v38 =	vperm.xlane v17, v15;
	s8 =	simm.s32 $0x6D80;
	v19 =	vadd.s32 v3, v37  }
0x6ee: {  	[tilespmem:s8], [sflag:$0x2] =	stream.indirect_vreg.gather [hbm4b:s15+s5], $0x80, v35, vm0, $0xb8;
	[tilespmem:$0x1D300] =	vst v63  }
0x6ef: {  	v17 =	vperm.xlane v17, v16;
	v39 =	vadd.s32 v3, v38;
	s17 =	simm.s32 $0x6E00  }
0x6f0: {  	[tilespmem:s17], [sflag:$0x2] =	stream.indirect_vreg.gather [hbm4b:s15+s5], $0x80, v18, vm0, $0xb8;
	[tilespmem:$0x1D300] =	vst v63  }
0x6f1: {  	v17 =	vadd.s32 v3, v17;
	s19 =	simm.s32 $0x6E80  }
0x6f2: {  	[tilespmem:s19], [sflag:$0x2] =	stream.indirect_vreg.gather [hbm4b:s15+s5], $0x80, v19, vm0, $0xb8;
	[tilespmem:$0x1D300] =	vst v63  }
0x6f3: {  	s23 =	simm.s32 $0x6F00  }
0x6f4: {  	[tilespmem:s23], [sflag:$0x2] =	stream.indirect_vreg.gather [hbm4b:s15+s5], $0x80, v39, vm0, $0xb8;
	[tilespmem:$0x1D300] =	vst v63  }
0x6f5: {  	s8 =	simm.s32 $0x6F80  }
0x6f6: {  	[tilespmem:s8], [sflag:$0x2] =	stream.indirect_vreg.gather [hbm4b:s15+s5], $0x80, v17, vm0, $0xb8;
	[tilespmem:$0x1D300] =	vst v63  }
0x6f7: {  	v17 =	vld [tilespmem:$0x8C0];
	_ =	sdelay $0x4  }
0x6f8: {  	v18 =	vshll.u32 v17, $0x1  }
0x6f9: {  	v17 =	vand.u32 $0x7, v17;
	v18 =	vand.u32 $0xFFFFFFF0, v18  }
0x6fa: {  	v17 =	vor.u32 v17, v18  }
0x6fb: {  	v18 =	vperm.xlane v17, v2;
	_ =	sdelay $0x1  }
0x6fc: {  	v19 =	vperm.xlane v17, v1;
	v18 =	vadd.s32 v3, v18;
	_ =	sdelay $0x1  }
0x6fd: {  	v40 =	vperm.xlane v17, v4;
	v19 =	vadd.s32 v3, v19;
	_ =	sdelay $0x1  }
0x6fe: {  	s17 =	simm.s32 $0x7000;
	v41 =	vperm.xlane v17, v5;
	v20 =	vadd.s32 v3, v40  }
0x6ff: {  	[tilespmem:s17], [sflag:$0x2] =	stream.indirect_vreg.gather [hbm4b:s15+s5], $0x80, v18, vm0, $0xb8;
	[tilespmem:$0x1D300] =	vst v63  }
0x700: {  	s19 =	simm.s32 $0x7080;
	v42 =	vperm.xlane v17, v6;
	v18 =	vadd.s32 v3, v41  }
0x701: {  	[tilespmem:s19], [sflag:$0x2] =	stream.indirect_vreg.gather [hbm4b:s15+s5], $0x80, v19, vm0, $0xb8;
	[tilespmem:$0x1D300] =	vst v63  }
0x702: {  	s23 =	simm.s32 $0x7100;
	v43 =	vperm.xlane v17, v7;
	v19 =	vadd.s32 v3, v42  }
0x703: {  	[tilespmem:s23], [sflag:$0x2] =	stream.indirect_vreg.gather [hbm4b:s15+s5], $0x80, v20, vm0, $0xb8;
	[tilespmem:$0x1D300] =	vst v63  }
0x704: {  	s8 =	simm.s32 $0x7180;
	v45 =	vperm.xlane v17, v8;
	v44 =	vadd.s32 v3, v43  }
0x705: {  	[tilespmem:s8], [sflag:$0x2] =	stream.indirect_vreg.gather [hbm4b:s15+s5], $0x80, v18, vm0, $0xb8;
	[tilespmem:$0x1D300] =	vst v63  }
0x706: {  	v46 =	vperm.xlane v17, v0;
	s17 =	simm.s32 $0x7200;
	v18 =	vadd.s32 v3, v45  }
0x707: {  	[tilespmem:s17], [sflag:$0x2] =	stream.indirect_vreg.gather [hbm4b:s15+s5], $0x80, v19, vm0, $0xb8;
	[tilespmem:$0x1D300] =	vst v63  }
0x708: {  	v47 =	vperm.xlane v17, v9;
	s19 =	simm.s32 $0x7280;
	v19 =	vadd.s32 v3, v46  }
0x709: {  	[tilespmem:s19], [sflag:$0x2] =	stream.indirect_vreg.gather [hbm4b:s15+s5], $0x80, v44, vm0, $0xb8;
	[tilespmem:$0x1D300] =	vst v63  }
0x70a: {  	v49 =	vperm.xlane v17, v10;
	v48 =	vadd.s32 v3, v47;
	s23 =	simm.s32 $0x7300  }
0x70b: {  	[tilespmem:s23], [sflag:$0x2] =	stream.indirect_vreg.gather [hbm4b:s15+s5], $0x80, v18, vm0, $0xb8;
	[tilespmem:$0x1D300] =	vst v63  }
0x70c: {  	v50 =	vperm.xlane v17, v11;
	s8 =	simm.s32 $0x7380;
	v18 =	vadd.s32 v3, v49  }
0x70d: {  	[tilespmem:s8], [sflag:$0x2] =	stream.indirect_vreg.gather [hbm4b:s15+s5], $0x80, v19, vm0, $0xb8;
	[tilespmem:$0x1D300] =	vst v63  }
0x70e: {  	v51 =	vperm.xlane v17, v12;
	s17 =	simm.s32 $0x7400;
	v19 =	vadd.s32 v3, v50  }
0x70f: {  	[tilespmem:s17], [sflag:$0x2] =	stream.indirect_vreg.gather [hbm4b:s15+s5], $0x80, v48, vm0, $0xb8;
	[tilespmem:$0x1D300] =	vst v63  }
0x710: {  	v53 =	vperm.xlane v17, v13;
	v52 =	vadd.s32 v3, v51;
	s19 =	simm.s32 $0x7480  }
0x711: {  	[tilespmem:s19], [sflag:$0x2] =	stream.indirect_vreg.gather [hbm4b:s15+s5], $0x80, v18, vm0, $0xb8;
	[tilespmem:$0x1D300] =	vst v63  }
0x712: {  	v54 =	vperm.xlane v17, v14;
	s23 =	simm.s32 $0x7500;
	v18 =	vadd.s32 v3, v53  }
0x713: {  	[tilespmem:s23], [sflag:$0x2] =	stream.indirect_vreg.gather [hbm4b:s15+s5], $0x80, v19, vm0, $0xb8;
	[tilespmem:$0x1D300] =	vst v63  }
0x714: {  	v55 =	vperm.xlane v17, v15;
	s8 =	simm.s32 $0x7580;
	v19 =	vadd.s32 v3, v54  }
0x715: {  	[tilespmem:s8], [sflag:$0x2] =	stream.indirect_vreg.gather [hbm4b:s15+s5], $0x80, v52, vm0, $0xb8;
	[tilespmem:$0x1D300] =	vst v63  }
0x716: {  	v17 =	vperm.xlane v17, v16;
	v56 =	vadd.s32 v3, v55;
	s17 =	simm.s32 $0x7600  }
0x717: {  	[tilespmem:s17], [sflag:$0x2] =	stream.indirect_vreg.gather [hbm4b:s15+s5], $0x80, v18, vm0, $0xb8;
	[tilespmem:$0x1D300] =	vst v63  }
0x718: {  	v17 =	vadd.s32 v3, v17;
	s19 =	simm.s32 $0x7680  }
0x719: {  	[tilespmem:s19], [sflag:$0x2] =	stream.indirect_vreg.gather [hbm4b:s15+s5], $0x80, v19, vm0, $0xb8;
	[tilespmem:$0x1D300] =	vst v63  }
0x71a: {  	s23 =	simm.s32 $0x7700  }
0x71b: {  	[tilespmem:s23], [sflag:$0x2] =	stream.indirect_vreg.gather [hbm4b:s15+s5], $0x80, v56, vm0, $0xb8;
	[tilespmem:$0x1D300] =	vst v63  }
0x71c: {  	s8 =	simm.s32 $0x7780  }
0x71d: {  	[tilespmem:s8], [sflag:$0x2] =	stream.indirect_vreg.gather [hbm4b:s15+s5], $0x80, v17, vm0, $0xb8;
	[tilespmem:$0x1D300] =	vst v63  }
0x71e: {  	v17 =	vld [tilespmem:$0x8D0];
	_ =	sdelay $0x4  }
0x71f: {  	v18 =	vshll.u32 v17, $0x1  }
0x720: {  	v17 =	vand.u32 $0x7, v17;
	v18 =	vand.u32 $0xFFFFFFF0, v18  }
0x721: {  	v17 =	vor.u32 v17, v18  }
0x722: {  	v18 =	vperm.xlane v17, v2;
	_ =	sdelay $0x1  }
0x723: {  	v19 =	vperm.xlane v17, v1;
	v18 =	vadd.s32 v3, v18;
	_ =	sdelay $0x1  }
0x724: {  	v57 =	vperm.xlane v17, v4;
	v19 =	vadd.s32 v3, v19;
	_ =	sdelay $0x1  }
0x725: {  	s17 =	simm.s32 $0x7800;
	v58 =	vperm.xlane v17, v5;
	v20 =	vadd.s32 v3, v57  }
0x726: {  	[tilespmem:s17], [sflag:$0x2] =	stream.indirect_vreg.gather [hbm4b:s15+s5], $0x80, v18, vm0, $0xb8;
	[tilespmem:$0x1D300] =	vst v63  }
0x727: {  	s19 =	simm.s32 $0x7880;
	v59 =	vperm.xlane v17, v6;
	v18 =	vadd.s32 v3, v58  }
0x728: {  	[tilespmem:s19], [sflag:$0x2] =	stream.indirect_vreg.gather [hbm4b:s15+s5], $0x80, v19, vm0, $0xb8;
	[tilespmem:$0x1D300] =	vst v63  }
0x729: {  	s23 =	simm.s32 $0x7900;
	v60 =	vperm.xlane v17, v7;
	v19 =	vadd.s32 v3, v59  }
0x72a: {  	[tilespmem:s23], [sflag:$0x2] =	stream.indirect_vreg.gather [hbm4b:s15+s5], $0x80, v20, vm0, $0xb8;
	[tilespmem:$0x1D300] =	vst v63  }
0x72b: {  	s8 =	simm.s32 $0x7980;
	v62 =	vperm.xlane v17, v8;
	v61 =	vadd.s32 v3, v60  }
0x72c: {  	[tilespmem:s8], [sflag:$0x2] =	stream.indirect_vreg.gather [hbm4b:s15+s5], $0x80, v18, vm0, $0xb8;
	[tilespmem:$0x1D300] =	vst v63  }
0x72d: {  	v63 =	vperm.xlane v17, v0;
	s17 =	simm.s32 $0x7A00;
	v18 =	vadd.s32 v3, v62  }
0x72e: {  	[tilespmem:s17], [sflag:$0x2] =	stream.indirect_vreg.gather [hbm4b:s15+s5], $0x80, v19, vm0, $0xb8;
	[tilespmem:$0x1D300] =	vst v63  }
0x72f: {  	v24 =	vperm.xlane v17, v9;
	s19 =	simm.s32 $0x7A80;
	v19 =	vadd.s32 v3, v63  }
0x730: {  	[tilespmem:s19], [sflag:$0x2] =	stream.indirect_vreg.gather [hbm4b:s15+s5], $0x80, v61, vm0, $0xb8;
	[tilespmem:$0x1D300] =	vst v63  }
0x731: {  	v26 =	vperm.xlane v17, v10;
	v25 =	vadd.s32 v3, v24;
	s23 =	simm.s32 $0x7B00  }
0x732: {  	[tilespmem:s23], [sflag:$0x2] =	stream.indirect_vreg.gather [hbm4b:s15+s5], $0x80, v18, vm0, $0xb8;
	[tilespmem:$0x1D300] =	vst v63  }
0x733: {  	v27 =	vperm.xlane v17, v11;
	s8 =	simm.s32 $0x7B80;
	v18 =	vadd.s32 v3, v26  }
0x734: {  	[tilespmem:s8], [sflag:$0x2] =	stream.indirect_vreg.gather [hbm4b:s15+s5], $0x80, v19, vm0, $0xb8;
	[tilespmem:$0x1D300] =	vst v63  }
0x735: {  	v28 =	vperm.xlane v17, v12;
	s17 =	simm.s32 $0x7C00;
	v19 =	vadd.s32 v3, v27  }
0x736: {  	[tilespmem:s17], [sflag:$0x2] =	stream.indirect_vreg.gather [hbm4b:s15+s5], $0x80, v25, vm0, $0xb8;
	[tilespmem:$0x1D300] =	vst v63  }
0x737: {  	v30 =	vperm.xlane v17, v13;
	v29 =	vadd.s32 v3, v28;
	s19 =	simm.s32 $0x7C80  }
0x738: {  	[tilespmem:s19], [sflag:$0x2] =	stream.indirect_vreg.gather [hbm4b:s15+s5], $0x80, v18, vm0, $0xb8;
	[tilespmem:$0x1D300] =	vst v63  }
0x739: {  	v31 =	vperm.xlane v17, v14;
	s23 =	simm.s32 $0x7D00;
	v18 =	vadd.s32 v3, v30  }
0x73a: {  	[tilespmem:s23], [sflag:$0x2] =	stream.indirect_vreg.gather [hbm4b:s15+s5], $0x80, v19, vm0, $0xb8;
	[tilespmem:$0x1D300] =	vst v63  }
0x73b: {  	v32 =	vperm.xlane v17, v15;
	s8 =	simm.s32 $0x7D80;
	v19 =	vadd.s32 v3, v31  }
0x73c: {  	[tilespmem:s8], [sflag:$0x2] =	stream.indirect_vreg.gather [hbm4b:s15+s5], $0x80, v29, vm0, $0xb8;
	[tilespmem:$0x1D300] =	vst v63  }
0x73d: {  	v17 =	vperm.xlane v17, v16;
	v33 =	vadd.s32 v3, v32;
	s17 =	simm.s32 $0x7E00  }
0x73e: {  	[tilespmem:s17], [sflag:$0x2] =	stream.indirect_vreg.gather [hbm4b:s15+s5], $0x80, v18, vm0, $0xb8;
	[tilespmem:$0x1D300] =	vst v63  }
0x73f: {  	v17 =	vadd.s32 v3, v17;
	s19 =	simm.s32 $0x7E80  }
0x740: {  	[tilespmem:s19], [sflag:$0x2] =	stream.indirect_vreg.gather [hbm4b:s15+s5], $0x80, v19, vm0, $0xb8;
	[tilespmem:$0x1D300] =	vst v63  }
0x741: {  	s23 =	simm.s32 $0x7F00  }
0x742: {  	[tilespmem:s23], [sflag:$0x2] =	stream.indirect_vreg.gather [hbm4b:s15+s5], $0x80, v33, vm0, $0xb8;
	[tilespmem:$0x1D300] =	vst v63  }
0x743: {  	s8 =	simm.s32 $0x7F80  }
0x744: {  	[tilespmem:s8], [sflag:$0x2] =	stream.indirect_vreg.gather [hbm4b:s15+s5], $0x80, v17, vm0, $0xb8;
	[tilespmem:$0x1D300] =	vst v63  }
0x745: {  	v17 =	vld [tilespmem:$0x8E0];
	_ =	sdelay $0x4  }
0x746: {  	v18 =	vshll.u32 v17, $0x1  }
0x747: {  	v17 =	vand.u32 $0x7, v17;
	v18 =	vand.u32 $0xFFFFFFF0, v18  }
0x748: {  	v17 =	vor.u32 v17, v18  }
0x749: {  	v18 =	vperm.xlane v17, v2;
	_ =	sdelay $0x1  }
0x74a: {  	v19 =	vperm.xlane v17, v1;
	v18 =	vadd.s32 v3, v18;
	_ =	sdelay $0x1  }
0x74b: {  	v34 =	vperm.xlane v17, v4;
	v19 =	vadd.s32 v3, v19;
	_ =	sdelay $0x1  }
0x74c: {  	s17 =	simm.s32 $0x8000;
	v35 =	vperm.xlane v17, v5;
	v20 =	vadd.s32 v3, v34  }
0x74d: {  	[tilespmem:s17], [sflag:$0x2] =	stream.indirect_vreg.gather [hbm4b:s15+s5], $0x80, v18, vm0, $0xb8;
	[tilespmem:$0x1D300] =	vst v63  }
0x74e: {  	s19 =	simm.s32 $0x8080;
	v36 =	vperm.xlane v17, v6;
	v18 =	vadd.s32 v3, v35  }
0x74f: {  	[tilespmem:s19], [sflag:$0x2] =	stream.indirect_vreg.gather [hbm4b:s15+s5], $0x80, v19, vm0, $0xb8;
	[tilespmem:$0x1D300] =	vst v63  }
0x750: {  	s23 =	simm.s32 $0x8100;
	v37 =	vperm.xlane v17, v7;
	v19 =	vadd.s32 v3, v36  }
0x751: {  	[tilespmem:s23], [sflag:$0x2] =	stream.indirect_vreg.gather [hbm4b:s15+s5], $0x80, v20, vm0, $0xb8;
	[tilespmem:$0x1D300] =	vst v63  }
0x752: {  	s8 =	simm.s32 $0x8180;
	v39 =	vperm.xlane v17, v8;
	v38 =	vadd.s32 v3, v37  }
0x753: {  	[tilespmem:s8], [sflag:$0x2] =	stream.indirect_vreg.gather [hbm4b:s15+s5], $0x80, v18, vm0, $0xb8;
	[tilespmem:$0x1D300] =	vst v63  }
0x754: {  	v40 =	vperm.xlane v17, v0;
	s17 =	simm.s32 $0x8200;
	v18 =	vadd.s32 v3, v39  }
0x755: {  	[tilespmem:s17], [sflag:$0x2] =	stream.indirect_vreg.gather [hbm4b:s15+s5], $0x80, v19, vm0, $0xb8;
	[tilespmem:$0x1D300] =	vst v63  }
0x756: {  	v41 =	vperm.xlane v17, v9;
	s19 =	simm.s32 $0x8280;
	v19 =	vadd.s32 v3, v40  }
0x757: {  	[tilespmem:s19], [sflag:$0x2] =	stream.indirect_vreg.gather [hbm4b:s15+s5], $0x80, v38, vm0, $0xb8;
	[tilespmem:$0x1D300] =	vst v63  }
0x758: {  	v43 =	vperm.xlane v17, v10;
	v42 =	vadd.s32 v3, v41;
	s23 =	simm.s32 $0x8300  }
0x759: {  	[tilespmem:s23], [sflag:$0x2] =	stream.indirect_vreg.gather [hbm4b:s15+s5], $0x80, v18, vm0, $0xb8;
	[tilespmem:$0x1D300] =	vst v63  }
0x75a: {  	v44 =	vperm.xlane v17, v11;
	s8 =	simm.s32 $0x8380;
	v18 =	vadd.s32 v3, v43  }
0x75b: {  	[tilespmem:s8], [sflag:$0x2] =	stream.indirect_vreg.gather [hbm4b:s15+s5], $0x80, v19, vm0, $0xb8;
	[tilespmem:$0x1D300] =	vst v63  }
0x75c: {  	v45 =	vperm.xlane v17, v12;
	s17 =	simm.s32 $0x8400;
	v19 =	vadd.s32 v3, v44  }
0x75d: {  	[tilespmem:s17], [sflag:$0x2] =	stream.indirect_vreg.gather [hbm4b:s15+s5], $0x80, v42, vm0, $0xb8;
	[tilespmem:$0x1D300] =	vst v63  }
0x75e: {  	v47 =	vperm.xlane v17, v13;
	v46 =	vadd.s32 v3, v45;
	s19 =	simm.s32 $0x8480  }
0x75f: {  	[tilespmem:s19], [sflag:$0x2] =	stream.indirect_vreg.gather [hbm4b:s15+s5], $0x80, v18, vm0, $0xb8;
	[tilespmem:$0x1D300] =	vst v63  }
0x760: {  	v48 =	vperm.xlane v17, v14;
	s23 =	simm.s32 $0x8500;
	v18 =	vadd.s32 v3, v47  }
0x761: {  	[tilespmem:s23], [sflag:$0x2] =	stream.indirect_vreg.gather [hbm4b:s15+s5], $0x80, v19, vm0, $0xb8;
	[tilespmem:$0x1D300] =	vst v63  }
0x762: {  	v49 =	vperm.xlane v17, v15;
	s8 =	simm.s32 $0x8580;
	v19 =	vadd.s32 v3, v48  }
0x763: {  	[tilespmem:s8], [sflag:$0x2] =	stream.indirect_vreg.gather [hbm4b:s15+s5], $0x80, v46, vm0, $0xb8;
	[tilespmem:$0x1D300] =	vst v63  }
0x764: {  	v17 =	vperm.xlane v17, v16;
	v50 =	vadd.s32 v3, v49;
	s17 =	simm.s32 $0x8600  }
0x765: {  	[tilespmem:s17], [sflag:$0x2] =	stream.indirect_vreg.gather [hbm4b:s15+s5], $0x80, v18, vm0, $0xb8;
	[tilespmem:$0x1D300] =	vst v63  }
0x766: {  	v17 =	vadd.s32 v3, v17;
	s19 =	simm.s32 $0x8680  }
0x767: {  	[tilespmem:s19], [sflag:$0x2] =	stream.indirect_vreg.gather [hbm4b:s15+s5], $0x80, v19, vm0, $0xb8;
	[tilespmem:$0x1D300] =	vst v63  }
0x768: {  	s23 =	simm.s32 $0x8700  }
0x769: {  	[tilespmem:s23], [sflag:$0x2] =	stream.indirect_vreg.gather [hbm4b:s15+s5], $0x80, v50, vm0, $0xb8;
	[tilespmem:$0x1D300] =	vst v63  }
0x76a: {  	_ = 	snop  }
0x76b: {  	[tilespmem:s25], [sflag:$0x2] =	stream.indirect_vreg.gather [hbm4b:s15+s5], $0x80, v17, vm0, $0xb8;
	[tilespmem:$0x1D300] =	vst v63  }
0x76c: {  	v17 =	vld.msk [tilespmem:$0x8F0], $0x1fff;
	_ =	sdelay $0x4  }
0x76d: {  	v18 =	vshll.u32 v17, $0x1  }
0x76e: {  	v17 =	vand.u32 $0x7, v17;
	v18 =	vand.u32 $0xFFFFFFF0, v18  }
0x76f: {  	v17 =	vor.u32 v17, v18  }
0x770: {  	v18 =	vperm.xlane v17, v2;
	_ =	sdelay $0x1  }
0x771: {  	v19 =	vperm.xlane v17, v1;
	v18 =	vadd.s32 v3, v18;
	_ =	sdelay $0x1  }
0x772: {  	v51 =	vperm.xlane v17, v4;
	v19 =	vadd.s32 v3, v19;
	_ =	sdelay $0x1  }
0x773: {  	v52 =	vperm.xlane v17, v5;
	v20 =	vadd.s32 v3, v51  }
0x774: {  	[tilespmem:s26], [sflag:$0x2] =	stream.indirect_vreg.gather [hbm4b:s15+s5], $0x80, v18, vm0, $0xb8;
	[tilespmem:$0x1D300] =	vst v63  }
0x775: {  	v53 =	vperm.xlane v17, v6;
	v18 =	vadd.s32 v3, v52  }
0x776: {  	[tilespmem:s28], [sflag:$0x2] =	stream.indirect_vreg.gather [hbm4b:s15+s5], $0x80, v19, vm0, $0xb8;
	[tilespmem:$0x1D300] =	vst v63  }
0x777: {  	v54 =	vperm.xlane v17, v7;
	v19 =	vadd.s32 v3, v53  }
0x778: {  	[tilespmem:s6], [sflag:$0x2] =	stream.indirect_vreg.gather [hbm4b:s15+s5], $0x80, v20, vm0, $0xb8;
	[tilespmem:$0x1D300] =	vst v63  }
0x779: {  	v56 =	vperm.xlane v17, v8;
	v55 =	vadd.s32 v3, v54  }
0x77a: {  	[tilespmem:s13], [sflag:$0x2] =	stream.indirect_vreg.gather [hbm4b:s15+s5], $0x80, v18, vm0, $0xb8;
	[tilespmem:$0x1D300] =	vst v63  }
0x77b: {  	v57 =	vperm.xlane v17, v0;
	v18 =	vadd.s32 v3, v56  }
0x77c: {  	[tilespmem:s21], [sflag:$0x2] =	stream.indirect_vreg.gather [hbm4b:s15+s5], $0x80, v19, vm0, $0xb8;
	[tilespmem:$0x1D300] =	vst v63  }
0x77d: {  	v58 =	vperm.xlane v17, v9;
	v19 =	vadd.s32 v3, v57  }
0x77e: {  	[tilespmem:s1], [sflag:$0x2] =	stream.indirect_vreg.gather [hbm4b:s15+s5], $0x80, v55, vm0, $0xb8;
	[tilespmem:$0x1D300] =	vst v63  }
0x77f: {  	v60 =	vperm.xlane v17, v10;
	v59 =	vadd.s32 v3, v58  }
0x780: {  	[tilespmem:s20], [sflag:$0x2] =	stream.indirect_vreg.gather [hbm4b:s15+s5], $0x80, v18, vm0, $0xb8;
	[tilespmem:$0x1D300] =	vst v63  }
0x781: {  	v61 =	vperm.xlane v17, v11;
	v18 =	vadd.s32 v3, v60  }
0x782: {  	[tilespmem:s16], [sflag:$0x2] =	stream.indirect_vreg.gather [hbm4b:s15+s5], $0x80, v19, vm0, $0xb8;
	[tilespmem:$0x1D300] =	vst v63  }
0x783: {  	v62 =	vperm.xlane v17, v12;
	v19 =	vadd.s32 v3, v61  }
0x784: {  	[tilespmem:s14], [sflag:$0x2] =	stream.indirect_vreg.gather [hbm4b:s15+s5], $0x80, v59, vm0, $0xb8;
	[tilespmem:$0x1D300] =	vst v63  }
0x785: {  	v17 =	vperm.xlane v17, v13;
	v63 =	vadd.s32 v3, v62  }
0x786: {  	[tilespmem:s10], [sflag:$0x2] =	stream.indirect_vreg.gather [hbm4b:s15+s5], $0x80, v18, vm0, $0xb8;
	[tilespmem:$0x1D300] =	vst v63  }
0x787: {  	v17 =	vadd.s32 v3, v17  }
0x788: {  	[tilespmem:s12], [sflag:$0x2] =	stream.indirect_vreg.gather [hbm4b:s15+s5], $0x80, v19, vm0, $0xb8;
	[tilespmem:$0x1D300] =	vst v63  }
0x789: {  	_ = 	snop  }
0x78a: {  	[tilespmem:s11], [sflag:$0x2] =	stream.indirect_vreg.gather [hbm4b:s15+s5], $0x80, v63, vm0, $0xb8;
	[tilespmem:$0x1D300] =	vst v63  }
0x78b: {  	_ = 	snop  }
0x78c: {  	[tilespmem:s29], [sflag:$0x2] =	stream.indirect_vreg.gather [hbm4b:s15+s5], $0x80, v17, vm0, $0xb8;
	[tilespmem:$0x1D300] =	vst v63  }
.LBB2_11:
0x78d: {  	s19 =	rddreg [dreg:$0x18]  }
0x78e: {  	s2 =	rddreg [dreg:$0x17]  }
0x78f: {  	s8 =	rddreg [dreg:$0x1a];
	p3 =	seq.s32 s19, $0x4  }
0x790: {  	s2 =	sadd.s32 @!p3 s8, s2  }
0x791: {  	s8 =	rddreg [dreg:$0x1];
	s2 =	sshrl.u32 @!p3 s2, $0x3  }
0x792: {  	s17 =	simm.s32 @!p3 $0x0;
	s8 =	sadd.s32 @!p3 s8, s2  }
0x793: {  	[tilespmem:s17], [sflag:$0x3] =	stream.linear.gather @!p3 [hbm4b:s8+s17], $0x400, $0x38;
	[tilespmem:$0x1D300] =	vst v63  }
.Ltmp11:
0x794: {  	_ = 	snop;
	(pc) =	sbr.rel .LBB2_12-.Ltmp11, $4  }
0x795: {  	s8 =	rddreg [dreg:$0x7]  }
0x796: {  	s23 =	sadd.s32 $0x1, s19;
	s2 =	sadd.s32 @!p3 s8, s2;
	s8 =	simm.s32 @!p3 $0x400  }
0x797: {  	[tilespmem:s8], [sflag:$0x4] =	stream.linear.gather @!p3 [hbm4b:s2+s17], $0x400, $0x38;
	[tilespmem:$0x1D300] =	vst v63  }
0x798: {  	[dreg:$0x19] =	wrdreg s23;
	s17 =	simm.s32 $0x0  }
.LBB2_21:
0x799: {  	s17 =	sadd.s32 $0x400, s17  }
0x79a: {  	p4 =	seq.s32 s17, $0x1000  }
.Ltmp12:
0x79b: {  	_ = 	snop;
	(pc) =	sbr.rel @p4 .LBB2_3-.Ltmp12, $1  }
0x79c: {  	_ =	sdelay $0x3  }
.LBB2_12:
0x79d: {  	_ =	swait.ge [sflag:s30], $0x3E80  }
0x79e: {  	s19 =	sshra.s32 s17, $0x2;
	[sflag:s30] =	ssyncset.done $0x0  }
0x79f: {  	s2 =	sadd.s32 $0xC00, s19;
	[sflag:s30] =	ssyncadd.s32 $0xFFFFC180  }
0x7a0: {  	[spmem:s3] =	stream.indirect.scatter.add.f32 [tilespmem:s24], [sflag:$0x6], $0x80, s2, s31, $0xb8;
	[tilespmem:$0x1D300] =	vst v63  }
0x7a1: {  	_ =	swait.ge [sflag:s22], $0x3E80  }
0x7a2: {  	s8 =	simm.s32 @p2 $0x7D;
	[sflag:s22] =	ssyncset.done $0x0  }
0x7a3: {  	s23 =	simm.s32 @p2 $0x9000;
	p4 =	seq.s32 s17, $0xC00;
	[sflag:s22] =	ssyncadd.s32 $0xFFFFC180  }
0x7a4: {  	[spmem:s4] =	stream.indirect.scatter.add.f32 @p2 [tilespmem:s23], [sflag:$0x6], $0x1, s2, s8, $0xb8;
	[tilespmem:$0x1D300] =	vst v63  }
.Ltmp13:
0x7a5: {  	_ = 	snop;
	(pc) =	sbr.rel @!p4 .LBB2_13-.Ltmp13, $4  }
0x7a6: {  	s2 =	simm.s32 @p2 $0x6  }
0x7a7: {  	_ =	swait.ge @p2 [sflag:s2], $0x7D  }
0x7a8: {  	[sflag:s2] =	ssyncset.done @p2 $0x0  }
0x7a9: {  	[sflag:s2] =	ssyncadd.s32 @p2 $0xFFFFFF83  }
.Ltmp14:
0x7aa: {  	(pc) =	sbr.rel @p3 .LBB2_17-.Ltmp14, $2  }
0x7ab: {  	_ =	sdelay $0x2  }
0x7ac: {  	p5 =	por $0x0, $0x0  }
0x7ad: {  	_ =	swait.ge [sflag:s0], $0x400  }
0x7ae: {  	[sflag:s0] =	ssyncset.done $0x0  }
0x7af: {  	[sflag:s0] =	ssyncadd.s32 $0xFFFFFC00  }
0x7b0: {  	v17 =	vld [tilespmem:$0x0];
	_ =	sdelay $0x4  }
0x7b1: {  	v18 =	vshll.u32 v17, $0x1  }
0x7b2: {  	v17 =	vand.u32 $0x7, v17;
	v18 =	vand.u32 $0xFFFFFFF0, v18  }
0x7b3: {  	v17 =	vor.u32 v17, v18  }
0x7b4: {  	v18 =	vperm.xlane v17, v2;
	_ =	sdelay $0x1  }
0x7b5: {  	v19 =	vperm.xlane v17, v1;
	v18 =	vadd.s32 v3, v18;
	_ =	sdelay $0x1  }
0x7b6: {  	v20 =	vperm.xlane v17, v4;
	v19 =	vadd.s32 v3, v19;
	_ =	sdelay $0x1  }
0x7b7: {  	v21 =	vperm.xlane v17, v5;
	v20 =	vadd.s32 v3, v20  }
0x7b8: {  	[tilespmem:s24], [sflag:$0x1] =	stream.indirect_vreg.gather [hbm4b:s15+s5], $0x80, v18, vm0, $0xb8;
	[tilespmem:$0x1D300] =	vst v63  }
0x7b9: {  	s2 =	simm.s32 $0x1080;
	v27 =	vperm.xlane v17, v6;
	v18 =	vadd.s32 v3, v21  }
0x7ba: {  	[tilespmem:s2], [sflag:$0x1] =	stream.indirect_vreg.gather [hbm4b:s15+s5], $0x80, v19, vm0, $0xb8;
	[tilespmem:$0x1D300] =	vst v63  }
0x7bb: {  	s8 =	simm.s32 $0x1100;
	v28 =	vperm.xlane v17, v7;
	v19 =	vadd.s32 v3, v27  }
0x7bc: {  	[tilespmem:s8], [sflag:$0x1] =	stream.indirect_vreg.gather [hbm4b:s15+s5], $0x80, v20, vm0, $0xb8;
	[tilespmem:$0x1D300] =	vst v63  }
0x7bd: {  	s23 =	simm.s32 $0x1180;
	v30 =	vperm.xlane v17, v8;
	v29 =	vadd.s32 v3, v28  }
0x7be: {  	[tilespmem:s23], [sflag:$0x1] =	stream.indirect_vreg.gather [hbm4b:s15+s5], $0x80, v18, vm0, $0xb8;
	[tilespmem:$0x1D300] =	vst v63  }
0x7bf: {  	v31 =	vperm.xlane v17, v0;
	s8 =	simm.s32 $0x1200;
	v18 =	vadd.s32 v3, v30  }
0x7c0: {  	[tilespmem:s8], [sflag:$0x1] =	stream.indirect_vreg.gather [hbm4b:s15+s5], $0x80, v19, vm0, $0xb8;
	[tilespmem:$0x1D300] =	vst v63  }
0x7c1: {  	v32 =	vperm.xlane v17, v9;
	s23 =	simm.s32 $0x1280;
	v19 =	vadd.s32 v3, v31  }
0x7c2: {  	[tilespmem:s23], [sflag:$0x1] =	stream.indirect_vreg.gather [hbm4b:s15+s5], $0x80, v29, vm0, $0xb8;
	[tilespmem:$0x1D300] =	vst v63  }
0x7c3: {  	v34 =	vperm.xlane v17, v10;
	v33 =	vadd.s32 v3, v32;
	s8 =	simm.s32 $0x1300  }
0x7c4: {  	[tilespmem:s8], [sflag:$0x1] =	stream.indirect_vreg.gather [hbm4b:s15+s5], $0x80, v18, vm0, $0xb8;
	[tilespmem:$0x1D300] =	vst v63  }
0x7c5: {  	v35 =	vperm.xlane v17, v11;
	s23 =	simm.s32 $0x1380;
	v18 =	vadd.s32 v3, v34  }
0x7c6: {  	[tilespmem:s23], [sflag:$0x1] =	stream.indirect_vreg.gather [hbm4b:s15+s5], $0x80, v19, vm0, $0xb8;
	[tilespmem:$0x1D300] =	vst v63  }
0x7c7: {  	v36 =	vperm.xlane v17, v12;
	s8 =	simm.s32 $0x1400;
	v19 =	vadd.s32 v3, v35  }
0x7c8: {  	[tilespmem:s8], [sflag:$0x1] =	stream.indirect_vreg.gather [hbm4b:s15+s5], $0x80, v33, vm0, $0xb8;
	[tilespmem:$0x1D300] =	vst v63  }
0x7c9: {  	v38 =	vperm.xlane v17, v13;
	v37 =	vadd.s32 v3, v36;
	s23 =	simm.s32 $0x1480  }
0x7ca: {  	[tilespmem:s23], [sflag:$0x1] =	stream.indirect_vreg.gather [hbm4b:s15+s5], $0x80, v18, vm0, $0xb8;
	[tilespmem:$0x1D300] =	vst v63  }
0x7cb: {  	v39 =	vperm.xlane v17, v14;
	s8 =	simm.s32 $0x1500;
	v18 =	vadd.s32 v3, v38  }
0x7cc: {  	[tilespmem:s8], [sflag:$0x1] =	stream.indirect_vreg.gather [hbm4b:s15+s5], $0x80, v19, vm0, $0xb8;
	[tilespmem:$0x1D300] =	vst v63  }
0x7cd: {  	v40 =	vperm.xlane v17, v15;
	s23 =	simm.s32 $0x1580;
	v19 =	vadd.s32 v3, v39  }
0x7ce: {  	[tilespmem:s23], [sflag:$0x1] =	stream.indirect_vreg.gather [hbm4b:s15+s5], $0x80, v37, vm0, $0xb8;
	[tilespmem:$0x1D300] =	vst v63  }
0x7cf: {  	v17 =	vperm.xlane v17, v16;
	v41 =	vadd.s32 v3, v40;
	s8 =	simm.s32 $0x1600  }
0x7d0: {  	[tilespmem:s8], [sflag:$0x1] =	stream.indirect_vreg.gather [hbm4b:s15+s5], $0x80, v18, vm0, $0xb8;
	[tilespmem:$0x1D300] =	vst v63  }
0x7d1: {  	v17 =	vadd.s32 v3, v17;
	s23 =	simm.s32 $0x1680  }
0x7d2: {  	[tilespmem:s23], [sflag:$0x1] =	stream.indirect_vreg.gather [hbm4b:s15+s5], $0x80, v19, vm0, $0xb8;
	[tilespmem:$0x1D300] =	vst v63  }
0x7d3: {  	s8 =	simm.s32 $0x1700  }
0x7d4: {  	[tilespmem:s8], [sflag:$0x1] =	stream.indirect_vreg.gather [hbm4b:s15+s5], $0x80, v41, vm0, $0xb8;
	[tilespmem:$0x1D300] =	vst v63  }
0x7d5: {  	s23 =	simm.s32 $0x1780  }
0x7d6: {  	[tilespmem:s23], [sflag:$0x1] =	stream.indirect_vreg.gather [hbm4b:s15+s5], $0x80, v17, vm0, $0xb8;
	[tilespmem:$0x1D300] =	vst v63  }
0x7d7: {  	v17 =	vld [tilespmem:$0x10];
	_ =	sdelay $0x4  }
0x7d8: {  	v18 =	vshll.u32 v17, $0x1  }
0x7d9: {  	v17 =	vand.u32 $0x7, v17;
	v18 =	vand.u32 $0xFFFFFFF0, v18  }
0x7da: {  	v17 =	vor.u32 v17, v18  }
0x7db: {  	v18 =	vperm.xlane v17, v2;
	_ =	sdelay $0x1  }
0x7dc: {  	v19 =	vperm.xlane v17, v1;
	v18 =	vadd.s32 v3, v18;
	_ =	sdelay $0x1  }
0x7dd: {  	v42 =	vperm.xlane v17, v4;
	v19 =	vadd.s32 v3, v19;
	_ =	sdelay $0x1  }
0x7de: {  	s8 =	simm.s32 $0x1800;
	v43 =	vperm.xlane v17, v5;
	v20 =	vadd.s32 v3, v42  }
0x7df: {  	[tilespmem:s8], [sflag:$0x1] =	stream.indirect_vreg.gather [hbm4b:s15+s5], $0x80, v18, vm0, $0xb8;
	[tilespmem:$0x1D300] =	vst v63  }
0x7e0: {  	s23 =	simm.s32 $0x1880;
	v44 =	vperm.xlane v17, v6;
	v18 =	vadd.s32 v3, v43  }
0x7e1: {  	[tilespmem:s23], [sflag:$0x1] =	stream.indirect_vreg.gather [hbm4b:s15+s5], $0x80, v19, vm0, $0xb8;
	[tilespmem:$0x1D300] =	vst v63  }
0x7e2: {  	v45 =	vperm.xlane v17, v7;
	s8 =	simm.s32 $0x1900;
	v19 =	vadd.s32 v3, v44  }
0x7e3: {  	[tilespmem:s8], [sflag:$0x1] =	stream.indirect_vreg.gather [hbm4b:s15+s5], $0x80, v20, vm0, $0xb8;
	[tilespmem:$0x1D300] =	vst v63  }
0x7e4: {  	v47 =	vperm.xlane v17, v8;
	v46 =	vadd.s32 v3, v45;
	s23 =	simm.s32 $0x1980  }
0x7e5: {  	[tilespmem:s23], [sflag:$0x1] =	stream.indirect_vreg.gather [hbm4b:s15+s5], $0x80, v18, vm0, $0xb8;
	[tilespmem:$0x1D300] =	vst v63  }
0x7e6: {  	v48 =	vperm.xlane v17, v0;
	s8 =	simm.s32 $0x1A00;
	v18 =	vadd.s32 v3, v47  }
0x7e7: {  	[tilespmem:s8], [sflag:$0x1] =	stream.indirect_vreg.gather [hbm4b:s15+s5], $0x80, v19, vm0, $0xb8;
	[tilespmem:$0x1D300] =	vst v63  }
0x7e8: {  	v49 =	vperm.xlane v17, v9;
	s23 =	simm.s32 $0x1A80;
	v19 =	vadd.s32 v3, v48  }
0x7e9: {  	[tilespmem:s23], [sflag:$0x1] =	stream.indirect_vreg.gather [hbm4b:s15+s5], $0x80, v46, vm0, $0xb8;
	[tilespmem:$0x1D300] =	vst v63  }
0x7ea: {  	v51 =	vperm.xlane v17, v10;
	v50 =	vadd.s32 v3, v49;
	s8 =	simm.s32 $0x1B00  }
0x7eb: {  	[tilespmem:s8], [sflag:$0x1] =	stream.indirect_vreg.gather [hbm4b:s15+s5], $0x80, v18, vm0, $0xb8;
	[tilespmem:$0x1D300] =	vst v63  }
0x7ec: {  	v52 =	vperm.xlane v17, v11;
	s23 =	simm.s32 $0x1B80;
	v18 =	vadd.s32 v3, v51  }
0x7ed: {  	[tilespmem:s23], [sflag:$0x1] =	stream.indirect_vreg.gather [hbm4b:s15+s5], $0x80, v19, vm0, $0xb8;
	[tilespmem:$0x1D300] =	vst v63  }
0x7ee: {  	v53 =	vperm.xlane v17, v12;
	s8 =	simm.s32 $0x1C00;
	v19 =	vadd.s32 v3, v52  }
0x7ef: {  	[tilespmem:s8], [sflag:$0x1] =	stream.indirect_vreg.gather [hbm4b:s15+s5], $0x80, v50, vm0, $0xb8;
	[tilespmem:$0x1D300] =	vst v63  }
0x7f0: {  	v55 =	vperm.xlane v17, v13;
	v54 =	vadd.s32 v3, v53;
	s23 =	simm.s32 $0x1C80  }
0x7f1: {  	[tilespmem:s23], [sflag:$0x1] =	stream.indirect_vreg.gather [hbm4b:s15+s5], $0x80, v18, vm0, $0xb8;
	[tilespmem:$0x1D300] =	vst v63  }
0x7f2: {  	v56 =	vperm.xlane v17, v14;
	s8 =	simm.s32 $0x1D00;
	v18 =	vadd.s32 v3, v55  }
0x7f3: {  	[tilespmem:s8], [sflag:$0x1] =	stream.indirect_vreg.gather [hbm4b:s15+s5], $0x80, v19, vm0, $0xb8;
	[tilespmem:$0x1D300] =	vst v63  }
0x7f4: {  	v57 =	vperm.xlane v17, v15;
	s23 =	simm.s32 $0x1D80;
	v19 =	vadd.s32 v3, v56  }
0x7f5: {  	[tilespmem:s23], [sflag:$0x1] =	stream.indirect_vreg.gather [hbm4b:s15+s5], $0x80, v54, vm0, $0xb8;
	[tilespmem:$0x1D300] =	vst v63  }
0x7f6: {  	v17 =	vperm.xlane v17, v16;
	v58 =	vadd.s32 v3, v57;
	s8 =	simm.s32 $0x1E00  }
0x7f7: {  	[tilespmem:s8], [sflag:$0x1] =	stream.indirect_vreg.gather [hbm4b:s15+s5], $0x80, v18, vm0, $0xb8;
	[tilespmem:$0x1D300] =	vst v63  }
0x7f8: {  	v17 =	vadd.s32 v3, v17;
	s23 =	simm.s32 $0x1E80  }
0x7f9: {  	[tilespmem:s23], [sflag:$0x1] =	stream.indirect_vreg.gather [hbm4b:s15+s5], $0x80, v19, vm0, $0xb8;
	[tilespmem:$0x1D300] =	vst v63  }
0x7fa: {  	s8 =	simm.s32 $0x1F00  }
0x7fb: {  	[tilespmem:s8], [sflag:$0x1] =	stream.indirect_vreg.gather [hbm4b:s15+s5], $0x80, v58, vm0, $0xb8;
	[tilespmem:$0x1D300] =	vst v63  }
0x7fc: {  	s23 =	simm.s32 $0x1F80  }
0x7fd: {  	[tilespmem:s23], [sflag:$0x1] =	stream.indirect_vreg.gather [hbm4b:s15+s5], $0x80, v17, vm0, $0xb8;
	[tilespmem:$0x1D300] =	vst v63  }
0x7fe: {  	v17 =	vld [tilespmem:$0x20];
	_ =	sdelay $0x4  }
0x7ff: {  	v18 =	vshll.u32 v17, $0x1  }
0x800: {  	v17 =	vand.u32 $0x7, v17;
	v18 =	vand.u32 $0xFFFFFFF0, v18  }
0x801: {  	v17 =	vor.u32 v17, v18  }
0x802: {  	v18 =	vperm.xlane v17, v2;
	_ =	sdelay $0x1  }
0x803: {  	v19 =	vperm.xlane v17, v1;
	v18 =	vadd.s32 v3, v18;
	_ =	sdelay $0x1  }
0x804: {  	v59 =	vperm.xlane v17, v4;
	v19 =	vadd.s32 v3, v19;
	_ =	sdelay $0x1  }
0x805: {  	s8 =	simm.s32 $0x2000;
	v60 =	vperm.xlane v17, v5;
	v20 =	vadd.s32 v3, v59  }
0x806: {  	[tilespmem:s8], [sflag:$0x1] =	stream.indirect_vreg.gather [hbm4b:s15+s5], $0x80, v18, vm0, $0xb8;
	[tilespmem:$0x1D300] =	vst v63  }
0x807: {  	s23 =	simm.s32 $0x2080;
	v61 =	vperm.xlane v17, v6;
	v18 =	vadd.s32 v3, v60  }
0x808: {  	[tilespmem:s23], [sflag:$0x1] =	stream.indirect_vreg.gather [hbm4b:s15+s5], $0x80, v19, vm0, $0xb8;
	[tilespmem:$0x1D300] =	vst v63  }
0x809: {  	v62 =	vperm.xlane v17, v7;
	s8 =	simm.s32 $0x2100;
	v19 =	vadd.s32 v3, v61  }
0x80a: {  	[tilespmem:s8], [sflag:$0x1] =	stream.indirect_vreg.gather [hbm4b:s15+s5], $0x80, v20, vm0, $0xb8;
	[tilespmem:$0x1D300] =	vst v63  }
0x80b: {  	v24 =	vperm.xlane v17, v8;
	v63 =	vadd.s32 v3, v62;
	s23 =	simm.s32 $0x2180  }
0x80c: {  	[tilespmem:s23], [sflag:$0x1] =	stream.indirect_vreg.gather [hbm4b:s15+s5], $0x80, v18, vm0, $0xb8;
	[tilespmem:$0x1D300] =	vst v63  }
0x80d: {  	v25 =	vperm.xlane v17, v0;
	s8 =	simm.s32 $0x2200;
	v18 =	vadd.s32 v3, v24  }
0x80e: {  	[tilespmem:s8], [sflag:$0x1] =	stream.indirect_vreg.gather [hbm4b:s15+s5], $0x80, v19, vm0, $0xb8;
	[tilespmem:$0x1D300] =	vst v63  }
0x80f: {  	v26 =	vperm.xlane v17, v9;
	s23 =	simm.s32 $0x2280;
	v19 =	vadd.s32 v3, v25  }
0x810: {  	[tilespmem:s23], [sflag:$0x1] =	stream.indirect_vreg.gather [hbm4b:s15+s5], $0x80, v63, vm0, $0xb8;
	[tilespmem:$0x1D300] =	vst v63  }
0x811: {  	v28 =	vperm.xlane v17, v10;
	v27 =	vadd.s32 v3, v26;
	s8 =	simm.s32 $0x2300  }
0x812: {  	[tilespmem:s8], [sflag:$0x1] =	stream.indirect_vreg.gather [hbm4b:s15+s5], $0x80, v18, vm0, $0xb8;
	[tilespmem:$0x1D300] =	vst v63  }
0x813: {  	v29 =	vperm.xlane v17, v11;
	s23 =	simm.s32 $0x2380;
	v18 =	vadd.s32 v3, v28  }
0x814: {  	[tilespmem:s23], [sflag:$0x1] =	stream.indirect_vreg.gather [hbm4b:s15+s5], $0x80, v19, vm0, $0xb8;
	[tilespmem:$0x1D300] =	vst v63  }
0x815: {  	v30 =	vperm.xlane v17, v12;
	s8 =	simm.s32 $0x2400;
	v19 =	vadd.s32 v3, v29  }
0x816: {  	[tilespmem:s8], [sflag:$0x1] =	stream.indirect_vreg.gather [hbm4b:s15+s5], $0x80, v27, vm0, $0xb8;
	[tilespmem:$0x1D300] =	vst v63  }
0x817: {  	v32 =	vperm.xlane v17, v13;
	v31 =	vadd.s32 v3, v30;
	s23 =	simm.s32 $0x2480  }
0x818: {  	[tilespmem:s23], [sflag:$0x1] =	stream.indirect_vreg.gather [hbm4b:s15+s5], $0x80, v18, vm0, $0xb8;
	[tilespmem:$0x1D300] =	vst v63  }
0x819: {  	v33 =	vperm.xlane v17, v14;
	s8 =	simm.s32 $0x2500;
	v18 =	vadd.s32 v3, v32  }
0x81a: {  	[tilespmem:s8], [sflag:$0x1] =	stream.indirect_vreg.gather [hbm4b:s15+s5], $0x80, v19, vm0, $0xb8;
	[tilespmem:$0x1D300] =	vst v63  }
0x81b: {  	v34 =	vperm.xlane v17, v15;
	s23 =	simm.s32 $0x2580;
	v19 =	vadd.s32 v3, v33  }
0x81c: {  	[tilespmem:s23], [sflag:$0x1] =	stream.indirect_vreg.gather [hbm4b:s15+s5], $0x80, v31, vm0, $0xb8;
	[tilespmem:$0x1D300] =	vst v63  }
0x81d: {  	v17 =	vperm.xlane v17, v16;
	v35 =	vadd.s32 v3, v34;
	s8 =	simm.s32 $0x2600  }
0x81e: {  	[tilespmem:s8], [sflag:$0x1] =	stream.indirect_vreg.gather [hbm4b:s15+s5], $0x80, v18, vm0, $0xb8;
	[tilespmem:$0x1D300] =	vst v63  }
0x81f: {  	v17 =	vadd.s32 v3, v17;
	s23 =	simm.s32 $0x2680  }
0x820: {  	[tilespmem:s23], [sflag:$0x1] =	stream.indirect_vreg.gather [hbm4b:s15+s5], $0x80, v19, vm0, $0xb8;
	[tilespmem:$0x1D300] =	vst v63  }
0x821: {  	s8 =	simm.s32 $0x2700  }
0x822: {  	[tilespmem:s8], [sflag:$0x1] =	stream.indirect_vreg.gather [hbm4b:s15+s5], $0x80, v35, vm0, $0xb8;
	[tilespmem:$0x1D300] =	vst v63  }
0x823: {  	s23 =	simm.s32 $0x2780  }
0x824: {  	[tilespmem:s23], [sflag:$0x1] =	stream.indirect_vreg.gather [hbm4b:s15+s5], $0x80, v17, vm0, $0xb8;
	[tilespmem:$0x1D300] =	vst v63  }
0x825: {  	v17 =	vld [tilespmem:$0x30];
	_ =	sdelay $0x4  }
0x826: {  	v18 =	vshll.u32 v17, $0x1  }
0x827: {  	v17 =	vand.u32 $0x7, v17;
	v18 =	vand.u32 $0xFFFFFFF0, v18  }
0x828: {  	v17 =	vor.u32 v17, v18  }
0x829: {  	v18 =	vperm.xlane v17, v2;
	_ =	sdelay $0x1  }
0x82a: {  	v19 =	vperm.xlane v17, v1;
	v18 =	vadd.s32 v3, v18;
	_ =	sdelay $0x1  }
0x82b: {  	v36 =	vperm.xlane v17, v4;
	v19 =	vadd.s32 v3, v19;
	_ =	sdelay $0x1  }
0x82c: {  	s8 =	simm.s32 $0x2800;
	v37 =	vperm.xlane v17, v5;
	v20 =	vadd.s32 v3, v36  }
0x82d: {  	[tilespmem:s8], [sflag:$0x1] =	stream.indirect_vreg.gather [hbm4b:s15+s5], $0x80, v18, vm0, $0xb8;
	[tilespmem:$0x1D300] =	vst v63  }
0x82e: {  	s23 =	simm.s32 $0x2880;
	v38 =	vperm.xlane v17, v6;
	v18 =	vadd.s32 v3, v37  }
0x82f: {  	[tilespmem:s23], [sflag:$0x1] =	stream.indirect_vreg.gather [hbm4b:s15+s5], $0x80, v19, vm0, $0xb8;
	[tilespmem:$0x1D300] =	vst v63  }
0x830: {  	v39 =	vperm.xlane v17, v7;
	s8 =	simm.s32 $0x2900;
	v19 =	vadd.s32 v3, v38  }
0x831: {  	[tilespmem:s8], [sflag:$0x1] =	stream.indirect_vreg.gather [hbm4b:s15+s5], $0x80, v20, vm0, $0xb8;
	[tilespmem:$0x1D300] =	vst v63  }
0x832: {  	v41 =	vperm.xlane v17, v8;
	v40 =	vadd.s32 v3, v39;
	s23 =	simm.s32 $0x2980  }
0x833: {  	[tilespmem:s23], [sflag:$0x1] =	stream.indirect_vreg.gather [hbm4b:s15+s5], $0x80, v18, vm0, $0xb8;
	[tilespmem:$0x1D300] =	vst v63  }
0x834: {  	v42 =	vperm.xlane v17, v0;
	s8 =	simm.s32 $0x2A00;
	v18 =	vadd.s32 v3, v41  }
0x835: {  	[tilespmem:s8], [sflag:$0x1] =	stream.indirect_vreg.gather [hbm4b:s15+s5], $0x80, v19, vm0, $0xb8;
	[tilespmem:$0x1D300] =	vst v63  }
0x836: {  	v43 =	vperm.xlane v17, v9;
	s23 =	simm.s32 $0x2A80;
	v19 =	vadd.s32 v3, v42  }
0x837: {  	[tilespmem:s23], [sflag:$0x1] =	stream.indirect_vreg.gather [hbm4b:s15+s5], $0x80, v40, vm0, $0xb8;
	[tilespmem:$0x1D300] =	vst v63  }
0x838: {  	v45 =	vperm.xlane v17, v10;
	v44 =	vadd.s32 v3, v43;
	s8 =	simm.s32 $0x2B00  }
0x839: {  	[tilespmem:s8], [sflag:$0x1] =	stream.indirect_vreg.gather [hbm4b:s15+s5], $0x80, v18, vm0, $0xb8;
	[tilespmem:$0x1D300] =	vst v63  }
0x83a: {  	v46 =	vperm.xlane v17, v11;
	s23 =	simm.s32 $0x2B80;
	v18 =	vadd.s32 v3, v45  }
0x83b: {  	[tilespmem:s23], [sflag:$0x1] =	stream.indirect_vreg.gather [hbm4b:s15+s5], $0x80, v19, vm0, $0xb8;
	[tilespmem:$0x1D300] =	vst v63  }
0x83c: {  	v47 =	vperm.xlane v17, v12;
	s8 =	simm.s32 $0x2C00;
	v19 =	vadd.s32 v3, v46  }
0x83d: {  	[tilespmem:s8], [sflag:$0x1] =	stream.indirect_vreg.gather [hbm4b:s15+s5], $0x80, v44, vm0, $0xb8;
	[tilespmem:$0x1D300] =	vst v63  }
0x83e: {  	v49 =	vperm.xlane v17, v13;
	v48 =	vadd.s32 v3, v47;
	s23 =	simm.s32 $0x2C80  }
0x83f: {  	[tilespmem:s23], [sflag:$0x1] =	stream.indirect_vreg.gather [hbm4b:s15+s5], $0x80, v18, vm0, $0xb8;
	[tilespmem:$0x1D300] =	vst v63  }
0x840: {  	v50 =	vperm.xlane v17, v14;
	s8 =	simm.s32 $0x2D00;
	v18 =	vadd.s32 v3, v49  }
0x841: {  	[tilespmem:s8], [sflag:$0x1] =	stream.indirect_vreg.gather [hbm4b:s15+s5], $0x80, v19, vm0, $0xb8;
	[tilespmem:$0x1D300] =	vst v63  }
0x842: {  	v51 =	vperm.xlane v17, v15;
	s23 =	simm.s32 $0x2D80;
	v19 =	vadd.s32 v3, v50  }
0x843: {  	[tilespmem:s23], [sflag:$0x1] =	stream.indirect_vreg.gather [hbm4b:s15+s5], $0x80, v48, vm0, $0xb8;
	[tilespmem:$0x1D300] =	vst v63  }
0x844: {  	v17 =	vperm.xlane v17, v16;
	v52 =	vadd.s32 v3, v51;
	s8 =	simm.s32 $0x2E00  }
0x845: {  	[tilespmem:s8], [sflag:$0x1] =	stream.indirect_vreg.gather [hbm4b:s15+s5], $0x80, v18, vm0, $0xb8;
	[tilespmem:$0x1D300] =	vst v63  }
0x846: {  	v17 =	vadd.s32 v3, v17;
	s23 =	simm.s32 $0x2E80  }
0x847: {  	[tilespmem:s23], [sflag:$0x1] =	stream.indirect_vreg.gather [hbm4b:s15+s5], $0x80, v19, vm0, $0xb8;
	[tilespmem:$0x1D300] =	vst v63  }
0x848: {  	s8 =	simm.s32 $0x2F00  }
0x849: {  	[tilespmem:s8], [sflag:$0x1] =	stream.indirect_vreg.gather [hbm4b:s15+s5], $0x80, v52, vm0, $0xb8;
	[tilespmem:$0x1D300] =	vst v63  }
0x84a: {  	s23 =	simm.s32 $0x2F80  }
0x84b: {  	[tilespmem:s23], [sflag:$0x1] =	stream.indirect_vreg.gather [hbm4b:s15+s5], $0x80, v17, vm0, $0xb8;
	[tilespmem:$0x1D300] =	vst v63  }
0x84c: {  	v17 =	vld [tilespmem:$0x40];
	_ =	sdelay $0x4  }
0x84d: {  	v18 =	vshll.u32 v17, $0x1  }
0x84e: {  	v17 =	vand.u32 $0x7, v17;
	v18 =	vand.u32 $0xFFFFFFF0, v18  }
0x84f: {  	v17 =	vor.u32 v17, v18  }
0x850: {  	v18 =	vperm.xlane v17, v2;
	_ =	sdelay $0x1  }
0x851: {  	v19 =	vperm.xlane v17, v1;
	v18 =	vadd.s32 v3, v18;
	_ =	sdelay $0x1  }
0x852: {  	v53 =	vperm.xlane v17, v4;
	v19 =	vadd.s32 v3, v19;
	_ =	sdelay $0x1  }
0x853: {  	s8 =	simm.s32 $0x3000;
	v54 =	vperm.xlane v17, v5;
	v20 =	vadd.s32 v3, v53  }
0x854: {  	[tilespmem:s8], [sflag:$0x1] =	stream.indirect_vreg.gather [hbm4b:s15+s5], $0x80, v18, vm0, $0xb8;
	[tilespmem:$0x1D300] =	vst v63  }
0x855: {  	s23 =	simm.s32 $0x3080;
	v55 =	vperm.xlane v17, v6;
	v18 =	vadd.s32 v3, v54  }
0x856: {  	[tilespmem:s23], [sflag:$0x1] =	stream.indirect_vreg.gather [hbm4b:s15+s5], $0x80, v19, vm0, $0xb8;
	[tilespmem:$0x1D300] =	vst v63  }
0x857: {  	v56 =	vperm.xlane v17, v7;
	s8 =	simm.s32 $0x3100;
	v19 =	vadd.s32 v3, v55  }
0x858: {  	[tilespmem:s8], [sflag:$0x1] =	stream.indirect_vreg.gather [hbm4b:s15+s5], $0x80, v20, vm0, $0xb8;
	[tilespmem:$0x1D300] =	vst v63  }
0x859: {  	v58 =	vperm.xlane v17, v8;
	v57 =	vadd.s32 v3, v56;
	s23 =	simm.s32 $0x3180  }
0x85a: {  	[tilespmem:s23], [sflag:$0x1] =	stream.indirect_vreg.gather [hbm4b:s15+s5], $0x80, v18, vm0, $0xb8;
	[tilespmem:$0x1D300] =	vst v63  }
0x85b: {  	v59 =	vperm.xlane v17, v0;
	s8 =	simm.s32 $0x3200;
	v18 =	vadd.s32 v3, v58  }
0x85c: {  	[tilespmem:s8], [sflag:$0x1] =	stream.indirect_vreg.gather [hbm4b:s15+s5], $0x80, v19, vm0, $0xb8;
	[tilespmem:$0x1D300] =	vst v63  }
0x85d: {  	v60 =	vperm.xlane v17, v9;
	s23 =	simm.s32 $0x3280;
	v19 =	vadd.s32 v3, v59  }
0x85e: {  	[tilespmem:s23], [sflag:$0x1] =	stream.indirect_vreg.gather [hbm4b:s15+s5], $0x80, v57, vm0, $0xb8;
	[tilespmem:$0x1D300] =	vst v63  }
0x85f: {  	v62 =	vperm.xlane v17, v10;
	v61 =	vadd.s32 v3, v60;
	s8 =	simm.s32 $0x3300  }
0x860: {  	[tilespmem:s8], [sflag:$0x1] =	stream.indirect_vreg.gather [hbm4b:s15+s5], $0x80, v18, vm0, $0xb8;
	[tilespmem:$0x1D300] =	vst v63  }
0x861: {  	v63 =	vperm.xlane v17, v11;
	s23 =	simm.s32 $0x3380;
	v18 =	vadd.s32 v3, v62  }
0x862: {  	[tilespmem:s23], [sflag:$0x1] =	stream.indirect_vreg.gather [hbm4b:s15+s5], $0x80, v19, vm0, $0xb8;
	[tilespmem:$0x1D300] =	vst v63  }
0x863: {  	v24 =	vperm.xlane v17, v12;
	s8 =	simm.s32 $0x3400;
	v19 =	vadd.s32 v3, v63  }
0x864: {  	[tilespmem:s8], [sflag:$0x1] =	stream.indirect_vreg.gather [hbm4b:s15+s5], $0x80, v61, vm0, $0xb8;
	[tilespmem:$0x1D300] =	vst v63  }
0x865: {  	v26 =	vperm.xlane v17, v13;
	v25 =	vadd.s32 v3, v24;
	s23 =	simm.s32 $0x3480  }
0x866: {  	[tilespmem:s23], [sflag:$0x1] =	stream.indirect_vreg.gather [hbm4b:s15+s5], $0x80, v18, vm0, $0xb8;
	[tilespmem:$0x1D300] =	vst v63  }
0x867: {  	v27 =	vperm.xlane v17, v14;
	s8 =	simm.s32 $0x3500;
	v18 =	vadd.s32 v3, v26  }
0x868: {  	[tilespmem:s8], [sflag:$0x1] =	stream.indirect_vreg.gather [hbm4b:s15+s5], $0x80, v19, vm0, $0xb8;
	[tilespmem:$0x1D300] =	vst v63  }
0x869: {  	v28 =	vperm.xlane v17, v15;
	s23 =	simm.s32 $0x3580;
	v19 =	vadd.s32 v3, v27  }
0x86a: {  	[tilespmem:s23], [sflag:$0x1] =	stream.indirect_vreg.gather [hbm4b:s15+s5], $0x80, v25, vm0, $0xb8;
	[tilespmem:$0x1D300] =	vst v63  }
0x86b: {  	v17 =	vperm.xlane v17, v16;
	v29 =	vadd.s32 v3, v28;
	s8 =	simm.s32 $0x3600  }
0x86c: {  	[tilespmem:s8], [sflag:$0x1] =	stream.indirect_vreg.gather [hbm4b:s15+s5], $0x80, v18, vm0, $0xb8;
	[tilespmem:$0x1D300] =	vst v63  }
0x86d: {  	v17 =	vadd.s32 v3, v17;
	s23 =	simm.s32 $0x3680  }
0x86e: {  	[tilespmem:s23], [sflag:$0x1] =	stream.indirect_vreg.gather [hbm4b:s15+s5], $0x80, v19, vm0, $0xb8;
	[tilespmem:$0x1D300] =	vst v63  }
0x86f: {  	s8 =	simm.s32 $0x3700  }
0x870: {  	[tilespmem:s8], [sflag:$0x1] =	stream.indirect_vreg.gather [hbm4b:s15+s5], $0x80, v29, vm0, $0xb8;
	[tilespmem:$0x1D300] =	vst v63  }
0x871: {  	s23 =	simm.s32 $0x3780  }
0x872: {  	[tilespmem:s23], [sflag:$0x1] =	stream.indirect_vreg.gather [hbm4b:s15+s5], $0x80, v17, vm0, $0xb8;
	[tilespmem:$0x1D300] =	vst v63  }
0x873: {  	v17 =	vld [tilespmem:$0x50];
	_ =	sdelay $0x4  }
0x874: {  	v18 =	vshll.u32 v17, $0x1  }
0x875: {  	v17 =	vand.u32 $0x7, v17;
	v18 =	vand.u32 $0xFFFFFFF0, v18  }
0x876: {  	v17 =	vor.u32 v17, v18  }
0x877: {  	v18 =	vperm.xlane v17, v2;
	_ =	sdelay $0x1  }
0x878: {  	v19 =	vperm.xlane v17, v1;
	v18 =	vadd.s32 v3, v18;
	_ =	sdelay $0x1  }
0x879: {  	v30 =	vperm.xlane v17, v4;
	v19 =	vadd.s32 v3, v19;
	_ =	sdelay $0x1  }
0x87a: {  	s8 =	simm.s32 $0x3800;
	v31 =	vperm.xlane v17, v5;
	v20 =	vadd.s32 v3, v30  }
0x87b: {  	[tilespmem:s8], [sflag:$0x1] =	stream.indirect_vreg.gather [hbm4b:s15+s5], $0x80, v18, vm0, $0xb8;
	[tilespmem:$0x1D300] =	vst v63  }
0x87c: {  	s23 =	simm.s32 $0x3880;
	v32 =	vperm.xlane v17, v6;
	v18 =	vadd.s32 v3, v31  }
0x87d: {  	[tilespmem:s23], [sflag:$0x1] =	stream.indirect_vreg.gather [hbm4b:s15+s5], $0x80, v19, vm0, $0xb8;
	[tilespmem:$0x1D300] =	vst v63  }
0x87e: {  	v33 =	vperm.xlane v17, v7;
	s8 =	simm.s32 $0x3900;
	v19 =	vadd.s32 v3, v32  }
0x87f: {  	[tilespmem:s8], [sflag:$0x1] =	stream.indirect_vreg.gather [hbm4b:s15+s5], $0x80, v20, vm0, $0xb8;
	[tilespmem:$0x1D300] =	vst v63  }
0x880: {  	v35 =	vperm.xlane v17, v8;
	v34 =	vadd.s32 v3, v33;
	s23 =	simm.s32 $0x3980  }
0x881: {  	[tilespmem:s23], [sflag:$0x1] =	stream.indirect_vreg.gather [hbm4b:s15+s5], $0x80, v18, vm0, $0xb8;
	[tilespmem:$0x1D300] =	vst v63  }
0x882: {  	v36 =	vperm.xlane v17, v0;
	s8 =	simm.s32 $0x3A00;
	v18 =	vadd.s32 v3, v35  }
0x883: {  	[tilespmem:s8], [sflag:$0x1] =	stream.indirect_vreg.gather [hbm4b:s15+s5], $0x80, v19, vm0, $0xb8;
	[tilespmem:$0x1D300] =	vst v63  }
0x884: {  	v37 =	vperm.xlane v17, v9;
	s23 =	simm.s32 $0x3A80;
	v19 =	vadd.s32 v3, v36  }
0x885: {  	[tilespmem:s23], [sflag:$0x1] =	stream.indirect_vreg.gather [hbm4b:s15+s5], $0x80, v34, vm0, $0xb8;
	[tilespmem:$0x1D300] =	vst v63  }
0x886: {  	v39 =	vperm.xlane v17, v10;
	v38 =	vadd.s32 v3, v37;
	s8 =	simm.s32 $0x3B00  }
0x887: {  	[tilespmem:s8], [sflag:$0x1] =	stream.indirect_vreg.gather [hbm4b:s15+s5], $0x80, v18, vm0, $0xb8;
	[tilespmem:$0x1D300] =	vst v63  }
0x888: {  	v40 =	vperm.xlane v17, v11;
	s23 =	simm.s32 $0x3B80;
	v18 =	vadd.s32 v3, v39  }
0x889: {  	[tilespmem:s23], [sflag:$0x1] =	stream.indirect_vreg.gather [hbm4b:s15+s5], $0x80, v19, vm0, $0xb8;
	[tilespmem:$0x1D300] =	vst v63  }
0x88a: {  	v41 =	vperm.xlane v17, v12;
	s8 =	simm.s32 $0x3C00;
	v19 =	vadd.s32 v3, v40  }
0x88b: {  	[tilespmem:s8], [sflag:$0x1] =	stream.indirect_vreg.gather [hbm4b:s15+s5], $0x80, v38, vm0, $0xb8;
	[tilespmem:$0x1D300] =	vst v63  }
0x88c: {  	v43 =	vperm.xlane v17, v13;
	v42 =	vadd.s32 v3, v41;
	s23 =	simm.s32 $0x3C80  }
0x88d: {  	[tilespmem:s23], [sflag:$0x1] =	stream.indirect_vreg.gather [hbm4b:s15+s5], $0x80, v18, vm0, $0xb8;
	[tilespmem:$0x1D300] =	vst v63  }
0x88e: {  	v44 =	vperm.xlane v17, v14;
	s8 =	simm.s32 $0x3D00;
	v18 =	vadd.s32 v3, v43  }
0x88f: {  	[tilespmem:s8], [sflag:$0x1] =	stream.indirect_vreg.gather [hbm4b:s15+s5], $0x80, v19, vm0, $0xb8;
	[tilespmem:$0x1D300] =	vst v63  }
0x890: {  	v45 =	vperm.xlane v17, v15;
	s23 =	simm.s32 $0x3D80;
	v19 =	vadd.s32 v3, v44  }
0x891: {  	[tilespmem:s23], [sflag:$0x1] =	stream.indirect_vreg.gather [hbm4b:s15+s5], $0x80, v42, vm0, $0xb8;
	[tilespmem:$0x1D300] =	vst v63  }
0x892: {  	v17 =	vperm.xlane v17, v16;
	v46 =	vadd.s32 v3, v45;
	s8 =	simm.s32 $0x3E00  }
0x893: {  	[tilespmem:s8], [sflag:$0x1] =	stream.indirect_vreg.gather [hbm4b:s15+s5], $0x80, v18, vm0, $0xb8;
	[tilespmem:$0x1D300] =	vst v63  }
0x894: {  	v17 =	vadd.s32 v3, v17;
	s23 =	simm.s32 $0x3E80  }
0x895: {  	[tilespmem:s23], [sflag:$0x1] =	stream.indirect_vreg.gather [hbm4b:s15+s5], $0x80, v19, vm0, $0xb8;
	[tilespmem:$0x1D300] =	vst v63  }
0x896: {  	s8 =	simm.s32 $0x3F00  }
0x897: {  	[tilespmem:s8], [sflag:$0x1] =	stream.indirect_vreg.gather [hbm4b:s15+s5], $0x80, v46, vm0, $0xb8;
	[tilespmem:$0x1D300] =	vst v63  }
0x898: {  	s23 =	simm.s32 $0x3F80  }
0x899: {  	[tilespmem:s23], [sflag:$0x1] =	stream.indirect_vreg.gather [hbm4b:s15+s5], $0x80, v17, vm0, $0xb8;
	[tilespmem:$0x1D300] =	vst v63  }
0x89a: {  	v17 =	vld [tilespmem:$0x60];
	_ =	sdelay $0x4  }
0x89b: {  	v18 =	vshll.u32 v17, $0x1  }
0x89c: {  	v17 =	vand.u32 $0x7, v17;
	v18 =	vand.u32 $0xFFFFFFF0, v18  }
0x89d: {  	v17 =	vor.u32 v17, v18  }
0x89e: {  	v18 =	vperm.xlane v17, v2;
	_ =	sdelay $0x1  }
0x89f: {  	v19 =	vperm.xlane v17, v1;
	v18 =	vadd.s32 v3, v18;
	_ =	sdelay $0x1  }
0x8a0: {  	v47 =	vperm.xlane v17, v4;
	v19 =	vadd.s32 v3, v19;
	_ =	sdelay $0x1  }
0x8a1: {  	s8 =	simm.s32 $0x4000;
	v48 =	vperm.xlane v17, v5;
	v20 =	vadd.s32 v3, v47  }
0x8a2: {  	[tilespmem:s8], [sflag:$0x1] =	stream.indirect_vreg.gather [hbm4b:s15+s5], $0x80, v18, vm0, $0xb8;
	[tilespmem:$0x1D300] =	vst v63  }
0x8a3: {  	s23 =	simm.s32 $0x4080;
	v49 =	vperm.xlane v17, v6;
	v18 =	vadd.s32 v3, v48  }
0x8a4: {  	[tilespmem:s23], [sflag:$0x1] =	stream.indirect_vreg.gather [hbm4b:s15+s5], $0x80, v19, vm0, $0xb8;
	[tilespmem:$0x1D300] =	vst v63  }
0x8a5: {  	v50 =	vperm.xlane v17, v7;
	s8 =	simm.s32 $0x4100;
	v19 =	vadd.s32 v3, v49  }
0x8a6: {  	[tilespmem:s8], [sflag:$0x1] =	stream.indirect_vreg.gather [hbm4b:s15+s5], $0x80, v20, vm0, $0xb8;
	[tilespmem:$0x1D300] =	vst v63  }
0x8a7: {  	v52 =	vperm.xlane v17, v8;
	v51 =	vadd.s32 v3, v50;
	s23 =	simm.s32 $0x4180  }
0x8a8: {  	[tilespmem:s23], [sflag:$0x1] =	stream.indirect_vreg.gather [hbm4b:s15+s5], $0x80, v18, vm0, $0xb8;
	[tilespmem:$0x1D300] =	vst v63  }
0x8a9: {  	v53 =	vperm.xlane v17, v0;
	s8 =	simm.s32 $0x4200;
	v18 =	vadd.s32 v3, v52  }
0x8aa: {  	[tilespmem:s8], [sflag:$0x1] =	stream.indirect_vreg.gather [hbm4b:s15+s5], $0x80, v19, vm0, $0xb8;
	[tilespmem:$0x1D300] =	vst v63  }
0x8ab: {  	v54 =	vperm.xlane v17, v9;
	s23 =	simm.s32 $0x4280;
	v19 =	vadd.s32 v3, v53  }
0x8ac: {  	[tilespmem:s23], [sflag:$0x1] =	stream.indirect_vreg.gather [hbm4b:s15+s5], $0x80, v51, vm0, $0xb8;
	[tilespmem:$0x1D300] =	vst v63  }
0x8ad: {  	v56 =	vperm.xlane v17, v10;
	v55 =	vadd.s32 v3, v54;
	s8 =	simm.s32 $0x4300  }
0x8ae: {  	[tilespmem:s8], [sflag:$0x1] =	stream.indirect_vreg.gather [hbm4b:s15+s5], $0x80, v18, vm0, $0xb8;
	[tilespmem:$0x1D300] =	vst v63  }
0x8af: {  	v57 =	vperm.xlane v17, v11;
	s23 =	simm.s32 $0x4380;
	v18 =	vadd.s32 v3, v56  }
0x8b0: {  	[tilespmem:s23], [sflag:$0x1] =	stream.indirect_vreg.gather [hbm4b:s15+s5], $0x80, v19, vm0, $0xb8;
	[tilespmem:$0x1D300] =	vst v63  }
0x8b1: {  	v58 =	vperm.xlane v17, v12;
	s8 =	simm.s32 $0x4400;
	v19 =	vadd.s32 v3, v57  }
0x8b2: {  	[tilespmem:s8], [sflag:$0x1] =	stream.indirect_vreg.gather [hbm4b:s15+s5], $0x80, v55, vm0, $0xb8;
	[tilespmem:$0x1D300] =	vst v63  }
0x8b3: {  	v60 =	vperm.xlane v17, v13;
	v59 =	vadd.s32 v3, v58;
	s23 =	simm.s32 $0x4480  }
0x8b4: {  	[tilespmem:s23], [sflag:$0x1] =	stream.indirect_vreg.gather [hbm4b:s15+s5], $0x80, v18, vm0, $0xb8;
	[tilespmem:$0x1D300] =	vst v63  }
0x8b5: {  	v61 =	vperm.xlane v17, v14;
	s8 =	simm.s32 $0x4500;
	v18 =	vadd.s32 v3, v60  }
0x8b6: {  	[tilespmem:s8], [sflag:$0x1] =	stream.indirect_vreg.gather [hbm4b:s15+s5], $0x80, v19, vm0, $0xb8;
	[tilespmem:$0x1D300] =	vst v63  }
0x8b7: {  	s23 =	simm.s32 $0x4580;
	v19 =	vadd.s32 v3, v61  }
0x8b8: {  	v62 =	vperm.xlane v17, v15;
	[tilespmem:s23], [sflag:$0x1] =	stream.indirect_vreg.gather [hbm4b:s15+s5], $0x80, v59, vm0, $0xb8;
	[tilespmem:$0x1D300] =	vst v63  }
0x8b9: {  	s8 =	simm.s32 $0x4600  }
0x8ba: {  	v17 =	vperm.xlane v17, v16;
	v63 =	vadd.s32 v3, v62;
	[tilespmem:s8], [sflag:$0x1] =	stream.indirect_vreg.gather [hbm4b:s15+s5], $0x80, v18, vm0, $0xb8;
	[tilespmem:$0x1D300] =	vst v63  }
0x8bb: {  	s23 =	simm.s32 $0x4680  }
0x8bc: {  	v17 =	vadd.s32 v3, v17;
	[tilespmem:s23], [sflag:$0x1] =	stream.indirect_vreg.gather [hbm4b:s15+s5], $0x80, v19, vm0, $0xb8;
	[tilespmem:$0x1D300] =	vst v63  }
.Ltmp15:
0x8bd: {  	_ = 	snop;
	(pc) =	sbr.rel .LBB2_16-.Ltmp15, $4  }
0x8be: {  	s8 =	simm.s32 $0x4700  }
0x8bf: {  	[tilespmem:s8], [sflag:$0x1] =	stream.indirect_vreg.gather [hbm4b:s15+s5], $0x80, v63, vm0, $0xb8;
	[tilespmem:$0x1D300] =	vst v63  }
0x8c0: {  	s2 =	simm.s32 $0x70;
	s23 =	simm.s32 $0x4780  }
0x8c1: {  	[tilespmem:s23], [sflag:$0x1] =	stream.indirect_vreg.gather [hbm4b:s15+s5], $0x80, v17, vm0, $0xb8;
	[tilespmem:$0x1D300] =	vst v63  }
.LBB2_13:
0x8c2: {  	v17 =	vld [tilespmem:s19+$0x900];
	_ =	sdelay $0x4  }
0x8c3: {  	v18 =	vshll.u32 v17, $0x1  }
0x8c4: {  	v17 =	vand.u32 $0x7, v17;
	v18 =	vand.u32 $0xFFFFFFF0, v18  }
0x8c5: {  	v17 =	vor.u32 v17, v18  }
0x8c6: {  	v18 =	vperm.xlane v17, v2;
	_ =	sdelay $0x1  }
0x8c7: {  	v19 =	vperm.xlane v17, v1;
	v18 =	vadd.s32 v3, v18;
	_ =	sdelay $0x1  }
0x8c8: {  	v20 =	vperm.xlane v17, v4;
	v19 =	vadd.s32 v3, v19;
	_ =	sdelay $0x1  }
0x8c9: {  	v21 =	vperm.xlane v17, v5;
	v20 =	vadd.s32 v3, v20  }
0x8ca: {  	[tilespmem:s24], [sflag:$0x1] =	stream.indirect_vreg.gather [hbm4b:s15+s5], $0x80, v18, vm0, $0xb8;
	[tilespmem:$0x1D300] =	vst v63  }
0x8cb: {  	s2 =	simm.s32 $0x1080;
	v27 =	vperm.xlane v17, v6;
	v18 =	vadd.s32 v3, v21  }
0x8cc: {  	[tilespmem:s2], [sflag:$0x1] =	stream.indirect_vreg.gather [hbm4b:s15+s5], $0x80, v19, vm0, $0xb8;
	[tilespmem:$0x1D300] =	vst v63  }
0x8cd: {  	s8 =	simm.s32 $0x1100;
	v28 =	vperm.xlane v17, v7;
	v19 =	vadd.s32 v3, v27  }
0x8ce: {  	[tilespmem:s8], [sflag:$0x1] =	stream.indirect_vreg.gather [hbm4b:s15+s5], $0x80, v20, vm0, $0xb8;
	[tilespmem:$0x1D300] =	vst v63  }
0x8cf: {  	s23 =	simm.s32 $0x1180;
	v30 =	vperm.xlane v17, v8;
	v29 =	vadd.s32 v3, v28  }
0x8d0: {  	[tilespmem:s23], [sflag:$0x1] =	stream.indirect_vreg.gather [hbm4b:s15+s5], $0x80, v18, vm0, $0xb8;
	[tilespmem:$0x1D300] =	vst v63  }
0x8d1: {  	v31 =	vperm.xlane v17, v0;
	s8 =	simm.s32 $0x1200;
	v18 =	vadd.s32 v3, v30  }
0x8d2: {  	[tilespmem:s8], [sflag:$0x1] =	stream.indirect_vreg.gather [hbm4b:s15+s5], $0x80, v19, vm0, $0xb8;
	[tilespmem:$0x1D300] =	vst v63  }
0x8d3: {  	v32 =	vperm.xlane v17, v9;
	s23 =	simm.s32 $0x1280;
	v19 =	vadd.s32 v3, v31  }
0x8d4: {  	[tilespmem:s23], [sflag:$0x1] =	stream.indirect_vreg.gather [hbm4b:s15+s5], $0x80, v29, vm0, $0xb8;
	[tilespmem:$0x1D300] =	vst v63  }
0x8d5: {  	v34 =	vperm.xlane v17, v10;
	v33 =	vadd.s32 v3, v32;
	s8 =	simm.s32 $0x1300  }
0x8d6: {  	[tilespmem:s8], [sflag:$0x1] =	stream.indirect_vreg.gather [hbm4b:s15+s5], $0x80, v18, vm0, $0xb8;
	[tilespmem:$0x1D300] =	vst v63  }
0x8d7: {  	v35 =	vperm.xlane v17, v11;
	s23 =	simm.s32 $0x1380;
	v18 =	vadd.s32 v3, v34  }
0x8d8: {  	[tilespmem:s23], [sflag:$0x1] =	stream.indirect_vreg.gather [hbm4b:s15+s5], $0x80, v19, vm0, $0xb8;
	[tilespmem:$0x1D300] =	vst v63  }
0x8d9: {  	v36 =	vperm.xlane v17, v12;
	s8 =	simm.s32 $0x1400;
	v19 =	vadd.s32 v3, v35  }
0x8da: {  	[tilespmem:s8], [sflag:$0x1] =	stream.indirect_vreg.gather [hbm4b:s15+s5], $0x80, v33, vm0, $0xb8;
	[tilespmem:$0x1D300] =	vst v63  }
0x8db: {  	v38 =	vperm.xlane v17, v13;
	v37 =	vadd.s32 v3, v36;
	s23 =	simm.s32 $0x1480  }
0x8dc: {  	[tilespmem:s23], [sflag:$0x1] =	stream.indirect_vreg.gather [hbm4b:s15+s5], $0x80, v18, vm0, $0xb8;
	[tilespmem:$0x1D300] =	vst v63  }
0x8dd: {  	v39 =	vperm.xlane v17, v14;
	s8 =	simm.s32 $0x1500;
	v18 =	vadd.s32 v3, v38  }
0x8de: {  	[tilespmem:s8], [sflag:$0x1] =	stream.indirect_vreg.gather [hbm4b:s15+s5], $0x80, v19, vm0, $0xb8;
	[tilespmem:$0x1D300] =	vst v63  }
0x8df: {  	v40 =	vperm.xlane v17, v15;
	s23 =	simm.s32 $0x1580;
	v19 =	vadd.s32 v3, v39  }
0x8e0: {  	[tilespmem:s23], [sflag:$0x1] =	stream.indirect_vreg.gather [hbm4b:s15+s5], $0x80, v37, vm0, $0xb8;
	[tilespmem:$0x1D300] =	vst v63  }
0x8e1: {  	v17 =	vperm.xlane v17, v16;
	v41 =	vadd.s32 v3, v40;
	s8 =	simm.s32 $0x1600  }
0x8e2: {  	[tilespmem:s8], [sflag:$0x1] =	stream.indirect_vreg.gather [hbm4b:s15+s5], $0x80, v18, vm0, $0xb8;
	[tilespmem:$0x1D300] =	vst v63  }
0x8e3: {  	v17 =	vadd.s32 v3, v17;
	s23 =	simm.s32 $0x1680  }
0x8e4: {  	[tilespmem:s23], [sflag:$0x1] =	stream.indirect_vreg.gather [hbm4b:s15+s5], $0x80, v19, vm0, $0xb8;
	[tilespmem:$0x1D300] =	vst v63  }
0x8e5: {  	s8 =	simm.s32 $0x1700  }
0x8e6: {  	[tilespmem:s8], [sflag:$0x1] =	stream.indirect_vreg.gather [hbm4b:s15+s5], $0x80, v41, vm0, $0xb8;
	[tilespmem:$0x1D300] =	vst v63  }
0x8e7: {  	s23 =	simm.s32 $0x1780  }
0x8e8: {  	[tilespmem:s23], [sflag:$0x1] =	stream.indirect_vreg.gather [hbm4b:s15+s5], $0x80, v17, vm0, $0xb8;
	[tilespmem:$0x1D300] =	vst v63  }
0x8e9: {  	v17 =	vld [tilespmem:s19+$0x910];
	_ =	sdelay $0x4  }
0x8ea: {  	v18 =	vshll.u32 v17, $0x1  }
0x8eb: {  	v17 =	vand.u32 $0x7, v17;
	v18 =	vand.u32 $0xFFFFFFF0, v18  }
0x8ec: {  	v17 =	vor.u32 v17, v18  }
0x8ed: {  	v18 =	vperm.xlane v17, v2;
	_ =	sdelay $0x1  }
0x8ee: {  	v19 =	vperm.xlane v17, v1;
	v18 =	vadd.s32 v3, v18;
	_ =	sdelay $0x1  }
0x8ef: {  	v42 =	vperm.xlane v17, v4;
	v19 =	vadd.s32 v3, v19;
	_ =	sdelay $0x1  }
0x8f0: {  	s8 =	simm.s32 $0x1800;
	v43 =	vperm.xlane v17, v5;
	v20 =	vadd.s32 v3, v42  }
0x8f1: {  	[tilespmem:s8], [sflag:$0x1] =	stream.indirect_vreg.gather [hbm4b:s15+s5], $0x80, v18, vm0, $0xb8;
	[tilespmem:$0x1D300] =	vst v63  }
0x8f2: {  	s23 =	simm.s32 $0x1880;
	v44 =	vperm.xlane v17, v6;
	v18 =	vadd.s32 v3, v43  }
0x8f3: {  	[tilespmem:s23], [sflag:$0x1] =	stream.indirect_vreg.gather [hbm4b:s15+s5], $0x80, v19, vm0, $0xb8;
	[tilespmem:$0x1D300] =	vst v63  }
0x8f4: {  	v45 =	vperm.xlane v17, v7;
	s8 =	simm.s32 $0x1900;
	v19 =	vadd.s32 v3, v44  }
0x8f5: {  	[tilespmem:s8], [sflag:$0x1] =	stream.indirect_vreg.gather [hbm4b:s15+s5], $0x80, v20, vm0, $0xb8;
	[tilespmem:$0x1D300] =	vst v63  }
0x8f6: {  	v47 =	vperm.xlane v17, v8;
	v46 =	vadd.s32 v3, v45;
	s23 =	simm.s32 $0x1980  }
0x8f7: {  	[tilespmem:s23], [sflag:$0x1] =	stream.indirect_vreg.gather [hbm4b:s15+s5], $0x80, v18, vm0, $0xb8;
	[tilespmem:$0x1D300] =	vst v63  }
0x8f8: {  	v48 =	vperm.xlane v17, v0;
	s8 =	simm.s32 $0x1A00;
	v18 =	vadd.s32 v3, v47  }
0x8f9: {  	[tilespmem:s8], [sflag:$0x1] =	stream.indirect_vreg.gather [hbm4b:s15+s5], $0x80, v19, vm0, $0xb8;
	[tilespmem:$0x1D300] =	vst v63  }
0x8fa: {  	v49 =	vperm.xlane v17, v9;
	s23 =	simm.s32 $0x1A80;
	v19 =	vadd.s32 v3, v48  }
0x8fb: {  	[tilespmem:s23], [sflag:$0x1] =	stream.indirect_vreg.gather [hbm4b:s15+s5], $0x80, v46, vm0, $0xb8;
	[tilespmem:$0x1D300] =	vst v63  }
0x8fc: {  	v51 =	vperm.xlane v17, v10;
	v50 =	vadd.s32 v3, v49;
	s8 =	simm.s32 $0x1B00  }
0x8fd: {  	[tilespmem:s8], [sflag:$0x1] =	stream.indirect_vreg.gather [hbm4b:s15+s5], $0x80, v18, vm0, $0xb8;
	[tilespmem:$0x1D300] =	vst v63  }
0x8fe: {  	v52 =	vperm.xlane v17, v11;
	s23 =	simm.s32 $0x1B80;
	v18 =	vadd.s32 v3, v51  }
0x8ff: {  	[tilespmem:s23], [sflag:$0x1] =	stream.indirect_vreg.gather [hbm4b:s15+s5], $0x80, v19, vm0, $0xb8;
	[tilespmem:$0x1D300] =	vst v63  }
0x900: {  	v53 =	vperm.xlane v17, v12;
	s8 =	simm.s32 $0x1C00;
	v19 =	vadd.s32 v3, v52  }
0x901: {  	[tilespmem:s8], [sflag:$0x1] =	stream.indirect_vreg.gather [hbm4b:s15+s5], $0x80, v50, vm0, $0xb8;
	[tilespmem:$0x1D300] =	vst v63  }
0x902: {  	v55 =	vperm.xlane v17, v13;
	v54 =	vadd.s32 v3, v53;
	s23 =	simm.s32 $0x1C80  }
0x903: {  	[tilespmem:s23], [sflag:$0x1] =	stream.indirect_vreg.gather [hbm4b:s15+s5], $0x80, v18, vm0, $0xb8;
	[tilespmem:$0x1D300] =	vst v63  }
0x904: {  	v56 =	vperm.xlane v17, v14;
	s8 =	simm.s32 $0x1D00;
	v18 =	vadd.s32 v3, v55  }
0x905: {  	[tilespmem:s8], [sflag:$0x1] =	stream.indirect_vreg.gather [hbm4b:s15+s5], $0x80, v19, vm0, $0xb8;
	[tilespmem:$0x1D300] =	vst v63  }
0x906: {  	v57 =	vperm.xlane v17, v15;
	s23 =	simm.s32 $0x1D80;
	v19 =	vadd.s32 v3, v56  }
0x907: {  	[tilespmem:s23], [sflag:$0x1] =	stream.indirect_vreg.gather [hbm4b:s15+s5], $0x80, v54, vm0, $0xb8;
	[tilespmem:$0x1D300] =	vst v63  }
0x908: {  	v17 =	vperm.xlane v17, v16;
	v58 =	vadd.s32 v3, v57;
	s8 =	simm.s32 $0x1E00  }
0x909: {  	[tilespmem:s8], [sflag:$0x1] =	stream.indirect_vreg.gather [hbm4b:s15+s5], $0x80, v18, vm0, $0xb8;
	[tilespmem:$0x1D300] =	vst v63  }
0x90a: {  	v17 =	vadd.s32 v3, v17;
	s23 =	simm.s32 $0x1E80  }
0x90b: {  	[tilespmem:s23], [sflag:$0x1] =	stream.indirect_vreg.gather [hbm4b:s15+s5], $0x80, v19, vm0, $0xb8;
	[tilespmem:$0x1D300] =	vst v63  }
0x90c: {  	s8 =	simm.s32 $0x1F00  }
0x90d: {  	[tilespmem:s8], [sflag:$0x1] =	stream.indirect_vreg.gather [hbm4b:s15+s5], $0x80, v58, vm0, $0xb8;
	[tilespmem:$0x1D300] =	vst v63  }
0x90e: {  	s23 =	simm.s32 $0x1F80  }
0x90f: {  	[tilespmem:s23], [sflag:$0x1] =	stream.indirect_vreg.gather [hbm4b:s15+s5], $0x80, v17, vm0, $0xb8;
	[tilespmem:$0x1D300] =	vst v63  }
0x910: {  	v17 =	vld [tilespmem:s19+$0x920];
	_ =	sdelay $0x4  }
0x911: {  	v18 =	vshll.u32 v17, $0x1  }
0x912: {  	v17 =	vand.u32 $0x7, v17;
	v18 =	vand.u32 $0xFFFFFFF0, v18  }
0x913: {  	v17 =	vor.u32 v17, v18  }
0x914: {  	v18 =	vperm.xlane v17, v2;
	_ =	sdelay $0x1  }
0x915: {  	v19 =	vperm.xlane v17, v1;
	v18 =	vadd.s32 v3, v18;
	_ =	sdelay $0x1  }
0x916: {  	v59 =	vperm.xlane v17, v4;
	v19 =	vadd.s32 v3, v19;
	_ =	sdelay $0x1  }
0x917: {  	s8 =	simm.s32 $0x2000;
	v60 =	vperm.xlane v17, v5;
	v20 =	vadd.s32 v3, v59  }
0x918: {  	[tilespmem:s8], [sflag:$0x1] =	stream.indirect_vreg.gather [hbm4b:s15+s5], $0x80, v18, vm0, $0xb8;
	[tilespmem:$0x1D300] =	vst v63  }
0x919: {  	s23 =	simm.s32 $0x2080;
	v61 =	vperm.xlane v17, v6;
	v18 =	vadd.s32 v3, v60  }
0x91a: {  	[tilespmem:s23], [sflag:$0x1] =	stream.indirect_vreg.gather [hbm4b:s15+s5], $0x80, v19, vm0, $0xb8;
	[tilespmem:$0x1D300] =	vst v63  }
0x91b: {  	v62 =	vperm.xlane v17, v7;
	s8 =	simm.s32 $0x2100;
	v19 =	vadd.s32 v3, v61  }
0x91c: {  	[tilespmem:s8], [sflag:$0x1] =	stream.indirect_vreg.gather [hbm4b:s15+s5], $0x80, v20, vm0, $0xb8;
	[tilespmem:$0x1D300] =	vst v63  }
0x91d: {  	v24 =	vperm.xlane v17, v8;
	v63 =	vadd.s32 v3, v62;
	s23 =	simm.s32 $0x2180  }
0x91e: {  	[tilespmem:s23], [sflag:$0x1] =	stream.indirect_vreg.gather [hbm4b:s15+s5], $0x80, v18, vm0, $0xb8;
	[tilespmem:$0x1D300] =	vst v63  }
0x91f: {  	v25 =	vperm.xlane v17, v0;
	s8 =	simm.s32 $0x2200;
	v18 =	vadd.s32 v3, v24  }
0x920: {  	[tilespmem:s8], [sflag:$0x1] =	stream.indirect_vreg.gather [hbm4b:s15+s5], $0x80, v19, vm0, $0xb8;
	[tilespmem:$0x1D300] =	vst v63  }
0x921: {  	v26 =	vperm.xlane v17, v9;
	s23 =	simm.s32 $0x2280;
	v19 =	vadd.s32 v3, v25  }
0x922: {  	[tilespmem:s23], [sflag:$0x1] =	stream.indirect_vreg.gather [hbm4b:s15+s5], $0x80, v63, vm0, $0xb8;
	[tilespmem:$0x1D300] =	vst v63  }
0x923: {  	v28 =	vperm.xlane v17, v10;
	v27 =	vadd.s32 v3, v26;
	s8 =	simm.s32 $0x2300  }
0x924: {  	[tilespmem:s8], [sflag:$0x1] =	stream.indirect_vreg.gather [hbm4b:s15+s5], $0x80, v18, vm0, $0xb8;
	[tilespmem:$0x1D300] =	vst v63  }
0x925: {  	v29 =	vperm.xlane v17, v11;
	s23 =	simm.s32 $0x2380;
	v18 =	vadd.s32 v3, v28  }
0x926: {  	[tilespmem:s23], [sflag:$0x1] =	stream.indirect_vreg.gather [hbm4b:s15+s5], $0x80, v19, vm0, $0xb8;
	[tilespmem:$0x1D300] =	vst v63  }
0x927: {  	v30 =	vperm.xlane v17, v12;
	s8 =	simm.s32 $0x2400;
	v19 =	vadd.s32 v3, v29  }
0x928: {  	[tilespmem:s8], [sflag:$0x1] =	stream.indirect_vreg.gather [hbm4b:s15+s5], $0x80, v27, vm0, $0xb8;
	[tilespmem:$0x1D300] =	vst v63  }
0x929: {  	v32 =	vperm.xlane v17, v13;
	v31 =	vadd.s32 v3, v30;
	s23 =	simm.s32 $0x2480  }
0x92a: {  	[tilespmem:s23], [sflag:$0x1] =	stream.indirect_vreg.gather [hbm4b:s15+s5], $0x80, v18, vm0, $0xb8;
	[tilespmem:$0x1D300] =	vst v63  }
0x92b: {  	v33 =	vperm.xlane v17, v14;
	s8 =	simm.s32 $0x2500;
	v18 =	vadd.s32 v3, v32  }
0x92c: {  	[tilespmem:s8], [sflag:$0x1] =	stream.indirect_vreg.gather [hbm4b:s15+s5], $0x80, v19, vm0, $0xb8;
	[tilespmem:$0x1D300] =	vst v63  }
0x92d: {  	v34 =	vperm.xlane v17, v15;
	s23 =	simm.s32 $0x2580;
	v19 =	vadd.s32 v3, v33  }
0x92e: {  	[tilespmem:s23], [sflag:$0x1] =	stream.indirect_vreg.gather [hbm4b:s15+s5], $0x80, v31, vm0, $0xb8;
	[tilespmem:$0x1D300] =	vst v63  }
0x92f: {  	v17 =	vperm.xlane v17, v16;
	v35 =	vadd.s32 v3, v34;
	s8 =	simm.s32 $0x2600  }
0x930: {  	[tilespmem:s8], [sflag:$0x1] =	stream.indirect_vreg.gather [hbm4b:s15+s5], $0x80, v18, vm0, $0xb8;
	[tilespmem:$0x1D300] =	vst v63  }
0x931: {  	v17 =	vadd.s32 v3, v17;
	s23 =	simm.s32 $0x2680  }
0x932: {  	[tilespmem:s23], [sflag:$0x1] =	stream.indirect_vreg.gather [hbm4b:s15+s5], $0x80, v19, vm0, $0xb8;
	[tilespmem:$0x1D300] =	vst v63  }
0x933: {  	s8 =	simm.s32 $0x2700  }
0x934: {  	[tilespmem:s8], [sflag:$0x1] =	stream.indirect_vreg.gather [hbm4b:s15+s5], $0x80, v35, vm0, $0xb8;
	[tilespmem:$0x1D300] =	vst v63  }
0x935: {  	s23 =	simm.s32 $0x2780  }
0x936: {  	[tilespmem:s23], [sflag:$0x1] =	stream.indirect_vreg.gather [hbm4b:s15+s5], $0x80, v17, vm0, $0xb8;
	[tilespmem:$0x1D300] =	vst v63  }
0x937: {  	v17 =	vld [tilespmem:s19+$0x930];
	_ =	sdelay $0x4  }
0x938: {  	v18 =	vshll.u32 v17, $0x1  }
0x939: {  	v17 =	vand.u32 $0x7, v17;
	v18 =	vand.u32 $0xFFFFFFF0, v18  }
0x93a: {  	v17 =	vor.u32 v17, v18  }
0x93b: {  	v18 =	vperm.xlane v17, v2;
	_ =	sdelay $0x1  }
0x93c: {  	v19 =	vperm.xlane v17, v1;
	v18 =	vadd.s32 v3, v18;
	_ =	sdelay $0x1  }
0x93d: {  	v36 =	vperm.xlane v17, v4;
	v19 =	vadd.s32 v3, v19;
	_ =	sdelay $0x1  }
0x93e: {  	s8 =	simm.s32 $0x2800;
	v37 =	vperm.xlane v17, v5;
	v20 =	vadd.s32 v3, v36  }
0x93f: {  	[tilespmem:s8], [sflag:$0x1] =	stream.indirect_vreg.gather [hbm4b:s15+s5], $0x80, v18, vm0, $0xb8;
	[tilespmem:$0x1D300] =	vst v63  }
0x940: {  	s23 =	simm.s32 $0x2880;
	v38 =	vperm.xlane v17, v6;
	v18 =	vadd.s32 v3, v37  }
0x941: {  	[tilespmem:s23], [sflag:$0x1] =	stream.indirect_vreg.gather [hbm4b:s15+s5], $0x80, v19, vm0, $0xb8;
	[tilespmem:$0x1D300] =	vst v63  }
0x942: {  	v39 =	vperm.xlane v17, v7;
	s8 =	simm.s32 $0x2900;
	v19 =	vadd.s32 v3, v38  }
0x943: {  	[tilespmem:s8], [sflag:$0x1] =	stream.indirect_vreg.gather [hbm4b:s15+s5], $0x80, v20, vm0, $0xb8;
	[tilespmem:$0x1D300] =	vst v63  }
0x944: {  	v41 =	vperm.xlane v17, v8;
	v40 =	vadd.s32 v3, v39;
	s23 =	simm.s32 $0x2980  }
0x945: {  	[tilespmem:s23], [sflag:$0x1] =	stream.indirect_vreg.gather [hbm4b:s15+s5], $0x80, v18, vm0, $0xb8;
	[tilespmem:$0x1D300] =	vst v63  }
0x946: {  	v42 =	vperm.xlane v17, v0;
	s8 =	simm.s32 $0x2A00;
	v18 =	vadd.s32 v3, v41  }
0x947: {  	[tilespmem:s8], [sflag:$0x1] =	stream.indirect_vreg.gather [hbm4b:s15+s5], $0x80, v19, vm0, $0xb8;
	[tilespmem:$0x1D300] =	vst v63  }
0x948: {  	v43 =	vperm.xlane v17, v9;
	s23 =	simm.s32 $0x2A80;
	v19 =	vadd.s32 v3, v42  }
0x949: {  	[tilespmem:s23], [sflag:$0x1] =	stream.indirect_vreg.gather [hbm4b:s15+s5], $0x80, v40, vm0, $0xb8;
	[tilespmem:$0x1D300] =	vst v63  }
0x94a: {  	v45 =	vperm.xlane v17, v10;
	v44 =	vadd.s32 v3, v43;
	s8 =	simm.s32 $0x2B00  }
0x94b: {  	[tilespmem:s8], [sflag:$0x1] =	stream.indirect_vreg.gather [hbm4b:s15+s5], $0x80, v18, vm0, $0xb8;
	[tilespmem:$0x1D300] =	vst v63  }
0x94c: {  	v46 =	vperm.xlane v17, v11;
	s23 =	simm.s32 $0x2B80;
	v18 =	vadd.s32 v3, v45  }
0x94d: {  	[tilespmem:s23], [sflag:$0x1] =	stream.indirect_vreg.gather [hbm4b:s15+s5], $0x80, v19, vm0, $0xb8;
	[tilespmem:$0x1D300] =	vst v63  }
0x94e: {  	v47 =	vperm.xlane v17, v12;
	s8 =	simm.s32 $0x2C00;
	v19 =	vadd.s32 v3, v46  }
0x94f: {  	[tilespmem:s8], [sflag:$0x1] =	stream.indirect_vreg.gather [hbm4b:s15+s5], $0x80, v44, vm0, $0xb8;
	[tilespmem:$0x1D300] =	vst v63  }
0x950: {  	v49 =	vperm.xlane v17, v13;
	v48 =	vadd.s32 v3, v47;
	s23 =	simm.s32 $0x2C80  }
0x951: {  	[tilespmem:s23], [sflag:$0x1] =	stream.indirect_vreg.gather [hbm4b:s15+s5], $0x80, v18, vm0, $0xb8;
	[tilespmem:$0x1D300] =	vst v63  }
0x952: {  	v50 =	vperm.xlane v17, v14;
	s8 =	simm.s32 $0x2D00;
	v18 =	vadd.s32 v3, v49  }
0x953: {  	[tilespmem:s8], [sflag:$0x1] =	stream.indirect_vreg.gather [hbm4b:s15+s5], $0x80, v19, vm0, $0xb8;
	[tilespmem:$0x1D300] =	vst v63  }
0x954: {  	v51 =	vperm.xlane v17, v15;
	s23 =	simm.s32 $0x2D80;
	v19 =	vadd.s32 v3, v50  }
0x955: {  	[tilespmem:s23], [sflag:$0x1] =	stream.indirect_vreg.gather [hbm4b:s15+s5], $0x80, v48, vm0, $0xb8;
	[tilespmem:$0x1D300] =	vst v63  }
0x956: {  	v17 =	vperm.xlane v17, v16;
	v52 =	vadd.s32 v3, v51;
	s8 =	simm.s32 $0x2E00  }
0x957: {  	[tilespmem:s8], [sflag:$0x1] =	stream.indirect_vreg.gather [hbm4b:s15+s5], $0x80, v18, vm0, $0xb8;
	[tilespmem:$0x1D300] =	vst v63  }
0x958: {  	v17 =	vadd.s32 v3, v17;
	s23 =	simm.s32 $0x2E80  }
0x959: {  	[tilespmem:s23], [sflag:$0x1] =	stream.indirect_vreg.gather [hbm4b:s15+s5], $0x80, v19, vm0, $0xb8;
	[tilespmem:$0x1D300] =	vst v63  }
0x95a: {  	s8 =	simm.s32 $0x2F00  }
0x95b: {  	[tilespmem:s8], [sflag:$0x1] =	stream.indirect_vreg.gather [hbm4b:s15+s5], $0x80, v52, vm0, $0xb8;
	[tilespmem:$0x1D300] =	vst v63  }
0x95c: {  	s23 =	simm.s32 $0x2F80  }
0x95d: {  	[tilespmem:s23], [sflag:$0x1] =	stream.indirect_vreg.gather [hbm4b:s15+s5], $0x80, v17, vm0, $0xb8;
	[tilespmem:$0x1D300] =	vst v63  }
0x95e: {  	v17 =	vld [tilespmem:s19+$0x940];
	_ =	sdelay $0x4  }
0x95f: {  	v18 =	vshll.u32 v17, $0x1  }
0x960: {  	v17 =	vand.u32 $0x7, v17;
	v18 =	vand.u32 $0xFFFFFFF0, v18  }
0x961: {  	v17 =	vor.u32 v17, v18  }
0x962: {  	v18 =	vperm.xlane v17, v2;
	_ =	sdelay $0x1  }
0x963: {  	v19 =	vperm.xlane v17, v1;
	v18 =	vadd.s32 v3, v18;
	_ =	sdelay $0x1  }
0x964: {  	v53 =	vperm.xlane v17, v4;
	v19 =	vadd.s32 v3, v19;
	_ =	sdelay $0x1  }
0x965: {  	s8 =	simm.s32 $0x3000;
	v54 =	vperm.xlane v17, v5;
	v20 =	vadd.s32 v3, v53  }
0x966: {  	[tilespmem:s8], [sflag:$0x1] =	stream.indirect_vreg.gather [hbm4b:s15+s5], $0x80, v18, vm0, $0xb8;
	[tilespmem:$0x1D300] =	vst v63  }
0x967: {  	s23 =	simm.s32 $0x3080;
	v55 =	vperm.xlane v17, v6;
	v18 =	vadd.s32 v3, v54  }
0x968: {  	[tilespmem:s23], [sflag:$0x1] =	stream.indirect_vreg.gather [hbm4b:s15+s5], $0x80, v19, vm0, $0xb8;
	[tilespmem:$0x1D300] =	vst v63  }
0x969: {  	v56 =	vperm.xlane v17, v7;
	s8 =	simm.s32 $0x3100;
	v19 =	vadd.s32 v3, v55  }
0x96a: {  	[tilespmem:s8], [sflag:$0x1] =	stream.indirect_vreg.gather [hbm4b:s15+s5], $0x80, v20, vm0, $0xb8;
	[tilespmem:$0x1D300] =	vst v63  }
0x96b: {  	v58 =	vperm.xlane v17, v8;
	v57 =	vadd.s32 v3, v56;
	s23 =	simm.s32 $0x3180  }
0x96c: {  	[tilespmem:s23], [sflag:$0x1] =	stream.indirect_vreg.gather [hbm4b:s15+s5], $0x80, v18, vm0, $0xb8;
	[tilespmem:$0x1D300] =	vst v63  }
0x96d: {  	v59 =	vperm.xlane v17, v0;
	s8 =	simm.s32 $0x3200;
	v18 =	vadd.s32 v3, v58  }
0x96e: {  	[tilespmem:s8], [sflag:$0x1] =	stream.indirect_vreg.gather [hbm4b:s15+s5], $0x80, v19, vm0, $0xb8;
	[tilespmem:$0x1D300] =	vst v63  }
0x96f: {  	v60 =	vperm.xlane v17, v9;
	s23 =	simm.s32 $0x3280;
	v19 =	vadd.s32 v3, v59  }
0x970: {  	[tilespmem:s23], [sflag:$0x1] =	stream.indirect_vreg.gather [hbm4b:s15+s5], $0x80, v57, vm0, $0xb8;
	[tilespmem:$0x1D300] =	vst v63  }
0x971: {  	v62 =	vperm.xlane v17, v10;
	v61 =	vadd.s32 v3, v60;
	s8 =	simm.s32 $0x3300  }
0x972: {  	[tilespmem:s8], [sflag:$0x1] =	stream.indirect_vreg.gather [hbm4b:s15+s5], $0x80, v18, vm0, $0xb8;
	[tilespmem:$0x1D300] =	vst v63  }
0x973: {  	v63 =	vperm.xlane v17, v11;
	s23 =	simm.s32 $0x3380;
	v18 =	vadd.s32 v3, v62  }
0x974: {  	[tilespmem:s23], [sflag:$0x1] =	stream.indirect_vreg.gather [hbm4b:s15+s5], $0x80, v19, vm0, $0xb8;
	[tilespmem:$0x1D300] =	vst v63  }
0x975: {  	v24 =	vperm.xlane v17, v12;
	s8 =	simm.s32 $0x3400;
	v19 =	vadd.s32 v3, v63  }
0x976: {  	[tilespmem:s8], [sflag:$0x1] =	stream.indirect_vreg.gather [hbm4b:s15+s5], $0x80, v61, vm0, $0xb8;
	[tilespmem:$0x1D300] =	vst v63  }
0x977: {  	v26 =	vperm.xlane v17, v13;
	v25 =	vadd.s32 v3, v24;
	s23 =	simm.s32 $0x3480  }
0x978: {  	[tilespmem:s23], [sflag:$0x1] =	stream.indirect_vreg.gather [hbm4b:s15+s5], $0x80, v18, vm0, $0xb8;
	[tilespmem:$0x1D300] =	vst v63  }
0x979: {  	v27 =	vperm.xlane v17, v14;
	s8 =	simm.s32 $0x3500;
	v18 =	vadd.s32 v3, v26  }
0x97a: {  	[tilespmem:s8], [sflag:$0x1] =	stream.indirect_vreg.gather [hbm4b:s15+s5], $0x80, v19, vm0, $0xb8;
	[tilespmem:$0x1D300] =	vst v63  }
0x97b: {  	v28 =	vperm.xlane v17, v15;
	s23 =	simm.s32 $0x3580;
	v19 =	vadd.s32 v3, v27  }
0x97c: {  	[tilespmem:s23], [sflag:$0x1] =	stream.indirect_vreg.gather [hbm4b:s15+s5], $0x80, v25, vm0, $0xb8;
	[tilespmem:$0x1D300] =	vst v63  }
0x97d: {  	v17 =	vperm.xlane v17, v16;
	v29 =	vadd.s32 v3, v28;
	s8 =	simm.s32 $0x3600  }
0x97e: {  	[tilespmem:s8], [sflag:$0x1] =	stream.indirect_vreg.gather [hbm4b:s15+s5], $0x80, v18, vm0, $0xb8;
	[tilespmem:$0x1D300] =	vst v63  }
0x97f: {  	v17 =	vadd.s32 v3, v17;
	s23 =	simm.s32 $0x3680  }
0x980: {  	[tilespmem:s23], [sflag:$0x1] =	stream.indirect_vreg.gather [hbm4b:s15+s5], $0x80, v19, vm0, $0xb8;
	[tilespmem:$0x1D300] =	vst v63  }
0x981: {  	s8 =	simm.s32 $0x3700  }
0x982: {  	[tilespmem:s8], [sflag:$0x1] =	stream.indirect_vreg.gather [hbm4b:s15+s5], $0x80, v29, vm0, $0xb8;
	[tilespmem:$0x1D300] =	vst v63  }
0x983: {  	s23 =	simm.s32 $0x3780  }
0x984: {  	[tilespmem:s23], [sflag:$0x1] =	stream.indirect_vreg.gather [hbm4b:s15+s5], $0x80, v17, vm0, $0xb8;
	[tilespmem:$0x1D300] =	vst v63  }
0x985: {  	v17 =	vld [tilespmem:s19+$0x950];
	_ =	sdelay $0x4  }
0x986: {  	v18 =	vshll.u32 v17, $0x1  }
0x987: {  	v17 =	vand.u32 $0x7, v17;
	v18 =	vand.u32 $0xFFFFFFF0, v18  }
0x988: {  	v17 =	vor.u32 v17, v18  }
0x989: {  	v18 =	vperm.xlane v17, v2;
	_ =	sdelay $0x1  }
0x98a: {  	v19 =	vperm.xlane v17, v1;
	v18 =	vadd.s32 v3, v18;
	_ =	sdelay $0x1  }
0x98b: {  	v30 =	vperm.xlane v17, v4;
	v19 =	vadd.s32 v3, v19;
	_ =	sdelay $0x1  }
0x98c: {  	s8 =	simm.s32 $0x3800;
	v31 =	vperm.xlane v17, v5;
	v20 =	vadd.s32 v3, v30  }
0x98d: {  	[tilespmem:s8], [sflag:$0x1] =	stream.indirect_vreg.gather [hbm4b:s15+s5], $0x80, v18, vm0, $0xb8;
	[tilespmem:$0x1D300] =	vst v63  }
0x98e: {  	s23 =	simm.s32 $0x3880;
	v32 =	vperm.xlane v17, v6;
	v18 =	vadd.s32 v3, v31  }
0x98f: {  	[tilespmem:s23], [sflag:$0x1] =	stream.indirect_vreg.gather [hbm4b:s15+s5], $0x80, v19, vm0, $0xb8;
	[tilespmem:$0x1D300] =	vst v63  }
0x990: {  	v33 =	vperm.xlane v17, v7;
	s8 =	simm.s32 $0x3900;
	v19 =	vadd.s32 v3, v32  }
0x991: {  	[tilespmem:s8], [sflag:$0x1] =	stream.indirect_vreg.gather [hbm4b:s15+s5], $0x80, v20, vm0, $0xb8;
	[tilespmem:$0x1D300] =	vst v63  }
0x992: {  	v35 =	vperm.xlane v17, v8;
	v34 =	vadd.s32 v3, v33;
	s23 =	simm.s32 $0x3980  }
0x993: {  	[tilespmem:s23], [sflag:$0x1] =	stream.indirect_vreg.gather [hbm4b:s15+s5], $0x80, v18, vm0, $0xb8;
	[tilespmem:$0x1D300] =	vst v63  }
0x994: {  	v36 =	vperm.xlane v17, v0;
	s8 =	simm.s32 $0x3A00;
	v18 =	vadd.s32 v3, v35  }
0x995: {  	[tilespmem:s8], [sflag:$0x1] =	stream.indirect_vreg.gather [hbm4b:s15+s5], $0x80, v19, vm0, $0xb8;
	[tilespmem:$0x1D300] =	vst v63  }
0x996: {  	v37 =	vperm.xlane v17, v9;
	s23 =	simm.s32 $0x3A80;
	v19 =	vadd.s32 v3, v36  }
0x997: {  	[tilespmem:s23], [sflag:$0x1] =	stream.indirect_vreg.gather [hbm4b:s15+s5], $0x80, v34, vm0, $0xb8;
	[tilespmem:$0x1D300] =	vst v63  }
0x998: {  	v39 =	vperm.xlane v17, v10;
	v38 =	vadd.s32 v3, v37;
	s8 =	simm.s32 $0x3B00  }
0x999: {  	[tilespmem:s8], [sflag:$0x1] =	stream.indirect_vreg.gather [hbm4b:s15+s5], $0x80, v18, vm0, $0xb8;
	[tilespmem:$0x1D300] =	vst v63  }
0x99a: {  	v40 =	vperm.xlane v17, v11;
	s23 =	simm.s32 $0x3B80;
	v18 =	vadd.s32 v3, v39  }
0x99b: {  	[tilespmem:s23], [sflag:$0x1] =	stream.indirect_vreg.gather [hbm4b:s15+s5], $0x80, v19, vm0, $0xb8;
	[tilespmem:$0x1D300] =	vst v63  }
0x99c: {  	v41 =	vperm.xlane v17, v12;
	s8 =	simm.s32 $0x3C00;
	v19 =	vadd.s32 v3, v40  }
0x99d: {  	[tilespmem:s8], [sflag:$0x1] =	stream.indirect_vreg.gather [hbm4b:s15+s5], $0x80, v38, vm0, $0xb8;
	[tilespmem:$0x1D300] =	vst v63  }
0x99e: {  	v43 =	vperm.xlane v17, v13;
	v42 =	vadd.s32 v3, v41;
	s23 =	simm.s32 $0x3C80  }
0x99f: {  	[tilespmem:s23], [sflag:$0x1] =	stream.indirect_vreg.gather [hbm4b:s15+s5], $0x80, v18, vm0, $0xb8;
	[tilespmem:$0x1D300] =	vst v63  }
0x9a0: {  	v44 =	vperm.xlane v17, v14;
	s8 =	simm.s32 $0x3D00;
	v18 =	vadd.s32 v3, v43  }
0x9a1: {  	[tilespmem:s8], [sflag:$0x1] =	stream.indirect_vreg.gather [hbm4b:s15+s5], $0x80, v19, vm0, $0xb8;
	[tilespmem:$0x1D300] =	vst v63  }
0x9a2: {  	v45 =	vperm.xlane v17, v15;
	s23 =	simm.s32 $0x3D80;
	v19 =	vadd.s32 v3, v44  }
0x9a3: {  	[tilespmem:s23], [sflag:$0x1] =	stream.indirect_vreg.gather [hbm4b:s15+s5], $0x80, v42, vm0, $0xb8;
	[tilespmem:$0x1D300] =	vst v63  }
0x9a4: {  	v17 =	vperm.xlane v17, v16;
	v46 =	vadd.s32 v3, v45;
	s8 =	simm.s32 $0x3E00  }
0x9a5: {  	[tilespmem:s8], [sflag:$0x1] =	stream.indirect_vreg.gather [hbm4b:s15+s5], $0x80, v18, vm0, $0xb8;
	[tilespmem:$0x1D300] =	vst v63  }
0x9a6: {  	v17 =	vadd.s32 v3, v17;
	s23 =	simm.s32 $0x3E80  }
0x9a7: {  	[tilespmem:s23], [sflag:$0x1] =	stream.indirect_vreg.gather [hbm4b:s15+s5], $0x80, v19, vm0, $0xb8;
	[tilespmem:$0x1D300] =	vst v63  }
0x9a8: {  	s8 =	simm.s32 $0x3F00  }
0x9a9: {  	[tilespmem:s8], [sflag:$0x1] =	stream.indirect_vreg.gather [hbm4b:s15+s5], $0x80, v46, vm0, $0xb8;
	[tilespmem:$0x1D300] =	vst v63  }
0x9aa: {  	s23 =	simm.s32 $0x3F80  }
0x9ab: {  	[tilespmem:s23], [sflag:$0x1] =	stream.indirect_vreg.gather [hbm4b:s15+s5], $0x80, v17, vm0, $0xb8;
	[tilespmem:$0x1D300] =	vst v63  }
0x9ac: {  	v17 =	vld [tilespmem:s19+$0x960];
	_ =	sdelay $0x4  }
0x9ad: {  	v18 =	vshll.u32 v17, $0x1  }
0x9ae: {  	v17 =	vand.u32 $0x7, v17;
	v18 =	vand.u32 $0xFFFFFFF0, v18  }
0x9af: {  	v17 =	vor.u32 v17, v18  }
0x9b0: {  	v18 =	vperm.xlane v17, v2;
	_ =	sdelay $0x1  }
0x9b1: {  	v19 =	vperm.xlane v17, v1;
	v18 =	vadd.s32 v3, v18;
	_ =	sdelay $0x1  }
0x9b2: {  	v47 =	vperm.xlane v17, v4;
	v19 =	vadd.s32 v3, v19;
	_ =	sdelay $0x1  }
0x9b3: {  	s8 =	simm.s32 $0x4000;
	v48 =	vperm.xlane v17, v5;
	v20 =	vadd.s32 v3, v47  }
0x9b4: {  	[tilespmem:s8], [sflag:$0x1] =	stream.indirect_vreg.gather [hbm4b:s15+s5], $0x80, v18, vm0, $0xb8;
	[tilespmem:$0x1D300] =	vst v63  }
0x9b5: {  	s23 =	simm.s32 $0x4080;
	v49 =	vperm.xlane v17, v6;
	v18 =	vadd.s32 v3, v48  }
0x9b6: {  	[tilespmem:s23], [sflag:$0x1] =	stream.indirect_vreg.gather [hbm4b:s15+s5], $0x80, v19, vm0, $0xb8;
	[tilespmem:$0x1D300] =	vst v63  }
0x9b7: {  	v50 =	vperm.xlane v17, v7;
	s8 =	simm.s32 $0x4100;
	v19 =	vadd.s32 v3, v49  }
0x9b8: {  	[tilespmem:s8], [sflag:$0x1] =	stream.indirect_vreg.gather [hbm4b:s15+s5], $0x80, v20, vm0, $0xb8;
	[tilespmem:$0x1D300] =	vst v63  }
0x9b9: {  	v52 =	vperm.xlane v17, v8;
	v51 =	vadd.s32 v3, v50;
	s23 =	simm.s32 $0x4180  }
0x9ba: {  	[tilespmem:s23], [sflag:$0x1] =	stream.indirect_vreg.gather [hbm4b:s15+s5], $0x80, v18, vm0, $0xb8;
	[tilespmem:$0x1D300] =	vst v63  }
0x9bb: {  	v53 =	vperm.xlane v17, v0;
	s8 =	simm.s32 $0x4200;
	v18 =	vadd.s32 v3, v52  }
0x9bc: {  	[tilespmem:s8], [sflag:$0x1] =	stream.indirect_vreg.gather [hbm4b:s15+s5], $0x80, v19, vm0, $0xb8;
	[tilespmem:$0x1D300] =	vst v63  }
0x9bd: {  	v54 =	vperm.xlane v17, v9;
	s23 =	simm.s32 $0x4280;
	v19 =	vadd.s32 v3, v53  }
0x9be: {  	[tilespmem:s23], [sflag:$0x1] =	stream.indirect_vreg.gather [hbm4b:s15+s5], $0x80, v51, vm0, $0xb8;
	[tilespmem:$0x1D300] =	vst v63  }
0x9bf: {  	v56 =	vperm.xlane v17, v10;
	v55 =	vadd.s32 v3, v54;
	s8 =	simm.s32 $0x4300  }
0x9c0: {  	[tilespmem:s8], [sflag:$0x1] =	stream.indirect_vreg.gather [hbm4b:s15+s5], $0x80, v18, vm0, $0xb8;
	[tilespmem:$0x1D300] =	vst v63  }
0x9c1: {  	v57 =	vperm.xlane v17, v11;
	s23 =	simm.s32 $0x4380;
	v18 =	vadd.s32 v3, v56  }
0x9c2: {  	[tilespmem:s23], [sflag:$0x1] =	stream.indirect_vreg.gather [hbm4b:s15+s5], $0x80, v19, vm0, $0xb8;
	[tilespmem:$0x1D300] =	vst v63  }
0x9c3: {  	v58 =	vperm.xlane v17, v12;
	s8 =	simm.s32 $0x4400;
	v19 =	vadd.s32 v3, v57  }
0x9c4: {  	[tilespmem:s8], [sflag:$0x1] =	stream.indirect_vreg.gather [hbm4b:s15+s5], $0x80, v55, vm0, $0xb8;
	[tilespmem:$0x1D300] =	vst v63  }
0x9c5: {  	v60 =	vperm.xlane v17, v13;
	v59 =	vadd.s32 v3, v58;
	s23 =	simm.s32 $0x4480  }
0x9c6: {  	[tilespmem:s23], [sflag:$0x1] =	stream.indirect_vreg.gather [hbm4b:s15+s5], $0x80, v18, vm0, $0xb8;
	[tilespmem:$0x1D300] =	vst v63  }
0x9c7: {  	v61 =	vperm.xlane v17, v14;
	s8 =	simm.s32 $0x4500;
	v18 =	vadd.s32 v3, v60  }
0x9c8: {  	[tilespmem:s8], [sflag:$0x1] =	stream.indirect_vreg.gather [hbm4b:s15+s5], $0x80, v19, vm0, $0xb8;
	[tilespmem:$0x1D300] =	vst v63  }
0x9c9: {  	v62 =	vperm.xlane v17, v15;
	s23 =	simm.s32 $0x4580;
	v19 =	vadd.s32 v3, v61  }
0x9ca: {  	[tilespmem:s23], [sflag:$0x1] =	stream.indirect_vreg.gather [hbm4b:s15+s5], $0x80, v59, vm0, $0xb8;
	[tilespmem:$0x1D300] =	vst v63  }
0x9cb: {  	v17 =	vperm.xlane v17, v16;
	v63 =	vadd.s32 v3, v62;
	s8 =	simm.s32 $0x4600  }
0x9cc: {  	[tilespmem:s8], [sflag:$0x1] =	stream.indirect_vreg.gather [hbm4b:s15+s5], $0x80, v18, vm0, $0xb8;
	[tilespmem:$0x1D300] =	vst v63  }
0x9cd: {  	v17 =	vadd.s32 v3, v17;
	s23 =	simm.s32 $0x4680  }
0x9ce: {  	[tilespmem:s23], [sflag:$0x1] =	stream.indirect_vreg.gather [hbm4b:s15+s5], $0x80, v19, vm0, $0xb8;
	[tilespmem:$0x1D300] =	vst v63  }
0x9cf: {  	s8 =	simm.s32 $0x4700  }
0x9d0: {  	[tilespmem:s8], [sflag:$0x1] =	stream.indirect_vreg.gather [hbm4b:s15+s5], $0x80, v63, vm0, $0xb8;
	[tilespmem:$0x1D300] =	vst v63  }
0x9d1: {  	s2 =	sadd.s32 $0x970, s19;
	s23 =	simm.s32 $0x4780  }
0x9d2: {  	[tilespmem:s23], [sflag:$0x1] =	stream.indirect_vreg.gather [hbm4b:s15+s5], $0x80, v17, vm0, $0xb8;
	[tilespmem:$0x1D300] =	vst v63  }
.LBB2_16:
0x9d3: {  	v17 =	vld.msk [tilespmem:s2+$0x0], $0x1fff;
	_ =	sdelay $0x4  }
0x9d4: {  	v18 =	vshll.u32 v17, $0x1  }
0x9d5: {  	v17 =	vand.u32 $0x7, v17;
	v18 =	vand.u32 $0xFFFFFFF0, v18  }
0x9d6: {  	v17 =	vor.u32 v17, v18  }
0x9d7: {  	v18 =	vperm.xlane v17, v2;
	_ =	sdelay $0x1  }
0x9d8: {  	v19 =	vperm.xlane v17, v1;
	v18 =	vadd.s32 v3, v18;
	_ =	sdelay $0x1  }
0x9d9: {  	v20 =	vperm.xlane v17, v4;
	v19 =	vadd.s32 v3, v19;
	_ =	sdelay $0x1  }
0x9da: {  	s23 =	simm.s32 $0x4800;
	v21 =	vperm.xlane v17, v5;
	v20 =	vadd.s32 v3, v20  }
0x9db: {  	[tilespmem:s23], [sflag:$0x1] =	stream.indirect_vreg.gather [hbm4b:s15+s5], $0x80, v18, vm0, $0xb8;
	[tilespmem:$0x1D300] =	vst v63  }
0x9dc: {  	s8 =	simm.s32 $0x4880;
	v53 =	vperm.xlane v17, v6;
	v18 =	vadd.s32 v3, v21  }
0x9dd: {  	[tilespmem:s8], [sflag:$0x1] =	stream.indirect_vreg.gather [hbm4b:s15+s5], $0x80, v19, vm0, $0xb8;
	[tilespmem:$0x1D300] =	vst v63  }
0x9de: {  	v54 =	vperm.xlane v17, v7;
	s23 =	simm.s32 $0x4900;
	v19 =	vadd.s32 v3, v53  }
0x9df: {  	[tilespmem:s23], [sflag:$0x1] =	stream.indirect_vreg.gather [hbm4b:s15+s5], $0x80, v20, vm0, $0xb8;
	[tilespmem:$0x1D300] =	vst v63  }
0x9e0: {  	v56 =	vperm.xlane v17, v8;
	v55 =	vadd.s32 v3, v54;
	s8 =	simm.s32 $0x4980  }
0x9e1: {  	[tilespmem:s8], [sflag:$0x1] =	stream.indirect_vreg.gather [hbm4b:s15+s5], $0x80, v18, vm0, $0xb8;
	[tilespmem:$0x1D300] =	vst v63  }
0x9e2: {  	v57 =	vperm.xlane v17, v0;
	s23 =	simm.s32 $0x4A00;
	v18 =	vadd.s32 v3, v56  }
0x9e3: {  	[tilespmem:s23], [sflag:$0x1] =	stream.indirect_vreg.gather [hbm4b:s15+s5], $0x80, v19, vm0, $0xb8;
	[tilespmem:$0x1D300] =	vst v63  }
0x9e4: {  	v58 =	vperm.xlane v17, v9;
	s8 =	simm.s32 $0x4A80;
	v19 =	vadd.s32 v3, v57  }
0x9e5: {  	[tilespmem:s8], [sflag:$0x1] =	stream.indirect_vreg.gather [hbm4b:s15+s5], $0x80, v55, vm0, $0xb8;
	[tilespmem:$0x1D300] =	vst v63  }
0x9e6: {  	v60 =	vperm.xlane v17, v10;
	v59 =	vadd.s32 v3, v58;
	s23 =	simm.s32 $0x4B00  }
0x9e7: {  	[tilespmem:s23], [sflag:$0x1] =	stream.indirect_vreg.gather [hbm4b:s15+s5], $0x80, v18, vm0, $0xb8;
	[tilespmem:$0x1D300] =	vst v63  }
0x9e8: {  	v61 =	vperm.xlane v17, v11;
	s8 =	simm.s32 $0x4B80;
	v18 =	vadd.s32 v3, v60  }
0x9e9: {  	[tilespmem:s8], [sflag:$0x1] =	stream.indirect_vreg.gather [hbm4b:s15+s5], $0x80, v19, vm0, $0xb8;
	[tilespmem:$0x1D300] =	vst v63  }
0x9ea: {  	v62 =	vperm.xlane v17, v12;
	s23 =	simm.s32 $0x4C00;
	v19 =	vadd.s32 v3, v61  }
0x9eb: {  	[tilespmem:s23], [sflag:$0x1] =	stream.indirect_vreg.gather [hbm4b:s15+s5], $0x80, v59, vm0, $0xb8;
	[tilespmem:$0x1D300] =	vst v63  }
0x9ec: {  	v17 =	vperm.xlane v17, v13;
	v63 =	vadd.s32 v3, v62;
	s8 =	simm.s32 $0x4C80  }
0x9ed: {  	[tilespmem:s8], [sflag:$0x1] =	stream.indirect_vreg.gather [hbm4b:s15+s5], $0x80, v18, vm0, $0xb8;
	[tilespmem:$0x1D300] =	vst v63  }
0x9ee: {  	v17 =	vadd.s32 v3, v17;
	s23 =	simm.s32 $0x4D00  }
0x9ef: {  	[tilespmem:s23], [sflag:$0x1] =	stream.indirect_vreg.gather [hbm4b:s15+s5], $0x80, v19, vm0, $0xb8;
	[tilespmem:$0x1D300] =	vst v63  }
0x9f0: {  	s8 =	simm.s32 $0x4D80  }
0x9f1: {  	[tilespmem:s8], [sflag:$0x1] =	stream.indirect_vreg.gather [hbm4b:s15+s5], $0x80, v63, vm0, $0xb8;
	[tilespmem:$0x1D300] =	vst v63  }
0x9f2: {  	p5 =	por p4, p4;
	s23 =	simm.s32 $0x4E00  }
0x9f3: {  	[tilespmem:s23], [sflag:$0x1] =	stream.indirect_vreg.gather [hbm4b:s15+s5], $0x80, v17, vm0, $0xb8;
	[tilespmem:$0x1D300] =	vst v63  }
.LBB2_17:
0x9f4: {  	_ =	swait.ge [sflag:s18], $0x3E80  }
0x9f5: {  	[sflag:s18] =	ssyncset.done $0x0  }
0x9f6: {  	s2 =	sadd.s32 $0xC80, s19;
	[sflag:s18] =	ssyncadd.s32 $0xFFFFC180  }
0x9f7: {  	[spmem:s3] =	stream.indirect.scatter.add.f32 [tilespmem:s7], [sflag:$0x6], $0x80, s2, s31, $0xb8;
	[tilespmem:$0x1D300] =	vst v63  }
0x9f8: {  	_ =	swait.ge [sflag:s22], $0x3E80  }
0x9f9: {  	[sflag:s22] =	ssyncset.done $0x0  }
0x9fa: {  	s8 =	simm.s32 @p2 $0x7D;
	s23 =	simm.s32 @p2 $0x9000;
	[sflag:s22] =	ssyncadd.s32 $0xFFFFC180  }
0x9fb: {  	[spmem:s4] =	stream.indirect.scatter.add.f32 @p2 [tilespmem:s23], [sflag:$0x6], $0x1, s2, s8, $0xb8;
	[tilespmem:$0x1D300] =	vst v63  }
.Ltmp16:
0x9fc: {  	_ = 	snop;
	(pc) =	sbr.rel @p4 .LBB2_19-.Ltmp16, $4  }
0x9fd: {  	s2 =	simm.s32 @p2 $0x6  }
0x9fe: {  	_ =	swait.ge @p2 [sflag:s2], $0x7D  }
0x9ff: {  	[sflag:s2] =	ssyncset.done @p2 $0x0  }
0xa00: {  	[sflag:s2] =	ssyncadd.s32 @p2 $0xFFFFFF83  }
0xa01: {  	v17 =	vld [tilespmem:s19+$0x980];
	_ =	sdelay $0x4  }
0xa02: {  	v18 =	vshll.u32 v17, $0x1  }
0xa03: {  	v17 =	vand.u32 $0x7, v17;
	v18 =	vand.u32 $0xFFFFFFF0, v18  }
0xa04: {  	v17 =	vor.u32 v17, v18  }
0xa05: {  	v18 =	vperm.xlane v17, v2;
	_ =	sdelay $0x1  }
0xa06: {  	v19 =	vperm.xlane v17, v1;
	v18 =	vadd.s32 v3, v18;
	_ =	sdelay $0x1  }
0xa07: {  	v20 =	vperm.xlane v17, v4;
	v19 =	vadd.s32 v3, v19;
	_ =	sdelay $0x1  }
0xa08: {  	v21 =	vperm.xlane v17, v5;
	v20 =	vadd.s32 v3, v20  }
0xa09: {  	[tilespmem:s7], [sflag:$0x2] =	stream.indirect_vreg.gather [hbm4b:s15+s5], $0x80, v18, vm0, $0xb8;
	[tilespmem:$0x1D300] =	vst v63  }
0xa0a: {  	s2 =	simm.s32 $0x5080;
	v54 =	vperm.xlane v17, v6;
	v18 =	vadd.s32 v3, v21  }
0xa0b: {  	[tilespmem:s2], [sflag:$0x2] =	stream.indirect_vreg.gather [hbm4b:s15+s5], $0x80, v19, vm0, $0xb8;
	[tilespmem:$0x1D300] =	vst v63  }
0xa0c: {  	s23 =	simm.s32 $0x5100;
	v55 =	vperm.xlane v17, v7;
	v19 =	vadd.s32 v3, v54  }
0xa0d: {  	[tilespmem:s23], [sflag:$0x2] =	stream.indirect_vreg.gather [hbm4b:s15+s5], $0x80, v20, vm0, $0xb8;
	[tilespmem:$0x1D300] =	vst v63  }
0xa0e: {  	s8 =	simm.s32 $0x5180;
	v57 =	vperm.xlane v17, v8;
	v56 =	vadd.s32 v3, v55  }
0xa0f: {  	[tilespmem:s8], [sflag:$0x2] =	stream.indirect_vreg.gather [hbm4b:s15+s5], $0x80, v18, vm0, $0xb8;
	[tilespmem:$0x1D300] =	vst v63  }
0xa10: {  	v58 =	vperm.xlane v17, v0;
	s23 =	simm.s32 $0x5200;
	v18 =	vadd.s32 v3, v57  }
0xa11: {  	[tilespmem:s23], [sflag:$0x2] =	stream.indirect_vreg.gather [hbm4b:s15+s5], $0x80, v19, vm0, $0xb8;
	[tilespmem:$0x1D300] =	vst v63  }
0xa12: {  	v59 =	vperm.xlane v17, v9;
	s8 =	simm.s32 $0x5280;
	v19 =	vadd.s32 v3, v58  }
0xa13: {  	[tilespmem:s8], [sflag:$0x2] =	stream.indirect_vreg.gather [hbm4b:s15+s5], $0x80, v56, vm0, $0xb8;
	[tilespmem:$0x1D300] =	vst v63  }
0xa14: {  	v61 =	vperm.xlane v17, v10;
	v60 =	vadd.s32 v3, v59;
	s23 =	simm.s32 $0x5300  }
0xa15: {  	[tilespmem:s23], [sflag:$0x2] =	stream.indirect_vreg.gather [hbm4b:s15+s5], $0x80, v18, vm0, $0xb8;
	[tilespmem:$0x1D300] =	vst v63  }
0xa16: {  	v62 =	vperm.xlane v17, v11;
	s8 =	simm.s32 $0x5380;
	v18 =	vadd.s32 v3, v61  }
0xa17: {  	[tilespmem:s8], [sflag:$0x2] =	stream.indirect_vreg.gather [hbm4b:s15+s5], $0x80, v19, vm0, $0xb8;
	[tilespmem:$0x1D300] =	vst v63  }
0xa18: {  	v63 =	vperm.xlane v17, v12;
	s23 =	simm.s32 $0x5400;
	v19 =	vadd.s32 v3, v62  }
0xa19: {  	[tilespmem:s23], [sflag:$0x2] =	stream.indirect_vreg.gather [hbm4b:s15+s5], $0x80, v60, vm0, $0xb8;
	[tilespmem:$0x1D300] =	vst v63  }
0xa1a: {  	v25 =	vperm.xlane v17, v13;
	v24 =	vadd.s32 v3, v63;
	s8 =	simm.s32 $0x5480  }
0xa1b: {  	[tilespmem:s8], [sflag:$0x2] =	stream.indirect_vreg.gather [hbm4b:s15+s5], $0x80, v18, vm0, $0xb8;
	[tilespmem:$0x1D300] =	vst v63  }
0xa1c: {  	v26 =	vperm.xlane v17, v14;
	s23 =	simm.s32 $0x5500;
	v18 =	vadd.s32 v3, v25  }
0xa1d: {  	[tilespmem:s23], [sflag:$0x2] =	stream.indirect_vreg.gather [hbm4b:s15+s5], $0x80, v19, vm0, $0xb8;
	[tilespmem:$0x1D300] =	vst v63  }
0xa1e: {  	v27 =	vperm.xlane v17, v15;
	s8 =	simm.s32 $0x5580;
	v19 =	vadd.s32 v3, v26  }
0xa1f: {  	[tilespmem:s8], [sflag:$0x2] =	stream.indirect_vreg.gather [hbm4b:s15+s5], $0x80, v24, vm0, $0xb8;
	[tilespmem:$0x1D300] =	vst v63  }
0xa20: {  	v17 =	vperm.xlane v17, v16;
	v28 =	vadd.s32 v3, v27;
	s23 =	simm.s32 $0x5600  }
0xa21: {  	[tilespmem:s23], [sflag:$0x2] =	stream.indirect_vreg.gather [hbm4b:s15+s5], $0x80, v18, vm0, $0xb8;
	[tilespmem:$0x1D300] =	vst v63  }
0xa22: {  	v17 =	vadd.s32 v3, v17;
	s8 =	simm.s32 $0x5680  }
0xa23: {  	[tilespmem:s8], [sflag:$0x2] =	stream.indirect_vreg.gather [hbm4b:s15+s5], $0x80, v19, vm0, $0xb8;
	[tilespmem:$0x1D300] =	vst v63  }
0xa24: {  	s23 =	simm.s32 $0x5700  }
0xa25: {  	[tilespmem:s23], [sflag:$0x2] =	stream.indirect_vreg.gather [hbm4b:s15+s5], $0x80, v28, vm0, $0xb8;
	[tilespmem:$0x1D300] =	vst v63  }
0xa26: {  	s8 =	simm.s32 $0x5780  }
0xa27: {  	[tilespmem:s8], [sflag:$0x2] =	stream.indirect_vreg.gather [hbm4b:s15+s5], $0x80, v17, vm0, $0xb8;
	[tilespmem:$0x1D300] =	vst v63  }
0xa28: {  	v17 =	vld [tilespmem:s19+$0x990];
	_ =	sdelay $0x4  }
0xa29: {  	v18 =	vshll.u32 v17, $0x1  }
0xa2a: {  	v17 =	vand.u32 $0x7, v17;
	v18 =	vand.u32 $0xFFFFFFF0, v18  }
0xa2b: {  	v17 =	vor.u32 v17, v18  }
0xa2c: {  	v18 =	vperm.xlane v17, v2;
	_ =	sdelay $0x1  }
0xa2d: {  	v19 =	vperm.xlane v17, v1;
	v18 =	vadd.s32 v3, v18;
	_ =	sdelay $0x1  }
0xa2e: {  	v29 =	vperm.xlane v17, v4;
	v19 =	vadd.s32 v3, v19;
	_ =	sdelay $0x1  }
0xa2f: {  	s23 =	simm.s32 $0x5800;
	v30 =	vperm.xlane v17, v5;
	v20 =	vadd.s32 v3, v29  }
0xa30: {  	[tilespmem:s23], [sflag:$0x2] =	stream.indirect_vreg.gather [hbm4b:s15+s5], $0x80, v18, vm0, $0xb8;
	[tilespmem:$0x1D300] =	vst v63  }
0xa31: {  	s8 =	simm.s32 $0x5880;
	v31 =	vperm.xlane v17, v6;
	v18 =	vadd.s32 v3, v30  }
0xa32: {  	[tilespmem:s8], [sflag:$0x2] =	stream.indirect_vreg.gather [hbm4b:s15+s5], $0x80, v19, vm0, $0xb8;
	[tilespmem:$0x1D300] =	vst v63  }
0xa33: {  	v32 =	vperm.xlane v17, v7;
	s23 =	simm.s32 $0x5900;
	v19 =	vadd.s32 v3, v31  }
0xa34: {  	[tilespmem:s23], [sflag:$0x2] =	stream.indirect_vreg.gather [hbm4b:s15+s5], $0x80, v20, vm0, $0xb8;
	[tilespmem:$0x1D300] =	vst v63  }
0xa35: {  	v34 =	vperm.xlane v17, v8;
	v33 =	vadd.s32 v3, v32;
	s8 =	simm.s32 $0x5980  }
0xa36: {  	[tilespmem:s8], [sflag:$0x2] =	stream.indirect_vreg.gather [hbm4b:s15+s5], $0x80, v18, vm0, $0xb8;
	[tilespmem:$0x1D300] =	vst v63  }
0xa37: {  	v35 =	vperm.xlane v17, v0;
	s23 =	simm.s32 $0x5A00;
	v18 =	vadd.s32 v3, v34  }
0xa38: {  	[tilespmem:s23], [sflag:$0x2] =	stream.indirect_vreg.gather [hbm4b:s15+s5], $0x80, v19, vm0, $0xb8;
	[tilespmem:$0x1D300] =	vst v63  }
0xa39: {  	v36 =	vperm.xlane v17, v9;
	s8 =	simm.s32 $0x5A80;
	v19 =	vadd.s32 v3, v35  }
0xa3a: {  	[tilespmem:s8], [sflag:$0x2] =	stream.indirect_vreg.gather [hbm4b:s15+s5], $0x80, v33, vm0, $0xb8;
	[tilespmem:$0x1D300] =	vst v63  }
0xa3b: {  	v38 =	vperm.xlane v17, v10;
	v37 =	vadd.s32 v3, v36;
	s23 =	simm.s32 $0x5B00  }
0xa3c: {  	[tilespmem:s23], [sflag:$0x2] =	stream.indirect_vreg.gather [hbm4b:s15+s5], $0x80, v18, vm0, $0xb8;
	[tilespmem:$0x1D300] =	vst v63  }
0xa3d: {  	v39 =	vperm.xlane v17, v11;
	s8 =	simm.s32 $0x5B80;
	v18 =	vadd.s32 v3, v38  }
0xa3e: {  	[tilespmem:s8], [sflag:$0x2] =	stream.indirect_vreg.gather [hbm4b:s15+s5], $0x80, v19, vm0, $0xb8;
	[tilespmem:$0x1D300] =	vst v63  }
0xa3f: {  	v40 =	vperm.xlane v17, v12;
	s23 =	simm.s32 $0x5C00;
	v19 =	vadd.s32 v3, v39  }
0xa40: {  	[tilespmem:s23], [sflag:$0x2] =	stream.indirect_vreg.gather [hbm4b:s15+s5], $0x80, v37, vm0, $0xb8;
	[tilespmem:$0x1D300] =	vst v63  }
0xa41: {  	v42 =	vperm.xlane v17, v13;
	v41 =	vadd.s32 v3, v40;
	s8 =	simm.s32 $0x5C80  }
0xa42: {  	[tilespmem:s8], [sflag:$0x2] =	stream.indirect_vreg.gather [hbm4b:s15+s5], $0x80, v18, vm0, $0xb8;
	[tilespmem:$0x1D300] =	vst v63  }
0xa43: {  	v43 =	vperm.xlane v17, v14;
	s23 =	simm.s32 $0x5D00;
	v18 =	vadd.s32 v3, v42  }
0xa44: {  	[tilespmem:s23], [sflag:$0x2] =	stream.indirect_vreg.gather [hbm4b:s15+s5], $0x80, v19, vm0, $0xb8;
	[tilespmem:$0x1D300] =	vst v63  }
0xa45: {  	v44 =	vperm.xlane v17, v15;
	s8 =	simm.s32 $0x5D80;
	v19 =	vadd.s32 v3, v43  }
0xa46: {  	[tilespmem:s8], [sflag:$0x2] =	stream.indirect_vreg.gather [hbm4b:s15+s5], $0x80, v41, vm0, $0xb8;
	[tilespmem:$0x1D300] =	vst v63  }
0xa47: {  	v17 =	vperm.xlane v17, v16;
	v45 =	vadd.s32 v3, v44;
	s23 =	simm.s32 $0x5E00  }
0xa48: {  	[tilespmem:s23], [sflag:$0x2] =	stream.indirect_vreg.gather [hbm4b:s15+s5], $0x80, v18, vm0, $0xb8;
	[tilespmem:$0x1D300] =	vst v63  }
0xa49: {  	v17 =	vadd.s32 v3, v17;
	s8 =	simm.s32 $0x5E80  }
0xa4a: {  	[tilespmem:s8], [sflag:$0x2] =	stream.indirect_vreg.gather [hbm4b:s15+s5], $0x80, v19, vm0, $0xb8;
	[tilespmem:$0x1D300] =	vst v63  }
0xa4b: {  	s23 =	simm.s32 $0x5F00  }
0xa4c: {  	[tilespmem:s23], [sflag:$0x2] =	stream.indirect_vreg.gather [hbm4b:s15+s5], $0x80, v45, vm0, $0xb8;
	[tilespmem:$0x1D300] =	vst v63  }
0xa4d: {  	s8 =	simm.s32 $0x5F80  }
0xa4e: {  	[tilespmem:s8], [sflag:$0x2] =	stream.indirect_vreg.gather [hbm4b:s15+s5], $0x80, v17, vm0, $0xb8;
	[tilespmem:$0x1D300] =	vst v63  }
0xa4f: {  	v17 =	vld [tilespmem:s19+$0x9A0];
	_ =	sdelay $0x4  }
0xa50: {  	v18 =	vshll.u32 v17, $0x1  }
0xa51: {  	v17 =	vand.u32 $0x7, v17;
	v18 =	vand.u32 $0xFFFFFFF0, v18  }
0xa52: {  	v17 =	vor.u32 v17, v18  }
0xa53: {  	v18 =	vperm.xlane v17, v2;
	_ =	sdelay $0x1  }
0xa54: {  	v19 =	vperm.xlane v17, v1;
	v18 =	vadd.s32 v3, v18;
	_ =	sdelay $0x1  }
0xa55: {  	v46 =	vperm.xlane v17, v4;
	v19 =	vadd.s32 v3, v19;
	_ =	sdelay $0x1  }
0xa56: {  	s23 =	simm.s32 $0x6000;
	v47 =	vperm.xlane v17, v5;
	v20 =	vadd.s32 v3, v46  }
0xa57: {  	[tilespmem:s23], [sflag:$0x2] =	stream.indirect_vreg.gather [hbm4b:s15+s5], $0x80, v18, vm0, $0xb8;
	[tilespmem:$0x1D300] =	vst v63  }
0xa58: {  	s8 =	simm.s32 $0x6080;
	v48 =	vperm.xlane v17, v6;
	v18 =	vadd.s32 v3, v47  }
0xa59: {  	[tilespmem:s8], [sflag:$0x2] =	stream.indirect_vreg.gather [hbm4b:s15+s5], $0x80, v19, vm0, $0xb8;
	[tilespmem:$0x1D300] =	vst v63  }
0xa5a: {  	v49 =	vperm.xlane v17, v7;
	s23 =	simm.s32 $0x6100;
	v19 =	vadd.s32 v3, v48  }
0xa5b: {  	[tilespmem:s23], [sflag:$0x2] =	stream.indirect_vreg.gather [hbm4b:s15+s5], $0x80, v20, vm0, $0xb8;
	[tilespmem:$0x1D300] =	vst v63  }
0xa5c: {  	v51 =	vperm.xlane v17, v8;
	v50 =	vadd.s32 v3, v49;
	s8 =	simm.s32 $0x6180  }
0xa5d: {  	[tilespmem:s8], [sflag:$0x2] =	stream.indirect_vreg.gather [hbm4b:s15+s5], $0x80, v18, vm0, $0xb8;
	[tilespmem:$0x1D300] =	vst v63  }
0xa5e: {  	v52 =	vperm.xlane v17, v0;
	s23 =	simm.s32 $0x6200;
	v18 =	vadd.s32 v3, v51  }
0xa5f: {  	[tilespmem:s23], [sflag:$0x2] =	stream.indirect_vreg.gather [hbm4b:s15+s5], $0x80, v19, vm0, $0xb8;
	[tilespmem:$0x1D300] =	vst v63  }
0xa60: {  	v53 =	vperm.xlane v17, v9;
	s8 =	simm.s32 $0x6280;
	v19 =	vadd.s32 v3, v52  }
0xa61: {  	[tilespmem:s8], [sflag:$0x2] =	stream.indirect_vreg.gather [hbm4b:s15+s5], $0x80, v50, vm0, $0xb8;
	[tilespmem:$0x1D300] =	vst v63  }
0xa62: {  	v55 =	vperm.xlane v17, v10;
	v54 =	vadd.s32 v3, v53;
	s23 =	simm.s32 $0x6300  }
0xa63: {  	[tilespmem:s23], [sflag:$0x2] =	stream.indirect_vreg.gather [hbm4b:s15+s5], $0x80, v18, vm0, $0xb8;
	[tilespmem:$0x1D300] =	vst v63  }
0xa64: {  	v56 =	vperm.xlane v17, v11;
	s8 =	simm.s32 $0x6380;
	v18 =	vadd.s32 v3, v55  }
0xa65: {  	[tilespmem:s8], [sflag:$0x2] =	stream.indirect_vreg.gather [hbm4b:s15+s5], $0x80, v19, vm0, $0xb8;
	[tilespmem:$0x1D300] =	vst v63  }
0xa66: {  	v57 =	vperm.xlane v17, v12;
	s23 =	simm.s32 $0x6400;
	v19 =	vadd.s32 v3, v56  }
0xa67: {  	[tilespmem:s23], [sflag:$0x2] =	stream.indirect_vreg.gather [hbm4b:s15+s5], $0x80, v54, vm0, $0xb8;
	[tilespmem:$0x1D300] =	vst v63  }
0xa68: {  	v59 =	vperm.xlane v17, v13;
	v58 =	vadd.s32 v3, v57;
	s8 =	simm.s32 $0x6480  }
0xa69: {  	[tilespmem:s8], [sflag:$0x2] =	stream.indirect_vreg.gather [hbm4b:s15+s5], $0x80, v18, vm0, $0xb8;
	[tilespmem:$0x1D300] =	vst v63  }
0xa6a: {  	v60 =	vperm.xlane v17, v14;
	s23 =	simm.s32 $0x6500;
	v18 =	vadd.s32 v3, v59  }
0xa6b: {  	[tilespmem:s23], [sflag:$0x2] =	stream.indirect_vreg.gather [hbm4b:s15+s5], $0x80, v19, vm0, $0xb8;
	[tilespmem:$0x1D300] =	vst v63  }
0xa6c: {  	v61 =	vperm.xlane v17, v15;
	s8 =	simm.s32 $0x6580;
	v19 =	vadd.s32 v3, v60  }
0xa6d: {  	[tilespmem:s8], [sflag:$0x2] =	stream.indirect_vreg.gather [hbm4b:s15+s5], $0x80, v58, vm0, $0xb8;
	[tilespmem:$0x1D300] =	vst v63  }
0xa6e: {  	v17 =	vperm.xlane v17, v16;
	v62 =	vadd.s32 v3, v61;
	s23 =	simm.s32 $0x6600  }
0xa6f: {  	[tilespmem:s23], [sflag:$0x2] =	stream.indirect_vreg.gather [hbm4b:s15+s5], $0x80, v18, vm0, $0xb8;
	[tilespmem:$0x1D300] =	vst v63  }
0xa70: {  	v17 =	vadd.s32 v3, v17;
	s8 =	simm.s32 $0x6680  }
0xa71: {  	[tilespmem:s8], [sflag:$0x2] =	stream.indirect_vreg.gather [hbm4b:s15+s5], $0x80, v19, vm0, $0xb8;
	[tilespmem:$0x1D300] =	vst v63  }
0xa72: {  	s23 =	simm.s32 $0x6700  }
0xa73: {  	[tilespmem:s23], [sflag:$0x2] =	stream.indirect_vreg.gather [hbm4b:s15+s5], $0x80, v62, vm0, $0xb8;
	[tilespmem:$0x1D300] =	vst v63  }
0xa74: {  	s8 =	simm.s32 $0x6780  }
0xa75: {  	[tilespmem:s8], [sflag:$0x2] =	stream.indirect_vreg.gather [hbm4b:s15+s5], $0x80, v17, vm0, $0xb8;
	[tilespmem:$0x1D300] =	vst v63  }
0xa76: {  	v17 =	vld [tilespmem:s19+$0x9B0];
	_ =	sdelay $0x4  }
0xa77: {  	v18 =	vshll.u32 v17, $0x1  }
0xa78: {  	v17 =	vand.u32 $0x7, v17;
	v18 =	vand.u32 $0xFFFFFFF0, v18  }
0xa79: {  	v17 =	vor.u32 v17, v18  }
0xa7a: {  	v18 =	vperm.xlane v17, v2;
	_ =	sdelay $0x1  }
0xa7b: {  	v19 =	vperm.xlane v17, v1;
	v18 =	vadd.s32 v3, v18;
	_ =	sdelay $0x1  }
0xa7c: {  	v63 =	vperm.xlane v17, v4;
	v19 =	vadd.s32 v3, v19;
	_ =	sdelay $0x1  }
0xa7d: {  	s23 =	simm.s32 $0x6800;
	v24 =	vperm.xlane v17, v5;
	v20 =	vadd.s32 v3, v63  }
0xa7e: {  	[tilespmem:s23], [sflag:$0x2] =	stream.indirect_vreg.gather [hbm4b:s15+s5], $0x80, v18, vm0, $0xb8;
	[tilespmem:$0x1D300] =	vst v63  }
0xa7f: {  	s8 =	simm.s32 $0x6880;
	v25 =	vperm.xlane v17, v6;
	v18 =	vadd.s32 v3, v24  }
0xa80: {  	[tilespmem:s8], [sflag:$0x2] =	stream.indirect_vreg.gather [hbm4b:s15+s5], $0x80, v19, vm0, $0xb8;
	[tilespmem:$0x1D300] =	vst v63  }
0xa81: {  	v26 =	vperm.xlane v17, v7;
	s23 =	simm.s32 $0x6900;
	v19 =	vadd.s32 v3, v25  }
0xa82: {  	[tilespmem:s23], [sflag:$0x2] =	stream.indirect_vreg.gather [hbm4b:s15+s5], $0x80, v20, vm0, $0xb8;
	[tilespmem:$0x1D300] =	vst v63  }
0xa83: {  	v28 =	vperm.xlane v17, v8;
	v27 =	vadd.s32 v3, v26;
	s8 =	simm.s32 $0x6980  }
0xa84: {  	[tilespmem:s8], [sflag:$0x2] =	stream.indirect_vreg.gather [hbm4b:s15+s5], $0x80, v18, vm0, $0xb8;
	[tilespmem:$0x1D300] =	vst v63  }
0xa85: {  	v29 =	vperm.xlane v17, v0;
	s23 =	simm.s32 $0x6A00;
	v18 =	vadd.s32 v3, v28  }
0xa86: {  	[tilespmem:s23], [sflag:$0x2] =	stream.indirect_vreg.gather [hbm4b:s15+s5], $0x80, v19, vm0, $0xb8;
	[tilespmem:$0x1D300] =	vst v63  }
0xa87: {  	v30 =	vperm.xlane v17, v9;
	s8 =	simm.s32 $0x6A80;
	v19 =	vadd.s32 v3, v29  }
0xa88: {  	[tilespmem:s8], [sflag:$0x2] =	stream.indirect_vreg.gather [hbm4b:s15+s5], $0x80, v27, vm0, $0xb8;
	[tilespmem:$0x1D300] =	vst v63  }
0xa89: {  	v32 =	vperm.xlane v17, v10;
	v31 =	vadd.s32 v3, v30;
	s23 =	simm.s32 $0x6B00  }
0xa8a: {  	[tilespmem:s23], [sflag:$0x2] =	stream.indirect_vreg.gather [hbm4b:s15+s5], $0x80, v18, vm0, $0xb8;
	[tilespmem:$0x1D300] =	vst v63  }
0xa8b: {  	v33 =	vperm.xlane v17, v11;
	s8 =	simm.s32 $0x6B80;
	v18 =	vadd.s32 v3, v32  }
0xa8c: {  	[tilespmem:s8], [sflag:$0x2] =	stream.indirect_vreg.gather [hbm4b:s15+s5], $0x80, v19, vm0, $0xb8;
	[tilespmem:$0x1D300] =	vst v63  }
0xa8d: {  	v34 =	vperm.xlane v17, v12;
	s23 =	simm.s32 $0x6C00;
	v19 =	vadd.s32 v3, v33  }
0xa8e: {  	[tilespmem:s23], [sflag:$0x2] =	stream.indirect_vreg.gather [hbm4b:s15+s5], $0x80, v31, vm0, $0xb8;
	[tilespmem:$0x1D300] =	vst v63  }
0xa8f: {  	v36 =	vperm.xlane v17, v13;
	v35 =	vadd.s32 v3, v34;
	s8 =	simm.s32 $0x6C80  }
0xa90: {  	[tilespmem:s8], [sflag:$0x2] =	stream.indirect_vreg.gather [hbm4b:s15+s5], $0x80, v18, vm0, $0xb8;
	[tilespmem:$0x1D300] =	vst v63  }
0xa91: {  	v37 =	vperm.xlane v17, v14;
	s23 =	simm.s32 $0x6D00;
	v18 =	vadd.s32 v3, v36  }
0xa92: {  	[tilespmem:s23], [sflag:$0x2] =	stream.indirect_vreg.gather [hbm4b:s15+s5], $0x80, v19, vm0, $0xb8;
	[tilespmem:$0x1D300] =	vst v63  }
0xa93: {  	v38 =	vperm.xlane v17, v15;
	s8 =	simm.s32 $0x6D80;
	v19 =	vadd.s32 v3, v37  }
0xa94: {  	[tilespmem:s8], [sflag:$0x2] =	stream.indirect_vreg.gather [hbm4b:s15+s5], $0x80, v35, vm0, $0xb8;
	[tilespmem:$0x1D300] =	vst v63  }
0xa95: {  	v17 =	vperm.xlane v17, v16;
	v39 =	vadd.s32 v3, v38;
	s23 =	simm.s32 $0x6E00  }
0xa96: {  	[tilespmem:s23], [sflag:$0x2] =	stream.indirect_vreg.gather [hbm4b:s15+s5], $0x80, v18, vm0, $0xb8;
	[tilespmem:$0x1D300] =	vst v63  }
0xa97: {  	v17 =	vadd.s32 v3, v17;
	s8 =	simm.s32 $0x6E80  }
0xa98: {  	[tilespmem:s8], [sflag:$0x2] =	stream.indirect_vreg.gather [hbm4b:s15+s5], $0x80, v19, vm0, $0xb8;
	[tilespmem:$0x1D300] =	vst v63  }
0xa99: {  	s23 =	simm.s32 $0x6F00  }
0xa9a: {  	[tilespmem:s23], [sflag:$0x2] =	stream.indirect_vreg.gather [hbm4b:s15+s5], $0x80, v39, vm0, $0xb8;
	[tilespmem:$0x1D300] =	vst v63  }
0xa9b: {  	s8 =	simm.s32 $0x6F80  }
0xa9c: {  	[tilespmem:s8], [sflag:$0x2] =	stream.indirect_vreg.gather [hbm4b:s15+s5], $0x80, v17, vm0, $0xb8;
	[tilespmem:$0x1D300] =	vst v63  }
0xa9d: {  	v17 =	vld [tilespmem:s19+$0x9C0];
	_ =	sdelay $0x4  }
0xa9e: {  	v18 =	vshll.u32 v17, $0x1  }
0xa9f: {  	v17 =	vand.u32 $0x7, v17;
	v18 =	vand.u32 $0xFFFFFFF0, v18  }
0xaa0: {  	v17 =	vor.u32 v17, v18  }
0xaa1: {  	v18 =	vperm.xlane v17, v2;
	_ =	sdelay $0x1  }
0xaa2: {  	v19 =	vperm.xlane v17, v1;
	v18 =	vadd.s32 v3, v18;
	_ =	sdelay $0x1  }
0xaa3: {  	v40 =	vperm.xlane v17, v4;
	v19 =	vadd.s32 v3, v19;
	_ =	sdelay $0x1  }
0xaa4: {  	s23 =	simm.s32 $0x7000;
	v41 =	vperm.xlane v17, v5;
	v20 =	vadd.s32 v3, v40  }
0xaa5: {  	[tilespmem:s23], [sflag:$0x2] =	stream.indirect_vreg.gather [hbm4b:s15+s5], $0x80, v18, vm0, $0xb8;
	[tilespmem:$0x1D300] =	vst v63  }
0xaa6: {  	s8 =	simm.s32 $0x7080;
	v42 =	vperm.xlane v17, v6;
	v18 =	vadd.s32 v3, v41  }
0xaa7: {  	[tilespmem:s8], [sflag:$0x2] =	stream.indirect_vreg.gather [hbm4b:s15+s5], $0x80, v19, vm0, $0xb8;
	[tilespmem:$0x1D300] =	vst v63  }
0xaa8: {  	v43 =	vperm.xlane v17, v7;
	s23 =	simm.s32 $0x7100;
	v19 =	vadd.s32 v3, v42  }
0xaa9: {  	[tilespmem:s23], [sflag:$0x2] =	stream.indirect_vreg.gather [hbm4b:s15+s5], $0x80, v20, vm0, $0xb8;
	[tilespmem:$0x1D300] =	vst v63  }
0xaaa: {  	v45 =	vperm.xlane v17, v8;
	v44 =	vadd.s32 v3, v43;
	s8 =	simm.s32 $0x7180  }
0xaab: {  	[tilespmem:s8], [sflag:$0x2] =	stream.indirect_vreg.gather [hbm4b:s15+s5], $0x80, v18, vm0, $0xb8;
	[tilespmem:$0x1D300] =	vst v63  }
0xaac: {  	v46 =	vperm.xlane v17, v0;
	s23 =	simm.s32 $0x7200;
	v18 =	vadd.s32 v3, v45  }
0xaad: {  	[tilespmem:s23], [sflag:$0x2] =	stream.indirect_vreg.gather [hbm4b:s15+s5], $0x80, v19, vm0, $0xb8;
	[tilespmem:$0x1D300] =	vst v63  }
0xaae: {  	v47 =	vperm.xlane v17, v9;
	s8 =	simm.s32 $0x7280;
	v19 =	vadd.s32 v3, v46  }
0xaaf: {  	[tilespmem:s8], [sflag:$0x2] =	stream.indirect_vreg.gather [hbm4b:s15+s5], $0x80, v44, vm0, $0xb8;
	[tilespmem:$0x1D300] =	vst v63  }
0xab0: {  	v49 =	vperm.xlane v17, v10;
	v48 =	vadd.s32 v3, v47;
	s23 =	simm.s32 $0x7300  }
0xab1: {  	[tilespmem:s23], [sflag:$0x2] =	stream.indirect_vreg.gather [hbm4b:s15+s5], $0x80, v18, vm0, $0xb8;
	[tilespmem:$0x1D300] =	vst v63  }
0xab2: {  	v50 =	vperm.xlane v17, v11;
	s8 =	simm.s32 $0x7380;
	v18 =	vadd.s32 v3, v49  }
0xab3: {  	[tilespmem:s8], [sflag:$0x2] =	stream.indirect_vreg.gather [hbm4b:s15+s5], $0x80, v19, vm0, $0xb8;
	[tilespmem:$0x1D300] =	vst v63  }
0xab4: {  	v51 =	vperm.xlane v17, v12;
	s23 =	simm.s32 $0x7400;
	v19 =	vadd.s32 v3, v50  }
0xab5: {  	[tilespmem:s23], [sflag:$0x2] =	stream.indirect_vreg.gather [hbm4b:s15+s5], $0x80, v48, vm0, $0xb8;
	[tilespmem:$0x1D300] =	vst v63  }
0xab6: {  	v53 =	vperm.xlane v17, v13;
	v52 =	vadd.s32 v3, v51;
	s8 =	simm.s32 $0x7480  }
0xab7: {  	[tilespmem:s8], [sflag:$0x2] =	stream.indirect_vreg.gather [hbm4b:s15+s5], $0x80, v18, vm0, $0xb8;
	[tilespmem:$0x1D300] =	vst v63  }
0xab8: {  	v54 =	vperm.xlane v17, v14;
	s23 =	simm.s32 $0x7500;
	v18 =	vadd.s32 v3, v53  }
0xab9: {  	[tilespmem:s23], [sflag:$0x2] =	stream.indirect_vreg.gather [hbm4b:s15+s5], $0x80, v19, vm0, $0xb8;
	[tilespmem:$0x1D300] =	vst v63  }
0xaba: {  	v55 =	vperm.xlane v17, v15;
	s8 =	simm.s32 $0x7580;
	v19 =	vadd.s32 v3, v54  }
0xabb: {  	[tilespmem:s8], [sflag:$0x2] =	stream.indirect_vreg.gather [hbm4b:s15+s5], $0x80, v52, vm0, $0xb8;
	[tilespmem:$0x1D300] =	vst v63  }
0xabc: {  	v17 =	vperm.xlane v17, v16;
	v56 =	vadd.s32 v3, v55;
	s23 =	simm.s32 $0x7600  }
0xabd: {  	[tilespmem:s23], [sflag:$0x2] =	stream.indirect_vreg.gather [hbm4b:s15+s5], $0x80, v18, vm0, $0xb8;
	[tilespmem:$0x1D300] =	vst v63  }
0xabe: {  	v17 =	vadd.s32 v3, v17;
	s8 =	simm.s32 $0x7680  }
0xabf: {  	[tilespmem:s8], [sflag:$0x2] =	stream.indirect_vreg.gather [hbm4b:s15+s5], $0x80, v19, vm0, $0xb8;
	[tilespmem:$0x1D300] =	vst v63  }
0xac0: {  	s23 =	simm.s32 $0x7700  }
0xac1: {  	[tilespmem:s23], [sflag:$0x2] =	stream.indirect_vreg.gather [hbm4b:s15+s5], $0x80, v56, vm0, $0xb8;
	[tilespmem:$0x1D300] =	vst v63  }
0xac2: {  	s8 =	simm.s32 $0x7780  }
0xac3: {  	[tilespmem:s8], [sflag:$0x2] =	stream.indirect_vreg.gather [hbm4b:s15+s5], $0x80, v17, vm0, $0xb8;
	[tilespmem:$0x1D300] =	vst v63  }
0xac4: {  	v17 =	vld [tilespmem:s19+$0x9D0];
	_ =	sdelay $0x4  }
0xac5: {  	v18 =	vshll.u32 v17, $0x1  }
0xac6: {  	v17 =	vand.u32 $0x7, v17;
	v18 =	vand.u32 $0xFFFFFFF0, v18  }
0xac7: {  	v17 =	vor.u32 v17, v18  }
0xac8: {  	v18 =	vperm.xlane v17, v2;
	_ =	sdelay $0x1  }
0xac9: {  	v19 =	vperm.xlane v17, v1;
	v18 =	vadd.s32 v3, v18;
	_ =	sdelay $0x1  }
0xaca: {  	v57 =	vperm.xlane v17, v4;
	v19 =	vadd.s32 v3, v19;
	_ =	sdelay $0x1  }
0xacb: {  	s23 =	simm.s32 $0x7800;
	v58 =	vperm.xlane v17, v5;
	v20 =	vadd.s32 v3, v57  }
0xacc: {  	[tilespmem:s23], [sflag:$0x2] =	stream.indirect_vreg.gather [hbm4b:s15+s5], $0x80, v18, vm0, $0xb8;
	[tilespmem:$0x1D300] =	vst v63  }
0xacd: {  	s8 =	simm.s32 $0x7880;
	v59 =	vperm.xlane v17, v6;
	v18 =	vadd.s32 v3, v58  }
0xace: {  	[tilespmem:s8], [sflag:$0x2] =	stream.indirect_vreg.gather [hbm4b:s15+s5], $0x80, v19, vm0, $0xb8;
	[tilespmem:$0x1D300] =	vst v63  }
0xacf: {  	v60 =	vperm.xlane v17, v7;
	s23 =	simm.s32 $0x7900;
	v19 =	vadd.s32 v3, v59  }
0xad0: {  	[tilespmem:s23], [sflag:$0x2] =	stream.indirect_vreg.gather [hbm4b:s15+s5], $0x80, v20, vm0, $0xb8;
	[tilespmem:$0x1D300] =	vst v63  }
0xad1: {  	v62 =	vperm.xlane v17, v8;
	v61 =	vadd.s32 v3, v60;
	s8 =	simm.s32 $0x7980  }
0xad2: {  	[tilespmem:s8], [sflag:$0x2] =	stream.indirect_vreg.gather [hbm4b:s15+s5], $0x80, v18, vm0, $0xb8;
	[tilespmem:$0x1D300] =	vst v63  }
0xad3: {  	v63 =	vperm.xlane v17, v0;
	s23 =	simm.s32 $0x7A00;
	v18 =	vadd.s32 v3, v62  }
0xad4: {  	[tilespmem:s23], [sflag:$0x2] =	stream.indirect_vreg.gather [hbm4b:s15+s5], $0x80, v19, vm0, $0xb8;
	[tilespmem:$0x1D300] =	vst v63  }
0xad5: {  	v24 =	vperm.xlane v17, v9;
	s8 =	simm.s32 $0x7A80;
	v19 =	vadd.s32 v3, v63  }
0xad6: {  	[tilespmem:s8], [sflag:$0x2] =	stream.indirect_vreg.gather [hbm4b:s15+s5], $0x80, v61, vm0, $0xb8;
	[tilespmem:$0x1D300] =	vst v63  }
0xad7: {  	v26 =	vperm.xlane v17, v10;
	v25 =	vadd.s32 v3, v24;
	s23 =	simm.s32 $0x7B00  }
0xad8: {  	[tilespmem:s23], [sflag:$0x2] =	stream.indirect_vreg.gather [hbm4b:s15+s5], $0x80, v18, vm0, $0xb8;
	[tilespmem:$0x1D300] =	vst v63  }
0xad9: {  	v27 =	vperm.xlane v17, v11;
	s8 =	simm.s32 $0x7B80;
	v18 =	vadd.s32 v3, v26  }
0xada: {  	[tilespmem:s8], [sflag:$0x2] =	stream.indirect_vreg.gather [hbm4b:s15+s5], $0x80, v19, vm0, $0xb8;
	[tilespmem:$0x1D300] =	vst v63  }
0xadb: {  	v28 =	vperm.xlane v17, v12;
	s23 =	simm.s32 $0x7C00;
	v19 =	vadd.s32 v3, v27  }
0xadc: {  	[tilespmem:s23], [sflag:$0x2] =	stream.indirect_vreg.gather [hbm4b:s15+s5], $0x80, v25, vm0, $0xb8;
	[tilespmem:$0x1D300] =	vst v63  }
0xadd: {  	v30 =	vperm.xlane v17, v13;
	v29 =	vadd.s32 v3, v28;
	s8 =	simm.s32 $0x7C80  }
0xade: {  	[tilespmem:s8], [sflag:$0x2] =	stream.indirect_vreg.gather [hbm4b:s15+s5], $0x80, v18, vm0, $0xb8;
	[tilespmem:$0x1D300] =	vst v63  }
0xadf: {  	v31 =	vperm.xlane v17, v14;
	s23 =	simm.s32 $0x7D00;
	v18 =	vadd.s32 v3, v30  }
0xae0: {  	[tilespmem:s23], [sflag:$0x2] =	stream.indirect_vreg.gather [hbm4b:s15+s5], $0x80, v19, vm0, $0xb8;
	[tilespmem:$0x1D300] =	vst v63  }
0xae1: {  	v32 =	vperm.xlane v17, v15;
	s8 =	simm.s32 $0x7D80;
	v19 =	vadd.s32 v3, v31  }
0xae2: {  	[tilespmem:s8], [sflag:$0x2] =	stream.indirect_vreg.gather [hbm4b:s15+s5], $0x80, v29, vm0, $0xb8;
	[tilespmem:$0x1D300] =	vst v63  }
0xae3: {  	v17 =	vperm.xlane v17, v16;
	v33 =	vadd.s32 v3, v32;
	s23 =	simm.s32 $0x7E00  }
0xae4: {  	[tilespmem:s23], [sflag:$0x2] =	stream.indirect_vreg.gather [hbm4b:s15+s5], $0x80, v18, vm0, $0xb8;
	[tilespmem:$0x1D300] =	vst v63  }
0xae5: {  	v17 =	vadd.s32 v3, v17;
	s8 =	simm.s32 $0x7E80  }
0xae6: {  	[tilespmem:s8], [sflag:$0x2] =	stream.indirect_vreg.gather [hbm4b:s15+s5], $0x80, v19, vm0, $0xb8;
	[tilespmem:$0x1D300] =	vst v63  }
0xae7: {  	s23 =	simm.s32 $0x7F00  }
0xae8: {  	[tilespmem:s23], [sflag:$0x2] =	stream.indirect_vreg.gather [hbm4b:s15+s5], $0x80, v33, vm0, $0xb8;
	[tilespmem:$0x1D300] =	vst v63  }
0xae9: {  	s8 =	simm.s32 $0x7F80  }
0xaea: {  	[tilespmem:s8], [sflag:$0x2] =	stream.indirect_vreg.gather [hbm4b:s15+s5], $0x80, v17, vm0, $0xb8;
	[tilespmem:$0x1D300] =	vst v63  }
0xaeb: {  	v17 =	vld [tilespmem:s19+$0x9E0];
	_ =	sdelay $0x4  }
0xaec: {  	v18 =	vshll.u32 v17, $0x1  }
0xaed: {  	v17 =	vand.u32 $0x7, v17;
	v18 =	vand.u32 $0xFFFFFFF0, v18  }
0xaee: {  	v17 =	vor.u32 v17, v18  }
0xaef: {  	v18 =	vperm.xlane v17, v2;
	_ =	sdelay $0x1  }
0xaf0: {  	v19 =	vperm.xlane v17, v1;
	v18 =	vadd.s32 v3, v18;
	_ =	sdelay $0x1  }
0xaf1: {  	v34 =	vperm.xlane v17, v4;
	v19 =	vadd.s32 v3, v19;
	_ =	sdelay $0x1  }
0xaf2: {  	s23 =	simm.s32 $0x8000;
	v35 =	vperm.xlane v17, v5;
	v20 =	vadd.s32 v3, v34  }
0xaf3: {  	[tilespmem:s23], [sflag:$0x2] =	stream.indirect_vreg.gather [hbm4b:s15+s5], $0x80, v18, vm0, $0xb8;
	[tilespmem:$0x1D300] =	vst v63  }
0xaf4: {  	s8 =	simm.s32 $0x8080;
	v36 =	vperm.xlane v17, v6;
	v18 =	vadd.s32 v3, v35  }
0xaf5: {  	[tilespmem:s8], [sflag:$0x2] =	stream.indirect_vreg.gather [hbm4b:s15+s5], $0x80, v19, vm0, $0xb8;
	[tilespmem:$0x1D300] =	vst v63  }
0xaf6: {  	v37 =	vperm.xlane v17, v7;
	s23 =	simm.s32 $0x8100;
	v19 =	vadd.s32 v3, v36  }
0xaf7: {  	[tilespmem:s23], [sflag:$0x2] =	stream.indirect_vreg.gather [hbm4b:s15+s5], $0x80, v20, vm0, $0xb8;
	[tilespmem:$0x1D300] =	vst v63  }
0xaf8: {  	v39 =	vperm.xlane v17, v8;
	v38 =	vadd.s32 v3, v37;
	s8 =	simm.s32 $0x8180  }
0xaf9: {  	[tilespmem:s8], [sflag:$0x2] =	stream.indirect_vreg.gather [hbm4b:s15+s5], $0x80, v18, vm0, $0xb8;
	[tilespmem:$0x1D300] =	vst v63  }
0xafa: {  	v40 =	vperm.xlane v17, v0;
	s23 =	simm.s32 $0x8200;
	v18 =	vadd.s32 v3, v39  }
0xafb: {  	[tilespmem:s23], [sflag:$0x2] =	stream.indirect_vreg.gather [hbm4b:s15+s5], $0x80, v19, vm0, $0xb8;
	[tilespmem:$0x1D300] =	vst v63  }
0xafc: {  	v41 =	vperm.xlane v17, v9;
	s8 =	simm.s32 $0x8280;
	v19 =	vadd.s32 v3, v40  }
0xafd: {  	[tilespmem:s8], [sflag:$0x2] =	stream.indirect_vreg.gather [hbm4b:s15+s5], $0x80, v38, vm0, $0xb8;
	[tilespmem:$0x1D300] =	vst v63  }
0xafe: {  	v43 =	vperm.xlane v17, v10;
	v42 =	vadd.s32 v3, v41;
	s23 =	simm.s32 $0x8300  }
0xaff: {  	[tilespmem:s23], [sflag:$0x2] =	stream.indirect_vreg.gather [hbm4b:s15+s5], $0x80, v18, vm0, $0xb8;
	[tilespmem:$0x1D300] =	vst v63  }
0xb00: {  	v44 =	vperm.xlane v17, v11;
	s8 =	simm.s32 $0x8380;
	v18 =	vadd.s32 v3, v43  }
0xb01: {  	[tilespmem:s8], [sflag:$0x2] =	stream.indirect_vreg.gather [hbm4b:s15+s5], $0x80, v19, vm0, $0xb8;
	[tilespmem:$0x1D300] =	vst v63  }
0xb02: {  	v45 =	vperm.xlane v17, v12;
	s23 =	simm.s32 $0x8400;
	v19 =	vadd.s32 v3, v44  }
0xb03: {  	[tilespmem:s23], [sflag:$0x2] =	stream.indirect_vreg.gather [hbm4b:s15+s5], $0x80, v42, vm0, $0xb8;
	[tilespmem:$0x1D300] =	vst v63  }
0xb04: {  	v47 =	vperm.xlane v17, v13;
	v46 =	vadd.s32 v3, v45;
	s8 =	simm.s32 $0x8480  }
0xb05: {  	[tilespmem:s8], [sflag:$0x2] =	stream.indirect_vreg.gather [hbm4b:s15+s5], $0x80, v18, vm0, $0xb8;
	[tilespmem:$0x1D300] =	vst v63  }
0xb06: {  	v48 =	vperm.xlane v17, v14;
	s23 =	simm.s32 $0x8500;
	v18 =	vadd.s32 v3, v47  }
0xb07: {  	[tilespmem:s23], [sflag:$0x2] =	stream.indirect_vreg.gather [hbm4b:s15+s5], $0x80, v19, vm0, $0xb8;
	[tilespmem:$0x1D300] =	vst v63  }
0xb08: {  	v49 =	vperm.xlane v17, v15;
	s8 =	simm.s32 $0x8580;
	v19 =	vadd.s32 v3, v48  }
0xb09: {  	[tilespmem:s8], [sflag:$0x2] =	stream.indirect_vreg.gather [hbm4b:s15+s5], $0x80, v46, vm0, $0xb8;
	[tilespmem:$0x1D300] =	vst v63  }
0xb0a: {  	v17 =	vperm.xlane v17, v16;
	v50 =	vadd.s32 v3, v49;
	s23 =	simm.s32 $0x8600  }
0xb0b: {  	[tilespmem:s23], [sflag:$0x2] =	stream.indirect_vreg.gather [hbm4b:s15+s5], $0x80, v18, vm0, $0xb8;
	[tilespmem:$0x1D300] =	vst v63  }
0xb0c: {  	v17 =	vadd.s32 v3, v17;
	s8 =	simm.s32 $0x8680  }
0xb0d: {  	[tilespmem:s8], [sflag:$0x2] =	stream.indirect_vreg.gather [hbm4b:s15+s5], $0x80, v19, vm0, $0xb8;
	[tilespmem:$0x1D300] =	vst v63  }
0xb0e: {  	s23 =	simm.s32 $0x8700  }
0xb0f: {  	[tilespmem:s23], [sflag:$0x2] =	stream.indirect_vreg.gather [hbm4b:s15+s5], $0x80, v50, vm0, $0xb8;
	[tilespmem:$0x1D300] =	vst v63  }
0xb10: {  	_ = 	snop  }
0xb11: {  	[tilespmem:s25], [sflag:$0x2] =	stream.indirect_vreg.gather [hbm4b:s15+s5], $0x80, v17, vm0, $0xb8;
	[tilespmem:$0x1D300] =	vst v63  }
0xb12: {  	v17 =	vld.msk [tilespmem:s19+$0x9F0], $0x1fff;
	_ =	sdelay $0x4  }
0xb13: {  	v18 =	vshll.u32 v17, $0x1  }
0xb14: {  	v17 =	vand.u32 $0x7, v17;
	v18 =	vand.u32 $0xFFFFFFF0, v18  }
0xb15: {  	v17 =	vor.u32 v17, v18  }
0xb16: {  	v18 =	vperm.xlane v17, v2;
	_ =	sdelay $0x1  }
0xb17: {  	v19 =	vperm.xlane v17, v1;
	v18 =	vadd.s32 v3, v18;
	_ =	sdelay $0x1  }
0xb18: {  	v51 =	vperm.xlane v17, v4;
	v19 =	vadd.s32 v3, v19;
	_ =	sdelay $0x1  }
0xb19: {  	v52 =	vperm.xlane v17, v5;
	v20 =	vadd.s32 v3, v51  }
0xb1a: {  	[tilespmem:s26], [sflag:$0x2] =	stream.indirect_vreg.gather [hbm4b:s15+s5], $0x80, v18, vm0, $0xb8;
	[tilespmem:$0x1D300] =	vst v63  }
0xb1b: {  	v53 =	vperm.xlane v17, v6;
	v18 =	vadd.s32 v3, v52  }
0xb1c: {  	[tilespmem:s28], [sflag:$0x2] =	stream.indirect_vreg.gather [hbm4b:s15+s5], $0x80, v19, vm0, $0xb8;
	[tilespmem:$0x1D300] =	vst v63  }
0xb1d: {  	v54 =	vperm.xlane v17, v7;
	v19 =	vadd.s32 v3, v53  }
0xb1e: {  	[tilespmem:s6], [sflag:$0x2] =	stream.indirect_vreg.gather [hbm4b:s15+s5], $0x80, v20, vm0, $0xb8;
	[tilespmem:$0x1D300] =	vst v63  }
0xb1f: {  	v56 =	vperm.xlane v17, v8;
	v55 =	vadd.s32 v3, v54  }
0xb20: {  	[tilespmem:s13], [sflag:$0x2] =	stream.indirect_vreg.gather [hbm4b:s15+s5], $0x80, v18, vm0, $0xb8;
	[tilespmem:$0x1D300] =	vst v63  }
0xb21: {  	v57 =	vperm.xlane v17, v0;
	v18 =	vadd.s32 v3, v56  }
0xb22: {  	[tilespmem:s21], [sflag:$0x2] =	stream.indirect_vreg.gather [hbm4b:s15+s5], $0x80, v19, vm0, $0xb8;
	[tilespmem:$0x1D300] =	vst v63  }
0xb23: {  	v58 =	vperm.xlane v17, v9;
	v19 =	vadd.s32 v3, v57  }
0xb24: {  	[tilespmem:s1], [sflag:$0x2] =	stream.indirect_vreg.gather [hbm4b:s15+s5], $0x80, v55, vm0, $0xb8;
	[tilespmem:$0x1D300] =	vst v63  }
0xb25: {  	v60 =	vperm.xlane v17, v10;
	v59 =	vadd.s32 v3, v58  }
0xb26: {  	[tilespmem:s20], [sflag:$0x2] =	stream.indirect_vreg.gather [hbm4b:s15+s5], $0x80, v18, vm0, $0xb8;
	[tilespmem:$0x1D300] =	vst v63  }
0xb27: {  	v61 =	vperm.xlane v17, v11;
	v18 =	vadd.s32 v3, v60  }
0xb28: {  	[tilespmem:s16], [sflag:$0x2] =	stream.indirect_vreg.gather [hbm4b:s15+s5], $0x80, v19, vm0, $0xb8;
	[tilespmem:$0x1D300] =	vst v63  }
0xb29: {  	v62 =	vperm.xlane v17, v12;
	v19 =	vadd.s32 v3, v61  }
0xb2a: {  	[tilespmem:s14], [sflag:$0x2] =	stream.indirect_vreg.gather [hbm4b:s15+s5], $0x80, v59, vm0, $0xb8;
	[tilespmem:$0x1D300] =	vst v63  }
0xb2b: {  	v17 =	vperm.xlane v17, v13;
	v63 =	vadd.s32 v3, v62  }
0xb2c: {  	[tilespmem:s10], [sflag:$0x2] =	stream.indirect_vreg.gather [hbm4b:s15+s5], $0x80, v18, vm0, $0xb8;
	[tilespmem:$0x1D300] =	vst v63  }
0xb2d: {  	v17 =	vadd.s32 v3, v17  }
0xb2e: {  	[tilespmem:s12], [sflag:$0x2] =	stream.indirect_vreg.gather [hbm4b:s15+s5], $0x80, v19, vm0, $0xb8;
	[tilespmem:$0x1D300] =	vst v63  }
0xb2f: {  	_ = 	snop  }
0xb30: {  	[tilespmem:s11], [sflag:$0x2] =	stream.indirect_vreg.gather [hbm4b:s15+s5], $0x80, v63, vm0, $0xb8;
	[tilespmem:$0x1D300] =	vst v63  }
0xb31: {  	_ = 	snop  }
0xb32: {  	[tilespmem:s29], [sflag:$0x2] =	stream.indirect_vreg.gather [hbm4b:s15+s5], $0x80, v17, vm0, $0xb8;
	[tilespmem:$0x1D300] =	vst v63  }
.LBB2_19:
.Ltmp17:
0xb33: {  	(pc) =	sbr.rel @!p5 .LBB2_21-.Ltmp17, $1  }
0xb34: {  	_ =	sdelay $0x3  }
0xb35: {  	_ =	swait.ge [sflag:s9], $0x400  }
0xb36: {  	[sflag:s9] =	ssyncset.done $0x0  }
0xb37: {  	[sflag:s9] =	ssyncadd.s32 $0xFFFFFC00  }
0xb38: {  	v17 =	vld [tilespmem:$0x80];
	_ =	sdelay $0x4  }
0xb39: {  	v18 =	vshll.u32 v17, $0x1  }
0xb3a: {  	v17 =	vand.u32 $0x7, v17;
	v18 =	vand.u32 $0xFFFFFFF0, v18  }
0xb3b: {  	v17 =	vor.u32 v17, v18  }
0xb3c: {  	v18 =	vperm.xlane v17, v2;
	_ =	sdelay $0x1  }
0xb3d: {  	v19 =	vperm.xlane v17, v1;
	v18 =	vadd.s32 v3, v18;
	_ =	sdelay $0x1  }
0xb3e: {  	v20 =	vperm.xlane v17, v4;
	v19 =	vadd.s32 v3, v19;
	_ =	sdelay $0x1  }
0xb3f: {  	v21 =	vperm.xlane v17, v5;
	v20 =	vadd.s32 v3, v20  }
0xb40: {  	[tilespmem:s7], [sflag:$0x2] =	stream.indirect_vreg.gather [hbm4b:s15+s5], $0x80, v18, vm0, $0xb8;
	[tilespmem:$0x1D300] =	vst v63  }
0xb41: {  	s2 =	simm.s32 $0x5080;
	v54 =	vperm.xlane v17, v6;
	v18 =	vadd.s32 v3, v21  }
0xb42: {  	[tilespmem:s2], [sflag:$0x2] =	stream.indirect_vreg.gather [hbm4b:s15+s5], $0x80, v19, vm0, $0xb8;
	[tilespmem:$0x1D300] =	vst v63  }
0xb43: {  	s23 =	simm.s32 $0x5100;
	v55 =	vperm.xlane v17, v7;
	v19 =	vadd.s32 v3, v54  }
0xb44: {  	[tilespmem:s23], [sflag:$0x2] =	stream.indirect_vreg.gather [hbm4b:s15+s5], $0x80, v20, vm0, $0xb8;
	[tilespmem:$0x1D300] =	vst v63  }
0xb45: {  	s8 =	simm.s32 $0x5180;
	v57 =	vperm.xlane v17, v8;
	v56 =	vadd.s32 v3, v55  }
0xb46: {  	[tilespmem:s8], [sflag:$0x2] =	stream.indirect_vreg.gather [hbm4b:s15+s5], $0x80, v18, vm0, $0xb8;
	[tilespmem:$0x1D300] =	vst v63  }
0xb47: {  	s19 =	simm.s32 $0x5200;
	v58 =	vperm.xlane v17, v0;
	v18 =	vadd.s32 v3, v57  }
0xb48: {  	[tilespmem:s19], [sflag:$0x2] =	stream.indirect_vreg.gather [hbm4b:s15+s5], $0x80, v19, vm0, $0xb8;
	[tilespmem:$0x1D300] =	vst v63  }
0xb49: {  	v59 =	vperm.xlane v17, v9;
	s23 =	simm.s32 $0x5280;
	v19 =	vadd.s32 v3, v58  }
0xb4a: {  	[tilespmem:s23], [sflag:$0x2] =	stream.indirect_vreg.gather [hbm4b:s15+s5], $0x80, v56, vm0, $0xb8;
	[tilespmem:$0x1D300] =	vst v63  }
0xb4b: {  	v61 =	vperm.xlane v17, v10;
	v60 =	vadd.s32 v3, v59;
	s8 =	simm.s32 $0x5300  }
0xb4c: {  	[tilespmem:s8], [sflag:$0x2] =	stream.indirect_vreg.gather [hbm4b:s15+s5], $0x80, v18, vm0, $0xb8;
	[tilespmem:$0x1D300] =	vst v63  }
0xb4d: {  	v62 =	vperm.xlane v17, v11;
	s19 =	simm.s32 $0x5380;
	v18 =	vadd.s32 v3, v61  }
0xb4e: {  	[tilespmem:s19], [sflag:$0x2] =	stream.indirect_vreg.gather [hbm4b:s15+s5], $0x80, v19, vm0, $0xb8;
	[tilespmem:$0x1D300] =	vst v63  }
0xb4f: {  	v63 =	vperm.xlane v17, v12;
	s23 =	simm.s32 $0x5400;
	v19 =	vadd.s32 v3, v62  }
0xb50: {  	[tilespmem:s23], [sflag:$0x2] =	stream.indirect_vreg.gather [hbm4b:s15+s5], $0x80, v60, vm0, $0xb8;
	[tilespmem:$0x1D300] =	vst v63  }
0xb51: {  	v25 =	vperm.xlane v17, v13;
	v24 =	vadd.s32 v3, v63;
	s8 =	simm.s32 $0x5480  }
0xb52: {  	[tilespmem:s8], [sflag:$0x2] =	stream.indirect_vreg.gather [hbm4b:s15+s5], $0x80, v18, vm0, $0xb8;
	[tilespmem:$0x1D300] =	vst v63  }
0xb53: {  	v26 =	vperm.xlane v17, v14;
	s19 =	simm.s32 $0x5500;
	v18 =	vadd.s32 v3, v25  }
0xb54: {  	[tilespmem:s19], [sflag:$0x2] =	stream.indirect_vreg.gather [hbm4b:s15+s5], $0x80, v19, vm0, $0xb8;
	[tilespmem:$0x1D300] =	vst v63  }
0xb55: {  	v27 =	vperm.xlane v17, v15;
	s23 =	simm.s32 $0x5580;
	v19 =	vadd.s32 v3, v26  }
0xb56: {  	[tilespmem:s23], [sflag:$0x2] =	stream.indirect_vreg.gather [hbm4b:s15+s5], $0x80, v24, vm0, $0xb8;
	[tilespmem:$0x1D300] =	vst v63  }
0xb57: {  	v17 =	vperm.xlane v17, v16;
	v28 =	vadd.s32 v3, v27;
	s8 =	simm.s32 $0x5600  }
0xb58: {  	[tilespmem:s8], [sflag:$0x2] =	stream.indirect_vreg.gather [hbm4b:s15+s5], $0x80, v18, vm0, $0xb8;
	[tilespmem:$0x1D300] =	vst v63  }
0xb59: {  	v17 =	vadd.s32 v3, v17;
	s19 =	simm.s32 $0x5680  }
0xb5a: {  	[tilespmem:s19], [sflag:$0x2] =	stream.indirect_vreg.gather [hbm4b:s15+s5], $0x80, v19, vm0, $0xb8;
	[tilespmem:$0x1D300] =	vst v63  }
0xb5b: {  	s23 =	simm.s32 $0x5700  }
0xb5c: {  	[tilespmem:s23], [sflag:$0x2] =	stream.indirect_vreg.gather [hbm4b:s15+s5], $0x80, v28, vm0, $0xb8;
	[tilespmem:$0x1D300] =	vst v63  }
0xb5d: {  	s8 =	simm.s32 $0x5780  }
0xb5e: {  	[tilespmem:s8], [sflag:$0x2] =	stream.indirect_vreg.gather [hbm4b:s15+s5], $0x80, v17, vm0, $0xb8;
	[tilespmem:$0x1D300] =	vst v63  }
0xb5f: {  	v17 =	vld [tilespmem:$0x90];
	_ =	sdelay $0x4  }
0xb60: {  	v18 =	vshll.u32 v17, $0x1  }
0xb61: {  	v17 =	vand.u32 $0x7, v17;
	v18 =	vand.u32 $0xFFFFFFF0, v18  }
0xb62: {  	v17 =	vor.u32 v17, v18  }
0xb63: {  	v18 =	vperm.xlane v17, v2;
	_ =	sdelay $0x1  }
0xb64: {  	v19 =	vperm.xlane v17, v1;
	v18 =	vadd.s32 v3, v18;
	_ =	sdelay $0x1  }
0xb65: {  	v29 =	vperm.xlane v17, v4;
	v19 =	vadd.s32 v3, v19;
	_ =	sdelay $0x1  }
0xb66: {  	s19 =	simm.s32 $0x5800;
	v30 =	vperm.xlane v17, v5;
	v20 =	vadd.s32 v3, v29  }
0xb67: {  	[tilespmem:s19], [sflag:$0x2] =	stream.indirect_vreg.gather [hbm4b:s15+s5], $0x80, v18, vm0, $0xb8;
	[tilespmem:$0x1D300] =	vst v63  }
0xb68: {  	s23 =	simm.s32 $0x5880;
	v31 =	vperm.xlane v17, v6;
	v18 =	vadd.s32 v3, v30  }
0xb69: {  	[tilespmem:s23], [sflag:$0x2] =	stream.indirect_vreg.gather [hbm4b:s15+s5], $0x80, v19, vm0, $0xb8;
	[tilespmem:$0x1D300] =	vst v63  }
0xb6a: {  	s8 =	simm.s32 $0x5900;
	v32 =	vperm.xlane v17, v7;
	v19 =	vadd.s32 v3, v31  }
0xb6b: {  	[tilespmem:s8], [sflag:$0x2] =	stream.indirect_vreg.gather [hbm4b:s15+s5], $0x80, v20, vm0, $0xb8;
	[tilespmem:$0x1D300] =	vst v63  }
0xb6c: {  	v34 =	vperm.xlane v17, v8;
	v33 =	vadd.s32 v3, v32;
	s19 =	simm.s32 $0x5980  }
0xb6d: {  	[tilespmem:s19], [sflag:$0x2] =	stream.indirect_vreg.gather [hbm4b:s15+s5], $0x80, v18, vm0, $0xb8;
	[tilespmem:$0x1D300] =	vst v63  }
0xb6e: {  	v35 =	vperm.xlane v17, v0;
	s23 =	simm.s32 $0x5A00;
	v18 =	vadd.s32 v3, v34  }
0xb6f: {  	[tilespmem:s23], [sflag:$0x2] =	stream.indirect_vreg.gather [hbm4b:s15+s5], $0x80, v19, vm0, $0xb8;
	[tilespmem:$0x1D300] =	vst v63  }
0xb70: {  	v36 =	vperm.xlane v17, v9;
	s8 =	simm.s32 $0x5A80;
	v19 =	vadd.s32 v3, v35  }
0xb71: {  	[tilespmem:s8], [sflag:$0x2] =	stream.indirect_vreg.gather [hbm4b:s15+s5], $0x80, v33, vm0, $0xb8;
	[tilespmem:$0x1D300] =	vst v63  }
0xb72: {  	v38 =	vperm.xlane v17, v10;
	v37 =	vadd.s32 v3, v36;
	s19 =	simm.s32 $0x5B00  }
0xb73: {  	[tilespmem:s19], [sflag:$0x2] =	stream.indirect_vreg.gather [hbm4b:s15+s5], $0x80, v18, vm0, $0xb8;
	[tilespmem:$0x1D300] =	vst v63  }
0xb74: {  	v39 =	vperm.xlane v17, v11;
	s23 =	simm.s32 $0x5B80;
	v18 =	vadd.s32 v3, v38  }
0xb75: {  	[tilespmem:s23], [sflag:$0x2] =	stream.indirect_vreg.gather [hbm4b:s15+s5], $0x80, v19, vm0, $0xb8;
	[tilespmem:$0x1D300] =	vst v63  }
0xb76: {  	v40 =	vperm.xlane v17, v12;
	s8 =	simm.s32 $0x5C00;
	v19 =	vadd.s32 v3, v39  }
0xb77: {  	[tilespmem:s8], [sflag:$0x2] =	stream.indirect_vreg.gather [hbm4b:s15+s5], $0x80, v37, vm0, $0xb8;
	[tilespmem:$0x1D300] =	vst v63  }
0xb78: {  	v42 =	vperm.xlane v17, v13;
	v41 =	vadd.s32 v3, v40;
	s19 =	simm.s32 $0x5C80  }
0xb79: {  	[tilespmem:s19], [sflag:$0x2] =	stream.indirect_vreg.gather [hbm4b:s15+s5], $0x80, v18, vm0, $0xb8;
	[tilespmem:$0x1D300] =	vst v63  }
0xb7a: {  	v43 =	vperm.xlane v17, v14;
	s23 =	simm.s32 $0x5D00;
	v18 =	vadd.s32 v3, v42  }
0xb7b: {  	[tilespmem:s23], [sflag:$0x2] =	stream.indirect_vreg.gather [hbm4b:s15+s5], $0x80, v19, vm0, $0xb8;
	[tilespmem:$0x1D300] =	vst v63  }
0xb7c: {  	v44 =	vperm.xlane v17, v15;
	s8 =	simm.s32 $0x5D80;
	v19 =	vadd.s32 v3, v43  }
0xb7d: {  	[tilespmem:s8], [sflag:$0x2] =	stream.indirect_vreg.gather [hbm4b:s15+s5], $0x80, v41, vm0, $0xb8;
	[tilespmem:$0x1D300] =	vst v63  }
0xb7e: {  	v17 =	vperm.xlane v17, v16;
	v45 =	vadd.s32 v3, v44;
	s19 =	simm.s32 $0x5E00  }
0xb7f: {  	[tilespmem:s19], [sflag:$0x2] =	stream.indirect_vreg.gather [hbm4b:s15+s5], $0x80, v18, vm0, $0xb8;
	[tilespmem:$0x1D300] =	vst v63  }
0xb80: {  	v17 =	vadd.s32 v3, v17;
	s23 =	simm.s32 $0x5E80  }
0xb81: {  	[tilespmem:s23], [sflag:$0x2] =	stream.indirect_vreg.gather [hbm4b:s15+s5], $0x80, v19, vm0, $0xb8;
	[tilespmem:$0x1D300] =	vst v63  }
0xb82: {  	s8 =	simm.s32 $0x5F00  }
0xb83: {  	[tilespmem:s8], [sflag:$0x2] =	stream.indirect_vreg.gather [hbm4b:s15+s5], $0x80, v45, vm0, $0xb8;
	[tilespmem:$0x1D300] =	vst v63  }
0xb84: {  	s19 =	simm.s32 $0x5F80  }
0xb85: {  	[tilespmem:s19], [sflag:$0x2] =	stream.indirect_vreg.gather [hbm4b:s15+s5], $0x80, v17, vm0, $0xb8;
	[tilespmem:$0x1D300] =	vst v63  }
0xb86: {  	v17 =	vld [tilespmem:$0xA0];
	_ =	sdelay $0x4  }
0xb87: {  	v18 =	vshll.u32 v17, $0x1  }
0xb88: {  	v17 =	vand.u32 $0x7, v17;
	v18 =	vand.u32 $0xFFFFFFF0, v18  }
0xb89: {  	v17 =	vor.u32 v17, v18  }
0xb8a: {  	v18 =	vperm.xlane v17, v2;
	_ =	sdelay $0x1  }
0xb8b: {  	v19 =	vperm.xlane v17, v1;
	v18 =	vadd.s32 v3, v18;
	_ =	sdelay $0x1  }
0xb8c: {  	v46 =	vperm.xlane v17, v4;
	v19 =	vadd.s32 v3, v19;
	_ =	sdelay $0x1  }
0xb8d: {  	s23 =	simm.s32 $0x6000;
	v47 =	vperm.xlane v17, v5;
	v20 =	vadd.s32 v3, v46  }
0xb8e: {  	[tilespmem:s23], [sflag:$0x2] =	stream.indirect_vreg.gather [hbm4b:s15+s5], $0x80, v18, vm0, $0xb8;
	[tilespmem:$0x1D300] =	vst v63  }
0xb8f: {  	s8 =	simm.s32 $0x6080;
	v48 =	vperm.xlane v17, v6;
	v18 =	vadd.s32 v3, v47  }
0xb90: {  	[tilespmem:s8], [sflag:$0x2] =	stream.indirect_vreg.gather [hbm4b:s15+s5], $0x80, v19, vm0, $0xb8;
	[tilespmem:$0x1D300] =	vst v63  }
0xb91: {  	s19 =	simm.s32 $0x6100;
	v49 =	vperm.xlane v17, v7;
	v19 =	vadd.s32 v3, v48  }
0xb92: {  	[tilespmem:s19], [sflag:$0x2] =	stream.indirect_vreg.gather [hbm4b:s15+s5], $0x80, v20, vm0, $0xb8;
	[tilespmem:$0x1D300] =	vst v63  }
0xb93: {  	v51 =	vperm.xlane v17, v8;
	v50 =	vadd.s32 v3, v49;
	s23 =	simm.s32 $0x6180  }
0xb94: {  	[tilespmem:s23], [sflag:$0x2] =	stream.indirect_vreg.gather [hbm4b:s15+s5], $0x80, v18, vm0, $0xb8;
	[tilespmem:$0x1D300] =	vst v63  }
0xb95: {  	v52 =	vperm.xlane v17, v0;
	s8 =	simm.s32 $0x6200;
	v18 =	vadd.s32 v3, v51  }
0xb96: {  	[tilespmem:s8], [sflag:$0x2] =	stream.indirect_vreg.gather [hbm4b:s15+s5], $0x80, v19, vm0, $0xb8;
	[tilespmem:$0x1D300] =	vst v63  }
0xb97: {  	v53 =	vperm.xlane v17, v9;
	s19 =	simm.s32 $0x6280;
	v19 =	vadd.s32 v3, v52  }
0xb98: {  	[tilespmem:s19], [sflag:$0x2] =	stream.indirect_vreg.gather [hbm4b:s15+s5], $0x80, v50, vm0, $0xb8;
	[tilespmem:$0x1D300] =	vst v63  }
0xb99: {  	v55 =	vperm.xlane v17, v10;
	v54 =	vadd.s32 v3, v53;
	s23 =	simm.s32 $0x6300  }
0xb9a: {  	[tilespmem:s23], [sflag:$0x2] =	stream.indirect_vreg.gather [hbm4b:s15+s5], $0x80, v18, vm0, $0xb8;
	[tilespmem:$0x1D300] =	vst v63  }
0xb9b: {  	v56 =	vperm.xlane v17, v11;
	s8 =	simm.s32 $0x6380;
	v18 =	vadd.s32 v3, v55  }
0xb9c: {  	[tilespmem:s8], [sflag:$0x2] =	stream.indirect_vreg.gather [hbm4b:s15+s5], $0x80, v19, vm0, $0xb8;
	[tilespmem:$0x1D300] =	vst v63  }
0xb9d: {  	v57 =	vperm.xlane v17, v12;
	s19 =	simm.s32 $0x6400;
	v19 =	vadd.s32 v3, v56  }
0xb9e: {  	[tilespmem:s19], [sflag:$0x2] =	stream.indirect_vreg.gather [hbm4b:s15+s5], $0x80, v54, vm0, $0xb8;
	[tilespmem:$0x1D300] =	vst v63  }
0xb9f: {  	v59 =	vperm.xlane v17, v13;
	v58 =	vadd.s32 v3, v57;
	s23 =	simm.s32 $0x6480  }
0xba0: {  	[tilespmem:s23], [sflag:$0x2] =	stream.indirect_vreg.gather [hbm4b:s15+s5], $0x80, v18, vm0, $0xb8;
	[tilespmem:$0x1D300] =	vst v63  }
0xba1: {  	v60 =	vperm.xlane v17, v14;
	s8 =	simm.s32 $0x6500;
	v18 =	vadd.s32 v3, v59  }
0xba2: {  	[tilespmem:s8], [sflag:$0x2] =	stream.indirect_vreg.gather [hbm4b:s15+s5], $0x80, v19, vm0, $0xb8;
	[tilespmem:$0x1D300] =	vst v63  }
0xba3: {  	v61 =	vperm.xlane v17, v15;
	s19 =	simm.s32 $0x6580;
	v19 =	vadd.s32 v3, v60  }
0xba4: {  	[tilespmem:s19], [sflag:$0x2] =	stream.indirect_vreg.gather [hbm4b:s15+s5], $0x80, v58, vm0, $0xb8;
	[tilespmem:$0x1D300] =	vst v63  }
0xba5: {  	v17 =	vperm.xlane v17, v16;
	v62 =	vadd.s32 v3, v61;
	s23 =	simm.s32 $0x6600  }
0xba6: {  	[tilespmem:s23], [sflag:$0x2] =	stream.indirect_vreg.gather [hbm4b:s15+s5], $0x80, v18, vm0, $0xb8;
	[tilespmem:$0x1D300] =	vst v63  }
0xba7: {  	v17 =	vadd.s32 v3, v17;
	s8 =	simm.s32 $0x6680  }
0xba8: {  	[tilespmem:s8], [sflag:$0x2] =	stream.indirect_vreg.gather [hbm4b:s15+s5], $0x80, v19, vm0, $0xb8;
	[tilespmem:$0x1D300] =	vst v63  }
0xba9: {  	s19 =	simm.s32 $0x6700  }
0xbaa: {  	[tilespmem:s19], [sflag:$0x2] =	stream.indirect_vreg.gather [hbm4b:s15+s5], $0x80, v62, vm0, $0xb8;
	[tilespmem:$0x1D300] =	vst v63  }
0xbab: {  	s23 =	simm.s32 $0x6780  }
0xbac: {  	[tilespmem:s23], [sflag:$0x2] =	stream.indirect_vreg.gather [hbm4b:s15+s5], $0x80, v17, vm0, $0xb8;
	[tilespmem:$0x1D300] =	vst v63  }
0xbad: {  	v17 =	vld [tilespmem:$0xB0];
	_ =	sdelay $0x4  }
0xbae: {  	v18 =	vshll.u32 v17, $0x1  }
0xbaf: {  	v17 =	vand.u32 $0x7, v17;
	v18 =	vand.u32 $0xFFFFFFF0, v18  }
0xbb0: {  	v17 =	vor.u32 v17, v18  }
0xbb1: {  	v18 =	vperm.xlane v17, v2;
	_ =	sdelay $0x1  }
0xbb2: {  	v19 =	vperm.xlane v17, v1;
	v18 =	vadd.s32 v3, v18;
	_ =	sdelay $0x1  }
0xbb3: {  	v63 =	vperm.xlane v17, v4;
	v19 =	vadd.s32 v3, v19;
	_ =	sdelay $0x1  }
0xbb4: {  	s8 =	simm.s32 $0x6800;
	v24 =	vperm.xlane v17, v5;
	v20 =	vadd.s32 v3, v63  }
0xbb5: {  	[tilespmem:s8], [sflag:$0x2] =	stream.indirect_vreg.gather [hbm4b:s15+s5], $0x80, v18, vm0, $0xb8;
	[tilespmem:$0x1D300] =	vst v63  }
0xbb6: {  	s19 =	simm.s32 $0x6880;
	v25 =	vperm.xlane v17, v6;
	v18 =	vadd.s32 v3, v24  }
0xbb7: {  	[tilespmem:s19], [sflag:$0x2] =	stream.indirect_vreg.gather [hbm4b:s15+s5], $0x80, v19, vm0, $0xb8;
	[tilespmem:$0x1D300] =	vst v63  }
0xbb8: {  	s23 =	simm.s32 $0x6900;
	v26 =	vperm.xlane v17, v7;
	v19 =	vadd.s32 v3, v25  }
0xbb9: {  	[tilespmem:s23], [sflag:$0x2] =	stream.indirect_vreg.gather [hbm4b:s15+s5], $0x80, v20, vm0, $0xb8;
	[tilespmem:$0x1D300] =	vst v63  }
0xbba: {  	v28 =	vperm.xlane v17, v8;
	v27 =	vadd.s32 v3, v26;
	s8 =	simm.s32 $0x6980  }
0xbbb: {  	[tilespmem:s8], [sflag:$0x2] =	stream.indirect_vreg.gather [hbm4b:s15+s5], $0x80, v18, vm0, $0xb8;
	[tilespmem:$0x1D300] =	vst v63  }
0xbbc: {  	v29 =	vperm.xlane v17, v0;
	s19 =	simm.s32 $0x6A00;
	v18 =	vadd.s32 v3, v28  }
0xbbd: {  	[tilespmem:s19], [sflag:$0x2] =	stream.indirect_vreg.gather [hbm4b:s15+s5], $0x80, v19, vm0, $0xb8;
	[tilespmem:$0x1D300] =	vst v63  }
0xbbe: {  	v30 =	vperm.xlane v17, v9;
	s23 =	simm.s32 $0x6A80;
	v19 =	vadd.s32 v3, v29  }
0xbbf: {  	[tilespmem:s23], [sflag:$0x2] =	stream.indirect_vreg.gather [hbm4b:s15+s5], $0x80, v27, vm0, $0xb8;
	[tilespmem:$0x1D300] =	vst v63  }
0xbc0: {  	v32 =	vperm.xlane v17, v10;
	v31 =	vadd.s32 v3, v30;
	s8 =	simm.s32 $0x6B00  }
0xbc1: {  	[tilespmem:s8], [sflag:$0x2] =	stream.indirect_vreg.gather [hbm4b:s15+s5], $0x80, v18, vm0, $0xb8;
	[tilespmem:$0x1D300] =	vst v63  }
0xbc2: {  	v33 =	vperm.xlane v17, v11;
	s19 =	simm.s32 $0x6B80;
	v18 =	vadd.s32 v3, v32  }
0xbc3: {  	[tilespmem:s19], [sflag:$0x2] =	stream.indirect_vreg.gather [hbm4b:s15+s5], $0x80, v19, vm0, $0xb8;
	[tilespmem:$0x1D300] =	vst v63  }
0xbc4: {  	v34 =	vperm.xlane v17, v12;
	s23 =	simm.s32 $0x6C00;
	v19 =	vadd.s32 v3, v33  }
0xbc5: {  	[tilespmem:s23], [sflag:$0x2] =	stream.indirect_vreg.gather [hbm4b:s15+s5], $0x80, v31, vm0, $0xb8;
	[tilespmem:$0x1D300] =	vst v63  }
0xbc6: {  	v36 =	vperm.xlane v17, v13;
	v35 =	vadd.s32 v3, v34;
	s8 =	simm.s32 $0x6C80  }
0xbc7: {  	[tilespmem:s8], [sflag:$0x2] =	stream.indirect_vreg.gather [hbm4b:s15+s5], $0x80, v18, vm0, $0xb8;
	[tilespmem:$0x1D300] =	vst v63  }
0xbc8: {  	v37 =	vperm.xlane v17, v14;
	s19 =	simm.s32 $0x6D00;
	v18 =	vadd.s32 v3, v36  }
0xbc9: {  	[tilespmem:s19], [sflag:$0x2] =	stream.indirect_vreg.gather [hbm4b:s15+s5], $0x80, v19, vm0, $0xb8;
	[tilespmem:$0x1D300] =	vst v63  }
0xbca: {  	v38 =	vperm.xlane v17, v15;
	s23 =	simm.s32 $0x6D80;
	v19 =	vadd.s32 v3, v37  }
0xbcb: {  	[tilespmem:s23], [sflag:$0x2] =	stream.indirect_vreg.gather [hbm4b:s15+s5], $0x80, v35, vm0, $0xb8;
	[tilespmem:$0x1D300] =	vst v63  }
0xbcc: {  	v17 =	vperm.xlane v17, v16;
	v39 =	vadd.s32 v3, v38;
	s8 =	simm.s32 $0x6E00  }
0xbcd: {  	[tilespmem:s8], [sflag:$0x2] =	stream.indirect_vreg.gather [hbm4b:s15+s5], $0x80, v18, vm0, $0xb8;
	[tilespmem:$0x1D300] =	vst v63  }
0xbce: {  	v17 =	vadd.s32 v3, v17;
	s19 =	simm.s32 $0x6E80  }
0xbcf: {  	[tilespmem:s19], [sflag:$0x2] =	stream.indirect_vreg.gather [hbm4b:s15+s5], $0x80, v19, vm0, $0xb8;
	[tilespmem:$0x1D300] =	vst v63  }
0xbd0: {  	s23 =	simm.s32 $0x6F00  }
0xbd1: {  	[tilespmem:s23], [sflag:$0x2] =	stream.indirect_vreg.gather [hbm4b:s15+s5], $0x80, v39, vm0, $0xb8;
	[tilespmem:$0x1D300] =	vst v63  }
0xbd2: {  	s8 =	simm.s32 $0x6F80  }
0xbd3: {  	[tilespmem:s8], [sflag:$0x2] =	stream.indirect_vreg.gather [hbm4b:s15+s5], $0x80, v17, vm0, $0xb8;
	[tilespmem:$0x1D300] =	vst v63  }
0xbd4: {  	v17 =	vld [tilespmem:$0xC0];
	_ =	sdelay $0x4  }
0xbd5: {  	v18 =	vshll.u32 v17, $0x1  }
0xbd6: {  	v17 =	vand.u32 $0x7, v17;
	v18 =	vand.u32 $0xFFFFFFF0, v18  }
0xbd7: {  	v17 =	vor.u32 v17, v18  }
0xbd8: {  	v18 =	vperm.xlane v17, v2;
	_ =	sdelay $0x1  }
0xbd9: {  	v19 =	vperm.xlane v17, v1;
	v18 =	vadd.s32 v3, v18;
	_ =	sdelay $0x1  }
0xbda: {  	v40 =	vperm.xlane v17, v4;
	v19 =	vadd.s32 v3, v19;
	_ =	sdelay $0x1  }
0xbdb: {  	s19 =	simm.s32 $0x7000;
	v41 =	vperm.xlane v17, v5;
	v20 =	vadd.s32 v3, v40  }
0xbdc: {  	[tilespmem:s19], [sflag:$0x2] =	stream.indirect_vreg.gather [hbm4b:s15+s5], $0x80, v18, vm0, $0xb8;
	[tilespmem:$0x1D300] =	vst v63  }
0xbdd: {  	s23 =	simm.s32 $0x7080;
	v42 =	vperm.xlane v17, v6;
	v18 =	vadd.s32 v3, v41  }
0xbde: {  	[tilespmem:s23], [sflag:$0x2] =	stream.indirect_vreg.gather [hbm4b:s15+s5], $0x80, v19, vm0, $0xb8;
	[tilespmem:$0x1D300] =	vst v63  }
0xbdf: {  	s8 =	simm.s32 $0x7100;
	v43 =	vperm.xlane v17, v7;
	v19 =	vadd.s32 v3, v42  }
0xbe0: {  	[tilespmem:s8], [sflag:$0x2] =	stream.indirect_vreg.gather [hbm4b:s15+s5], $0x80, v20, vm0, $0xb8;
	[tilespmem:$0x1D300] =	vst v63  }
0xbe1: {  	v45 =	vperm.xlane v17, v8;
	v44 =	vadd.s32 v3, v43;
	s19 =	simm.s32 $0x7180  }
0xbe2: {  	[tilespmem:s19], [sflag:$0x2] =	stream.indirect_vreg.gather [hbm4b:s15+s5], $0x80, v18, vm0, $0xb8;
	[tilespmem:$0x1D300] =	vst v63  }
0xbe3: {  	v46 =	vperm.xlane v17, v0;
	s23 =	simm.s32 $0x7200;
	v18 =	vadd.s32 v3, v45  }
0xbe4: {  	[tilespmem:s23], [sflag:$0x2] =	stream.indirect_vreg.gather [hbm4b:s15+s5], $0x80, v19, vm0, $0xb8;
	[tilespmem:$0x1D300] =	vst v63  }
0xbe5: {  	v47 =	vperm.xlane v17, v9;
	s8 =	simm.s32 $0x7280;
	v19 =	vadd.s32 v3, v46  }
0xbe6: {  	[tilespmem:s8], [sflag:$0x2] =	stream.indirect_vreg.gather [hbm4b:s15+s5], $0x80, v44, vm0, $0xb8;
	[tilespmem:$0x1D300] =	vst v63  }
0xbe7: {  	v49 =	vperm.xlane v17, v10;
	v48 =	vadd.s32 v3, v47;
	s19 =	simm.s32 $0x7300  }
0xbe8: {  	[tilespmem:s19], [sflag:$0x2] =	stream.indirect_vreg.gather [hbm4b:s15+s5], $0x80, v18, vm0, $0xb8;
	[tilespmem:$0x1D300] =	vst v63  }
0xbe9: {  	v50 =	vperm.xlane v17, v11;
	s23 =	simm.s32 $0x7380;
	v18 =	vadd.s32 v3, v49  }
0xbea: {  	[tilespmem:s23], [sflag:$0x2] =	stream.indirect_vreg.gather [hbm4b:s15+s5], $0x80, v19, vm0, $0xb8;
	[tilespmem:$0x1D300] =	vst v63  }
0xbeb: {  	v51 =	vperm.xlane v17, v12;
	s8 =	simm.s32 $0x7400;
	v19 =	vadd.s32 v3, v50  }
0xbec: {  	[tilespmem:s8], [sflag:$0x2] =	stream.indirect_vreg.gather [hbm4b:s15+s5], $0x80, v48, vm0, $0xb8;
	[tilespmem:$0x1D300] =	vst v63  }
0xbed: {  	v53 =	vperm.xlane v17, v13;
	v52 =	vadd.s32 v3, v51;
	s19 =	simm.s32 $0x7480  }
0xbee: {  	[tilespmem:s19], [sflag:$0x2] =	stream.indirect_vreg.gather [hbm4b:s15+s5], $0x80, v18, vm0, $0xb8;
	[tilespmem:$0x1D300] =	vst v63  }
0xbef: {  	v54 =	vperm.xlane v17, v14;
	s23 =	simm.s32 $0x7500;
	v18 =	vadd.s32 v3, v53  }
0xbf0: {  	[tilespmem:s23], [sflag:$0x2] =	stream.indirect_vreg.gather [hbm4b:s15+s5], $0x80, v19, vm0, $0xb8;
	[tilespmem:$0x1D300] =	vst v63  }
0xbf1: {  	v55 =	vperm.xlane v17, v15;
	s8 =	simm.s32 $0x7580;
	v19 =	vadd.s32 v3, v54  }
0xbf2: {  	[tilespmem:s8], [sflag:$0x2] =	stream.indirect_vreg.gather [hbm4b:s15+s5], $0x80, v52, vm0, $0xb8;
	[tilespmem:$0x1D300] =	vst v63  }
0xbf3: {  	v17 =	vperm.xlane v17, v16;
	v56 =	vadd.s32 v3, v55;
	s19 =	simm.s32 $0x7600  }
0xbf4: {  	[tilespmem:s19], [sflag:$0x2] =	stream.indirect_vreg.gather [hbm4b:s15+s5], $0x80, v18, vm0, $0xb8;
	[tilespmem:$0x1D300] =	vst v63  }
0xbf5: {  	v17 =	vadd.s32 v3, v17;
	s23 =	simm.s32 $0x7680  }
0xbf6: {  	[tilespmem:s23], [sflag:$0x2] =	stream.indirect_vreg.gather [hbm4b:s15+s5], $0x80, v19, vm0, $0xb8;
	[tilespmem:$0x1D300] =	vst v63  }
0xbf7: {  	s8 =	simm.s32 $0x7700  }
0xbf8: {  	[tilespmem:s8], [sflag:$0x2] =	stream.indirect_vreg.gather [hbm4b:s15+s5], $0x80, v56, vm0, $0xb8;
	[tilespmem:$0x1D300] =	vst v63  }
0xbf9: {  	s19 =	simm.s32 $0x7780  }
0xbfa: {  	[tilespmem:s19], [sflag:$0x2] =	stream.indirect_vreg.gather [hbm4b:s15+s5], $0x80, v17, vm0, $0xb8;
	[tilespmem:$0x1D300] =	vst v63  }
0xbfb: {  	v17 =	vld [tilespmem:$0xD0];
	_ =	sdelay $0x4  }
0xbfc: {  	v18 =	vshll.u32 v17, $0x1  }
0xbfd: {  	v17 =	vand.u32 $0x7, v17;
	v18 =	vand.u32 $0xFFFFFFF0, v18  }
0xbfe: {  	v17 =	vor.u32 v17, v18  }
0xbff: {  	v18 =	vperm.xlane v17, v2;
	_ =	sdelay $0x1  }
0xc00: {  	v19 =	vperm.xlane v17, v1;
	v18 =	vadd.s32 v3, v18;
	_ =	sdelay $0x1  }
0xc01: {  	v57 =	vperm.xlane v17, v4;
	v19 =	vadd.s32 v3, v19;
	_ =	sdelay $0x1  }
0xc02: {  	s23 =	simm.s32 $0x7800;
	v58 =	vperm.xlane v17, v5;
	v20 =	vadd.s32 v3, v57  }
0xc03: {  	[tilespmem:s23], [sflag:$0x2] =	stream.indirect_vreg.gather [hbm4b:s15+s5], $0x80, v18, vm0, $0xb8;
	[tilespmem:$0x1D300] =	vst v63  }
0xc04: {  	s8 =	simm.s32 $0x7880;
	v59 =	vperm.xlane v17, v6;
	v18 =	vadd.s32 v3, v58  }
0xc05: {  	[tilespmem:s8], [sflag:$0x2] =	stream.indirect_vreg.gather [hbm4b:s15+s5], $0x80, v19, vm0, $0xb8;
	[tilespmem:$0x1D300] =	vst v63  }
0xc06: {  	s19 =	simm.s32 $0x7900;
	v60 =	vperm.xlane v17, v7;
	v19 =	vadd.s32 v3, v59  }
0xc07: {  	[tilespmem:s19], [sflag:$0x2] =	stream.indirect_vreg.gather [hbm4b:s15+s5], $0x80, v20, vm0, $0xb8;
	[tilespmem:$0x1D300] =	vst v63  }
0xc08: {  	v62 =	vperm.xlane v17, v8;
	v61 =	vadd.s32 v3, v60;
	s23 =	simm.s32 $0x7980  }
0xc09: {  	[tilespmem:s23], [sflag:$0x2] =	stream.indirect_vreg.gather [hbm4b:s15+s5], $0x80, v18, vm0, $0xb8;
	[tilespmem:$0x1D300] =	vst v63  }
0xc0a: {  	v63 =	vperm.xlane v17, v0;
	s8 =	simm.s32 $0x7A00;
	v18 =	vadd.s32 v3, v62  }
0xc0b: {  	[tilespmem:s8], [sflag:$0x2] =	stream.indirect_vreg.gather [hbm4b:s15+s5], $0x80, v19, vm0, $0xb8;
	[tilespmem:$0x1D300] =	vst v63  }
0xc0c: {  	v24 =	vperm.xlane v17, v9;
	s19 =	simm.s32 $0x7A80;
	v19 =	vadd.s32 v3, v63  }
0xc0d: {  	[tilespmem:s19], [sflag:$0x2] =	stream.indirect_vreg.gather [hbm4b:s15+s5], $0x80, v61, vm0, $0xb8;
	[tilespmem:$0x1D300] =	vst v63  }
0xc0e: {  	v26 =	vperm.xlane v17, v10;
	v25 =	vadd.s32 v3, v24;
	s23 =	simm.s32 $0x7B00  }
0xc0f: {  	[tilespmem:s23], [sflag:$0x2] =	stream.indirect_vreg.gather [hbm4b:s15+s5], $0x80, v18, vm0, $0xb8;
	[tilespmem:$0x1D300] =	vst v63  }
0xc10: {  	v27 =	vperm.xlane v17, v11;
	s8 =	simm.s32 $0x7B80;
	v18 =	vadd.s32 v3, v26  }
0xc11: {  	[tilespmem:s8], [sflag:$0x2] =	stream.indirect_vreg.gather [hbm4b:s15+s5], $0x80, v19, vm0, $0xb8;
	[tilespmem:$0x1D300] =	vst v63  }
0xc12: {  	v28 =	vperm.xlane v17, v12;
	s19 =	simm.s32 $0x7C00;
	v19 =	vadd.s32 v3, v27  }
0xc13: {  	[tilespmem:s19], [sflag:$0x2] =	stream.indirect_vreg.gather [hbm4b:s15+s5], $0x80, v25, vm0, $0xb8;
	[tilespmem:$0x1D300] =	vst v63  }
0xc14: {  	v30 =	vperm.xlane v17, v13;
	v29 =	vadd.s32 v3, v28;
	s23 =	simm.s32 $0x7C80  }
0xc15: {  	[tilespmem:s23], [sflag:$0x2] =	stream.indirect_vreg.gather [hbm4b:s15+s5], $0x80, v18, vm0, $0xb8;
	[tilespmem:$0x1D300] =	vst v63  }
0xc16: {  	v31 =	vperm.xlane v17, v14;
	s8 =	simm.s32 $0x7D00;
	v18 =	vadd.s32 v3, v30  }
0xc17: {  	[tilespmem:s8], [sflag:$0x2] =	stream.indirect_vreg.gather [hbm4b:s15+s5], $0x80, v19, vm0, $0xb8;
	[tilespmem:$0x1D300] =	vst v63  }
0xc18: {  	v32 =	vperm.xlane v17, v15;
	s19 =	simm.s32 $0x7D80;
	v19 =	vadd.s32 v3, v31  }
0xc19: {  	[tilespmem:s19], [sflag:$0x2] =	stream.indirect_vreg.gather [hbm4b:s15+s5], $0x80, v29, vm0, $0xb8;
	[tilespmem:$0x1D300] =	vst v63  }
0xc1a: {  	v17 =	vperm.xlane v17, v16;
	v33 =	vadd.s32 v3, v32;
	s23 =	simm.s32 $0x7E00  }
0xc1b: {  	[tilespmem:s23], [sflag:$0x2] =	stream.indirect_vreg.gather [hbm4b:s15+s5], $0x80, v18, vm0, $0xb8;
	[tilespmem:$0x1D300] =	vst v63  }
0xc1c: {  	v17 =	vadd.s32 v3, v17;
	s8 =	simm.s32 $0x7E80  }
0xc1d: {  	[tilespmem:s8], [sflag:$0x2] =	stream.indirect_vreg.gather [hbm4b:s15+s5], $0x80, v19, vm0, $0xb8;
	[tilespmem:$0x1D300] =	vst v63  }
0xc1e: {  	s19 =	simm.s32 $0x7F00  }
0xc1f: {  	[tilespmem:s19], [sflag:$0x2] =	stream.indirect_vreg.gather [hbm4b:s15+s5], $0x80, v33, vm0, $0xb8;
	[tilespmem:$0x1D300] =	vst v63  }
0xc20: {  	s23 =	simm.s32 $0x7F80  }
0xc21: {  	[tilespmem:s23], [sflag:$0x2] =	stream.indirect_vreg.gather [hbm4b:s15+s5], $0x80, v17, vm0, $0xb8;
	[tilespmem:$0x1D300] =	vst v63  }
0xc22: {  	v17 =	vld [tilespmem:$0xE0];
	_ =	sdelay $0x4  }
0xc23: {  	v18 =	vshll.u32 v17, $0x1  }
0xc24: {  	v17 =	vand.u32 $0x7, v17;
	v18 =	vand.u32 $0xFFFFFFF0, v18  }
0xc25: {  	v17 =	vor.u32 v17, v18  }
0xc26: {  	v18 =	vperm.xlane v17, v2;
	_ =	sdelay $0x1  }
0xc27: {  	v19 =	vperm.xlane v17, v1;
	v18 =	vadd.s32 v3, v18;
	_ =	sdelay $0x1  }
0xc28: {  	v34 =	vperm.xlane v17, v4;
	v19 =	vadd.s32 v3, v19;
	_ =	sdelay $0x1  }
0xc29: {  	s8 =	simm.s32 $0x8000;
	v35 =	vperm.xlane v17, v5;
	v20 =	vadd.s32 v3, v34  }
0xc2a: {  	[tilespmem:s8], [sflag:$0x2] =	stream.indirect_vreg.gather [hbm4b:s15+s5], $0x80, v18, vm0, $0xb8;
	[tilespmem:$0x1D300] =	vst v63  }
0xc2b: {  	s19 =	simm.s32 $0x8080;
	v36 =	vperm.xlane v17, v6;
	v18 =	vadd.s32 v3, v35  }
0xc2c: {  	[tilespmem:s19], [sflag:$0x2] =	stream.indirect_vreg.gather [hbm4b:s15+s5], $0x80, v19, vm0, $0xb8;
	[tilespmem:$0x1D300] =	vst v63  }
0xc2d: {  	s23 =	simm.s32 $0x8100;
	v37 =	vperm.xlane v17, v7;
	v19 =	vadd.s32 v3, v36  }
0xc2e: {  	[tilespmem:s23], [sflag:$0x2] =	stream.indirect_vreg.gather [hbm4b:s15+s5], $0x80, v20, vm0, $0xb8;
	[tilespmem:$0x1D300] =	vst v63  }
0xc2f: {  	v39 =	vperm.xlane v17, v8;
	v38 =	vadd.s32 v3, v37;
	s8 =	simm.s32 $0x8180  }
0xc30: {  	[tilespmem:s8], [sflag:$0x2] =	stream.indirect_vreg.gather [hbm4b:s15+s5], $0x80, v18, vm0, $0xb8;
	[tilespmem:$0x1D300] =	vst v63  }
0xc31: {  	v40 =	vperm.xlane v17, v0;
	s19 =	simm.s32 $0x8200;
	v18 =	vadd.s32 v3, v39  }
0xc32: {  	[tilespmem:s19], [sflag:$0x2] =	stream.indirect_vreg.gather [hbm4b:s15+s5], $0x80, v19, vm0, $0xb8;
	[tilespmem:$0x1D300] =	vst v63  }
0xc33: {  	v41 =	vperm.xlane v17, v9;
	s23 =	simm.s32 $0x8280;
	v19 =	vadd.s32 v3, v40  }
0xc34: {  	[tilespmem:s23], [sflag:$0x2] =	stream.indirect_vreg.gather [hbm4b:s15+s5], $0x80, v38, vm0, $0xb8;
	[tilespmem:$0x1D300] =	vst v63  }
0xc35: {  	v43 =	vperm.xlane v17, v10;
	v42 =	vadd.s32 v3, v41;
	s8 =	simm.s32 $0x8300  }
0xc36: {  	[tilespmem:s8], [sflag:$0x2] =	stream.indirect_vreg.gather [hbm4b:s15+s5], $0x80, v18, vm0, $0xb8;
	[tilespmem:$0x1D300] =	vst v63  }
0xc37: {  	v44 =	vperm.xlane v17, v11;
	s19 =	simm.s32 $0x8380;
	v18 =	vadd.s32 v3, v43  }
0xc38: {  	[tilespmem:s19], [sflag:$0x2] =	stream.indirect_vreg.gather [hbm4b:s15+s5], $0x80, v19, vm0, $0xb8;
	[tilespmem:$0x1D300] =	vst v63  }
0xc39: {  	v45 =	vperm.xlane v17, v12;
	s23 =	simm.s32 $0x8400;
	v19 =	vadd.s32 v3, v44  }
0xc3a: {  	[tilespmem:s23], [sflag:$0x2] =	stream.indirect_vreg.gather [hbm4b:s15+s5], $0x80, v42, vm0, $0xb8;
	[tilespmem:$0x1D300] =	vst v63  }
0xc3b: {  	v47 =	vperm.xlane v17, v13;
	v46 =	vadd.s32 v3, v45;
	s8 =	simm.s32 $0x8480  }
0xc3c: {  	[tilespmem:s8], [sflag:$0x2] =	stream.indirect_vreg.gather [hbm4b:s15+s5], $0x80, v18, vm0, $0xb8;
	[tilespmem:$0x1D300] =	vst v63  }
0xc3d: {  	v48 =	vperm.xlane v17, v14;
	s19 =	simm.s32 $0x8500;
	v18 =	vadd.s32 v3, v47  }
0xc3e: {  	[tilespmem:s19], [sflag:$0x2] =	stream.indirect_vreg.gather [hbm4b:s15+s5], $0x80, v19, vm0, $0xb8;
	[tilespmem:$0x1D300] =	vst v63  }
0xc3f: {  	v49 =	vperm.xlane v17, v15;
	s23 =	simm.s32 $0x8580;
	v19 =	vadd.s32 v3, v48  }
0xc40: {  	[tilespmem:s23], [sflag:$0x2] =	stream.indirect_vreg.gather [hbm4b:s15+s5], $0x80, v46, vm0, $0xb8;
	[tilespmem:$0x1D300] =	vst v63  }
0xc41: {  	v17 =	vperm.xlane v17, v16;
	v50 =	vadd.s32 v3, v49;
	s8 =	simm.s32 $0x8600  }
0xc42: {  	[tilespmem:s8], [sflag:$0x2] =	stream.indirect_vreg.gather [hbm4b:s15+s5], $0x80, v18, vm0, $0xb8;
	[tilespmem:$0x1D300] =	vst v63  }
0xc43: {  	v17 =	vadd.s32 v3, v17;
	s19 =	simm.s32 $0x8680  }
0xc44: {  	[tilespmem:s19], [sflag:$0x2] =	stream.indirect_vreg.gather [hbm4b:s15+s5], $0x80, v19, vm0, $0xb8;
	[tilespmem:$0x1D300] =	vst v63  }
0xc45: {  	s23 =	simm.s32 $0x8700  }
0xc46: {  	[tilespmem:s23], [sflag:$0x2] =	stream.indirect_vreg.gather [hbm4b:s15+s5], $0x80, v50, vm0, $0xb8;
	[tilespmem:$0x1D300] =	vst v63  }
0xc47: {  	_ = 	snop  }
0xc48: {  	[tilespmem:s25], [sflag:$0x2] =	stream.indirect_vreg.gather [hbm4b:s15+s5], $0x80, v17, vm0, $0xb8;
	[tilespmem:$0x1D300] =	vst v63  }
0xc49: {  	v17 =	vld.msk [tilespmem:$0xF0], $0x1fff;
	_ =	sdelay $0x4  }
0xc4a: {  	v18 =	vshll.u32 v17, $0x1  }
0xc4b: {  	v17 =	vand.u32 $0x7, v17;
	v18 =	vand.u32 $0xFFFFFFF0, v18  }
0xc4c: {  	v17 =	vor.u32 v17, v18  }
0xc4d: {  	v18 =	vperm.xlane v17, v2;
	_ =	sdelay $0x1  }
0xc4e: {  	v19 =	vperm.xlane v17, v1;
	v18 =	vadd.s32 v3, v18;
	_ =	sdelay $0x1  }
0xc4f: {  	v51 =	vperm.xlane v17, v4;
	v19 =	vadd.s32 v3, v19;
	_ =	sdelay $0x1  }
0xc50: {  	v52 =	vperm.xlane v17, v5;
	v20 =	vadd.s32 v3, v51  }
0xc51: {  	[tilespmem:s26], [sflag:$0x2] =	stream.indirect_vreg.gather [hbm4b:s15+s5], $0x80, v18, vm0, $0xb8;
	[tilespmem:$0x1D300] =	vst v63  }
0xc52: {  	v53 =	vperm.xlane v17, v6;
	v18 =	vadd.s32 v3, v52  }
0xc53: {  	[tilespmem:s28], [sflag:$0x2] =	stream.indirect_vreg.gather [hbm4b:s15+s5], $0x80, v19, vm0, $0xb8;
	[tilespmem:$0x1D300] =	vst v63  }
0xc54: {  	v54 =	vperm.xlane v17, v7;
	v19 =	vadd.s32 v3, v53  }
0xc55: {  	[tilespmem:s6], [sflag:$0x2] =	stream.indirect_vreg.gather [hbm4b:s15+s5], $0x80, v20, vm0, $0xb8;
	[tilespmem:$0x1D300] =	vst v63  }
0xc56: {  	v56 =	vperm.xlane v17, v8;
	v55 =	vadd.s32 v3, v54  }
0xc57: {  	[tilespmem:s13], [sflag:$0x2] =	stream.indirect_vreg.gather [hbm4b:s15+s5], $0x80, v18, vm0, $0xb8;
	[tilespmem:$0x1D300] =	vst v63  }
0xc58: {  	v57 =	vperm.xlane v17, v0;
	v18 =	vadd.s32 v3, v56  }
0xc59: {  	[tilespmem:s21], [sflag:$0x2] =	stream.indirect_vreg.gather [hbm4b:s15+s5], $0x80, v19, vm0, $0xb8;
	[tilespmem:$0x1D300] =	vst v63  }
0xc5a: {  	v58 =	vperm.xlane v17, v9;
	v19 =	vadd.s32 v3, v57  }
0xc5b: {  	[tilespmem:s1], [sflag:$0x2] =	stream.indirect_vreg.gather [hbm4b:s15+s5], $0x80, v55, vm0, $0xb8;
	[tilespmem:$0x1D300] =	vst v63  }
0xc5c: {  	v60 =	vperm.xlane v17, v10;
	v59 =	vadd.s32 v3, v58  }
0xc5d: {  	[tilespmem:s20], [sflag:$0x2] =	stream.indirect_vreg.gather [hbm4b:s15+s5], $0x80, v18, vm0, $0xb8;
	[tilespmem:$0x1D300] =	vst v63  }
0xc5e: {  	v61 =	vperm.xlane v17, v11;
	v18 =	vadd.s32 v3, v60  }
0xc5f: {  	[tilespmem:s16], [sflag:$0x2] =	stream.indirect_vreg.gather [hbm4b:s15+s5], $0x80, v19, vm0, $0xb8;
	[tilespmem:$0x1D300] =	vst v63  }
0xc60: {  	v19 =	vadd.s32 v3, v61  }
0xc61: {  	v62 =	vperm.xlane v17, v12;
	[tilespmem:s14], [sflag:$0x2] =	stream.indirect_vreg.gather [hbm4b:s15+s5], $0x80, v59, vm0, $0xb8;
	[tilespmem:$0x1D300] =	vst v63  }
0xc62: {  	_ = 	snop  }
0xc63: {  	v17 =	vperm.xlane v17, v13;
	v63 =	vadd.s32 v3, v62;
	[tilespmem:s10], [sflag:$0x2] =	stream.indirect_vreg.gather [hbm4b:s15+s5], $0x80, v18, vm0, $0xb8;
	[tilespmem:$0x1D300] =	vst v63  }
0xc64: {  	_ = 	snop  }
0xc65: {  	v17 =	vadd.s32 v3, v17;
	[tilespmem:s12], [sflag:$0x2] =	stream.indirect_vreg.gather [hbm4b:s15+s5], $0x80, v19, vm0, $0xb8;
	[tilespmem:$0x1D300] =	vst v63  }
.Ltmp18:
0xc66: {  	_ = 	snop;
	(pc) =	sbr.rel .LBB2_21-.Ltmp18, $4  }
0xc67: {  	_ = 	snop  }
0xc68: {  	[tilespmem:s11], [sflag:$0x2] =	stream.indirect_vreg.gather [hbm4b:s15+s5], $0x80, v63, vm0, $0xb8;
	[tilespmem:$0x1D300] =	vst v63  }
0xc69: {  	_ = 	snop  }
0xc6a: {  	[tilespmem:s29], [sflag:$0x2] =	stream.indirect_vreg.gather [hbm4b:s15+s5], $0x80, v17, vm0, $0xb8;
	[tilespmem:$0x1D300] =	vst v63  }
.LBB2_24:
0xc6b: {  	_ =	sfence.sel $0x180000  }
0xc6c: {  	[bflag:$0x0] =	sbarrier.arrive $0xFFFF  }
0xc6d: {  	_ =	strace $0x90000047  }
0xc6e: {  	s0 =	stileid.u32;
	[bflag:$0x2] =	sbarrier.arrive $0xFFFF  }
0xc6f: {  	p0 =	sne.s32 s0, $0x0;
	s0 =	rddreg [dreg:$0x5]  }
0xc70: {  	s0 =	sadd.s32 @!p0 $0x100000, s0  }
0xc71: {  	[sflag:s0] =	ssyncadd.tile.s32 @!p0 $0x1;
	_ =	shalt  }
.Lfunc_end2:
_tile_overlayer_lowered:
.L_overlay_start_2:
0xc72: {  	(tag) =	ssettag $0x2  }
0xc73: {  	s0 =	rddreg [dreg:$0x0];
	s2 =	stileid.u32  }
0xc74: {  	s1 =	rddreg [dreg:$0x1];
	p0 =	sne.s32 s2, $0x0  }
0xc75: {  	s3 =	rddreg [dreg:$0x2];
	[bflag:$0x3] =	sbarrier.arrive $0xFFFF;
	s2 =	simm.s32 @!p0 $0x1C05  }
0xc76: {  	[timem:s3], [sflag:s2] =	dma.local @!p0 [hbm:s0], s1  }
0xc77: {  	s0 =	simm.s32 @!p0 $0x5  }
0xc78: {  	_ =	swait.ge @!p0 [sflag:s0], s1  }
0xc79: {  	s1 =	ssub.s32 @!p0 $0x0, s1;
	[sflag:s0] =	ssyncset.done @!p0 $0x0  }
0xc7a: {  	[sflag:s0] =	ssyncadd.s32 @!p0 s1  }
0xc7b: {  	[bflag:$0x3] =	sbarrier.arrive $0xFFFF  }
0xc7c: {  	_ =	shalt  }

</sc_bundles>
